<compile_context>
chip_gen: v7x
topology: tpu7x:2x2x1
jax: 0.10.2.dev20260603
libtpu: 0.0.44.dev20260713+nightly
codegen_flags: <defaults>
</compile_context>

<pallas_src>
import jax
import jax.numpy as jnp
from jax import lax
from jax.experimental import pallas as pl
from jax.experimental.pallas import tpu as pltpu
from jax.experimental.pallas import tpu_sc as plsc

_N = 10000
_E = 320000
_D = 128
_RBF = 10
_NG = 128
_NL = 4
_NEL = 84

_NC = 2
_NS = 16
_NW = _NC * _NS
_NP = 10240
_CH = 80
_EPT = _E // _NW
_NCHUNK = _EPT // _CH
_RPT = _NP // _NS
_IPT = _NP // _NW

_mesh = plsc.VectorSubcoreMesh(core_axis_name="c", subcore_axis_name="s")


def _init_body(ids_hbm, emb_hbm, m128_hbm, h0_hbm, em_hbm,
               idx_v, rows_v, m128_v, sem1, sem2):
    cid = lax.axis_index("c")
    sid = lax.axis_index("s")
    wid = sid * _NC + cid

    def cb(k, carry):
        base = wid * _IPT + k * _CH
        pltpu.sync_copy(ids_hbm.at[pl.ds(base, _CH)], idx_v)
        c1 = pltpu.async_copy(emb_hbm.at[idx_v], rows_v, sem1)
        c2 = pltpu.async_copy(m128_hbm.at[idx_v], m128_v, sem2)
        c1.wait()
        c2.wait()
        pltpu.sync_copy(rows_v, h0_hbm.at[pl.ds(base, _CH)])
        pltpu.sync_copy(m128_v, em_hbm.at[pl.ds(base, _CH)])
        return carry

    lax.fori_loop(0, _IPT // _CH, cb, 0)


_init_call = pl.kernel(
    _init_body,
    out_type=[
        jax.ShapeDtypeStruct((_NP, _D), jnp.float32),
        jax.ShapeDtypeStruct((_NP, _D), jnp.float32),
    ],
    mesh=_mesh,
    scratch_types=[
        pltpu.VMEM((_CH,), jnp.int32),
        pltpu.VMEM((_CH, _D), jnp.float32),
        pltpu.VMEM((_CH, _D), jnp.float32),
        pltpu.SemaphoreType.DMA,
        pltpu.SemaphoreType.DMA,
    ],
)


_NR = 2
_NI = 4


def _edge_body(*refs):
    (h_hbm, ef_hbm, src_hbm, dst_hbm, p_hbm) = refs[:5]
    rest = list(refs[5:])
    sidx = rest[0:_NI]
    didx = rest[_NI:2 * _NI]
    rows = rest[2 * _NI:2 * _NI + _NR]
    efv = rest[2 * _NI + _NR:2 * _NI + 2 * _NR]
    acc = rest[2 * _NI + 2 * _NR]
    off = 2 * _NI + 2 * _NR + 1
    gsem = rest[off:off + _NR]
    esem = rest[off + _NR:off + 2 * _NR]
    ssem = rest[off + 2 * _NR]
    isem = rest[off + 2 * _NR + 1:off + 2 * _NR + 1 + _NI]
    cid = lax.axis_index("c")
    sid = lax.axis_index("s")

    def zr(r, carry):
        for d2 in range(_D // 16):
            rows[0][r, pl.ds(d2 * 16, 16)] = jnp.zeros((16,), jnp.float32)
        return carry

    lax.fori_loop(0, _CH, zr, 0)
    for k in range(_RPT // _CH):
        pltpu.sync_copy(rows[0], acc.at[pl.ds(sid * _RPT + k * _CH, _CH)])
    plsc.subcore_barrier()

    ebase = (cid * _NS + sid) * _EPT

    def is_cp(k, v):
        return pltpu.make_async_copy(
            src_hbm.at[pl.ds(ebase + k * _CH, _CH)], sidx[v], isem[v])

    def id_cp(k, v):
        return pltpu.make_async_copy(
            dst_hbm.at[pl.ds(ebase + k * _CH, _CH)], didx[v], isem[v])

    def g_cp(k, u, v):
        return pltpu.make_async_copy(h_hbm.at[sidx[v]], rows[u], gsem[u])

    def e_cp(k, u):
        return pltpu.make_async_copy(
            ef_hbm.at[pl.ds(ebase + k * _CH, _CH)], efv[u], esem[u])

    def s_cp(k, u, v):
        return pltpu.make_async_copy(rows[u], acc.at[didx[v]], ssem)

    for c in range(_NI - 1):
        is_cp(c, c).start()
        id_cp(c, c).start()
    is_cp(0, 0).wait()
    id_cp(0, 0).wait()
    g_cp(0, 0, 0).start()
    e_cp(0, 0).start()

    def sub(k, u, v):
        u1 = (u + 1) % _NR
        v1 = (v + _NI - 1) % _NI
        @pl.when(k >= 1)
        def _():
            s_cp(k - 1, u1, v1).wait()

        @pl.when(k + _NI - 1 < _NCHUNK)
        def _():
            is_cp(k + _NI - 1, v1).start()
            id_cp(k + _NI - 1, v1).start()

        @pl.when(k + 1 < _NCHUNK)
        def _():
            vn = (v + 1) % _NI
            is_cp(k + 1, vn).wait()
            id_cp(k + 1, vn).wait()
            g_cp(k + 1, u1, vn).start()
            e_cp(k + 1, u1).start()

        g_cp(k, u, v).wait()
        e_cp(k, u).wait()

        def mrow(r4, mc):
            for rr in range(4):
                r = 4 * r4 + rr
                for d2 in range(_D // 16):
                    sl = pl.ds(d2 * 16, 16)
                    rows[u][r, sl] = rows[u][r, sl] * efv[u][r, sl]
            return mc

        lax.fori_loop(0, _CH // 4, mrow, 0)
        s_cp(k, u, v).start(add=True)

    def quad(j, carry):
        for t in range(_NI):
            sub(_NI * j + t, t % _NR, t)
        return carry

    lax.fori_loop(0, _NCHUNK // _NI, quad, 0)
    for k in range((_NCHUNK // _NI) * _NI, _NCHUNK):
        sub(k, k % _NR, k % _NI)
    s_cp(_NCHUNK - 1, (_NCHUNK - 1) % _NR, (_NCHUNK - 1) % _NI).wait()

    plsc.subcore_barrier()
    for k in range(_RPT // _CH):
        rs = sid * _RPT + k * _CH
        pltpu.sync_copy(acc.at[pl.ds(rs, _CH)], rows[0])
        pltpu.sync_copy(rows[0], p_hbm.at[cid, pl.ds(rs, _CH)])


_edge_call = pl.kernel(
    _edge_body,
    out_type=jax.ShapeDtypeStruct((_NC, _NP, _D), jnp.float32),
    mesh=_mesh,
    scratch_types=(
        [pltpu.VMEM((_CH,), jnp.int32)] * (2 * _NI)
        + [pltpu.VMEM((_CH, _D), jnp.float32)] * (2 * _NR)
        + [pltpu.VMEM_SHARED((_NP, _D), jnp.float32)]
        + [pltpu.SemaphoreType.DMA] * (2 * _NR + 1 + _NI)
    ),
)


def _ef_body(e_ref, c_ref, w_ref, b_ref, o_ref):
    eb = e_ref[...]
    c = c_ref[0:1, :]
    r = jnp.exp(-10.0 * (eb - c) ** 2)
    o_ref[...] = (
        jnp.dot(r, w_ref[...], preferred_element_type=jnp.float32)
        + b_ref[0:1, :]
    )


_BE = 2000


def _ef_call(e, c16, w16, b8):
    return pl.pallas_call(
        _ef_body,
        grid=(_E // _BE,),
        in_specs=[
            pl.BlockSpec((_BE, 1), lambda g: (g, 0)),
            pl.BlockSpec((8, 16), lambda g: (0, 0)),
            pl.BlockSpec((16, _D), lambda g: (0, 0)),
            pl.BlockSpec((8, _D), lambda g: (0, 0)),
        ],
        out_specs=pl.BlockSpec((_BE, _D), lambda g: (g, 0)),
        out_shape=jax.ShapeDtypeStruct((_E, _D), jnp.float32),
    )(e, c16, w16, b8)


def _upd_body(p0_ref, p1_ref, h_ref, w_ref, b_ref, o_ref):
    agg = p0_ref[0] + p1_ref[0]
    o_ref[...] = (
        jnp.maximum(
            jnp.dot(agg, w_ref[...], preferred_element_type=jnp.float32)
            + b_ref[0:1, :],
            0.0,
        )
        + h_ref[...]
    )


_BN = 2048


def _upd_call(p, h, w, b8):
    return pl.pallas_call(
        _upd_body,
        grid=(_NP // _BN,),
        in_specs=[
            pl.BlockSpec((1, _BN, _D), lambda g: (0, g, 0)),
            pl.BlockSpec((1, _BN, _D), lambda g: (1, g, 0)),
            pl.BlockSpec((_BN, _D), lambda g: (g, 0)),
            pl.BlockSpec((_D, _D), lambda g: (0, 0)),
            pl.BlockSpec((8, _D), lambda g: (0, 0)),
        ],
        out_specs=pl.BlockSpec((_BN, _D), lambda g: (g, 0)),
        out_shape=jax.ShapeDtypeStruct((_NP, _D), jnp.float32),
    )(p, p, h, w, b8)


def _fin_body(h_ref, w_ref, baug_ref, i_ref, o_ref):
    aug = (
        jnp.dot(h_ref[...], w_ref[...], preferred_element_type=jnp.float32)
        + baug_ref[...]
    )
    ii = i_ref[0:1, :]
    gidx = lax.broadcasted_iota(jnp.int32, (_NG, _NP), 0)
    sel = jnp.where(gidx == ii, 1.0, 0.0)
    res = jnp.dot(sel, aug, preferred_element_type=jnp.float32)
    o_ref[...] = res[:, 0:1] / jnp.maximum(res[:, 1:2], 1.0)


def _fin_call(h, waug, baug, i2):
    return pl.pallas_call(
        _fin_body,
        in_specs=[
            pl.BlockSpec((_NP, _D), lambda: (0, 0)),
            pl.BlockSpec((_D, 8), lambda: (0, 0)),
            pl.BlockSpec((_NP, 8), lambda: (0, 0)),
            pl.BlockSpec((8, _NP), lambda: (0, 0)),
        ],
        out_specs=pl.BlockSpec((_NG, 1), lambda: (0, 0)),
        out_shape=jax.ShapeDtypeStruct((_NG, 1), jnp.float32),
    )(h, waug, baug, i2)


def kernel(x, a, e, i, emb_table, mean_table, W_e, b_e, gnn_W, gnn_b, W_n, b_n):
    f32 = jnp.float32
    ids = jnp.pad(jnp.squeeze(x, axis=1), (0, _NP - _N))
    src = a[0]
    dst = a[1]
    ipad = jnp.pad(i, (0, _NP - _N), constant_values=_NG)
    i2 = jnp.broadcast_to(ipad[None, :], (8, _NP)).astype(jnp.int32)

    m128 = jnp.broadcast_to(mean_table, (_NEL, _D)).astype(f32)
    c16 = jnp.broadcast_to(
        jnp.pad(jnp.linspace(0.0, 1.0, _RBF).astype(f32), (0, 16 - _RBF))[None, :],
        (8, 16),
    )
    w16 = jnp.pad(W_e, ((0, 16 - _RBF), (0, 0)))
    b8 = jnp.broadcast_to(b_e[None, :], (8, _D))

    h, em = _init_call(ids, emb_table, m128)
    ef = _ef_call(e, c16, w16, b8)

    b8s = jnp.broadcast_to(gnn_b[:, None, :], (_NL, 8, _D))

    def layer_step(hc, wb):
        wl, bl8 = wb
        p = _edge_call(hc, ef, src, dst)
        return _upd_call(p, hc, wl, bl8), None

    h, _ = lax.scan(layer_step, h, (gnn_W, b8s))

    waug = jnp.pad(W_n, ((0, 0), (0, 7)))
    col0 = em[:, 0:1] + b_n[0]
    baug = jnp.concatenate(
        [col0, jnp.ones((_NP, 1), f32), jnp.zeros((_NP, 6), f32)], axis=1
    )
    return _fin_call(h, waug, baug, i2)

# --- scband reference (transcript-rebuilt; emitter-appended) ---
"""Pipeline reference for scband-base-model-49460843381730 (READ-ONLY COPY).

The authoritative reference and input builder live on the scoring server;
editing this copy changes nothing except your own understanding.
"""

import jax, jax.numpy as jnp
import numpy as np

N = 10000
E = 320000
D = 128
RBF = 10
NG = 128
NL = 4
NEL = 84


def setup_inputs(seed: int = 0) -> dict:
    key = jax.random.key(seed)
    ks = jax.random.split(key, 12)
    x = jax.random.randint(ks[0], (N, 1), 0, NEL, dtype=jnp.int32)
    a = jax.random.randint(ks[1], (2, E), 0, N, dtype=jnp.int32)
    e = jax.random.uniform(ks[2], (E, 1), dtype=jnp.float32)
    i = jnp.sort(jax.random.randint(ks[3], (N,), 0, NG, dtype=jnp.int32))
    emb_table = jax.random.normal(ks[4], (NEL, D), dtype=jnp.float32) * 0.05
    mean_table = jax.random.normal(ks[5], (NEL, 1), dtype=jnp.float32) * 0.05
    W_e = jax.random.normal(ks[6], (RBF, D), dtype=jnp.float32) * (1.0 / np.sqrt(RBF))
    b_e = jnp.zeros((D,), dtype=jnp.float32)
    gnn_W = jax.random.normal(ks[7], (NL, D, D), dtype=jnp.float32) * (1.0 / np.sqrt(D))
    gnn_b = jnp.zeros((NL, D), dtype=jnp.float32)
    W_n = jax.random.normal(ks[8], (D, 1), dtype=jnp.float32) * (1.0 / np.sqrt(D))
    b_n = jnp.zeros((1,), dtype=jnp.float32)
    return {"x": x, "a": a, "e": e, "i": i, "emb_table": emb_table,
            "mean_table": mean_table, "W_e": W_e, "b_e": b_e,
            "gnn_W": gnn_W, "gnn_b": gnn_b, "W_n": W_n, "b_n": b_n}


def _rbf_expand(e_flat):
    centers = jnp.linspace(0.0, 1.0, RBF).astype(jnp.float32)
    gamma = 10.0
    return jnp.exp(-gamma * (e_flat[:, None] - centers[None, :]) ** 2)


def reference(x, a, e, i, emb_table, mean_table, W_e, b_e, gnn_W, gnn_b, W_n, b_n):
    x_ids = jnp.squeeze(x, axis=1)
    e_flat = jnp.squeeze(e, axis=1)
    e_mean = mean_table[x_ids]            # [N, 1]
    h = emb_table[x_ids]                  # [N, D]
    ef = _rbf_expand(e_flat) @ W_e + b_e  # [E, D]
    src = a[0]
    dst = a[1]
    for l in range(NL):
        msg = h[src] * ef                                  # gather + edge gate
        agg = jax.ops.segment_sum(msg, dst, num_segments=N)  # scatter-add
        h = jax.nn.relu(agg @ gnn_W[l] + gnn_b[l]) + h       # residual
    node_out = h @ W_n + b_n + e_mean     # [N, 1]
    sums = jax.ops.segment_sum(node_out, i, num_segments=NG)
    cnts = jax.ops.segment_sum(jnp.ones((node_out.shape[0], 1), dtype=jnp.float32), i, num_segments=NG)
    return sums / jnp.maximum(cnts, 1.0)

if __name__ == "__main__":
    import jax
    _d = setup_inputs()
    print(jax.jit(kernel)(*tuple(_d.values())))

</pallas_src>

<mosaic_0001>
#map = affine_map<(d0, d1) -> (0)>
#map1 = affine_map<(d0, d1) -> (0, 0)>
module attributes {stable_mosaic.version = 14 : i64} {
  func.func @_init_body(%arg0: i32, %arg1: i32, %arg2: memref<10240xi32, #tpu.memory_space<hbm>>, %arg3: memref<84x128xf32, #tpu.memory_space<hbm>>, %arg4: memref<84x128xf32, #tpu.memory_space<hbm>>, %arg5: memref<10240x128xf32, #tpu.memory_space<hbm>>, %arg6: memref<10240x128xf32, #tpu.memory_space<hbm>>, %arg7: memref<80xi32, #tpu.memory_space<vmem>>, %arg8: memref<80x128xf32, #tpu.memory_space<vmem>>, %arg9: memref<80x128xf32, #tpu.memory_space<vmem>>, %arg10: memref<!tpu.dma_semaphore, #tpu.memory_space<semaphore_mem>>, %arg11: memref<!tpu.dma_semaphore, #tpu.memory_space<semaphore_mem>>) attributes {dimension_semantics = [#tpu.dimension_semantics<core_parallel>, #tpu.dimension_semantics<subcore_parallel>], iteration_bounds = array<i64: 2, 16>, scalar_prefetch = 0 : i64, scratch_operands = 5 : i64, tpu.core_type = #tpu.core_type<sc_vector_subcore>, window_params = [{transform_indices = #map}, {transform_indices = #map1}, {transform_indices = #map1}, {transform_indices = #map1}, {transform_indices = #map1}]} {
    %mul3A = arith.constant 2 : i32
    %mul3A_0 = arith.muli %arg1, %mul3A : i32
    %add3A = arith.addi %mul3A_0, %arg0 : i32
    %scan3A = arith.constant 0 : i32
    %scan3A_1 = arith.constant 0 : i32
    %scan3A_2 = arith.constant 4 : i32
    %scan3A_3 = arith.addi %scan3A_1, %scan3A_2 : i32
    %scan3A_4 = arith.constant 1 : i32
    scf.for %scan3A_6 = %scan3A_1 to %scan3A_3 step %scan3A_4  : i32 {
      %mul3A_7 = arith.constant 320 : i32
      %mul3A_8 = arith.muli %add3A, %mul3A_7 : i32
      %mul3A_9 = arith.constant 80 : i32
      %mul3A_10 = arith.muli %scan3A_6, %mul3A_9 : i32
      %add3A_11 = arith.addi %mul3A_8, %mul3A_10 : i32
      "tpu.region"() ({
        %run_scoped3A = tpu.sem_alloc : memref<!tpu.dma_semaphore, #tpu.memory_space<semaphore_mem>>
        %dma_start3A_22 = tpu.memref_slice %arg2[%add3A_11] : memref<10240xi32, #tpu.memory_space<hbm>> -> memref<80xi32, #tpu.memory_space<hbm>>
        %dma_start3A_23 = tpu.memref_slice %arg2[%add3A_11] : memref<10240xi32, #tpu.memory_space<hbm>> -> memref<80xi32, #tpu.memory_space<hbm>>
        tpu.enqueue_dma source(%dma_start3A_23 : memref<80xi32, #tpu.memory_space<hbm>>) target(%arg7 : memref<80xi32, #tpu.memory_space<vmem>>) target_semaphore(%run_scoped3A : memref<!tpu.dma_semaphore, #tpu.memory_space<semaphore_mem>>)
        %dma_wait3A_24 = tpu.memref_slice %arg2[%add3A_11] : memref<10240xi32, #tpu.memory_space<hbm>> -> memref<80xi32, #tpu.memory_space<hbm>>
        %dma_wait3A_25 = tpu.memref_slice %arg2[%add3A_11] : memref<10240xi32, #tpu.memory_space<hbm>> -> memref<80xi32, #tpu.memory_space<hbm>>
        tpu.wait_dma2 semaphore(%run_scoped3A : memref<!tpu.dma_semaphore, #tpu.memory_space<semaphore_mem>>) src(%dma_wait3A_25 : memref<80xi32, #tpu.memory_space<hbm>>) dst(%arg7 : memref<80xi32, #tpu.memory_space<vmem>>)
        tpu.yield
      }) : () -> ()
      %dma_start3A = arith.constant 0 : i32
      %dma_start3A_12 = arith.constant 0 : i32
      %dma_start3A_13 = tpu.memref_slice %arg3[%dma_start3A, %dma_start3A_12] : memref<84x128xf32, #tpu.memory_space<hbm>> -> memref<84x128xf32, #tpu.memory_space<hbm>>
      tpu.enqueue_indirect_dma source(%dma_start3A_13 : memref<84x128xf32, #tpu.memory_space<hbm>>) target(%arg8 : memref<80x128xf32, #tpu.memory_space<vmem>>) offsets(%arg7 : memref<80xi32, #tpu.memory_space<vmem>>) semaphore(%arg10 : memref<!tpu.dma_semaphore, #tpu.memory_space<semaphore_mem>>)
      %dma_start3A_14 = arith.constant 0 : i32
      %dma_start3A_15 = arith.constant 0 : i32
      %dma_start3A_16 = tpu.memref_slice %arg4[%dma_start3A_14, %dma_start3A_15] : memref<84x128xf32, #tpu.memory_space<hbm>> -> memref<84x128xf32, #tpu.memory_space<hbm>>
      tpu.enqueue_indirect_dma source(%dma_start3A_16 : memref<84x128xf32, #tpu.memory_space<hbm>>) target(%arg9 : memref<80x128xf32, #tpu.memory_space<vmem>>) offsets(%arg7 : memref<80xi32, #tpu.memory_space<vmem>>) semaphore(%arg11 : memref<!tpu.dma_semaphore, #tpu.memory_space<semaphore_mem>>)
      %dma_wait3A = arith.constant 0 : i32
      %dma_wait3A_17 = arith.constant 0 : i32
      %dma_wait3A_18 = tpu.memref_slice %arg3[%dma_wait3A, %dma_wait3A_17] : memref<84x128xf32, #tpu.memory_space<hbm>> -> memref<84x128xf32, #tpu.memory_space<hbm>>
      tpu.wait_indirect_dma semaphore(%arg10 : memref<!tpu.dma_semaphore, #tpu.memory_space<semaphore_mem>>) src(%dma_wait3A_18 : memref<84x128xf32, #tpu.memory_space<hbm>>) dst(%arg8 : memref<80x128xf32, #tpu.memory_space<vmem>>)
      %dma_wait3A_19 = arith.constant 0 : i32
      %dma_wait3A_20 = arith.constant 0 : i32
      %dma_wait3A_21 = tpu.memref_slice %arg4[%dma_wait3A_19, %dma_wait3A_20] : memref<84x128xf32, #tpu.memory_space<hbm>> -> memref<84x128xf32, #tpu.memory_space<hbm>>
      tpu.wait_indirect_dma semaphore(%arg11 : memref<!tpu.dma_semaphore, #tpu.memory_space<semaphore_mem>>) src(%dma_wait3A_21 : memref<84x128xf32, #tpu.memory_space<hbm>>) dst(%arg9 : memref<80x128xf32, #tpu.memory_space<vmem>>)
      "tpu.region"() ({
        %run_scoped3A = tpu.sem_alloc : memref<!tpu.dma_semaphore, #tpu.memory_space<semaphore_mem>>
        %dma_start3A_22 = arith.constant 0 : i32
        %dma_start3A_23 = tpu.memref_slice %arg5[%add3A_11, %dma_start3A_22] : memref<10240x128xf32, #tpu.memory_space<hbm>> -> memref<80x128xf32, #tpu.memory_space<hbm>>
        %dma_start3A_24 = arith.constant 0 : i32
        %dma_start3A_25 = tpu.memref_slice %arg5[%add3A_11, %dma_start3A_24] : memref<10240x128xf32, #tpu.memory_space<hbm>> -> memref<80x128xf32, #tpu.memory_space<hbm>>
        tpu.enqueue_dma source(%arg8 : memref<80x128xf32, #tpu.memory_space<vmem>>) target(%dma_start3A_25 : memref<80x128xf32, #tpu.memory_space<hbm>>) target_semaphore(%run_scoped3A : memref<!tpu.dma_semaphore, #tpu.memory_space<semaphore_mem>>)
        %dma_wait3A_26 = arith.constant 0 : i32
        %dma_wait3A_27 = tpu.memref_slice %arg5[%add3A_11, %dma_wait3A_26] : memref<10240x128xf32, #tpu.memory_space<hbm>> -> memref<80x128xf32, #tpu.memory_space<hbm>>
        %dma_wait3A_28 = arith.constant 0 : i32
        %dma_wait3A_29 = tpu.memref_slice %arg5[%add3A_11, %dma_wait3A_28] : memref<10240x128xf32, #tpu.memory_space<hbm>> -> memref<80x128xf32, #tpu.memory_space<hbm>>
        tpu.wait_dma2 semaphore(%run_scoped3A : memref<!tpu.dma_semaphore, #tpu.memory_space<semaphore_mem>>) src(%arg8 : memref<80x128xf32, #tpu.memory_space<vmem>>) dst(%dma_wait3A_29 : memref<80x128xf32, #tpu.memory_space<hbm>>)
        tpu.yield
      }) : () -> ()
      "tpu.region"() ({
        %run_scoped3A = tpu.sem_alloc : memref<!tpu.dma_semaphore, #tpu.memory_space<semaphore_mem>>
        %dma_start3A_22 = arith.constant 0 : i32
        %dma_start3A_23 = tpu.memref_slice %arg6[%add3A_11, %dma_start3A_22] : memref<10240x128xf32, #tpu.memory_space<hbm>> -> memref<80x128xf32, #tpu.memory_space<hbm>>
        %dma_start3A_24 = arith.constant 0 : i32
        %dma_start3A_25 = tpu.memref_slice %arg6[%add3A_11, %dma_start3A_24] : memref<10240x128xf32, #tpu.memory_space<hbm>> -> memref<80x128xf32, #tpu.memory_space<hbm>>
        tpu.enqueue_dma source(%arg9 : memref<80x128xf32, #tpu.memory_space<vmem>>) target(%dma_start3A_25 : memref<80x128xf32, #tpu.memory_space<hbm>>) target_semaphore(%run_scoped3A : memref<!tpu.dma_semaphore, #tpu.memory_space<semaphore_mem>>)
        %dma_wait3A_26 = arith.constant 0 : i32
        %dma_wait3A_27 = tpu.memref_slice %arg6[%add3A_11, %dma_wait3A_26] : memref<10240x128xf32, #tpu.memory_space<hbm>> -> memref<80x128xf32, #tpu.memory_space<hbm>>
        %dma_wait3A_28 = arith.constant 0 : i32
        %dma_wait3A_29 = tpu.memref_slice %arg6[%add3A_11, %dma_wait3A_28] : memref<10240x128xf32, #tpu.memory_space<hbm>> -> memref<80x128xf32, #tpu.memory_space<hbm>>
        tpu.wait_dma2 semaphore(%run_scoped3A : memref<!tpu.dma_semaphore, #tpu.memory_space<semaphore_mem>>) src(%arg9 : memref<80x128xf32, #tpu.memory_space<vmem>>) dst(%dma_wait3A_29 : memref<80x128xf32, #tpu.memory_space<hbm>>)
        tpu.yield
      }) : () -> ()
    }
    %scan3A_5 = arith.constant 4 : i32
    return
  }
}

#map = affine_map<(d0, d1) -> (0, 0)>
#map1 = affine_map<(d0, d1) -> (0)>
#map2 = affine_map<(d0, d1) -> (0, 0, 0)>
module attributes {stable_mosaic.version = 14 : i64} {
  func.func @_edge_body(%arg0: i32, %arg1: i32, %arg2: memref<10240x128xf32, #tpu.memory_space<hbm>>, %arg3: memref<320000x128xf32, #tpu.memory_space<hbm>>, %arg4: memref<320000xi32, #tpu.memory_space<hbm>>, %arg5: memref<320000xi32, #tpu.memory_space<hbm>>, %arg6: memref<2x10240x128xf32, #tpu.memory_space<hbm>>, %arg7: memref<80xi32, #tpu.memory_space<vmem>>, %arg8: memref<80xi32, #tpu.memory_space<vmem>>, %arg9: memref<80xi32, #tpu.memory_space<vmem>>, %arg10: memref<80xi32, #tpu.memory_space<vmem>>, %arg11: memref<80xi32, #tpu.memory_space<vmem>>, %arg12: memref<80xi32, #tpu.memory_space<vmem>>, %arg13: memref<80xi32, #tpu.memory_space<vmem>>, %arg14: memref<80xi32, #tpu.memory_space<vmem>>, %arg15: memref<80x128xf32, #tpu.memory_space<vmem>>, %arg16: memref<80x128xf32, #tpu.memory_space<vmem>>, %arg17: memref<80x128xf32, #tpu.memory_space<vmem>>, %arg18: memref<80x128xf32, #tpu.memory_space<vmem>>, %arg19: memref<10240x128xf32, #tpu.memory_space<vmem_shared>>, %arg20: memref<!tpu.dma_semaphore, #tpu.memory_space<semaphore_mem>>, %arg21: memref<!tpu.dma_semaphore, #tpu.memory_space<semaphore_mem>>, %arg22: memref<!tpu.dma_semaphore, #tpu.memory_space<semaphore_mem>>, %arg23: memref<!tpu.dma_semaphore, #tpu.memory_space<semaphore_mem>>, %arg24: memref<!tpu.dma_semaphore, #tpu.memory_space<semaphore_mem>>, %arg25: memref<!tpu.dma_semaphore, #tpu.memory_space<semaphore_mem>>, %arg26: memref<!tpu.dma_semaphore, #tpu.memory_space<semaphore_mem>>, %arg27: memref<!tpu.dma_semaphore, #tpu.memory_space<semaphore_mem>>, %arg28: memref<!tpu.dma_semaphore, #tpu.memory_space<semaphore_mem>>) attributes {dimension_semantics = [#tpu.dimension_semantics<core_parallel>, #tpu.dimension_semantics<subcore_parallel>], iteration_bounds = array<i64: 2, 16>, scalar_prefetch = 0 : i64, scratch_operands = 22 : i64, tpu.core_type = #tpu.core_type<sc_vector_subcore>, window_params = [{transform_indices = #map}, {transform_indices = #map}, {transform_indices = #map1}, {transform_indices = #map1}, {transform_indices = #map2}]} {
    %scan3A = arith.constant 0 : i32
    %scan3A_0 = arith.constant 0 : i32
    %scan3A_1 = arith.constant 80 : i32
    %scan3A_2 = arith.addi %scan3A_0, %scan3A_1 : i32
    %scan3A_3 = arith.constant 1 : i32
    scf.for %scan3A_142 = %scan3A_0 to %scan3A_2 step %scan3A_3  : i32 {
      %broadcast_in_dim3A = arith.constant 0.000000e+00 : f32
      %broadcast_in_dim3A_143 = vector.broadcast %broadcast_in_dim3A : f32 to vector<16xf32>
      %swap3A = arith.index_cast %scan3A_142 : i32 to index
      %swap3A_144 = arith.constant 0 : index
      %swap3A_145 = tpu.vector_load %arg15[%swap3A, %swap3A_144] {strides = array<i32>} : memref<80x128xf32, #tpu.memory_space<vmem>>, vector<1x16xf32>,
      %swap3A_146 = vector.shape_cast %swap3A_145 : vector<1x16xf32> to vector<16xf32>
      %swap3A_147 = vector.shape_cast %broadcast_in_dim3A_143 : vector<16xf32> to vector<1x16xf32>
      tpu.vector_store %arg15[%swap3A, %swap3A_144], %swap3A_147 {strides = array<i32>} : memref<80x128xf32, #tpu.memory_space<vmem>>, vector<1x16xf32>,
      %broadcast_in_dim3A_148 = arith.constant 0.000000e+00 : f32
      %broadcast_in_dim3A_149 = vector.broadcast %broadcast_in_dim3A_148 : f32 to vector<16xf32>
      %swap3A_150 = arith.index_cast %scan3A_142 : i32 to index
      %swap3A_151 = arith.constant 16 : index
      %swap3A_152 = tpu.vector_load %arg15[%swap3A_150, %swap3A_151] {strides = array<i32>} : memref<80x128xf32, #tpu.memory_space<vmem>>, vector<1x16xf32>,
      %swap3A_153 = vector.shape_cast %swap3A_152 : vector<1x16xf32> to vector<16xf32>
      %swap3A_154 = vector.shape_cast %broadcast_in_dim3A_149 : vector<16xf32> to vector<1x16xf32>
      tpu.vector_store %arg15[%swap3A_150, %swap3A_151], %swap3A_154 {strides = array<i32>} : memref<80x128xf32, #tpu.memory_space<vmem>>, vector<1x16xf32>,
      %broadcast_in_dim3A_155 = arith.constant 0.000000e+00 : f32
      %broadcast_in_dim3A_156 = vector.broadcast %broadcast_in_dim3A_155 : f32 to vector<16xf32>
      %swap3A_157 = arith.index_cast %scan3A_142 : i32 to index
      %swap3A_158 = arith.constant 32 : index
      %swap3A_159 = tpu.vector_load %arg15[%swap3A_157, %swap3A_158] {strides = array<i32>} : memref<80x128xf32, #tpu.memory_space<vmem>>, vector<1x16xf32>,
      %swap3A_160 = vector.shape_cast %swap3A_159 : vector<1x16xf32> to vector<16xf32>
      %swap3A_161 = vector.shape_cast %broadcast_in_dim3A_156 : vector<16xf32> to vector<1x16xf32>
      tpu.vector_store %arg15[%swap3A_157, %swap3A_158], %swap3A_161 {strides = array<i32>} : memref<80x128xf32, #tpu.memory_space<vmem>>, vector<1x16xf32>,
      %broadcast_in_dim3A_162 = arith.constant 0.000000e+00 : f32
      %broadcast_in_dim3A_163 = vector.broadcast %broadcast_in_dim3A_162 : f32 to vector<16xf32>
      %swap3A_164 = arith.index_cast %scan3A_142 : i32 to index
      %swap3A_165 = arith.constant 48 : index
      %swap3A_166 = tpu.vector_load %arg15[%swap3A_164, %swap3A_165] {strides = array<i32>} : memref<80x128xf32, #tpu.memory_space<vmem>>, vector<1x16xf32>,
      %swap3A_167 = vector.shape_cast %swap3A_166 : vector<1x16xf32> to vector<16xf32>
      %swap3A_168 = vector.shape_cast %broadcast_in_dim3A_163 : vector<16xf32> to vector<1x16xf32>
      tpu.vector_store %arg15[%swap3A_164, %swap3A_165], %swap3A_168 {strides = array<i32>} : memref<80x128xf32, #tpu.memory_space<vmem>>, vector<1x16xf32>,
      %broadcast_in_dim3A_169 = arith.constant 0.000000e+00 : f32
      %broadcast_in_dim3A_170 = vector.broadcast %broadcast_in_dim3A_169 : f32 to vector<16xf32>
      %swap3A_171 = arith.index_cast %scan3A_142 : i32 to index
      %swap3A_172 = arith.constant 64 : index
      %swap3A_173 = tpu.vector_load %arg15[%swap3A_171, %swap3A_172] {strides = array<i32>} : memref<80x128xf32, #tpu.memory_space<vmem>>, vector<1x16xf32>,
      %swap3A_174 = vector.shape_cast %swap3A_173 : vector<1x16xf32> to vector<16xf32>
      %swap3A_175 = vector.shape_cast %broadcast_in_dim3A_170 : vector<16xf32> to vector<1x16xf32>
      tpu.vector_store %arg15[%swap3A_171, %swap3A_172], %swap3A_175 {strides = array<i32>} : memref<80x128xf32, #tpu.memory_space<vmem>>, vector<1x16xf32>,
      %broadcast_in_dim3A_176 = arith.constant 0.000000e+00 : f32
      %broadcast_in_dim3A_177 = vector.broadcast %broadcast_in_dim3A_176 : f32 to vector<16xf32>
      %swap3A_178 = arith.index_cast %scan3A_142 : i32 to index
      %swap3A_179 = arith.constant 80 : index
      %swap3A_180 = tpu.vector_load %arg15[%swap3A_178, %swap3A_179] {strides = array<i32>} : memref<80x128xf32, #tpu.memory_space<vmem>>, vector<1x16xf32>,
      %swap3A_181 = vector.shape_cast %swap3A_180 : vector<1x16xf32> to vector<16xf32>
      %swap3A_182 = vector.shape_cast %broadcast_in_dim3A_177 : vector<16xf32> to vector<1x16xf32>
      tpu.vector_store %arg15[%swap3A_178, %swap3A_179], %swap3A_182 {strides = array<i32>} : memref<80x128xf32, #tpu.memory_space<vmem>>, vector<1x16xf32>,
      %broadcast_in_dim3A_183 = arith.constant 0.000000e+00 : f32
      %broadcast_in_dim3A_184 = vector.broadcast %broadcast_in_dim3A_183 : f32 to vector<16xf32>
      %swap3A_185 = arith.index_cast %scan3A_142 : i32 to index
      %swap3A_186 = arith.constant 96 : index
      %swap3A_187 = tpu.vector_load %arg15[%swap3A_185, %swap3A_186] {strides = array<i32>} : memref<80x128xf32, #tpu.memory_space<vmem>>, vector<1x16xf32>,
      %swap3A_188 = vector.shape_cast %swap3A_187 : vector<1x16xf32> to vector<16xf32>
      %swap3A_189 = vector.shape_cast %broadcast_in_dim3A_184 : vector<16xf32> to vector<1x16xf32>
      tpu.vector_store %arg15[%swap3A_185, %swap3A_186], %swap3A_189 {strides = array<i32>} : memref<80x128xf32, #tpu.memory_space<vmem>>, vector<1x16xf32>,
      %broadcast_in_dim3A_190 = arith.constant 0.000000e+00 : f32
      %broadcast_in_dim3A_191 = vector.broadcast %broadcast_in_dim3A_190 : f32 to vector<16xf32>
      %swap3A_192 = arith.index_cast %scan3A_142 : i32 to index
      %swap3A_193 = arith.constant 112 : index
      %swap3A_194 = tpu.vector_load %arg15[%swap3A_192, %swap3A_193] {strides = array<i32>} : memref<80x128xf32, #tpu.memory_space<vmem>>, vector<1x16xf32>,
      %swap3A_195 = vector.shape_cast %swap3A_194 : vector<1x16xf32> to vector<16xf32>
      %swap3A_196 = vector.shape_cast %broadcast_in_dim3A_191 : vector<16xf32> to vector<1x16xf32>
      tpu.vector_store %arg15[%swap3A_192, %swap3A_193], %swap3A_196 {strides = array<i32>} : memref<80x128xf32, #tpu.memory_space<vmem>>, vector<1x16xf32>,
    }
    %scan3A_4 = arith.constant 80 : i32
    %mul3A = arith.constant 640 : i32
    %mul3A_5 = arith.muli %arg1, %mul3A : i32
    %add3A = arith.constant 0 : i32
    %add3A_6 = arith.addi %mul3A_5, %add3A : i32
    "tpu.region"() ({
      %run_scoped3A = tpu.sem_alloc : memref<!tpu.dma_semaphore, #tpu.memory_space<semaphore_mem>>
      %dma_start3A_142 = arith.constant 0 : i32
      %dma_start3A_143 = tpu.memref_slice %arg19[%add3A_6, %dma_start3A_142] : memref<10240x128xf32, #tpu.memory_space<vmem_shared>> -> memref<80x128xf32, #tpu.memory_space<vmem_shared>>
      %dma_start3A_144 = arith.constant 0 : i32
      %dma_start3A_145 = tpu.memref_slice %arg19[%add3A_6, %dma_start3A_144] : memref<10240x128xf32, #tpu.memory_space<vmem_shared>> -> memref<80x128xf32, #tpu.memory_space<vmem_shared>>
      tpu.enqueue_dma source(%arg15 : memref<80x128xf32, #tpu.memory_space<vmem>>) target(%dma_start3A_145 : memref<80x128xf32, #tpu.memory_space<vmem_shared>>) target_semaphore(%run_scoped3A : memref<!tpu.dma_semaphore, #tpu.memory_space<semaphore_mem>>)
      %dma_wait3A_146 = arith.constant 0 : i32
      %dma_wait3A_147 = tpu.memref_slice %arg19[%add3A_6, %dma_wait3A_146] : memref<10240x128xf32, #tpu.memory_space<vmem_shared>> -> memref<80x128xf32, #tpu.memory_space<vmem_shared>>
      %dma_wait3A_148 = arith.constant 0 : i32
      %dma_wait3A_149 = tpu.memref_slice %arg19[%add3A_6, %dma_wait3A_148] : memref<10240x128xf32, #tpu.memory_space<vmem_shared>> -> memref<80x128xf32, #tpu.memory_space<vmem_shared>>
      tpu.wait_dma2 semaphore(%run_scoped3A : memref<!tpu.dma_semaphore, #tpu.memory_space<semaphore_mem>>) src(%arg15 : memref<80x128xf32, #tpu.memory_space<vmem>>) dst(%dma_wait3A_149 : memref<80x128xf32, #tpu.memory_space<vmem_shared>>)
      tpu.yield
    }) : () -> ()
    %mul3A_7 = arith.constant 640 : i32
    %mul3A_8 = arith.muli %arg1, %mul3A_7 : i32
    %add3A_9 = arith.constant 80 : i32
    %add3A_10 = arith.addi %mul3A_8, %add3A_9 : i32
    "tpu.region"() ({
      %run_scoped3A = tpu.sem_alloc : memref<!tpu.dma_semaphore, #tpu.memory_space<semaphore_mem>>
      %dma_start3A_142 = arith.constant 0 : i32
      %dma_start3A_143 = tpu.memref_slice %arg19[%add3A_10, %dma_start3A_142] : memref<10240x128xf32, #tpu.memory_space<vmem_shared>> -> memref<80x128xf32, #tpu.memory_space<vmem_shared>>
      %dma_start3A_144 = arith.constant 0 : i32
      %dma_start3A_145 = tpu.memref_slice %arg19[%add3A_10, %dma_start3A_144] : memref<10240x128xf32, #tpu.memory_space<vmem_shared>> -> memref<80x128xf32, #tpu.memory_space<vmem_shared>>
      tpu.enqueue_dma source(%arg15 : memref<80x128xf32, #tpu.memory_space<vmem>>) target(%dma_start3A_145 : memref<80x128xf32, #tpu.memory_space<vmem_shared>>) target_semaphore(%run_scoped3A : memref<!tpu.dma_semaphore, #tpu.memory_space<semaphore_mem>>)
      %dma_wait3A_146 = arith.constant 0 : i32
      %dma_wait3A_147 = tpu.memref_slice %arg19[%add3A_10, %dma_wait3A_146] : memref<10240x128xf32, #tpu.memory_space<vmem_shared>> -> memref<80x128xf32, #tpu.memory_space<vmem_shared>>
      %dma_wait3A_148 = arith.constant 0 : i32
      %dma_wait3A_149 = tpu.memref_slice %arg19[%add3A_10, %dma_wait3A_148] : memref<10240x128xf32, #tpu.memory_space<vmem_shared>> -> memref<80x128xf32, #tpu.memory_space<vmem_shared>>
      tpu.wait_dma2 semaphore(%run_scoped3A : memref<!tpu.dma_semaphore, #tpu.memory_space<semaphore_mem>>) src(%arg15 : memref<80x128xf32, #tpu.memory_space<vmem>>) dst(%dma_wait3A_149 : memref<80x128xf32, #tpu.memory_space<vmem_shared>>)
      tpu.yield
    }) : () -> ()
    %mul3A_11 = arith.constant 640 : i32
    %mul3A_12 = arith.muli %arg1, %mul3A_11 : i32
    %add3A_13 = arith.constant 160 : i32
    %add3A_14 = arith.addi %mul3A_12, %add3A_13 : i32
    "tpu.region"() ({
      %run_scoped3A = tpu.sem_alloc : memref<!tpu.dma_semaphore, #tpu.memory_space<semaphore_mem>>
      %dma_start3A_142 = arith.constant 0 : i32
      %dma_start3A_143 = tpu.memref_slice %arg19[%add3A_14, %dma_start3A_142] : memref<10240x128xf32, #tpu.memory_space<vmem_shared>> -> memref<80x128xf32, #tpu.memory_space<vmem_shared>>
      %dma_start3A_144 = arith.constant 0 : i32
      %dma_start3A_145 = tpu.memref_slice %arg19[%add3A_14, %dma_start3A_144] : memref<10240x128xf32, #tpu.memory_space<vmem_shared>> -> memref<80x128xf32, #tpu.memory_space<vmem_shared>>
      tpu.enqueue_dma source(%arg15 : memref<80x128xf32, #tpu.memory_space<vmem>>) target(%dma_start3A_145 : memref<80x128xf32, #tpu.memory_space<vmem_shared>>) target_semaphore(%run_scoped3A : memref<!tpu.dma_semaphore, #tpu.memory_space<semaphore_mem>>)
      %dma_wait3A_146 = arith.constant 0 : i32
      %dma_wait3A_147 = tpu.memref_slice %arg19[%add3A_14, %dma_wait3A_146] : memref<10240x128xf32, #tpu.memory_space<vmem_shared>> -> memref<80x128xf32, #tpu.memory_space<vmem_shared>>
      %dma_wait3A_148 = arith.constant 0 : i32
      %dma_wait3A_149 = tpu.memref_slice %arg19[%add3A_14, %dma_wait3A_148] : memref<10240x128xf32, #tpu.memory_space<vmem_shared>> -> memref<80x128xf32, #tpu.memory_space<vmem_shared>>
      tpu.wait_dma2 semaphore(%run_scoped3A : memref<!tpu.dma_semaphore, #tpu.memory_space<semaphore_mem>>) src(%arg15 : memref<80x128xf32, #tpu.memory_space<vmem>>) dst(%dma_wait3A_149 : memref<80x128xf32, #tpu.memory_space<vmem_shared>>)
      tpu.yield
    }) : () -> ()
    %mul3A_15 = arith.constant 640 : i32
    %mul3A_16 = arith.muli %arg1, %mul3A_15 : i32
    %add3A_17 = arith.constant 240 : i32
    %add3A_18 = arith.addi %mul3A_16, %add3A_17 : i32
    "tpu.region"() ({
      %run_scoped3A = tpu.sem_alloc : memref<!tpu.dma_semaphore, #tpu.memory_space<semaphore_mem>>
      %dma_start3A_142 = arith.constant 0 : i32
      %dma_start3A_143 = tpu.memref_slice %arg19[%add3A_18, %dma_start3A_142] : memref<10240x128xf32, #tpu.memory_space<vmem_shared>> -> memref<80x128xf32, #tpu.memory_space<vmem_shared>>
      %dma_start3A_144 = arith.constant 0 : i32
      %dma_start3A_145 = tpu.memref_slice %arg19[%add3A_18, %dma_start3A_144] : memref<10240x128xf32, #tpu.memory_space<vmem_shared>> -> memref<80x128xf32, #tpu.memory_space<vmem_shared>>
      tpu.enqueue_dma source(%arg15 : memref<80x128xf32, #tpu.memory_space<vmem>>) target(%dma_start3A_145 : memref<80x128xf32, #tpu.memory_space<vmem_shared>>) target_semaphore(%run_scoped3A : memref<!tpu.dma_semaphore, #tpu.memory_space<semaphore_mem>>)
      %dma_wait3A_146 = arith.constant 0 : i32
      %dma_wait3A_147 = tpu.memref_slice %arg19[%add3A_18, %dma_wait3A_146] : memref<10240x128xf32, #tpu.memory_space<vmem_shared>> -> memref<80x128xf32, #tpu.memory_space<vmem_shared>>
      %dma_wait3A_148 = arith.constant 0 : i32
      %dma_wait3A_149 = tpu.memref_slice %arg19[%add3A_18, %dma_wait3A_148] : memref<10240x128xf32, #tpu.memory_space<vmem_shared>> -> memref<80x128xf32, #tpu.memory_space<vmem_shared>>
      tpu.wait_dma2 semaphore(%run_scoped3A : memref<!tpu.dma_semaphore, #tpu.memory_space<semaphore_mem>>) src(%arg15 : memref<80x128xf32, #tpu.memory_space<vmem>>) dst(%dma_wait3A_149 : memref<80x128xf32, #tpu.memory_space<vmem_shared>>)
      tpu.yield
    }) : () -> ()
    %mul3A_19 = arith.constant 640 : i32
    %mul3A_20 = arith.muli %arg1, %mul3A_19 : i32
    %add3A_21 = arith.constant 320 : i32
    %add3A_22 = arith.addi %mul3A_20, %add3A_21 : i32
    "tpu.region"() ({
      %run_scoped3A = tpu.sem_alloc : memref<!tpu.dma_semaphore, #tpu.memory_space<semaphore_mem>>
      %dma_start3A_142 = arith.constant 0 : i32
      %dma_start3A_143 = tpu.memref_slice %arg19[%add3A_22, %dma_start3A_142] : memref<10240x128xf32, #tpu.memory_space<vmem_shared>> -> memref<80x128xf32, #tpu.memory_space<vmem_shared>>
      %dma_start3A_144 = arith.constant 0 : i32
      %dma_start3A_145 = tpu.memref_slice %arg19[%add3A_22, %dma_start3A_144] : memref<10240x128xf32, #tpu.memory_space<vmem_shared>> -> memref<80x128xf32, #tpu.memory_space<vmem_shared>>
      tpu.enqueue_dma source(%arg15 : memref<80x128xf32, #tpu.memory_space<vmem>>) target(%dma_start3A_145 : memref<80x128xf32, #tpu.memory_space<vmem_shared>>) target_semaphore(%run_scoped3A : memref<!tpu.dma_semaphore, #tpu.memory_space<semaphore_mem>>)
      %dma_wait3A_146 = arith.constant 0 : i32
      %dma_wait3A_147 = tpu.memref_slice %arg19[%add3A_22, %dma_wait3A_146] : memref<10240x128xf32, #tpu.memory_space<vmem_shared>> -> memref<80x128xf32, #tpu.memory_space<vmem_shared>>
      %dma_wait3A_148 = arith.constant 0 : i32
      %dma_wait3A_149 = tpu.memref_slice %arg19[%add3A_22, %dma_wait3A_148] : memref<10240x128xf32, #tpu.memory_space<vmem_shared>> -> memref<80x128xf32, #tpu.memory_space<vmem_shared>>
      tpu.wait_dma2 semaphore(%run_scoped3A : memref<!tpu.dma_semaphore, #tpu.memory_space<semaphore_mem>>) src(%arg15 : memref<80x128xf32, #tpu.memory_space<vmem>>) dst(%dma_wait3A_149 : memref<80x128xf32, #tpu.memory_space<vmem_shared>>)
      tpu.yield
    }) : () -> ()
    %mul3A_23 = arith.constant 640 : i32
    %mul3A_24 = arith.muli %arg1, %mul3A_23 : i32
    %add3A_25 = arith.constant 400 : i32
    %add3A_26 = arith.addi %mul3A_24, %add3A_25 : i32
    "tpu.region"() ({
      %run_scoped3A = tpu.sem_alloc : memref<!tpu.dma_semaphore, #tpu.memory_space<semaphore_mem>>
      %dma_start3A_142 = arith.constant 0 : i32
      %dma_start3A_143 = tpu.memref_slice %arg19[%add3A_26, %dma_start3A_142] : memref<10240x128xf32, #tpu.memory_space<vmem_shared>> -> memref<80x128xf32, #tpu.memory_space<vmem_shared>>
      %dma_start3A_144 = arith.constant 0 : i32
      %dma_start3A_145 = tpu.memref_slice %arg19[%add3A_26, %dma_start3A_144] : memref<10240x128xf32, #tpu.memory_space<vmem_shared>> -> memref<80x128xf32, #tpu.memory_space<vmem_shared>>
      tpu.enqueue_dma source(%arg15 : memref<80x128xf32, #tpu.memory_space<vmem>>) target(%dma_start3A_145 : memref<80x128xf32, #tpu.memory_space<vmem_shared>>) target_semaphore(%run_scoped3A : memref<!tpu.dma_semaphore, #tpu.memory_space<semaphore_mem>>)
      %dma_wait3A_146 = arith.constant 0 : i32
      %dma_wait3A_147 = tpu.memref_slice %arg19[%add3A_26, %dma_wait3A_146] : memref<10240x128xf32, #tpu.memory_space<vmem_shared>> -> memref<80x128xf32, #tpu.memory_space<vmem_shared>>
      %dma_wait3A_148 = arith.constant 0 : i32
      %dma_wait3A_149 = tpu.memref_slice %arg19[%add3A_26, %dma_wait3A_148] : memref<10240x128xf32, #tpu.memory_space<vmem_shared>> -> memref<80x128xf32, #tpu.memory_space<vmem_shared>>
      tpu.wait_dma2 semaphore(%run_scoped3A : memref<!tpu.dma_semaphore, #tpu.memory_space<semaphore_mem>>) src(%arg15 : memref<80x128xf32, #tpu.memory_space<vmem>>) dst(%dma_wait3A_149 : memref<80x128xf32, #tpu.memory_space<vmem_shared>>)
      tpu.yield
    }) : () -> ()
    %mul3A_27 = arith.constant 640 : i32
    %mul3A_28 = arith.muli %arg1, %mul3A_27 : i32
    %add3A_29 = arith.constant 480 : i32
    %add3A_30 = arith.addi %mul3A_28, %add3A_29 : i32
    "tpu.region"() ({
      %run_scoped3A = tpu.sem_alloc : memref<!tpu.dma_semaphore, #tpu.memory_space<semaphore_mem>>
      %dma_start3A_142 = arith.constant 0 : i32
      %dma_start3A_143 = tpu.memref_slice %arg19[%add3A_30, %dma_start3A_142] : memref<10240x128xf32, #tpu.memory_space<vmem_shared>> -> memref<80x128xf32, #tpu.memory_space<vmem_shared>>
      %dma_start3A_144 = arith.constant 0 : i32
      %dma_start3A_145 = tpu.memref_slice %arg19[%add3A_30, %dma_start3A_144] : memref<10240x128xf32, #tpu.memory_space<vmem_shared>> -> memref<80x128xf32, #tpu.memory_space<vmem_shared>>
      tpu.enqueue_dma source(%arg15 : memref<80x128xf32, #tpu.memory_space<vmem>>) target(%dma_start3A_145 : memref<80x128xf32, #tpu.memory_space<vmem_shared>>) target_semaphore(%run_scoped3A : memref<!tpu.dma_semaphore, #tpu.memory_space<semaphore_mem>>)
      %dma_wait3A_146 = arith.constant 0 : i32
      %dma_wait3A_147 = tpu.memref_slice %arg19[%add3A_30, %dma_wait3A_146] : memref<10240x128xf32, #tpu.memory_space<vmem_shared>> -> memref<80x128xf32, #tpu.memory_space<vmem_shared>>
      %dma_wait3A_148 = arith.constant 0 : i32
      %dma_wait3A_149 = tpu.memref_slice %arg19[%add3A_30, %dma_wait3A_148] : memref<10240x128xf32, #tpu.memory_space<vmem_shared>> -> memref<80x128xf32, #tpu.memory_space<vmem_shared>>
      tpu.wait_dma2 semaphore(%run_scoped3A : memref<!tpu.dma_semaphore, #tpu.memory_space<semaphore_mem>>) src(%arg15 : memref<80x128xf32, #tpu.memory_space<vmem>>) dst(%dma_wait3A_149 : memref<80x128xf32, #tpu.memory_space<vmem_shared>>)
      tpu.yield
    }) : () -> ()
    %mul3A_31 = arith.constant 640 : i32
    %mul3A_32 = arith.muli %arg1, %mul3A_31 : i32
    %add3A_33 = arith.constant 560 : i32
    %add3A_34 = arith.addi %mul3A_32, %add3A_33 : i32
    "tpu.region"() ({
      %run_scoped3A = tpu.sem_alloc : memref<!tpu.dma_semaphore, #tpu.memory_space<semaphore_mem>>
      %dma_start3A_142 = arith.constant 0 : i32
      %dma_start3A_143 = tpu.memref_slice %arg19[%add3A_34, %dma_start3A_142] : memref<10240x128xf32, #tpu.memory_space<vmem_shared>> -> memref<80x128xf32, #tpu.memory_space<vmem_shared>>
      %dma_start3A_144 = arith.constant 0 : i32
      %dma_start3A_145 = tpu.memref_slice %arg19[%add3A_34, %dma_start3A_144] : memref<10240x128xf32, #tpu.memory_space<vmem_shared>> -> memref<80x128xf32, #tpu.memory_space<vmem_shared>>
      tpu.enqueue_dma source(%arg15 : memref<80x128xf32, #tpu.memory_space<vmem>>) target(%dma_start3A_145 : memref<80x128xf32, #tpu.memory_space<vmem_shared>>) target_semaphore(%run_scoped3A : memref<!tpu.dma_semaphore, #tpu.memory_space<semaphore_mem>>)
      %dma_wait3A_146 = arith.constant 0 : i32
      %dma_wait3A_147 = tpu.memref_slice %arg19[%add3A_34, %dma_wait3A_146] : memref<10240x128xf32, #tpu.memory_space<vmem_shared>> -> memref<80x128xf32, #tpu.memory_space<vmem_shared>>
      %dma_wait3A_148 = arith.constant 0 : i32
      %dma_wait3A_149 = tpu.memref_slice %arg19[%add3A_34, %dma_wait3A_148] : memref<10240x128xf32, #tpu.memory_space<vmem_shared>> -> memref<80x128xf32, #tpu.memory_space<vmem_shared>>
      tpu.wait_dma2 semaphore(%run_scoped3A : memref<!tpu.dma_semaphore, #tpu.memory_space<semaphore_mem>>) src(%arg15 : memref<80x128xf32, #tpu.memory_space<vmem>>) dst(%dma_wait3A_149 : memref<80x128xf32, #tpu.memory_space<vmem_shared>>)
      tpu.yield
    }) : () -> ()
    %barrier3A = arith.constant 0 : index
    tpu.barrier barrier_id(%barrier3A)
    %mul3A_35 = arith.constant 16 : i32
    %mul3A_36 = arith.muli %arg0, %mul3A_35 : i32
    %add3A_37 = arith.addi %mul3A_36, %arg1 : i32
    %mul3A_38 = arith.constant 10000 : i32
    %mul3A_39 = arith.muli %add3A_37, %mul3A_38 : i32
    %add3A_40 = arith.constant 0 : i32
    %add3A_41 = arith.addi %mul3A_39, %add3A_40 : i32
    %dma_start3A = tpu.memref_slice %arg4[%add3A_41] : memref<320000xi32, #tpu.memory_space<hbm>> -> memref<80xi32, #tpu.memory_space<hbm>>
    %dma_start3A_42 = tpu.memref_slice %arg4[%add3A_41] : memref<320000xi32, #tpu.memory_space<hbm>> -> memref<80xi32, #tpu.memory_space<hbm>>
    tpu.enqueue_dma source(%dma_start3A_42 : memref<80xi32, #tpu.memory_space<hbm>>) target(%arg7 : memref<80xi32, #tpu.memory_space<vmem>>) target_semaphore(%arg25 : memref<!tpu.dma_semaphore, #tpu.memory_space<semaphore_mem>>)
    %add3A_43 = arith.constant 0 : i32
    %add3A_44 = arith.addi %mul3A_39, %add3A_43 : i32
    %dma_start3A_45 = tpu.memref_slice %arg5[%add3A_44] : memref<320000xi32, #tpu.memory_space<hbm>> -> memref<80xi32, #tpu.memory_space<hbm>>
    %dma_start3A_46 = tpu.memref_slice %arg5[%add3A_44] : memref<320000xi32, #tpu.memory_space<hbm>> -> memref<80xi32, #tpu.memory_space<hbm>>
    tpu.enqueue_dma source(%dma_start3A_46 : memref<80xi32, #tpu.memory_space<hbm>>) target(%arg11 : memref<80xi32, #tpu.memory_space<vmem>>) target_semaphore(%arg25 : memref<!tpu.dma_semaphore, #tpu.memory_space<semaphore_mem>>)
    %add3A_47 = arith.constant 80 : i32
    %add3A_48 = arith.addi %mul3A_39, %add3A_47 : i32
    %dma_start3A_49 = tpu.memref_slice %arg4[%add3A_48] : memref<320000xi32, #tpu.memory_space<hbm>> -> memref<80xi32, #tpu.memory_space<hbm>>
    %dma_start3A_50 = tpu.memref_slice %arg4[%add3A_48] : memref<320000xi32, #tpu.memory_space<hbm>> -> memref<80xi32, #tpu.memory_space<hbm>>
    tpu.enqueue_dma source(%dma_start3A_50 : memref<80xi32, #tpu.memory_space<hbm>>) target(%arg8 : memref<80xi32, #tpu.memory_space<vmem>>) target_semaphore(%arg26 : memref<!tpu.dma_semaphore, #tpu.memory_space<semaphore_mem>>)
    %add3A_51 = arith.constant 80 : i32
    %add3A_52 = arith.addi %mul3A_39, %add3A_51 : i32
    %dma_start3A_53 = tpu.memref_slice %arg5[%add3A_52] : memref<320000xi32, #tpu.memory_space<hbm>> -> memref<80xi32, #tpu.memory_space<hbm>>
    %dma_start3A_54 = tpu.memref_slice %arg5[%add3A_52] : memref<320000xi32, #tpu.memory_space<hbm>> -> memref<80xi32, #tpu.memory_space<hbm>>
    tpu.enqueue_dma source(%dma_start3A_54 : memref<80xi32, #tpu.memory_space<hbm>>) target(%arg12 : memref<80xi32, #tpu.memory_space<vmem>>) target_semaphore(%arg26 : memref<!tpu.dma_semaphore, #tpu.memory_space<semaphore_mem>>)
    %add3A_55 = arith.constant 160 : i32
    %add3A_56 = arith.addi %mul3A_39, %add3A_55 : i32
    %dma_start3A_57 = tpu.memref_slice %arg4[%add3A_56] : memref<320000xi32, #tpu.memory_space<hbm>> -> memref<80xi32, #tpu.memory_space<hbm>>
    %dma_start3A_58 = tpu.memref_slice %arg4[%add3A_56] : memref<320000xi32, #tpu.memory_space<hbm>> -> memref<80xi32, #tpu.memory_space<hbm>>
    tpu.enqueue_dma source(%dma_start3A_58 : memref<80xi32, #tpu.memory_space<hbm>>) target(%arg9 : memref<80xi32, #tpu.memory_space<vmem>>) target_semaphore(%arg27 : memref<!tpu.dma_semaphore, #tpu.memory_space<semaphore_mem>>)
    %add3A_59 = arith.constant 160 : i32
    %add3A_60 = arith.addi %mul3A_39, %add3A_59 : i32
    %dma_start3A_61 = tpu.memref_slice %arg5[%add3A_60] : memref<320000xi32, #tpu.memory_space<hbm>> -> memref<80xi32, #tpu.memory_space<hbm>>
    %dma_start3A_62 = tpu.memref_slice %arg5[%add3A_60] : memref<320000xi32, #tpu.memory_space<hbm>> -> memref<80xi32, #tpu.memory_space<hbm>>
    tpu.enqueue_dma source(%dma_start3A_62 : memref<80xi32, #tpu.memory_space<hbm>>) target(%arg13 : memref<80xi32, #tpu.memory_space<vmem>>) target_semaphore(%arg27 : memref<!tpu.dma_semaphore, #tpu.memory_space<semaphore_mem>>)
    %add3A_63 = arith.constant 0 : i32
    %add3A_64 = arith.addi %mul3A_39, %add3A_63 : i32
    %dma_wait3A = tpu.memref_slice %arg4[%add3A_64] : memref<320000xi32, #tpu.memory_space<hbm>> -> memref<80xi32, #tpu.memory_space<hbm>>
    %dma_wait3A_65 = tpu.memref_slice %arg4[%add3A_64] : memref<320000xi32, #tpu.memory_space<hbm>> -> memref<80xi32, #tpu.memory_space<hbm>>
    tpu.wait_dma2 semaphore(%arg25 : memref<!tpu.dma_semaphore, #tpu.memory_space<semaphore_mem>>) src(%dma_wait3A_65 : memref<80xi32, #tpu.memory_space<hbm>>) dst(%arg7 : memref<80xi32, #tpu.memory_space<vmem>>)
    %add3A_66 = arith.constant 0 : i32
    %add3A_67 = arith.addi %mul3A_39, %add3A_66 : i32
    %dma_wait3A_68 = tpu.memref_slice %arg5[%add3A_67] : memref<320000xi32, #tpu.memory_space<hbm>> -> memref<80xi32, #tpu.memory_space<hbm>>
    %dma_wait3A_69 = tpu.memref_slice %arg5[%add3A_67] : memref<320000xi32, #tpu.memory_space<hbm>> -> memref<80xi32, #tpu.memory_space<hbm>>
    tpu.wait_dma2 semaphore(%arg25 : memref<!tpu.dma_semaphore, #tpu.memory_space<semaphore_mem>>) src(%dma_wait3A_69 : memref<80xi32, #tpu.memory_space<hbm>>) dst(%arg11 : memref<80xi32, #tpu.memory_space<vmem>>)
    %dma_start3A_70 = arith.constant 0 : i32
    %dma_start3A_71 = arith.constant 0 : i32
    %dma_start3A_72 = tpu.memref_slice %arg2[%dma_start3A_70, %dma_start3A_71] : memref<10240x128xf32, #tpu.memory_space<hbm>> -> memref<10240x128xf32, #tpu.memory_space<hbm>>
    tpu.enqueue_indirect_dma source(%dma_start3A_72 : memref<10240x128xf32, #tpu.memory_space<hbm>>) target(%arg15 : memref<80x128xf32, #tpu.memory_space<vmem>>) offsets(%arg7 : memref<80xi32, #tpu.memory_space<vmem>>) semaphore(%arg20 : memref<!tpu.dma_semaphore, #tpu.memory_space<semaphore_mem>>)
    %add3A_73 = arith.constant 0 : i32
    %add3A_74 = arith.addi %mul3A_39, %add3A_73 : i32
    %dma_start3A_75 = arith.constant 0 : i32
    %dma_start3A_76 = tpu.memref_slice %arg3[%add3A_74, %dma_start3A_75] : memref<320000x128xf32, #tpu.memory_space<hbm>> -> memref<80x128xf32, #tpu.memory_space<hbm>>
    %dma_start3A_77 = arith.constant 0 : i32
    %dma_start3A_78 = tpu.memref_slice %arg3[%add3A_74, %dma_start3A_77] : memref<320000x128xf32, #tpu.memory_space<hbm>> -> memref<80x128xf32, #tpu.memory_space<hbm>>
    tpu.enqueue_dma source(%dma_start3A_78 : memref<80x128xf32, #tpu.memory_space<hbm>>) target(%arg17 : memref<80x128xf32, #tpu.memory_space<vmem>>) target_semaphore(%arg22 : memref<!tpu.dma_semaphore, #tpu.memory_space<semaphore_mem>>)
    %scan3A_79 = arith.constant 0 : i32
    %scan3A_80 = arith.constant 0 : i32
    %scan3A_81 = arith.constant 31 : i32
    %scan3A_82 = arith.addi %scan3A_80, %scan3A_81 : i32
    %scan3A_83 = arith.constant 1 : i32
    scf.for %scan3A_142 = %scan3A_80 to %scan3A_82 step %scan3A_83  : i32 {
      %mul3A_143 = arith.constant 4 : i32
      %mul3A_144 = arith.muli %mul3A_143, %scan3A_142 : i32
      %add3A_145 = arith.constant 0 : i32
      %add3A_146 = arith.addi %mul3A_144, %add3A_145 : i32
      %ge3A = arith.constant 1 : i32
      %ge3A_147 = arith.cmpi sge, %add3A_146, %ge3A : i32
      %convert_element_type3A = arith.extui %ge3A_147 : i1 to i32
      %cond3A = arith.constant 0 : i32
      %cond3A_148 = arith.cmpi ne, %convert_element_type3A, %cond3A : i32
      scf.if %cond3A_148 {
        %sub3A_314 = arith.constant 1 : i32
        %sub3A_315 = arith.subi %add3A_146, %sub3A_314 : i32
        %dma_wait3A_316 = arith.constant 0 : i32
        %dma_wait3A_317 = arith.constant 0 : i32
        %dma_wait3A_318 = tpu.memref_slice %arg19[%dma_wait3A_316, %dma_wait3A_317] : memref<10240x128xf32, #tpu.memory_space<vmem_shared>> -> memref<10240x128xf32, #tpu.memory_space<vmem_shared>>
        tpu.wait_indirect_dma semaphore(%arg24 : memref<!tpu.dma_semaphore, #tpu.memory_space<semaphore_mem>>) src(%arg16 : memref<80x128xf32, #tpu.memory_space<vmem>>) dst(%dma_wait3A_318 : memref<10240x128xf32, #tpu.memory_space<vmem_shared>>)
      } else {
      }
      %add3A_149 = arith.constant 4 : i32
      %add3A_150 = arith.addi %add3A_146, %add3A_149 : i32
      %sub3A = arith.constant 1 : i32
      %sub3A_151 = arith.subi %add3A_150, %sub3A : i32
      %lt3A = arith.constant 125 : i32
      %lt3A_152 = arith.cmpi slt, %sub3A_151, %lt3A : i32
      %convert_element_type3A_153 = arith.extui %lt3A_152 : i1 to i32
      %cond3A_154 = arith.constant 0 : i32
      %cond3A_155 = arith.cmpi ne, %convert_element_type3A_153, %cond3A_154 : i32
      scf.if %cond3A_155 {
        %add3A_314 = arith.constant 4 : i32
        %add3A_315 = arith.addi %add3A_146, %add3A_314 : i32
        %sub3A_316 = arith.constant 1 : i32
        %sub3A_317 = arith.subi %add3A_315, %sub3A_316 : i32
        %mul3A_318 = arith.constant 80 : i32
        %mul3A_319 = arith.muli %sub3A_317, %mul3A_318 : i32
        %add3A_320 = arith.addi %mul3A_39, %mul3A_319 : i32
        %dma_start3A_321 = tpu.memref_slice %arg4[%add3A_320] : memref<320000xi32, #tpu.memory_space<hbm>> -> memref<80xi32, #tpu.memory_space<hbm>>
        %dma_start3A_322 = tpu.memref_slice %arg4[%add3A_320] : memref<320000xi32, #tpu.memory_space<hbm>> -> memref<80xi32, #tpu.memory_space<hbm>>
        tpu.enqueue_dma source(%dma_start3A_322 : memref<80xi32, #tpu.memory_space<hbm>>) target(%arg10 : memref<80xi32, #tpu.memory_space<vmem>>) target_semaphore(%arg28 : memref<!tpu.dma_semaphore, #tpu.memory_space<semaphore_mem>>)
        %add3A_323 = arith.constant 4 : i32
        %add3A_324 = arith.addi %add3A_146, %add3A_323 : i32
        %sub3A_325 = arith.constant 1 : i32
        %sub3A_326 = arith.subi %add3A_324, %sub3A_325 : i32
        %mul3A_327 = arith.constant 80 : i32
        %mul3A_328 = arith.muli %sub3A_326, %mul3A_327 : i32
        %add3A_329 = arith.addi %mul3A_39, %mul3A_328 : i32
        %dma_start3A_330 = tpu.memref_slice %arg5[%add3A_329] : memref<320000xi32, #tpu.memory_space<hbm>> -> memref<80xi32, #tpu.memory_space<hbm>>
        %dma_start3A_331 = tpu.memref_slice %arg5[%add3A_329] : memref<320000xi32, #tpu.memory_space<hbm>> -> memref<80xi32, #tpu.memory_space<hbm>>
        tpu.enqueue_dma source(%dma_start3A_331 : memref<80xi32, #tpu.memory_space<hbm>>) target(%arg14 : memref<80xi32, #tpu.memory_space<vmem>>) target_semaphore(%arg28 : memref<!tpu.dma_semaphore, #tpu.memory_space<semaphore_mem>>)
      } else {
      }
      %add3A_156 = arith.constant 1 : i32
      %add3A_157 = arith.addi %add3A_146, %add3A_156 : i32
      %lt3A_158 = arith.constant 125 : i32
      %lt3A_159 = arith.cmpi slt, %add3A_157, %lt3A_158 : i32
      %convert_element_type3A_160 = arith.extui %lt3A_159 : i1 to i32
      %cond3A_161 = arith.constant 0 : i32
      %cond3A_162 = arith.cmpi ne, %convert_element_type3A_160, %cond3A_161 : i32
      scf.if %cond3A_162 {
        %add3A_314 = arith.constant 1 : i32
        %add3A_315 = arith.addi %add3A_146, %add3A_314 : i32
        %mul3A_316 = arith.constant 80 : i32
        %mul3A_317 = arith.muli %add3A_315, %mul3A_316 : i32
        %add3A_318 = arith.addi %mul3A_39, %mul3A_317 : i32
        %dma_wait3A_319 = tpu.memref_slice %arg4[%add3A_318] : memref<320000xi32, #tpu.memory_space<hbm>> -> memref<80xi32, #tpu.memory_space<hbm>>
        %dma_wait3A_320 = tpu.memref_slice %arg4[%add3A_318] : memref<320000xi32, #tpu.memory_space<hbm>> -> memref<80xi32, #tpu.memory_space<hbm>>
        tpu.wait_dma2 semaphore(%arg26 : memref<!tpu.dma_semaphore, #tpu.memory_space<semaphore_mem>>) src(%dma_wait3A_320 : memref<80xi32, #tpu.memory_space<hbm>>) dst(%arg8 : memref<80xi32, #tpu.memory_space<vmem>>)
        %add3A_321 = arith.constant 1 : i32
        %add3A_322 = arith.addi %add3A_146, %add3A_321 : i32
        %mul3A_323 = arith.constant 80 : i32
        %mul3A_324 = arith.muli %add3A_322, %mul3A_323 : i32
        %add3A_325 = arith.addi %mul3A_39, %mul3A_324 : i32
        %dma_wait3A_326 = tpu.memref_slice %arg5[%add3A_325] : memref<320000xi32, #tpu.memory_space<hbm>> -> memref<80xi32, #tpu.memory_space<hbm>>
        %dma_wait3A_327 = tpu.memref_slice %arg5[%add3A_325] : memref<320000xi32, #tpu.memory_space<hbm>> -> memref<80xi32, #tpu.memory_space<hbm>>
        tpu.wait_dma2 semaphore(%arg26 : memref<!tpu.dma_semaphore, #tpu.memory_space<semaphore_mem>>) src(%dma_wait3A_327 : memref<80xi32, #tpu.memory_space<hbm>>) dst(%arg12 : memref<80xi32, #tpu.memory_space<vmem>>)
        %add3A_328 = arith.constant 1 : i32
        %add3A_329 = arith.addi %add3A_146, %add3A_328 : i32
        %dma_start3A_330 = arith.constant 0 : i32
        %dma_start3A_331 = arith.constant 0 : i32
        %dma_start3A_332 = tpu.memref_slice %arg2[%dma_start3A_330, %dma_start3A_331] : memref<10240x128xf32, #tpu.memory_space<hbm>> -> memref<10240x128xf32, #tpu.memory_space<hbm>>
        tpu.enqueue_indirect_dma source(%dma_start3A_332 : memref<10240x128xf32, #tpu.memory_space<hbm>>) target(%arg16 : memref<80x128xf32, #tpu.memory_space<vmem>>) offsets(%arg8 : memref<80xi32, #tpu.memory_space<vmem>>) semaphore(%arg21 : memref<!tpu.dma_semaphore, #tpu.memory_space<semaphore_mem>>)
        %add3A_333 = arith.constant 1 : i32
        %add3A_334 = arith.addi %add3A_146, %add3A_333 : i32
        %mul3A_335 = arith.constant 80 : i32
        %mul3A_336 = arith.muli %add3A_334, %mul3A_335 : i32
        %add3A_337 = arith.addi %mul3A_39, %mul3A_336 : i32
        %dma_start3A_338 = arith.constant 0 : i32
        %dma_start3A_339 = tpu.memref_slice %arg3[%add3A_337, %dma_start3A_338] : memref<320000x128xf32, #tpu.memory_space<hbm>> -> memref<80x128xf32, #tpu.memory_space<hbm>>
        %dma_start3A_340 = arith.constant 0 : i32
        %dma_start3A_341 = tpu.memref_slice %arg3[%add3A_337, %dma_start3A_340] : memref<320000x128xf32, #tpu.memory_space<hbm>> -> memref<80x128xf32, #tpu.memory_space<hbm>>
        tpu.enqueue_dma source(%dma_start3A_341 : memref<80x128xf32, #tpu.memory_space<hbm>>) target(%arg18 : memref<80x128xf32, #tpu.memory_space<vmem>>) target_semaphore(%arg23 : memref<!tpu.dma_semaphore, #tpu.memory_space<semaphore_mem>>)
      } else {
      }
      %dma_wait3A_163 = arith.constant 0 : i32
      %dma_wait3A_164 = arith.constant 0 : i32
      %dma_wait3A_165 = tpu.memref_slice %arg2[%dma_wait3A_163, %dma_wait3A_164] : memref<10240x128xf32, #tpu.memory_space<hbm>> -> memref<10240x128xf32, #tpu.memory_space<hbm>>
      tpu.wait_indirect_dma semaphore(%arg20 : memref<!tpu.dma_semaphore, #tpu.memory_space<semaphore_mem>>) src(%dma_wait3A_165 : memref<10240x128xf32, #tpu.memory_space<hbm>>) dst(%arg15 : memref<80x128xf32, #tpu.memory_space<vmem>>)
      %mul3A_166 = arith.constant 80 : i32
      %mul3A_167 = arith.muli %add3A_146, %mul3A_166 : i32
      %add3A_168 = arith.addi %mul3A_39, %mul3A_167 : i32
      %dma_wait3A_169 = arith.constant 0 : i32
      %dma_wait3A_170 = tpu.memref_slice %arg3[%add3A_168, %dma_wait3A_169] : memref<320000x128xf32, #tpu.memory_space<hbm>> -> memref<80x128xf32, #tpu.memory_space<hbm>>
      %dma_wait3A_171 = arith.constant 0 : i32
      %dma_wait3A_172 = tpu.memref_slice %arg3[%add3A_168, %dma_wait3A_171] : memref<320000x128xf32, #tpu.memory_space<hbm>> -> memref<80x128xf32, #tpu.memory_space<hbm>>
      tpu.wait_dma2 semaphore(%arg22 : memref<!tpu.dma_semaphore, #tpu.memory_space<semaphore_mem>>) src(%dma_wait3A_172 : memref<80x128xf32, #tpu.memory_space<hbm>>) dst(%arg17 : memref<80x128xf32, #tpu.memory_space<vmem>>)
      %scan3A_173 = arith.constant 0 : i32
      %scan3A_174 = arith.constant 0 : i32
      %scan3A_175 = arith.constant 20 : i32
      %scan3A_176 = arith.addi %scan3A_174, %scan3A_175 : i32
      %scan3A_177 = arith.constant 1 : i32
      scf.for %scan3A_314 = %scan3A_174 to %scan3A_176 step %scan3A_177  : i32 {
        %mul3A_315 = arith.constant 4 : i32
        %mul3A_316 = arith.muli %mul3A_315, %scan3A_314 : i32
        %add3A_317 = arith.constant 0 : i32
        %add3A_318 = arith.addi %mul3A_316, %add3A_317 : i32
        %get3A = arith.index_cast %add3A_318 : i32 to index
        %get3A_319 = arith.constant 0 : index
        %get3A_320 = tpu.vector_load %arg15[%get3A, %get3A_319] {strides = array<i32>} : memref<80x128xf32, #tpu.memory_space<vmem>>, vector<1x16xf32>,
        %get3A_321 = vector.shape_cast %get3A_320 : vector<1x16xf32> to vector<16xf32>
        %get3A_322 = arith.index_cast %add3A_318 : i32 to index
        %get3A_323 = arith.constant 0 : index
        %get3A_324 = tpu.vector_load %arg17[%get3A_322, %get3A_323] {strides = array<i32>} : memref<80x128xf32, #tpu.memory_space<vmem>>, vector<1x16xf32>,
        %get3A_325 = vector.shape_cast %get3A_324 : vector<1x16xf32> to vector<16xf32>
        %mul3A_326 = arith.mulf %get3A_321, %get3A_325 : vector<16xf32>
        %swap3A = arith.index_cast %add3A_318 : i32 to index
        %swap3A_327 = arith.constant 0 : index
        %swap3A_328 = tpu.vector_load %arg15[%swap3A, %swap3A_327] {strides = array<i32>} : memref<80x128xf32, #tpu.memory_space<vmem>>, vector<1x16xf32>,
        %swap3A_329 = vector.shape_cast %swap3A_328 : vector<1x16xf32> to vector<16xf32>
        %swap3A_330 = vector.shape_cast %mul3A_326 : vector<16xf32> to vector<1x16xf32>
        tpu.vector_store %arg15[%swap3A, %swap3A_327], %swap3A_330 {strides = array<i32>} : memref<80x128xf32, #tpu.memory_space<vmem>>, vector<1x16xf32>,
        %get3A_331 = arith.index_cast %add3A_318 : i32 to index
        %get3A_332 = arith.constant 16 : index
        %get3A_333 = tpu.vector_load %arg15[%get3A_331, %get3A_332] {strides = array<i32>} : memref<80x128xf32, #tpu.memory_space<vmem>>, vector<1x16xf32>,
        %get3A_334 = vector.shape_cast %get3A_333 : vector<1x16xf32> to vector<16xf32>
        %get3A_335 = arith.index_cast %add3A_318 : i32 to index
        %get3A_336 = arith.constant 16 : index
        %get3A_337 = tpu.vector_load %arg17[%get3A_335, %get3A_336] {strides = array<i32>} : memref<80x128xf32, #tpu.memory_space<vmem>>, vector<1x16xf32>,
        %get3A_338 = vector.shape_cast %get3A_337 : vector<1x16xf32> to vector<16xf32>
        %mul3A_339 = arith.mulf %get3A_334, %get3A_338 : vector<16xf32>
        %swap3A_340 = arith.index_cast %add3A_318 : i32 to index
        %swap3A_341 = arith.constant 16 : index
        %swap3A_342 = tpu.vector_load %arg15[%swap3A_340, %swap3A_341] {strides = array<i32>} : memref<80x128xf32, #tpu.memory_space<vmem>>, vector<1x16xf32>,
        %swap3A_343 = vector.shape_cast %swap3A_342 : vector<1x16xf32> to vector<16xf32>
        %swap3A_344 = vector.shape_cast %mul3A_339 : vector<16xf32> to vector<1x16xf32>
        tpu.vector_store %arg15[%swap3A_340, %swap3A_341], %swap3A_344 {strides = array<i32>} : memref<80x128xf32, #tpu.memory_space<vmem>>, vector<1x16xf32>,
        %get3A_345 = arith.index_cast %add3A_318 : i32 to index
        %get3A_346 = arith.constant 32 : index
        %get3A_347 = tpu.vector_load %arg15[%get3A_345, %get3A_346] {strides = array<i32>} : memref<80x128xf32, #tpu.memory_space<vmem>>, vector<1x16xf32>,
        %get3A_348 = vector.shape_cast %get3A_347 : vector<1x16xf32> to vector<16xf32>
        %get3A_349 = arith.index_cast %add3A_318 : i32 to index
        %get3A_350 = arith.constant 32 : index
        %get3A_351 = tpu.vector_load %arg17[%get3A_349, %get3A_350] {strides = array<i32>} : memref<80x128xf32, #tpu.memory_space<vmem>>, vector<1x16xf32>,
        %get3A_352 = vector.shape_cast %get3A_351 : vector<1x16xf32> to vector<16xf32>
        %mul3A_353 = arith.mulf %get3A_348, %get3A_352 : vector<16xf32>
        %swap3A_354 = arith.index_cast %add3A_318 : i32 to index
        %swap3A_355 = arith.constant 32 : index
        %swap3A_356 = tpu.vector_load %arg15[%swap3A_354, %swap3A_355] {strides = array<i32>} : memref<80x128xf32, #tpu.memory_space<vmem>>, vector<1x16xf32>,
        %swap3A_357 = vector.shape_cast %swap3A_356 : vector<1x16xf32> to vector<16xf32>
        %swap3A_358 = vector.shape_cast %mul3A_353 : vector<16xf32> to vector<1x16xf32>
        tpu.vector_store %arg15[%swap3A_354, %swap3A_355], %swap3A_358 {strides = array<i32>} : memref<80x128xf32, #tpu.memory_space<vmem>>, vector<1x16xf32>,
        %get3A_359 = arith.index_cast %add3A_318 : i32 to index
        %get3A_360 = arith.constant 48 : index
        %get3A_361 = tpu.vector_load %arg15[%get3A_359, %get3A_360] {strides = array<i32>} : memref<80x128xf32, #tpu.memory_space<vmem>>, vector<1x16xf32>,
        %get3A_362 = vector.shape_cast %get3A_361 : vector<1x16xf32> to vector<16xf32>
        %get3A_363 = arith.index_cast %add3A_318 : i32 to index
        %get3A_364 = arith.constant 48 : index
        %get3A_365 = tpu.vector_load %arg17[%get3A_363, %get3A_364] {strides = array<i32>} : memref<80x128xf32, #tpu.memory_space<vmem>>, vector<1x16xf32>,
        %get3A_366 = vector.shape_cast %get3A_365 : vector<1x16xf32> to vector<16xf32>
        %mul3A_367 = arith.mulf %get3A_362, %get3A_366 : vector<16xf32>
        %swap3A_368 = arith.index_cast %add3A_318 : i32 to index
        %swap3A_369 = arith.constant 48 : index
        %swap3A_370 = tpu.vector_load %arg15[%swap3A_368, %swap3A_369] {strides = array<i32>} : memref<80x128xf32, #tpu.memory_space<vmem>>, vector<1x16xf32>,
        %swap3A_371 = vector.shape_cast %swap3A_370 : vector<1x16xf32> to vector<16xf32>
        %swap3A_372 = vector.shape_cast %mul3A_367 : vector<16xf32> to vector<1x16xf32>
        tpu.vector_store %arg15[%swap3A_368, %swap3A_369], %swap3A_372 {strides = array<i32>} : memref<80x128xf32, #tpu.memory_space<vmem>>, vector<1x16xf32>,
        %get3A_373 = arith.index_cast %add3A_318 : i32 to index
        %get3A_374 = arith.constant 64 : index
        %get3A_375 = tpu.vector_load %arg15[%get3A_373, %get3A_374] {strides = array<i32>} : memref<80x128xf32, #tpu.memory_space<vmem>>, vector<1x16xf32>,
        %get3A_376 = vector.shape_cast %get3A_375 : vector<1x16xf32> to vector<16xf32>
        %get3A_377 = arith.index_cast %add3A_318 : i32 to index
        %get3A_378 = arith.constant 64 : index
        %get3A_379 = tpu.vector_load %arg17[%get3A_377, %get3A_378] {strides = array<i32>} : memref<80x128xf32, #tpu.memory_space<vmem>>, vector<1x16xf32>,
        %get3A_380 = vector.shape_cast %get3A_379 : vector<1x16xf32> to vector<16xf32>
        %mul3A_381 = arith.mulf %get3A_376, %get3A_380 : vector<16xf32>
        %swap3A_382 = arith.index_cast %add3A_318 : i32 to index
        %swap3A_383 = arith.constant 64 : index
        %swap3A_384 = tpu.vector_load %arg15[%swap3A_382, %swap3A_383] {strides = array<i32>} : memref<80x128xf32, #tpu.memory_space<vmem>>, vector<1x16xf32>,
        %swap3A_385 = vector.shape_cast %swap3A_384 : vector<1x16xf32> to vector<16xf32>
        %swap3A_386 = vector.shape_cast %mul3A_381 : vector<16xf32> to vector<1x16xf32>
        tpu.vector_store %arg15[%swap3A_382, %swap3A_383], %swap3A_386 {strides = array<i32>} : memref<80x128xf32, #tpu.memory_space<vmem>>, vector<1x16xf32>,
        %get3A_387 = arith.index_cast %add3A_318 : i32 to index
        %get3A_388 = arith.constant 80 : index
        %get3A_389 = tpu.vector_load %arg15[%get3A_387, %get3A_388] {strides = array<i32>} : memref<80x128xf32, #tpu.memory_space<vmem>>, vector<1x16xf32>,
        %get3A_390 = vector.shape_cast %get3A_389 : vector<1x16xf32> to vector<16xf32>
        %get3A_391 = arith.index_cast %add3A_318 : i32 to index
        %get3A_392 = arith.constant 80 : index
        %get3A_393 = tpu.vector_load %arg17[%get3A_391, %get3A_392] {strides = array<i32>} : memref<80x128xf32, #tpu.memory_space<vmem>>, vector<1x16xf32>,
        %get3A_394 = vector.shape_cast %get3A_393 : vector<1x16xf32> to vector<16xf32>
        %mul3A_395 = arith.mulf %get3A_390, %get3A_394 : vector<16xf32>
        %swap3A_396 = arith.index_cast %add3A_318 : i32 to index
        %swap3A_397 = arith.constant 80 : index
        %swap3A_398 = tpu.vector_load %arg15[%swap3A_396, %swap3A_397] {strides = array<i32>} : memref<80x128xf32, #tpu.memory_space<vmem>>, vector<1x16xf32>,
        %swap3A_399 = vector.shape_cast %swap3A_398 : vector<1x16xf32> to vector<16xf32>
        %swap3A_400 = vector.shape_cast %mul3A_395 : vector<16xf32> to vector<1x16xf32>
        tpu.vector_store %arg15[%swap3A_396, %swap3A_397], %swap3A_400 {strides = array<i32>} : memref<80x128xf32, #tpu.memory_space<vmem>>, vector<1x16xf32>,
        %get3A_401 = arith.index_cast %add3A_318 : i32 to index
        %get3A_402 = arith.constant 96 : index
        %get3A_403 = tpu.vector_load %arg15[%get3A_401, %get3A_402] {strides = array<i32>} : memref<80x128xf32, #tpu.memory_space<vmem>>, vector<1x16xf32>,
        %get3A_404 = vector.shape_cast %get3A_403 : vector<1x16xf32> to vector<16xf32>
        %get3A_405 = arith.index_cast %add3A_318 : i32 to index
        %get3A_406 = arith.constant 96 : index
        %get3A_407 = tpu.vector_load %arg17[%get3A_405, %get3A_406] {strides = array<i32>} : memref<80x128xf32, #tpu.memory_space<vmem>>, vector<1x16xf32>,
        %get3A_408 = vector.shape_cast %get3A_407 : vector<1x16xf32> to vector<16xf32>
        %mul3A_409 = arith.mulf %get3A_404, %get3A_408 : vector<16xf32>
        %swap3A_410 = arith.index_cast %add3A_318 : i32 to index
        %swap3A_411 = arith.constant 96 : index
        %swap3A_412 = tpu.vector_load %arg15[%swap3A_410, %swap3A_411] {strides = array<i32>} : memref<80x128xf32, #tpu.memory_space<vmem>>, vector<1x16xf32>,
        %swap3A_413 = vector.shape_cast %swap3A_412 : vector<1x16xf32> to vector<16xf32>
        %swap3A_414 = vector.shape_cast %mul3A_409 : vector<16xf32> to vector<1x16xf32>
        tpu.vector_store %arg15[%swap3A_410, %swap3A_411], %swap3A_414 {strides = array<i32>} : memref<80x128xf32, #tpu.memory_space<vmem>>, vector<1x16xf32>,
        %get3A_415 = arith.index_cast %add3A_318 : i32 to index
        %get3A_416 = arith.constant 112 : index
        %get3A_417 = tpu.vector_load %arg15[%get3A_415, %get3A_416] {strides = array<i32>} : memref<80x128xf32, #tpu.memory_space<vmem>>, vector<1x16xf32>,
        %get3A_418 = vector.shape_cast %get3A_417 : vector<1x16xf32> to vector<16xf32>
        %get3A_419 = arith.index_cast %add3A_318 : i32 to index
        %get3A_420 = arith.constant 112 : index
        %get3A_421 = tpu.vector_load %arg17[%get3A_419, %get3A_420] {strides = array<i32>} : memref<80x128xf32, #tpu.memory_space<vmem>>, vector<1x16xf32>,
        %get3A_422 = vector.shape_cast %get3A_421 : vector<1x16xf32> to vector<16xf32>
        %mul3A_423 = arith.mulf %get3A_418, %get3A_422 : vector<16xf32>
        %swap3A_424 = arith.index_cast %add3A_318 : i32 to index
        %swap3A_425 = arith.constant 112 : index
        %swap3A_426 = tpu.vector_load %arg15[%swap3A_424, %swap3A_425] {strides = array<i32>} : memref<80x128xf32, #tpu.memory_space<vmem>>, vector<1x16xf32>,
        %swap3A_427 = vector.shape_cast %swap3A_426 : vector<1x16xf32> to vector<16xf32>
        %swap3A_428 = vector.shape_cast %mul3A_423 : vector<16xf32> to vector<1x16xf32>
        tpu.vector_store %arg15[%swap3A_424, %swap3A_425], %swap3A_428 {strides = array<i32>} : memref<80x128xf32, #tpu.memory_space<vmem>>, vector<1x16xf32>,
        %mul3A_429 = arith.constant 4 : i32
        %mul3A_430 = arith.muli %mul3A_429, %scan3A_314 : i32
        %add3A_431 = arith.constant 1 : i32
        %add3A_432 = arith.addi %mul3A_430, %add3A_431 : i32
        %get3A_433 = arith.index_cast %add3A_432 : i32 to index
        %get3A_434 = arith.constant 0 : index
        %get3A_435 = tpu.vector_load %arg15[%get3A_433, %get3A_434] {strides = array<i32>} : memref<80x128xf32, #tpu.memory_space<vmem>>, vector<1x16xf32>,
        %get3A_436 = vector.shape_cast %get3A_435 : vector<1x16xf32> to vector<16xf32>
        %get3A_437 = arith.index_cast %add3A_432 : i32 to index
        %get3A_438 = arith.constant 0 : index
        %get3A_439 = tpu.vector_load %arg17[%get3A_437, %get3A_438] {strides = array<i32>} : memref<80x128xf32, #tpu.memory_space<vmem>>, vector<1x16xf32>,
        %get3A_440 = vector.shape_cast %get3A_439 : vector<1x16xf32> to vector<16xf32>
        %mul3A_441 = arith.mulf %get3A_436, %get3A_440 : vector<16xf32>
        %swap3A_442 = arith.index_cast %add3A_432 : i32 to index
        %swap3A_443 = arith.constant 0 : index
        %swap3A_444 = tpu.vector_load %arg15[%swap3A_442, %swap3A_443] {strides = array<i32>} : memref<80x128xf32, #tpu.memory_space<vmem>>, vector<1x16xf32>,
        %swap3A_445 = vector.shape_cast %swap3A_444 : vector<1x16xf32> to vector<16xf32>
        %swap3A_446 = vector.shape_cast %mul3A_441 : vector<16xf32> to vector<1x16xf32>
        tpu.vector_store %arg15[%swap3A_442, %swap3A_443], %swap3A_446 {strides = array<i32>} : memref<80x128xf32, #tpu.memory_space<vmem>>, vector<1x16xf32>,
        %get3A_447 = arith.index_cast %add3A_432 : i32 to index
        %get3A_448 = arith.constant 16 : index
        %get3A_449 = tpu.vector_load %arg15[%get3A_447, %get3A_448] {strides = array<i32>} : memref<80x128xf32, #tpu.memory_space<vmem>>, vector<1x16xf32>,
        %get3A_450 = vector.shape_cast %get3A_449 : vector<1x16xf32> to vector<16xf32>
        %get3A_451 = arith.index_cast %add3A_432 : i32 to index
        %get3A_452 = arith.constant 16 : index
        %get3A_453 = tpu.vector_load %arg17[%get3A_451, %get3A_452] {strides = array<i32>} : memref<80x128xf32, #tpu.memory_space<vmem>>, vector<1x16xf32>,
        %get3A_454 = vector.shape_cast %get3A_453 : vector<1x16xf32> to vector<16xf32>
        %mul3A_455 = arith.mulf %get3A_450, %get3A_454 : vector<16xf32>
        %swap3A_456 = arith.index_cast %add3A_432 : i32 to index
        %swap3A_457 = arith.constant 16 : index
        %swap3A_458 = tpu.vector_load %arg15[%swap3A_456, %swap3A_457] {strides = array<i32>} : memref<80x128xf32, #tpu.memory_space<vmem>>, vector<1x16xf32>,
        %swap3A_459 = vector.shape_cast %swap3A_458 : vector<1x16xf32> to vector<16xf32>
        %swap3A_460 = vector.shape_cast %mul3A_455 : vector<16xf32> to vector<1x16xf32>
        tpu.vector_store %arg15[%swap3A_456, %swap3A_457], %swap3A_460 {strides = array<i32>} : memref<80x128xf32, #tpu.memory_space<vmem>>, vector<1x16xf32>,
        %get3A_461 = arith.index_cast %add3A_432 : i32 to index
        %get3A_462 = arith.constant 32 : index
        %get3A_463 = tpu.vector_load %arg15[%get3A_461, %get3A_462] {strides = array<i32>} : memref<80x128xf32, #tpu.memory_space<vmem>>, vector<1x16xf32>,
        %get3A_464 = vector.shape_cast %get3A_463 : vector<1x16xf32> to vector<16xf32>
        %get3A_465 = arith.index_cast %add3A_432 : i32 to index
        %get3A_466 = arith.constant 32 : index
        %get3A_467 = tpu.vector_load %arg17[%get3A_465, %get3A_466] {strides = array<i32>} : memref<80x128xf32, #tpu.memory_space<vmem>>, vector<1x16xf32>,
        %get3A_468 = vector.shape_cast %get3A_467 : vector<1x16xf32> to vector<16xf32>
        %mul3A_469 = arith.mulf %get3A_464, %get3A_468 : vector<16xf32>
        %swap3A_470 = arith.index_cast %add3A_432 : i32 to index
        %swap3A_471 = arith.constant 32 : index
        %swap3A_472 = tpu.vector_load %arg15[%swap3A_470, %swap3A_471] {strides = array<i32>} : memref<80x128xf32, #tpu.memory_space<vmem>>, vector<1x16xf32>,
        %swap3A_473 = vector.shape_cast %swap3A_472 : vector<1x16xf32> to vector<16xf32>
        %swap3A_474 = vector.shape_cast %mul3A_469 : vector<16xf32> to vector<1x16xf32>
        tpu.vector_store %arg15[%swap3A_470, %swap3A_471], %swap3A_474 {strides = array<i32>} : memref<80x128xf32, #tpu.memory_space<vmem>>, vector<1x16xf32>,
        %get3A_475 = arith.index_cast %add3A_432 : i32 to index
        %get3A_476 = arith.constant 48 : index
        %get3A_477 = tpu.vector_load %arg15[%get3A_475, %get3A_476] {strides = array<i32>} : memref<80x128xf32, #tpu.memory_space<vmem>>, vector<1x16xf32>,
        %get3A_478 = vector.shape_cast %get3A_477 : vector<1x16xf32> to vector<16xf32>
        %get3A_479 = arith.index_cast %add3A_432 : i32 to index
        %get3A_480 = arith.constant 48 : index
        %get3A_481 = tpu.vector_load %arg17[%get3A_479, %get3A_480] {strides = array<i32>} : memref<80x128xf32, #tpu.memory_space<vmem>>, vector<1x16xf32>,
        %get3A_482 = vector.shape_cast %get3A_481 : vector<1x16xf32> to vector<16xf32>
        %mul3A_483 = arith.mulf %get3A_478, %get3A_482 : vector<16xf32>
        %swap3A_484 = arith.index_cast %add3A_432 : i32 to index
        %swap3A_485 = arith.constant 48 : index
        %swap3A_486 = tpu.vector_load %arg15[%swap3A_484, %swap3A_485] {strides = array<i32>} : memref<80x128xf32, #tpu.memory_space<vmem>>, vector<1x16xf32>,
        %swap3A_487 = vector.shape_cast %swap3A_486 : vector<1x16xf32> to vector<16xf32>
        %swap3A_488 = vector.shape_cast %mul3A_483 : vector<16xf32> to vector<1x16xf32>
        tpu.vector_store %arg15[%swap3A_484, %swap3A_485], %swap3A_488 {strides = array<i32>} : memref<80x128xf32, #tpu.memory_space<vmem>>, vector<1x16xf32>,
        %get3A_489 = arith.index_cast %add3A_432 : i32 to index
        %get3A_490 = arith.constant 64 : index
        %get3A_491 = tpu.vector_load %arg15[%get3A_489, %get3A_490] {strides = array<i32>} : memref<80x128xf32, #tpu.memory_space<vmem>>, vector<1x16xf32>,
        %get3A_492 = vector.shape_cast %get3A_491 : vector<1x16xf32> to vector<16xf32>
        %get3A_493 = arith.index_cast %add3A_432 : i32 to index
        %get3A_494 = arith.constant 64 : index
        %get3A_495 = tpu.vector_load %arg17[%get3A_493, %get3A_494] {strides = array<i32>} : memref<80x128xf32, #tpu.memory_space<vmem>>, vector<1x16xf32>,
        %get3A_496 = vector.shape_cast %get3A_495 : vector<1x16xf32> to vector<16xf32>
        %mul3A_497 = arith.mulf %get3A_492, %get3A_496 : vector<16xf32>
        %swap3A_498 = arith.index_cast %add3A_432 : i32 to index
        %swap3A_499 = arith.constant 64 : index
        %swap3A_500 = tpu.vector_load %arg15[%swap3A_498, %swap3A_499] {strides = array<i32>} : memref<80x128xf32, #tpu.memory_space<vmem>>, vector<1x16xf32>,
        %swap3A_501 = vector.shape_cast %swap3A_500 : vector<1x16xf32> to vector<16xf32>
        %swap3A_502 = vector.shape_cast %mul3A_497 : vector<16xf32> to vector<1x16xf32>
        tpu.vector_store %arg15[%swap3A_498, %swap3A_499], %swap3A_502 {strides = array<i32>} : memref<80x128xf32, #tpu.memory_space<vmem>>, vector<1x16xf32>,
        %get3A_503 = arith.index_cast %add3A_432 : i32 to index
        %get3A_504 = arith.constant 80 : index
        %get3A_505 = tpu.vector_load %arg15[%get3A_503, %get3A_504] {strides = array<i32>} : memref<80x128xf32, #tpu.memory_space<vmem>>, vector<1x16xf32>,
        %get3A_506 = vector.shape_cast %get3A_505 : vector<1x16xf32> to vector<16xf32>
        %get3A_507 = arith.index_cast %add3A_432 : i32 to index
        %get3A_508 = arith.constant 80 : index
        %get3A_509 = tpu.vector_load %arg17[%get3A_507, %get3A_508] {strides = array<i32>} : memref<80x128xf32, #tpu.memory_space<vmem>>, vector<1x16xf32>,
        %get3A_510 = vector.shape_cast %get3A_509 : vector<1x16xf32> to vector<16xf32>
        %mul3A_511 = arith.mulf %get3A_506, %get3A_510 : vector<16xf32>
        %swap3A_512 = arith.index_cast %add3A_432 : i32 to index
        %swap3A_513 = arith.constant 80 : index
        %swap3A_514 = tpu.vector_load %arg15[%swap3A_512, %swap3A_513] {strides = array<i32>} : memref<80x128xf32, #tpu.memory_space<vmem>>, vector<1x16xf32>,
        %swap3A_515 = vector.shape_cast %swap3A_514 : vector<1x16xf32> to vector<16xf32>
        %swap3A_516 = vector.shape_cast %mul3A_511 : vector<16xf32> to vector<1x16xf32>
        tpu.vector_store %arg15[%swap3A_512, %swap3A_513], %swap3A_516 {strides = array<i32>} : memref<80x128xf32, #tpu.memory_space<vmem>>, vector<1x16xf32>,
        %get3A_517 = arith.index_cast %add3A_432 : i32 to index
        %get3A_518 = arith.constant 96 : index
        %get3A_519 = tpu.vector_load %arg15[%get3A_517, %get3A_518] {strides = array<i32>} : memref<80x128xf32, #tpu.memory_space<vmem>>, vector<1x16xf32>,
        %get3A_520 = vector.shape_cast %get3A_519 : vector<1x16xf32> to vector<16xf32>
        %get3A_521 = arith.index_cast %add3A_432 : i32 to index
        %get3A_522 = arith.constant 96 : index
        %get3A_523 = tpu.vector_load %arg17[%get3A_521, %get3A_522] {strides = array<i32>} : memref<80x128xf32, #tpu.memory_space<vmem>>, vector<1x16xf32>,
        %get3A_524 = vector.shape_cast %get3A_523 : vector<1x16xf32> to vector<16xf32>
        %mul3A_525 = arith.mulf %get3A_520, %get3A_524 : vector<16xf32>
        %swap3A_526 = arith.index_cast %add3A_432 : i32 to index
        %swap3A_527 = arith.constant 96 : index
        %swap3A_528 = tpu.vector_load %arg15[%swap3A_526, %swap3A_527] {strides = array<i32>} : memref<80x128xf32, #tpu.memory_space<vmem>>, vector<1x16xf32>,
        %swap3A_529 = vector.shape_cast %swap3A_528 : vector<1x16xf32> to vector<16xf32>
        %swap3A_530 = vector.shape_cast %mul3A_525 : vector<16xf32> to vector<1x16xf32>
        tpu.vector_store %arg15[%swap3A_526, %swap3A_527], %swap3A_530 {strides = array<i32>} : memref<80x128xf32, #tpu.memory_space<vmem>>, vector<1x16xf32>,
        %get3A_531 = arith.index_cast %add3A_432 : i32 to index
        %get3A_532 = arith.constant 112 : index
        %get3A_533 = tpu.vector_load %arg15[%get3A_531, %get3A_532] {strides = array<i32>} : memref<80x128xf32, #tpu.memory_space<vmem>>, vector<1x16xf32>,
        %get3A_534 = vector.shape_cast %get3A_533 : vector<1x16xf32> to vector<16xf32>
        %get3A_535 = arith.index_cast %add3A_432 : i32 to index
        %get3A_536 = arith.constant 112 : index
        %get3A_537 = tpu.vector_load %arg17[%get3A_535, %get3A_536] {strides = array<i32>} : memref<80x128xf32, #tpu.memory_space<vmem>>, vector<1x16xf32>,
        %get3A_538 = vector.shape_cast %get3A_537 : vector<1x16xf32> to vector<16xf32>
        %mul3A_539 = arith.mulf %get3A_534, %get3A_538 : vector<16xf32>
        %swap3A_540 = arith.index_cast %add3A_432 : i32 to index
        %swap3A_541 = arith.constant 112 : index
        %swap3A_542 = tpu.vector_load %arg15[%swap3A_540, %swap3A_541] {strides = array<i32>} : memref<80x128xf32, #tpu.memory_space<vmem>>, vector<1x16xf32>,
        %swap3A_543 = vector.shape_cast %swap3A_542 : vector<1x16xf32> to vector<16xf32>
        %swap3A_544 = vector.shape_cast %mul3A_539 : vector<16xf32> to vector<1x16xf32>
        tpu.vector_store %arg15[%swap3A_540, %swap3A_541], %swap3A_544 {strides = array<i32>} : memref<80x128xf32, #tpu.memory_space<vmem>>, vector<1x16xf32>,
        %mul3A_545 = arith.constant 4 : i32
        %mul3A_546 = arith.muli %mul3A_545, %scan3A_314 : i32
        %add3A_547 = arith.constant 2 : i32
        %add3A_548 = arith.addi %mul3A_546, %add3A_547 : i32
        %get3A_549 = arith.index_cast %add3A_548 : i32 to index
        %get3A_550 = arith.constant 0 : index
        %get3A_551 = tpu.vector_load %arg15[%get3A_549, %get3A_550] {strides = array<i32>} : memref<80x128xf32, #tpu.memory_space<vmem>>, vector<1x16xf32>,
        %get3A_552 = vector.shape_cast %get3A_551 : vector<1x16xf32> to vector<16xf32>
        %get3A_553 = arith.index_cast %add3A_548 : i32 to index
        %get3A_554 = arith.constant 0 : index
        %get3A_555 = tpu.vector_load %arg17[%get3A_553, %get3A_554] {strides = array<i32>} : memref<80x128xf32, #tpu.memory_space<vmem>>, vector<1x16xf32>,
        %get3A_556 = vector.shape_cast %get3A_555 : vector<1x16xf32> to vector<16xf32>
        %mul3A_557 = arith.mulf %get3A_552, %get3A_556 : vector<16xf32>
        %swap3A_558 = arith.index_cast %add3A_548 : i32 to index
        %swap3A_559 = arith.constant 0 : index
        %swap3A_560 = tpu.vector_load %arg15[%swap3A_558, %swap3A_559] {strides = array<i32>} : memref<80x128xf32, #tpu.memory_space<vmem>>, vector<1x16xf32>,
        %swap3A_561 = vector.shape_cast %swap3A_560 : vector<1x16xf32> to vector<16xf32>
        %swap3A_562 = vector.shape_cast %mul3A_557 : vector<16xf32> to vector<1x16xf32>
        tpu.vector_store %arg15[%swap3A_558, %swap3A_559], %swap3A_562 {strides = array<i32>} : memref<80x128xf32, #tpu.memory_space<vmem>>, vector<1x16xf32>,
        %get3A_563 = arith.index_cast %add3A_548 : i32 to index
        %get3A_564 = arith.constant 16 : index
        %get3A_565 = tpu.vector_load %arg15[%get3A_563, %get3A_564] {strides = array<i32>} : memref<80x128xf32, #tpu.memory_space<vmem>>, vector<1x16xf32>,
        %get3A_566 = vector.shape_cast %get3A_565 : vector<1x16xf32> to vector<16xf32>
        %get3A_567 = arith.index_cast %add3A_548 : i32 to index
        %get3A_568 = arith.constant 16 : index
        %get3A_569 = tpu.vector_load %arg17[%get3A_567, %get3A_568] {strides = array<i32>} : memref<80x128xf32, #tpu.memory_space<vmem>>, vector<1x16xf32>,
        %get3A_570 = vector.shape_cast %get3A_569 : vector<1x16xf32> to vector<16xf32>
        %mul3A_571 = arith.mulf %get3A_566, %get3A_570 : vector<16xf32>
        %swap3A_572 = arith.index_cast %add3A_548 : i32 to index
        %swap3A_573 = arith.constant 16 : index
        %swap3A_574 = tpu.vector_load %arg15[%swap3A_572, %swap3A_573] {strides = array<i32>} : memref<80x128xf32, #tpu.memory_space<vmem>>, vector<1x16xf32>,
        %swap3A_575 = vector.shape_cast %swap3A_574 : vector<1x16xf32> to vector<16xf32>
        %swap3A_576 = vector.shape_cast %mul3A_571 : vector<16xf32> to vector<1x16xf32>
        tpu.vector_store %arg15[%swap3A_572, %swap3A_573], %swap3A_576 {strides = array<i32>} : memref<80x128xf32, #tpu.memory_space<vmem>>, vector<1x16xf32>,
        %get3A_577 = arith.index_cast %add3A_548 : i32 to index
        %get3A_578 = arith.constant 32 : index
        %get3A_579 = tpu.vector_load %arg15[%get3A_577, %get3A_578] {strides = array<i32>} : memref<80x128xf32, #tpu.memory_space<vmem>>, vector<1x16xf32>,
        %get3A_580 = vector.shape_cast %get3A_579 : vector<1x16xf32> to vector<16xf32>
        %get3A_581 = arith.index_cast %add3A_548 : i32 to index
        %get3A_582 = arith.constant 32 : index
        %get3A_583 = tpu.vector_load %arg17[%get3A_581, %get3A_582] {strides = array<i32>} : memref<80x128xf32, #tpu.memory_space<vmem>>, vector<1x16xf32>,
        %get3A_584 = vector.shape_cast %get3A_583 : vector<1x16xf32> to vector<16xf32>
        %mul3A_585 = arith.mulf %get3A_580, %get3A_584 : vector<16xf32>
        %swap3A_586 = arith.index_cast %add3A_548 : i32 to index
        %swap3A_587 = arith.constant 32 : index
        %swap3A_588 = tpu.vector_load %arg15[%swap3A_586, %swap3A_587] {strides = array<i32>} : memref<80x128xf32, #tpu.memory_space<vmem>>, vector<1x16xf32>,
        %swap3A_589 = vector.shape_cast %swap3A_588 : vector<1x16xf32> to vector<16xf32>
        %swap3A_590 = vector.shape_cast %mul3A_585 : vector<16xf32> to vector<1x16xf32>
        tpu.vector_store %arg15[%swap3A_586, %swap3A_587], %swap3A_590 {strides = array<i32>} : memref<80x128xf32, #tpu.memory_space<vmem>>, vector<1x16xf32>,
        %get3A_591 = arith.index_cast %add3A_548 : i32 to index
        %get3A_592 = arith.constant 48 : index
        %get3A_593 = tpu.vector_load %arg15[%get3A_591, %get3A_592] {strides = array<i32>} : memref<80x128xf32, #tpu.memory_space<vmem>>, vector<1x16xf32>,
        %get3A_594 = vector.shape_cast %get3A_593 : vector<1x16xf32> to vector<16xf32>
        %get3A_595 = arith.index_cast %add3A_548 : i32 to index
        %get3A_596 = arith.constant 48 : index
        %get3A_597 = tpu.vector_load %arg17[%get3A_595, %get3A_596] {strides = array<i32>} : memref<80x128xf32, #tpu.memory_space<vmem>>, vector<1x16xf32>,
        %get3A_598 = vector.shape_cast %get3A_597 : vector<1x16xf32> to vector<16xf32>
        %mul3A_599 = arith.mulf %get3A_594, %get3A_598 : vector<16xf32>
        %swap3A_600 = arith.index_cast %add3A_548 : i32 to index
        %swap3A_601 = arith.constant 48 : index
        %swap3A_602 = tpu.vector_load %arg15[%swap3A_600, %swap3A_601] {strides = array<i32>} : memref<80x128xf32, #tpu.memory_space<vmem>>, vector<1x16xf32>,
        %swap3A_603 = vector.shape_cast %swap3A_602 : vector<1x16xf32> to vector<16xf32>
        %swap3A_604 = vector.shape_cast %mul3A_599 : vector<16xf32> to vector<1x16xf32>
        tpu.vector_store %arg15[%swap3A_600, %swap3A_601], %swap3A_604 {strides = array<i32>} : memref<80x128xf32, #tpu.memory_space<vmem>>, vector<1x16xf32>,
        %get3A_605 = arith.index_cast %add3A_548 : i32 to index
        %get3A_606 = arith.constant 64 : index
        %get3A_607 = tpu.vector_load %arg15[%get3A_605, %get3A_606] {strides = array<i32>} : memref<80x128xf32, #tpu.memory_space<vmem>>, vector<1x16xf32>,
        %get3A_608 = vector.shape_cast %get3A_607 : vector<1x16xf32> to vector<16xf32>
        %get3A_609 = arith.index_cast %add3A_548 : i32 to index
        %get3A_610 = arith.constant 64 : index
        %get3A_611 = tpu.vector_load %arg17[%get3A_609, %get3A_610] {strides = array<i32>} : memref<80x128xf32, #tpu.memory_space<vmem>>, vector<1x16xf32>,
        %get3A_612 = vector.shape_cast %get3A_611 : vector<1x16xf32> to vector<16xf32>
        %mul3A_613 = arith.mulf %get3A_608, %get3A_612 : vector<16xf32>
        %swap3A_614 = arith.index_cast %add3A_548 : i32 to index
        %swap3A_615 = arith.constant 64 : index
        %swap3A_616 = tpu.vector_load %arg15[%swap3A_614, %swap3A_615] {strides = array<i32>} : memref<80x128xf32, #tpu.memory_space<vmem>>, vector<1x16xf32>,
        %swap3A_617 = vector.shape_cast %swap3A_616 : vector<1x16xf32> to vector<16xf32>
        %swap3A_618 = vector.shape_cast %mul3A_613 : vector<16xf32> to vector<1x16xf32>
        tpu.vector_store %arg15[%swap3A_614, %swap3A_615], %swap3A_618 {strides = array<i32>} : memref<80x128xf32, #tpu.memory_space<vmem>>, vector<1x16xf32>,
        %get3A_619 = arith.index_cast %add3A_548 : i32 to index
        %get3A_620 = arith.constant 80 : index
        %get3A_621 = tpu.vector_load %arg15[%get3A_619, %get3A_620] {strides = array<i32>} : memref<80x128xf32, #tpu.memory_space<vmem>>, vector<1x16xf32>,
        %get3A_622 = vector.shape_cast %get3A_621 : vector<1x16xf32> to vector<16xf32>
        %get3A_623 = arith.index_cast %add3A_548 : i32 to index
        %get3A_624 = arith.constant 80 : index
        %get3A_625 = tpu.vector_load %arg17[%get3A_623, %get3A_624] {strides = array<i32>} : memref<80x128xf32, #tpu.memory_space<vmem>>, vector<1x16xf32>,
        %get3A_626 = vector.shape_cast %get3A_625 : vector<1x16xf32> to vector<16xf32>
        %mul3A_627 = arith.mulf %get3A_622, %get3A_626 : vector<16xf32>
        %swap3A_628 = arith.index_cast %add3A_548 : i32 to index
        %swap3A_629 = arith.constant 80 : index
        %swap3A_630 = tpu.vector_load %arg15[%swap3A_628, %swap3A_629] {strides = array<i32>} : memref<80x128xf32, #tpu.memory_space<vmem>>, vector<1x16xf32>,
        %swap3A_631 = vector.shape_cast %swap3A_630 : vector<1x16xf32> to vector<16xf32>
        %swap3A_632 = vector.shape_cast %mul3A_627 : vector<16xf32> to vector<1x16xf32>
        tpu.vector_store %arg15[%swap3A_628, %swap3A_629], %swap3A_632 {strides = array<i32>} : memref<80x128xf32, #tpu.memory_space<vmem>>, vector<1x16xf32>,
        %get3A_633 = arith.index_cast %add3A_548 : i32 to index
        %get3A_634 = arith.constant 96 : index
        %get3A_635 = tpu.vector_load %arg15[%get3A_633, %get3A_634] {strides = array<i32>} : memref<80x128xf32, #tpu.memory_space<vmem>>, vector<1x16xf32>,
        %get3A_636 = vector.shape_cast %get3A_635 : vector<1x16xf32> to vector<16xf32>
        %get3A_637 = arith.index_cast %add3A_548 : i32 to index
        %get3A_638 = arith.constant 96 : index
        %get3A_639 = tpu.vector_load %arg17[%get3A_637, %get3A_638] {strides = array<i32>} : memref<80x128xf32, #tpu.memory_space<vmem>>, vector<1x16xf32>,
        %get3A_640 = vector.shape_cast %get3A_639 : vector<1x16xf32> to vector<16xf32>
        %mul3A_641 = arith.mulf %get3A_636, %get3A_640 : vector<16xf32>
        %swap3A_642 = arith.index_cast %add3A_548 : i32 to index
        %swap3A_643 = arith.constant 96 : index
        %swap3A_644 = tpu.vector_load %arg15[%swap3A_642, %swap3A_643] {strides = array<i32>} : memref<80x128xf32, #tpu.memory_space<vmem>>, vector<1x16xf32>,
        %swap3A_645 = vector.shape_cast %swap3A_644 : vector<1x16xf32> to vector<16xf32>
        %swap3A_646 = vector.shape_cast %mul3A_641 : vector<16xf32> to vector<1x16xf32>
        tpu.vector_store %arg15[%swap3A_642, %swap3A_643], %swap3A_646 {strides = array<i32>} : memref<80x128xf32, #tpu.memory_space<vmem>>, vector<1x16xf32>,
        %get3A_647 = arith.index_cast %add3A_548 : i32 to index
        %get3A_648 = arith.constant 112 : index
        %get3A_649 = tpu.vector_load %arg15[%get3A_647, %get3A_648] {strides = array<i32>} : memref<80x128xf32, #tpu.memory_space<vmem>>, vector<1x16xf32>,
        %get3A_650 = vector.shape_cast %get3A_649 : vector<1x16xf32> to vector<16xf32>
        %get3A_651 = arith.index_cast %add3A_548 : i32 to index
        %get3A_652 = arith.constant 112 : index
        %get3A_653 = tpu.vector_load %arg17[%get3A_651, %get3A_652] {strides = array<i32>} : memref<80x128xf32, #tpu.memory_space<vmem>>, vector<1x16xf32>,
        %get3A_654 = vector.shape_cast %get3A_653 : vector<1x16xf32> to vector<16xf32>
        %mul3A_655 = arith.mulf %get3A_650, %get3A_654 : vector<16xf32>
        %swap3A_656 = arith.index_cast %add3A_548 : i32 to index
        %swap3A_657 = arith.constant 112 : index
        %swap3A_658 = tpu.vector_load %arg15[%swap3A_656, %swap3A_657] {strides = array<i32>} : memref<80x128xf32, #tpu.memory_space<vmem>>, vector<1x16xf32>,
        %swap3A_659 = vector.shape_cast %swap3A_658 : vector<1x16xf32> to vector<16xf32>
        %swap3A_660 = vector.shape_cast %mul3A_655 : vector<16xf32> to vector<1x16xf32>
        tpu.vector_store %arg15[%swap3A_656, %swap3A_657], %swap3A_660 {strides = array<i32>} : memref<80x128xf32, #tpu.memory_space<vmem>>, vector<1x16xf32>,
        %mul3A_661 = arith.constant 4 : i32
        %mul3A_662 = arith.muli %mul3A_661, %scan3A_314 : i32
        %add3A_663 = arith.constant 3 : i32
        %add3A_664 = arith.addi %mul3A_662, %add3A_663 : i32
        %get3A_665 = arith.index_cast %add3A_664 : i32 to index
        %get3A_666 = arith.constant 0 : index
        %get3A_667 = tpu.vector_load %arg15[%get3A_665, %get3A_666] {strides = array<i32>} : memref<80x128xf32, #tpu.memory_space<vmem>>, vector<1x16xf32>,
        %get3A_668 = vector.shape_cast %get3A_667 : vector<1x16xf32> to vector<16xf32>
        %get3A_669 = arith.index_cast %add3A_664 : i32 to index
        %get3A_670 = arith.constant 0 : index
        %get3A_671 = tpu.vector_load %arg17[%get3A_669, %get3A_670] {strides = array<i32>} : memref<80x128xf32, #tpu.memory_space<vmem>>, vector<1x16xf32>,
        %get3A_672 = vector.shape_cast %get3A_671 : vector<1x16xf32> to vector<16xf32>
        %mul3A_673 = arith.mulf %get3A_668, %get3A_672 : vector<16xf32>
        %swap3A_674 = arith.index_cast %add3A_664 : i32 to index
        %swap3A_675 = arith.constant 0 : index
        %swap3A_676 = tpu.vector_load %arg15[%swap3A_674, %swap3A_675] {strides = array<i32>} : memref<80x128xf32, #tpu.memory_space<vmem>>, vector<1x16xf32>,
        %swap3A_677 = vector.shape_cast %swap3A_676 : vector<1x16xf32> to vector<16xf32>
        %swap3A_678 = vector.shape_cast %mul3A_673 : vector<16xf32> to vector<1x16xf32>
        tpu.vector_store %arg15[%swap3A_674, %swap3A_675], %swap3A_678 {strides = array<i32>} : memref<80x128xf32, #tpu.memory_space<vmem>>, vector<1x16xf32>,
        %get3A_679 = arith.index_cast %add3A_664 : i32 to index
        %get3A_680 = arith.constant 16 : index
        %get3A_681 = tpu.vector_load %arg15[%get3A_679, %get3A_680] {strides = array<i32>} : memref<80x128xf32, #tpu.memory_space<vmem>>, vector<1x16xf32>,
        %get3A_682 = vector.shape_cast %get3A_681 : vector<1x16xf32> to vector<16xf32>
        %get3A_683 = arith.index_cast %add3A_664 : i32 to index
        %get3A_684 = arith.constant 16 : index
        %get3A_685 = tpu.vector_load %arg17[%get3A_683, %get3A_684] {strides = array<i32>} : memref<80x128xf32, #tpu.memory_space<vmem>>, vector<1x16xf32>,
        %get3A_686 = vector.shape_cast %get3A_685 : vector<1x16xf32> to vector<16xf32>
        %mul3A_687 = arith.mulf %get3A_682, %get3A_686 : vector<16xf32>
        %swap3A_688 = arith.index_cast %add3A_664 : i32 to index
        %swap3A_689 = arith.constant 16 : index
        %swap3A_690 = tpu.vector_load %arg15[%swap3A_688, %swap3A_689] {strides = array<i32>} : memref<80x128xf32, #tpu.memory_space<vmem>>, vector<1x16xf32>,
        %swap3A_691 = vector.shape_cast %swap3A_690 : vector<1x16xf32> to vector<16xf32>
        %swap3A_692 = vector.shape_cast %mul3A_687 : vector<16xf32> to vector<1x16xf32>
        tpu.vector_store %arg15[%swap3A_688, %swap3A_689], %swap3A_692 {strides = array<i32>} : memref<80x128xf32, #tpu.memory_space<vmem>>, vector<1x16xf32>,
        %get3A_693 = arith.index_cast %add3A_664 : i32 to index
        %get3A_694 = arith.constant 32 : index
        %get3A_695 = tpu.vector_load %arg15[%get3A_693, %get3A_694] {strides = array<i32>} : memref<80x128xf32, #tpu.memory_space<vmem>>, vector<1x16xf32>,
        %get3A_696 = vector.shape_cast %get3A_695 : vector<1x16xf32> to vector<16xf32>
        %get3A_697 = arith.index_cast %add3A_664 : i32 to index
        %get3A_698 = arith.constant 32 : index
        %get3A_699 = tpu.vector_load %arg17[%get3A_697, %get3A_698] {strides = array<i32>} : memref<80x128xf32, #tpu.memory_space<vmem>>, vector<1x16xf32>,
        %get3A_700 = vector.shape_cast %get3A_699 : vector<1x16xf32> to vector<16xf32>
        %mul3A_701 = arith.mulf %get3A_696, %get3A_700 : vector<16xf32>
        %swap3A_702 = arith.index_cast %add3A_664 : i32 to index
        %swap3A_703 = arith.constant 32 : index
        %swap3A_704 = tpu.vector_load %arg15[%swap3A_702, %swap3A_703] {strides = array<i32>} : memref<80x128xf32, #tpu.memory_space<vmem>>, vector<1x16xf32>,
        %swap3A_705 = vector.shape_cast %swap3A_704 : vector<1x16xf32> to vector<16xf32>
        %swap3A_706 = vector.shape_cast %mul3A_701 : vector<16xf32> to vector<1x16xf32>
        tpu.vector_store %arg15[%swap3A_702, %swap3A_703], %swap3A_706 {strides = array<i32>} : memref<80x128xf32, #tpu.memory_space<vmem>>, vector<1x16xf32>,
        %get3A_707 = arith.index_cast %add3A_664 : i32 to index
        %get3A_708 = arith.constant 48 : index
        %get3A_709 = tpu.vector_load %arg15[%get3A_707, %get3A_708] {strides = array<i32>} : memref<80x128xf32, #tpu.memory_space<vmem>>, vector<1x16xf32>,
        %get3A_710 = vector.shape_cast %get3A_709 : vector<1x16xf32> to vector<16xf32>
        %get3A_711 = arith.index_cast %add3A_664 : i32 to index
        %get3A_712 = arith.constant 48 : index
        %get3A_713 = tpu.vector_load %arg17[%get3A_711, %get3A_712] {strides = array<i32>} : memref<80x128xf32, #tpu.memory_space<vmem>>, vector<1x16xf32>,
        %get3A_714 = vector.shape_cast %get3A_713 : vector<1x16xf32> to vector<16xf32>
        %mul3A_715 = arith.mulf %get3A_710, %get3A_714 : vector<16xf32>
        %swap3A_716 = arith.index_cast %add3A_664 : i32 to index
        %swap3A_717 = arith.constant 48 : index
        %swap3A_718 = tpu.vector_load %arg15[%swap3A_716, %swap3A_717] {strides = array<i32>} : memref<80x128xf32, #tpu.memory_space<vmem>>, vector<1x16xf32>,
        %swap3A_719 = vector.shape_cast %swap3A_718 : vector<1x16xf32> to vector<16xf32>
        %swap3A_720 = vector.shape_cast %mul3A_715 : vector<16xf32> to vector<1x16xf32>
        tpu.vector_store %arg15[%swap3A_716, %swap3A_717], %swap3A_720 {strides = array<i32>} : memref<80x128xf32, #tpu.memory_space<vmem>>, vector<1x16xf32>,
        %get3A_721 = arith.index_cast %add3A_664 : i32 to index
        %get3A_722 = arith.constant 64 : index
        %get3A_723 = tpu.vector_load %arg15[%get3A_721, %get3A_722] {strides = array<i32>} : memref<80x128xf32, #tpu.memory_space<vmem>>, vector<1x16xf32>,
        %get3A_724 = vector.shape_cast %get3A_723 : vector<1x16xf32> to vector<16xf32>
        %get3A_725 = arith.index_cast %add3A_664 : i32 to index
        %get3A_726 = arith.constant 64 : index
        %get3A_727 = tpu.vector_load %arg17[%get3A_725, %get3A_726] {strides = array<i32>} : memref<80x128xf32, #tpu.memory_space<vmem>>, vector<1x16xf32>,
        %get3A_728 = vector.shape_cast %get3A_727 : vector<1x16xf32> to vector<16xf32>
        %mul3A_729 = arith.mulf %get3A_724, %get3A_728 : vector<16xf32>
        %swap3A_730 = arith.index_cast %add3A_664 : i32 to index
        %swap3A_731 = arith.constant 64 : index
        %swap3A_732 = tpu.vector_load %arg15[%swap3A_730, %swap3A_731] {strides = array<i32>} : memref<80x128xf32, #tpu.memory_space<vmem>>, vector<1x16xf32>,
        %swap3A_733 = vector.shape_cast %swap3A_732 : vector<1x16xf32> to vector<16xf32>
        %swap3A_734 = vector.shape_cast %mul3A_729 : vector<16xf32> to vector<1x16xf32>
        tpu.vector_store %arg15[%swap3A_730, %swap3A_731], %swap3A_734 {strides = array<i32>} : memref<80x128xf32, #tpu.memory_space<vmem>>, vector<1x16xf32>,
        %get3A_735 = arith.index_cast %add3A_664 : i32 to index
        %get3A_736 = arith.constant 80 : index
        %get3A_737 = tpu.vector_load %arg15[%get3A_735, %get3A_736] {strides = array<i32>} : memref<80x128xf32, #tpu.memory_space<vmem>>, vector<1x16xf32>,
        %get3A_738 = vector.shape_cast %get3A_737 : vector<1x16xf32> to vector<16xf32>
        %get3A_739 = arith.index_cast %add3A_664 : i32 to index
        %get3A_740 = arith.constant 80 : index
        %get3A_741 = tpu.vector_load %arg17[%get3A_739, %get3A_740] {strides = array<i32>} : memref<80x128xf32, #tpu.memory_space<vmem>>, vector<1x16xf32>,
        %get3A_742 = vector.shape_cast %get3A_741 : vector<1x16xf32> to vector<16xf32>
        %mul3A_743 = arith.mulf %get3A_738, %get3A_742 : vector<16xf32>
        %swap3A_744 = arith.index_cast %add3A_664 : i32 to index
        %swap3A_745 = arith.constant 80 : index
        %swap3A_746 = tpu.vector_load %arg15[%swap3A_744, %swap3A_745] {strides = array<i32>} : memref<80x128xf32, #tpu.memory_space<vmem>>, vector<1x16xf32>,
        %swap3A_747 = vector.shape_cast %swap3A_746 : vector<1x16xf32> to vector<16xf32>
        %swap3A_748 = vector.shape_cast %mul3A_743 : vector<16xf32> to vector<1x16xf32>
        tpu.vector_store %arg15[%swap3A_744, %swap3A_745], %swap3A_748 {strides = array<i32>} : memref<80x128xf32, #tpu.memory_space<vmem>>, vector<1x16xf32>,
        %get3A_749 = arith.index_cast %add3A_664 : i32 to index
        %get3A_750 = arith.constant 96 : index
        %get3A_751 = tpu.vector_load %arg15[%get3A_749, %get3A_750] {strides = array<i32>} : memref<80x128xf32, #tpu.memory_space<vmem>>, vector<1x16xf32>,
        %get3A_752 = vector.shape_cast %get3A_751 : vector<1x16xf32> to vector<16xf32>
        %get3A_753 = arith.index_cast %add3A_664 : i32 to index
        %get3A_754 = arith.constant 96 : index
        %get3A_755 = tpu.vector_load %arg17[%get3A_753, %get3A_754] {strides = array<i32>} : memref<80x128xf32, #tpu.memory_space<vmem>>, vector<1x16xf32>,
        %get3A_756 = vector.shape_cast %get3A_755 : vector<1x16xf32> to vector<16xf32>
        %mul3A_757 = arith.mulf %get3A_752, %get3A_756 : vector<16xf32>
        %swap3A_758 = arith.index_cast %add3A_664 : i32 to index
        %swap3A_759 = arith.constant 96 : index
        %swap3A_760 = tpu.vector_load %arg15[%swap3A_758, %swap3A_759] {strides = array<i32>} : memref<80x128xf32, #tpu.memory_space<vmem>>, vector<1x16xf32>,
        %swap3A_761 = vector.shape_cast %swap3A_760 : vector<1x16xf32> to vector<16xf32>
        %swap3A_762 = vector.shape_cast %mul3A_757 : vector<16xf32> to vector<1x16xf32>
        tpu.vector_store %arg15[%swap3A_758, %swap3A_759], %swap3A_762 {strides = array<i32>} : memref<80x128xf32, #tpu.memory_space<vmem>>, vector<1x16xf32>,
        %get3A_763 = arith.index_cast %add3A_664 : i32 to index
        %get3A_764 = arith.constant 112 : index
        %get3A_765 = tpu.vector_load %arg15[%get3A_763, %get3A_764] {strides = array<i32>} : memref<80x128xf32, #tpu.memory_space<vmem>>, vector<1x16xf32>,
        %get3A_766 = vector.shape_cast %get3A_765 : vector<1x16xf32> to vector<16xf32>
        %get3A_767 = arith.index_cast %add3A_664 : i32 to index
        %get3A_768 = arith.constant 112 : index
        %get3A_769 = tpu.vector_load %arg17[%get3A_767, %get3A_768] {strides = array<i32>} : memref<80x128xf32, #tpu.memory_space<vmem>>, vector<1x16xf32>,
        %get3A_770 = vector.shape_cast %get3A_769 : vector<1x16xf32> to vector<16xf32>
        %mul3A_771 = arith.mulf %get3A_766, %get3A_770 : vector<16xf32>
        %swap3A_772 = arith.index_cast %add3A_664 : i32 to index
        %swap3A_773 = arith.constant 112 : index
        %swap3A_774 = tpu.vector_load %arg15[%swap3A_772, %swap3A_773] {strides = array<i32>} : memref<80x128xf32, #tpu.memory_space<vmem>>, vector<1x16xf32>,
        %swap3A_775 = vector.shape_cast %swap3A_774 : vector<1x16xf32> to vector<16xf32>
        %swap3A_776 = vector.shape_cast %mul3A_771 : vector<16xf32> to vector<1x16xf32>
        tpu.vector_store %arg15[%swap3A_772, %swap3A_773], %swap3A_776 {strides = array<i32>} : memref<80x128xf32, #tpu.memory_space<vmem>>, vector<1x16xf32>,
      }
      %scan3A_178 = arith.constant 20 : i32
      %dma_start3A_179 = arith.constant 0 : i32
      %dma_start3A_180 = arith.constant 0 : i32
      %dma_start3A_181 = tpu.memref_slice %arg19[%dma_start3A_179, %dma_start3A_180] : memref<10240x128xf32, #tpu.memory_space<vmem_shared>> -> memref<10240x128xf32, #tpu.memory_space<vmem_shared>>
      tpu.enqueue_indirect_dma source(%arg15 : memref<80x128xf32, #tpu.memory_space<vmem>>) target(%dma_start3A_181 : memref<10240x128xf32, #tpu.memory_space<vmem_shared>>) offsets(%arg11 : memref<80xi32, #tpu.memory_space<vmem>>) semaphore(%arg24 : memref<!tpu.dma_semaphore, #tpu.memory_space<semaphore_mem>>) {add = true}
      %mul3A_182 = arith.constant 4 : i32
      %mul3A_183 = arith.muli %mul3A_182, %scan3A_142 : i32
      %add3A_184 = arith.constant 1 : i32
      %add3A_185 = arith.addi %mul3A_183, %add3A_184 : i32
      %ge3A_186 = arith.constant 1 : i32
      %ge3A_187 = arith.cmpi sge, %add3A_185, %ge3A_186 : i32
      %convert_element_type3A_188 = arith.extui %ge3A_187 : i1 to i32
      %cond3A_189 = arith.constant 0 : i32
      %cond3A_190 = arith.cmpi ne, %convert_element_type3A_188, %cond3A_189 : i32
      scf.if %cond3A_190 {
        %sub3A_314 = arith.constant 1 : i32
        %sub3A_315 = arith.subi %add3A_185, %sub3A_314 : i32
        %dma_wait3A_316 = arith.constant 0 : i32
        %dma_wait3A_317 = arith.constant 0 : i32
        %dma_wait3A_318 = tpu.memref_slice %arg19[%dma_wait3A_316, %dma_wait3A_317] : memref<10240x128xf32, #tpu.memory_space<vmem_shared>> -> memref<10240x128xf32, #tpu.memory_space<vmem_shared>>
        tpu.wait_indirect_dma semaphore(%arg24 : memref<!tpu.dma_semaphore, #tpu.memory_space<semaphore_mem>>) src(%arg15 : memref<80x128xf32, #tpu.memory_space<vmem>>) dst(%dma_wait3A_318 : memref<10240x128xf32, #tpu.memory_space<vmem_shared>>)
      } else {
      }
      %add3A_191 = arith.constant 4 : i32
      %add3A_192 = arith.addi %add3A_185, %add3A_191 : i32
      %sub3A_193 = arith.constant 1 : i32
      %sub3A_194 = arith.subi %add3A_192, %sub3A_193 : i32
      %lt3A_195 = arith.constant 125 : i32
      %lt3A_196 = arith.cmpi slt, %sub3A_194, %lt3A_195 : i32
      %convert_element_type3A_197 = arith.extui %lt3A_196 : i1 to i32
      %cond3A_198 = arith.constant 0 : i32
      %cond3A_199 = arith.cmpi ne, %convert_element_type3A_197, %cond3A_198 : i32
      scf.if %cond3A_199 {
        %add3A_314 = arith.constant 4 : i32
        %add3A_315 = arith.addi %add3A_185, %add3A_314 : i32
        %sub3A_316 = arith.constant 1 : i32
        %sub3A_317 = arith.subi %add3A_315, %sub3A_316 : i32
        %mul3A_318 = arith.constant 80 : i32
        %mul3A_319 = arith.muli %sub3A_317, %mul3A_318 : i32
        %add3A_320 = arith.addi %mul3A_39, %mul3A_319 : i32
        %dma_start3A_321 = tpu.memref_slice %arg4[%add3A_320] : memref<320000xi32, #tpu.memory_space<hbm>> -> memref<80xi32, #tpu.memory_space<hbm>>
        %dma_start3A_322 = tpu.memref_slice %arg4[%add3A_320] : memref<320000xi32, #tpu.memory_space<hbm>> -> memref<80xi32, #tpu.memory_space<hbm>>
        tpu.enqueue_dma source(%dma_start3A_322 : memref<80xi32, #tpu.memory_space<hbm>>) target(%arg7 : memref<80xi32, #tpu.memory_space<vmem>>) target_semaphore(%arg25 : memref<!tpu.dma_semaphore, #tpu.memory_space<semaphore_mem>>)
        %add3A_323 = arith.constant 4 : i32
        %add3A_324 = arith.addi %add3A_185, %add3A_323 : i32
        %sub3A_325 = arith.constant 1 : i32
        %sub3A_326 = arith.subi %add3A_324, %sub3A_325 : i32
        %mul3A_327 = arith.constant 80 : i32
        %mul3A_328 = arith.muli %sub3A_326, %mul3A_327 : i32
        %add3A_329 = arith.addi %mul3A_39, %mul3A_328 : i32
        %dma_start3A_330 = tpu.memref_slice %arg5[%add3A_329] : memref<320000xi32, #tpu.memory_space<hbm>> -> memref<80xi32, #tpu.memory_space<hbm>>
        %dma_start3A_331 = tpu.memref_slice %arg5[%add3A_329] : memref<320000xi32, #tpu.memory_space<hbm>> -> memref<80xi32, #tpu.memory_space<hbm>>
        tpu.enqueue_dma source(%dma_start3A_331 : memref<80xi32, #tpu.memory_space<hbm>>) target(%arg11 : memref<80xi32, #tpu.memory_space<vmem>>) target_semaphore(%arg25 : memref<!tpu.dma_semaphore, #tpu.memory_space<semaphore_mem>>)
      } else {
      }
      %add3A_200 = arith.constant 1 : i32
      %add3A_201 = arith.addi %add3A_185, %add3A_200 : i32
      %lt3A_202 = arith.constant 125 : i32
      %lt3A_203 = arith.cmpi slt, %add3A_201, %lt3A_202 : i32
      %convert_element_type3A_204 = arith.extui %lt3A_203 : i1 to i32
      %cond3A_205 = arith.constant 0 : i32
      %cond3A_206 = arith.cmpi ne, %convert_element_type3A_204, %cond3A_205 : i32
      scf.if %cond3A_206 {
        %add3A_314 = arith.constant 1 : i32
        %add3A_315 = arith.addi %add3A_185, %add3A_314 : i32
        %mul3A_316 = arith.constant 80 : i32
        %mul3A_317 = arith.muli %add3A_315, %mul3A_316 : i32
        %add3A_318 = arith.addi %mul3A_39, %mul3A_317 : i32
        %dma_wait3A_319 = tpu.memref_slice %arg4[%add3A_318] : memref<320000xi32, #tpu.memory_space<hbm>> -> memref<80xi32, #tpu.memory_space<hbm>>
        %dma_wait3A_320 = tpu.memref_slice %arg4[%add3A_318] : memref<320000xi32, #tpu.memory_space<hbm>> -> memref<80xi32, #tpu.memory_space<hbm>>
        tpu.wait_dma2 semaphore(%arg27 : memref<!tpu.dma_semaphore, #tpu.memory_space<semaphore_mem>>) src(%dma_wait3A_320 : memref<80xi32, #tpu.memory_space<hbm>>) dst(%arg9 : memref<80xi32, #tpu.memory_space<vmem>>)
        %add3A_321 = arith.constant 1 : i32
        %add3A_322 = arith.addi %add3A_185, %add3A_321 : i32
        %mul3A_323 = arith.constant 80 : i32
        %mul3A_324 = arith.muli %add3A_322, %mul3A_323 : i32
        %add3A_325 = arith.addi %mul3A_39, %mul3A_324 : i32
        %dma_wait3A_326 = tpu.memref_slice %arg5[%add3A_325] : memref<320000xi32, #tpu.memory_space<hbm>> -> memref<80xi32, #tpu.memory_space<hbm>>
        %dma_wait3A_327 = tpu.memref_slice %arg5[%add3A_325] : memref<320000xi32, #tpu.memory_space<hbm>> -> memref<80xi32, #tpu.memory_space<hbm>>
        tpu.wait_dma2 semaphore(%arg27 : memref<!tpu.dma_semaphore, #tpu.memory_space<semaphore_mem>>) src(%dma_wait3A_327 : memref<80xi32, #tpu.memory_space<hbm>>) dst(%arg13 : memref<80xi32, #tpu.memory_space<vmem>>)
        %add3A_328 = arith.constant 1 : i32
        %add3A_329 = arith.addi %add3A_185, %add3A_328 : i32
        %dma_start3A_330 = arith.constant 0 : i32
        %dma_start3A_331 = arith.constant 0 : i32
        %dma_start3A_332 = tpu.memref_slice %arg2[%dma_start3A_330, %dma_start3A_331] : memref<10240x128xf32, #tpu.memory_space<hbm>> -> memref<10240x128xf32, #tpu.memory_space<hbm>>
        tpu.enqueue_indirect_dma source(%dma_start3A_332 : memref<10240x128xf32, #tpu.memory_space<hbm>>) target(%arg15 : memref<80x128xf32, #tpu.memory_space<vmem>>) offsets(%arg9 : memref<80xi32, #tpu.memory_space<vmem>>) semaphore(%arg20 : memref<!tpu.dma_semaphore, #tpu.memory_space<semaphore_mem>>)
        %add3A_333 = arith.constant 1 : i32
        %add3A_334 = arith.addi %add3A_185, %add3A_333 : i32
        %mul3A_335 = arith.constant 80 : i32
        %mul3A_336 = arith.muli %add3A_334, %mul3A_335 : i32
        %add3A_337 = arith.addi %mul3A_39, %mul3A_336 : i32
        %dma_start3A_338 = arith.constant 0 : i32
        %dma_start3A_339 = tpu.memref_slice %arg3[%add3A_337, %dma_start3A_338] : memref<320000x128xf32, #tpu.memory_space<hbm>> -> memref<80x128xf32, #tpu.memory_space<hbm>>
        %dma_start3A_340 = arith.constant 0 : i32
        %dma_start3A_341 = tpu.memref_slice %arg3[%add3A_337, %dma_start3A_340] : memref<320000x128xf32, #tpu.memory_space<hbm>> -> memref<80x128xf32, #tpu.memory_space<hbm>>
        tpu.enqueue_dma source(%dma_start3A_341 : memref<80x128xf32, #tpu.memory_space<hbm>>) target(%arg17 : memref<80x128xf32, #tpu.memory_space<vmem>>) target_semaphore(%arg22 : memref<!tpu.dma_semaphore, #tpu.memory_space<semaphore_mem>>)
      } else {
      }
      %dma_wait3A_207 = arith.constant 0 : i32
      %dma_wait3A_208 = arith.constant 0 : i32
      %dma_wait3A_209 = tpu.memref_slice %arg2[%dma_wait3A_207, %dma_wait3A_208] : memref<10240x128xf32, #tpu.memory_space<hbm>> -> memref<10240x128xf32, #tpu.memory_space<hbm>>
      tpu.wait_indirect_dma semaphore(%arg21 : memref<!tpu.dma_semaphore, #tpu.memory_space<semaphore_mem>>) src(%dma_wait3A_209 : memref<10240x128xf32, #tpu.memory_space<hbm>>) dst(%arg16 : memref<80x128xf32, #tpu.memory_space<vmem>>)
      %mul3A_210 = arith.constant 80 : i32
      %mul3A_211 = arith.muli %add3A_185, %mul3A_210 : i32
      %add3A_212 = arith.addi %mul3A_39, %mul3A_211 : i32
      %dma_wait3A_213 = arith.constant 0 : i32
      %dma_wait3A_214 = tpu.memref_slice %arg3[%add3A_212, %dma_wait3A_213] : memref<320000x128xf32, #tpu.memory_space<hbm>> -> memref<80x128xf32, #tpu.memory_space<hbm>>
      %dma_wait3A_215 = arith.constant 0 : i32
      %dma_wait3A_216 = tpu.memref_slice %arg3[%add3A_212, %dma_wait3A_215] : memref<320000x128xf32, #tpu.memory_space<hbm>> -> memref<80x128xf32, #tpu.memory_space<hbm>>
      tpu.wait_dma2 semaphore(%arg23 : memref<!tpu.dma_semaphore, #tpu.memory_space<semaphore_mem>>) src(%dma_wait3A_216 : memref<80x128xf32, #tpu.memory_space<hbm>>) dst(%arg18 : memref<80x128xf32, #tpu.memory_space<vmem>>)
      %scan3A_217 = arith.constant 0 : i32
      %scan3A_218 = arith.constant 0 : i32
      %scan3A_219 = arith.constant 20 : i32
      %scan3A_220 = arith.addi %scan3A_218, %scan3A_219 : i32
      %scan3A_221 = arith.constant 1 : i32
      scf.for %scan3A_314 = %scan3A_218 to %scan3A_220 step %scan3A_221  : i32 {
        %mul3A_315 = arith.constant 4 : i32
        %mul3A_316 = arith.muli %mul3A_315, %scan3A_314 : i32
        %add3A_317 = arith.constant 0 : i32
        %add3A_318 = arith.addi %mul3A_316, %add3A_317 : i32
        %get3A = arith.index_cast %add3A_318 : i32 to index
        %get3A_319 = arith.constant 0 : index
        %get3A_320 = tpu.vector_load %arg16[%get3A, %get3A_319] {strides = array<i32>} : memref<80x128xf32, #tpu.memory_space<vmem>>, vector<1x16xf32>,
        %get3A_321 = vector.shape_cast %get3A_320 : vector<1x16xf32> to vector<16xf32>
        %get3A_322 = arith.index_cast %add3A_318 : i32 to index
        %get3A_323 = arith.constant 0 : index
        %get3A_324 = tpu.vector_load %arg18[%get3A_322, %get3A_323] {strides = array<i32>} : memref<80x128xf32, #tpu.memory_space<vmem>>, vector<1x16xf32>,
        %get3A_325 = vector.shape_cast %get3A_324 : vector<1x16xf32> to vector<16xf32>
        %mul3A_326 = arith.mulf %get3A_321, %get3A_325 : vector<16xf32>
        %swap3A = arith.index_cast %add3A_318 : i32 to index
        %swap3A_327 = arith.constant 0 : index
        %swap3A_328 = tpu.vector_load %arg16[%swap3A, %swap3A_327] {strides = array<i32>} : memref<80x128xf32, #tpu.memory_space<vmem>>, vector<1x16xf32>,
        %swap3A_329 = vector.shape_cast %swap3A_328 : vector<1x16xf32> to vector<16xf32>
        %swap3A_330 = vector.shape_cast %mul3A_326 : vector<16xf32> to vector<1x16xf32>
        tpu.vector_store %arg16[%swap3A, %swap3A_327], %swap3A_330 {strides = array<i32>} : memref<80x128xf32, #tpu.memory_space<vmem>>, vector<1x16xf32>,
        %get3A_331 = arith.index_cast %add3A_318 : i32 to index
        %get3A_332 = arith.constant 16 : index
        %get3A_333 = tpu.vector_load %arg16[%get3A_331, %get3A_332] {strides = array<i32>} : memref<80x128xf32, #tpu.memory_space<vmem>>, vector<1x16xf32>,
        %get3A_334 = vector.shape_cast %get3A_333 : vector<1x16xf32> to vector<16xf32>
        %get3A_335 = arith.index_cast %add3A_318 : i32 to index
        %get3A_336 = arith.constant 16 : index
        %get3A_337 = tpu.vector_load %arg18[%get3A_335, %get3A_336] {strides = array<i32>} : memref<80x128xf32, #tpu.memory_space<vmem>>, vector<1x16xf32>,
        %get3A_338 = vector.shape_cast %get3A_337 : vector<1x16xf32> to vector<16xf32>
        %mul3A_339 = arith.mulf %get3A_334, %get3A_338 : vector<16xf32>
        %swap3A_340 = arith.index_cast %add3A_318 : i32 to index
        %swap3A_341 = arith.constant 16 : index
        %swap3A_342 = tpu.vector_load %arg16[%swap3A_340, %swap3A_341] {strides = array<i32>} : memref<80x128xf32, #tpu.memory_space<vmem>>, vector<1x16xf32>,
        %swap3A_343 = vector.shape_cast %swap3A_342 : vector<1x16xf32> to vector<16xf32>
        %swap3A_344 = vector.shape_cast %mul3A_339 : vector<16xf32> to vector<1x16xf32>
        tpu.vector_store %arg16[%swap3A_340, %swap3A_341], %swap3A_344 {strides = array<i32>} : memref<80x128xf32, #tpu.memory_space<vmem>>, vector<1x16xf32>,
        %get3A_345 = arith.index_cast %add3A_318 : i32 to index
        %get3A_346 = arith.constant 32 : index
        %get3A_347 = tpu.vector_load %arg16[%get3A_345, %get3A_346] {strides = array<i32>} : memref<80x128xf32, #tpu.memory_space<vmem>>, vector<1x16xf32>,
        %get3A_348 = vector.shape_cast %get3A_347 : vector<1x16xf32> to vector<16xf32>
        %get3A_349 = arith.index_cast %add3A_318 : i32 to index
        %get3A_350 = arith.constant 32 : index
        %get3A_351 = tpu.vector_load %arg18[%get3A_349, %get3A_350] {strides = array<i32>} : memref<80x128xf32, #tpu.memory_space<vmem>>, vector<1x16xf32>,
        %get3A_352 = vector.shape_cast %get3A_351 : vector<1x16xf32> to vector<16xf32>
        %mul3A_353 = arith.mulf %get3A_348, %get3A_352 : vector<16xf32>
        %swap3A_354 = arith.index_cast %add3A_318 : i32 to index
        %swap3A_355 = arith.constant 32 : index
        %swap3A_356 = tpu.vector_load %arg16[%swap3A_354, %swap3A_355] {strides = array<i32>} : memref<80x128xf32, #tpu.memory_space<vmem>>, vector<1x16xf32>,
        %swap3A_357 = vector.shape_cast %swap3A_356 : vector<1x16xf32> to vector<16xf32>
        %swap3A_358 = vector.shape_cast %mul3A_353 : vector<16xf32> to vector<1x16xf32>
        tpu.vector_store %arg16[%swap3A_354, %swap3A_355], %swap3A_358 {strides = array<i32>} : memref<80x128xf32, #tpu.memory_space<vmem>>, vector<1x16xf32>,
        %get3A_359 = arith.index_cast %add3A_318 : i32 to index
        %get3A_360 = arith.constant 48 : index
        %get3A_361 = tpu.vector_load %arg16[%get3A_359, %get3A_360] {strides = array<i32>} : memref<80x128xf32, #tpu.memory_space<vmem>>, vector<1x16xf32>,
        %get3A_362 = vector.shape_cast %get3A_361 : vector<1x16xf32> to vector<16xf32>
        %get3A_363 = arith.index_cast %add3A_318 : i32 to index
        %get3A_364 = arith.constant 48 : index
        %get3A_365 = tpu.vector_load %arg18[%get3A_363, %get3A_364] {strides = array<i32>} : memref<80x128xf32, #tpu.memory_space<vmem>>, vector<1x16xf32>,
        %get3A_366 = vector.shape_cast %get3A_365 : vector<1x16xf32> to vector<16xf32>
        %mul3A_367 = arith.mulf %get3A_362, %get3A_366 : vector<16xf32>
        %swap3A_368 = arith.index_cast %add3A_318 : i32 to index
        %swap3A_369 = arith.constant 48 : index
        %swap3A_370 = tpu.vector_load %arg16[%swap3A_368, %swap3A_369] {strides = array<i32>} : memref<80x128xf32, #tpu.memory_space<vmem>>, vector<1x16xf32>,
        %swap3A_371 = vector.shape_cast %swap3A_370 : vector<1x16xf32> to vector<16xf32>
        %swap3A_372 = vector.shape_cast %mul3A_367 : vector<16xf32> to vector<1x16xf32>
        tpu.vector_store %arg16[%swap3A_368, %swap3A_369], %swap3A_372 {strides = array<i32>} : memref<80x128xf32, #tpu.memory_space<vmem>>, vector<1x16xf32>,
        %get3A_373 = arith.index_cast %add3A_318 : i32 to index
        %get3A_374 = arith.constant 64 : index
        %get3A_375 = tpu.vector_load %arg16[%get3A_373, %get3A_374] {strides = array<i32>} : memref<80x128xf32, #tpu.memory_space<vmem>>, vector<1x16xf32>,
        %get3A_376 = vector.shape_cast %get3A_375 : vector<1x16xf32> to vector<16xf32>
        %get3A_377 = arith.index_cast %add3A_318 : i32 to index
        %get3A_378 = arith.constant 64 : index
        %get3A_379 = tpu.vector_load %arg18[%get3A_377, %get3A_378] {strides = array<i32>} : memref<80x128xf32, #tpu.memory_space<vmem>>, vector<1x16xf32>,
        %get3A_380 = vector.shape_cast %get3A_379 : vector<1x16xf32> to vector<16xf32>
        %mul3A_381 = arith.mulf %get3A_376, %get3A_380 : vector<16xf32>
        %swap3A_382 = arith.index_cast %add3A_318 : i32 to index
        %swap3A_383 = arith.constant 64 : index
        %swap3A_384 = tpu.vector_load %arg16[%swap3A_382, %swap3A_383] {strides = array<i32>} : memref<80x128xf32, #tpu.memory_space<vmem>>, vector<1x16xf32>,
        %swap3A_385 = vector.shape_cast %swap3A_384 : vector<1x16xf32> to vector<16xf32>
        %swap3A_386 = vector.shape_cast %mul3A_381 : vector<16xf32> to vector<1x16xf32>
        tpu.vector_store %arg16[%swap3A_382, %swap3A_383], %swap3A_386 {strides = array<i32>} : memref<80x128xf32, #tpu.memory_space<vmem>>, vector<1x16xf32>,
        %get3A_387 = arith.index_cast %add3A_318 : i32 to index
        %get3A_388 = arith.constant 80 : index
        %get3A_389 = tpu.vector_load %arg16[%get3A_387, %get3A_388] {strides = array<i32>} : memref<80x128xf32, #tpu.memory_space<vmem>>, vector<1x16xf32>,
        %get3A_390 = vector.shape_cast %get3A_389 : vector<1x16xf32> to vector<16xf32>
        %get3A_391 = arith.index_cast %add3A_318 : i32 to index
        %get3A_392 = arith.constant 80 : index
        %get3A_393 = tpu.vector_load %arg18[%get3A_391, %get3A_392] {strides = array<i32>} : memref<80x128xf32, #tpu.memory_space<vmem>>, vector<1x16xf32>,
        %get3A_394 = vector.shape_cast %get3A_393 : vector<1x16xf32> to vector<16xf32>
        %mul3A_395 = arith.mulf %get3A_390, %get3A_394 : vector<16xf32>
        %swap3A_396 = arith.index_cast %add3A_318 : i32 to index
        %swap3A_397 = arith.constant 80 : index
        %swap3A_398 = tpu.vector_load %arg16[%swap3A_396, %swap3A_397] {strides = array<i32>} : memref<80x128xf32, #tpu.memory_space<vmem>>, vector<1x16xf32>,
        %swap3A_399 = vector.shape_cast %swap3A_398 : vector<1x16xf32> to vector<16xf32>
        %swap3A_400 = vector.shape_cast %mul3A_395 : vector<16xf32> to vector<1x16xf32>
        tpu.vector_store %arg16[%swap3A_396, %swap3A_397], %swap3A_400 {strides = array<i32>} : memref<80x128xf32, #tpu.memory_space<vmem>>, vector<1x16xf32>,
        %get3A_401 = arith.index_cast %add3A_318 : i32 to index
        %get3A_402 = arith.constant 96 : index
        %get3A_403 = tpu.vector_load %arg16[%get3A_401, %get3A_402] {strides = array<i32>} : memref<80x128xf32, #tpu.memory_space<vmem>>, vector<1x16xf32>,
        %get3A_404 = vector.shape_cast %get3A_403 : vector<1x16xf32> to vector<16xf32>
        %get3A_405 = arith.index_cast %add3A_318 : i32 to index
        %get3A_406 = arith.constant 96 : index
        %get3A_407 = tpu.vector_load %arg18[%get3A_405, %get3A_406] {strides = array<i32>} : memref<80x128xf32, #tpu.memory_space<vmem>>, vector<1x16xf32>,
        %get3A_408 = vector.shape_cast %get3A_407 : vector<1x16xf32> to vector<16xf32>
        %mul3A_409 = arith.mulf %get3A_404, %get3A_408 : vector<16xf32>
        %swap3A_410 = arith.index_cast %add3A_318 : i32 to index
        %swap3A_411 = arith.constant 96 : index
        %swap3A_412 = tpu.vector_load %arg16[%swap3A_410, %swap3A_411] {strides = array<i32>} : memref<80x128xf32, #tpu.memory_space<vmem>>, vector<1x16xf32>,
        %swap3A_413 = vector.shape_cast %swap3A_412 : vector<1x16xf32> to vector<16xf32>
        %swap3A_414 = vector.shape_cast %mul3A_409 : vector<16xf32> to vector<1x16xf32>
        tpu.vector_store %arg16[%swap3A_410, %swap3A_411], %swap3A_414 {strides = array<i32>} : memref<80x128xf32, #tpu.memory_space<vmem>>, vector<1x16xf32>,
        %get3A_415 = arith.index_cast %add3A_318 : i32 to index
        %get3A_416 = arith.constant 112 : index
        %get3A_417 = tpu.vector_load %arg16[%get3A_415, %get3A_416] {strides = array<i32>} : memref<80x128xf32, #tpu.memory_space<vmem>>, vector<1x16xf32>,
        %get3A_418 = vector.shape_cast %get3A_417 : vector<1x16xf32> to vector<16xf32>
        %get3A_419 = arith.index_cast %add3A_318 : i32 to index
        %get3A_420 = arith.constant 112 : index
        %get3A_421 = tpu.vector_load %arg18[%get3A_419, %get3A_420] {strides = array<i32>} : memref<80x128xf32, #tpu.memory_space<vmem>>, vector<1x16xf32>,
        %get3A_422 = vector.shape_cast %get3A_421 : vector<1x16xf32> to vector<16xf32>
        %mul3A_423 = arith.mulf %get3A_418, %get3A_422 : vector<16xf32>
        %swap3A_424 = arith.index_cast %add3A_318 : i32 to index
        %swap3A_425 = arith.constant 112 : index
        %swap3A_426 = tpu.vector_load %arg16[%swap3A_424, %swap3A_425] {strides = array<i32>} : memref<80x128xf32, #tpu.memory_space<vmem>>, vector<1x16xf32>,
        %swap3A_427 = vector.shape_cast %swap3A_426 : vector<1x16xf32> to vector<16xf32>
        %swap3A_428 = vector.shape_cast %mul3A_423 : vector<16xf32> to vector<1x16xf32>
        tpu.vector_store %arg16[%swap3A_424, %swap3A_425], %swap3A_428 {strides = array<i32>} : memref<80x128xf32, #tpu.memory_space<vmem>>, vector<1x16xf32>,
        %mul3A_429 = arith.constant 4 : i32
        %mul3A_430 = arith.muli %mul3A_429, %scan3A_314 : i32
        %add3A_431 = arith.constant 1 : i32
        %add3A_432 = arith.addi %mul3A_430, %add3A_431 : i32
        %get3A_433 = arith.index_cast %add3A_432 : i32 to index
        %get3A_434 = arith.constant 0 : index
        %get3A_435 = tpu.vector_load %arg16[%get3A_433, %get3A_434] {strides = array<i32>} : memref<80x128xf32, #tpu.memory_space<vmem>>, vector<1x16xf32>,
        %get3A_436 = vector.shape_cast %get3A_435 : vector<1x16xf32> to vector<16xf32>
        %get3A_437 = arith.index_cast %add3A_432 : i32 to index
        %get3A_438 = arith.constant 0 : index
        %get3A_439 = tpu.vector_load %arg18[%get3A_437, %get3A_438] {strides = array<i32>} : memref<80x128xf32, #tpu.memory_space<vmem>>, vector<1x16xf32>,
        %get3A_440 = vector.shape_cast %get3A_439 : vector<1x16xf32> to vector<16xf32>
        %mul3A_441 = arith.mulf %get3A_436, %get3A_440 : vector<16xf32>
        %swap3A_442 = arith.index_cast %add3A_432 : i32 to index
        %swap3A_443 = arith.constant 0 : index
        %swap3A_444 = tpu.vector_load %arg16[%swap3A_442, %swap3A_443] {strides = array<i32>} : memref<80x128xf32, #tpu.memory_space<vmem>>, vector<1x16xf32>,
        %swap3A_445 = vector.shape_cast %swap3A_444 : vector<1x16xf32> to vector<16xf32>
        %swap3A_446 = vector.shape_cast %mul3A_441 : vector<16xf32> to vector<1x16xf32>
        tpu.vector_store %arg16[%swap3A_442, %swap3A_443], %swap3A_446 {strides = array<i32>} : memref<80x128xf32, #tpu.memory_space<vmem>>, vector<1x16xf32>,
        %get3A_447 = arith.index_cast %add3A_432 : i32 to index
        %get3A_448 = arith.constant 16 : index
        %get3A_449 = tpu.vector_load %arg16[%get3A_447, %get3A_448] {strides = array<i32>} : memref<80x128xf32, #tpu.memory_space<vmem>>, vector<1x16xf32>,
        %get3A_450 = vector.shape_cast %get3A_449 : vector<1x16xf32> to vector<16xf32>
        %get3A_451 = arith.index_cast %add3A_432 : i32 to index
        %get3A_452 = arith.constant 16 : index
        %get3A_453 = tpu.vector_load %arg18[%get3A_451, %get3A_452] {strides = array<i32>} : memref<80x128xf32, #tpu.memory_space<vmem>>, vector<1x16xf32>,
        %get3A_454 = vector.shape_cast %get3A_453 : vector<1x16xf32> to vector<16xf32>
        %mul3A_455 = arith.mulf %get3A_450, %get3A_454 : vector<16xf32>
        %swap3A_456 = arith.index_cast %add3A_432 : i32 to index
        %swap3A_457 = arith.constant 16 : index
        %swap3A_458 = tpu.vector_load %arg16[%swap3A_456, %swap3A_457] {strides = array<i32>} : memref<80x128xf32, #tpu.memory_space<vmem>>, vector<1x16xf32>,
        %swap3A_459 = vector.shape_cast %swap3A_458 : vector<1x16xf32> to vector<16xf32>
        %swap3A_460 = vector.shape_cast %mul3A_455 : vector<16xf32> to vector<1x16xf32>
        tpu.vector_store %arg16[%swap3A_456, %swap3A_457], %swap3A_460 {strides = array<i32>} : memref<80x128xf32, #tpu.memory_space<vmem>>, vector<1x16xf32>,
        %get3A_461 = arith.index_cast %add3A_432 : i32 to index
        %get3A_462 = arith.constant 32 : index
        %get3A_463 = tpu.vector_load %arg16[%get3A_461, %get3A_462] {strides = array<i32>} : memref<80x128xf32, #tpu.memory_space<vmem>>, vector<1x16xf32>,
        %get3A_464 = vector.shape_cast %get3A_463 : vector<1x16xf32> to vector<16xf32>
        %get3A_465 = arith.index_cast %add3A_432 : i32 to index
        %get3A_466 = arith.constant 32 : index
        %get3A_467 = tpu.vector_load %arg18[%get3A_465, %get3A_466] {strides = array<i32>} : memref<80x128xf32, #tpu.memory_space<vmem>>, vector<1x16xf32>,
        %get3A_468 = vector.shape_cast %get3A_467 : vector<1x16xf32> to vector<16xf32>
        %mul3A_469 = arith.mulf %get3A_464, %get3A_468 : vector<16xf32>
        %swap3A_470 = arith.index_cast %add3A_432 : i32 to index
        %swap3A_471 = arith.constant 32 : index
        %swap3A_472 = tpu.vector_load %arg16[%swap3A_470, %swap3A_471] {strides = array<i32>} : memref<80x128xf32, #tpu.memory_space<vmem>>, vector<1x16xf32>,
        %swap3A_473 = vector.shape_cast %swap3A_472 : vector<1x16xf32> to vector<16xf32>
        %swap3A_474 = vector.shape_cast %mul3A_469 : vector<16xf32> to vector<1x16xf32>
        tpu.vector_store %arg16[%swap3A_470, %swap3A_471], %swap3A_474 {strides = array<i32>} : memref<80x128xf32, #tpu.memory_space<vmem>>, vector<1x16xf32>,
        %get3A_475 = arith.index_cast %add3A_432 : i32 to index
        %get3A_476 = arith.constant 48 : index
        %get3A_477 = tpu.vector_load %arg16[%get3A_475, %get3A_476] {strides = array<i32>} : memref<80x128xf32, #tpu.memory_space<vmem>>, vector<1x16xf32>,
        %get3A_478 = vector.shape_cast %get3A_477 : vector<1x16xf32> to vector<16xf32>
        %get3A_479 = arith.index_cast %add3A_432 : i32 to index
        %get3A_480 = arith.constant 48 : index
        %get3A_481 = tpu.vector_load %arg18[%get3A_479, %get3A_480] {strides = array<i32>} : memref<80x128xf32, #tpu.memory_space<vmem>>, vector<1x16xf32>,
        %get3A_482 = vector.shape_cast %get3A_481 : vector<1x16xf32> to vector<16xf32>
        %mul3A_483 = arith.mulf %get3A_478, %get3A_482 : vector<16xf32>
        %swap3A_484 = arith.index_cast %add3A_432 : i32 to index
        %swap3A_485 = arith.constant 48 : index
        %swap3A_486 = tpu.vector_load %arg16[%swap3A_484, %swap3A_485] {strides = array<i32>} : memref<80x128xf32, #tpu.memory_space<vmem>>, vector<1x16xf32>,
        %swap3A_487 = vector.shape_cast %swap3A_486 : vector<1x16xf32> to vector<16xf32>
        %swap3A_488 = vector.shape_cast %mul3A_483 : vector<16xf32> to vector<1x16xf32>
        tpu.vector_store %arg16[%swap3A_484, %swap3A_485], %swap3A_488 {strides = array<i32>} : memref<80x128xf32, #tpu.memory_space<vmem>>, vector<1x16xf32>,
        %get3A_489 = arith.index_cast %add3A_432 : i32 to index
        %get3A_490 = arith.constant 64 : index
        %get3A_491 = tpu.vector_load %arg16[%get3A_489, %get3A_490] {strides = array<i32>} : memref<80x128xf32, #tpu.memory_space<vmem>>, vector<1x16xf32>,
        %get3A_492 = vector.shape_cast %get3A_491 : vector<1x16xf32> to vector<16xf32>
        %get3A_493 = arith.index_cast %add3A_432 : i32 to index
        %get3A_494 = arith.constant 64 : index
        %get3A_495 = tpu.vector_load %arg18[%get3A_493, %get3A_494] {strides = array<i32>} : memref<80x128xf32, #tpu.memory_space<vmem>>, vector<1x16xf32>,
        %get3A_496 = vector.shape_cast %get3A_495 : vector<1x16xf32> to vector<16xf32>
        %mul3A_497 = arith.mulf %get3A_492, %get3A_496 : vector<16xf32>
        %swap3A_498 = arith.index_cast %add3A_432 : i32 to index
        %swap3A_499 = arith.constant 64 : index
        %swap3A_500 = tpu.vector_load %arg16[%swap3A_498, %swap3A_499] {strides = array<i32>} : memref<80x128xf32, #tpu.memory_space<vmem>>, vector<1x16xf32>,
        %swap3A_501 = vector.shape_cast %swap3A_500 : vector<1x16xf32> to vector<16xf32>
        %swap3A_502 = vector.shape_cast %mul3A_497 : vector<16xf32> to vector<1x16xf32>
        tpu.vector_store %arg16[%swap3A_498, %swap3A_499], %swap3A_502 {strides = array<i32>} : memref<80x128xf32, #tpu.memory_space<vmem>>, vector<1x16xf32>,
        %get3A_503 = arith.index_cast %add3A_432 : i32 to index
        %get3A_504 = arith.constant 80 : index
        %get3A_505 = tpu.vector_load %arg16[%get3A_503, %get3A_504] {strides = array<i32>} : memref<80x128xf32, #tpu.memory_space<vmem>>, vector<1x16xf32>,
        %get3A_506 = vector.shape_cast %get3A_505 : vector<1x16xf32> to vector<16xf32>
        %get3A_507 = arith.index_cast %add3A_432 : i32 to index
        %get3A_508 = arith.constant 80 : index
        %get3A_509 = tpu.vector_load %arg18[%get3A_507, %get3A_508] {strides = array<i32>} : memref<80x128xf32, #tpu.memory_space<vmem>>, vector<1x16xf32>,
        %get3A_510 = vector.shape_cast %get3A_509 : vector<1x16xf32> to vector<16xf32>
        %mul3A_511 = arith.mulf %get3A_506, %get3A_510 : vector<16xf32>
        %swap3A_512 = arith.index_cast %add3A_432 : i32 to index
        %swap3A_513 = arith.constant 80 : index
        %swap3A_514 = tpu.vector_load %arg16[%swap3A_512, %swap3A_513] {strides = array<i32>} : memref<80x128xf32, #tpu.memory_space<vmem>>, vector<1x16xf32>,
        %swap3A_515 = vector.shape_cast %swap3A_514 : vector<1x16xf32> to vector<16xf32>
        %swap3A_516 = vector.shape_cast %mul3A_511 : vector<16xf32> to vector<1x16xf32>
        tpu.vector_store %arg16[%swap3A_512, %swap3A_513], %swap3A_516 {strides = array<i32>} : memref<80x128xf32, #tpu.memory_space<vmem>>, vector<1x16xf32>,
        %get3A_517 = arith.index_cast %add3A_432 : i32 to index
        %get3A_518 = arith.constant 96 : index
        %get3A_519 = tpu.vector_load %arg16[%get3A_517, %get3A_518] {strides = array<i32>} : memref<80x128xf32, #tpu.memory_space<vmem>>, vector<1x16xf32>,
        %get3A_520 = vector.shape_cast %get3A_519 : vector<1x16xf32> to vector<16xf32>
        %get3A_521 = arith.index_cast %add3A_432 : i32 to index
        %get3A_522 = arith.constant 96 : index
        %get3A_523 = tpu.vector_load %arg18[%get3A_521, %get3A_522] {strides = array<i32>} : memref<80x128xf32, #tpu.memory_space<vmem>>, vector<1x16xf32>,
        %get3A_524 = vector.shape_cast %get3A_523 : vector<1x16xf32> to vector<16xf32>
        %mul3A_525 = arith.mulf %get3A_520, %get3A_524 : vector<16xf32>
        %swap3A_526 = arith.index_cast %add3A_432 : i32 to index
        %swap3A_527 = arith.constant 96 : index
        %swap3A_528 = tpu.vector_load %arg16[%swap3A_526, %swap3A_527] {strides = array<i32>} : memref<80x128xf32, #tpu.memory_space<vmem>>, vector<1x16xf32>,
        %swap3A_529 = vector.shape_cast %swap3A_528 : vector<1x16xf32> to vector<16xf32>
        %swap3A_530 = vector.shape_cast %mul3A_525 : vector<16xf32> to vector<1x16xf32>
        tpu.vector_store %arg16[%swap3A_526, %swap3A_527], %swap3A_530 {strides = array<i32>} : memref<80x128xf32, #tpu.memory_space<vmem>>, vector<1x16xf32>,
        %get3A_531 = arith.index_cast %add3A_432 : i32 to index
        %get3A_532 = arith.constant 112 : index
        %get3A_533 = tpu.vector_load %arg16[%get3A_531, %get3A_532] {strides = array<i32>} : memref<80x128xf32, #tpu.memory_space<vmem>>, vector<1x16xf32>,
        %get3A_534 = vector.shape_cast %get3A_533 : vector<1x16xf32> to vector<16xf32>
        %get3A_535 = arith.index_cast %add3A_432 : i32 to index
        %get3A_536 = arith.constant 112 : index
        %get3A_537 = tpu.vector_load %arg18[%get3A_535, %get3A_536] {strides = array<i32>} : memref<80x128xf32, #tpu.memory_space<vmem>>, vector<1x16xf32>,
        %get3A_538 = vector.shape_cast %get3A_537 : vector<1x16xf32> to vector<16xf32>
        %mul3A_539 = arith.mulf %get3A_534, %get3A_538 : vector<16xf32>
        %swap3A_540 = arith.index_cast %add3A_432 : i32 to index
        %swap3A_541 = arith.constant 112 : index
        %swap3A_542 = tpu.vector_load %arg16[%swap3A_540, %swap3A_541] {strides = array<i32>} : memref<80x128xf32, #tpu.memory_space<vmem>>, vector<1x16xf32>,
        %swap3A_543 = vector.shape_cast %swap3A_542 : vector<1x16xf32> to vector<16xf32>
        %swap3A_544 = vector.shape_cast %mul3A_539 : vector<16xf32> to vector<1x16xf32>
        tpu.vector_store %arg16[%swap3A_540, %swap3A_541], %swap3A_544 {strides = array<i32>} : memref<80x128xf32, #tpu.memory_space<vmem>>, vector<1x16xf32>,
        %mul3A_545 = arith.constant 4 : i32
        %mul3A_546 = arith.muli %mul3A_545, %scan3A_314 : i32
        %add3A_547 = arith.constant 2 : i32
        %add3A_548 = arith.addi %mul3A_546, %add3A_547 : i32
        %get3A_549 = arith.index_cast %add3A_548 : i32 to index
        %get3A_550 = arith.constant 0 : index
        %get3A_551 = tpu.vector_load %arg16[%get3A_549, %get3A_550] {strides = array<i32>} : memref<80x128xf32, #tpu.memory_space<vmem>>, vector<1x16xf32>,
        %get3A_552 = vector.shape_cast %get3A_551 : vector<1x16xf32> to vector<16xf32>
        %get3A_553 = arith.index_cast %add3A_548 : i32 to index
        %get3A_554 = arith.constant 0 : index
        %get3A_555 = tpu.vector_load %arg18[%get3A_553, %get3A_554] {strides = array<i32>} : memref<80x128xf32, #tpu.memory_space<vmem>>, vector<1x16xf32>,
        %get3A_556 = vector.shape_cast %get3A_555 : vector<1x16xf32> to vector<16xf32>
        %mul3A_557 = arith.mulf %get3A_552, %get3A_556 : vector<16xf32>
        %swap3A_558 = arith.index_cast %add3A_548 : i32 to index
        %swap3A_559 = arith.constant 0 : index
        %swap3A_560 = tpu.vector_load %arg16[%swap3A_558, %swap3A_559] {strides = array<i32>} : memref<80x128xf32, #tpu.memory_space<vmem>>, vector<1x16xf32>,
        %swap3A_561 = vector.shape_cast %swap3A_560 : vector<1x16xf32> to vector<16xf32>
        %swap3A_562 = vector.shape_cast %mul3A_557 : vector<16xf32> to vector<1x16xf32>
        tpu.vector_store %arg16[%swap3A_558, %swap3A_559], %swap3A_562 {strides = array<i32>} : memref<80x128xf32, #tpu.memory_space<vmem>>, vector<1x16xf32>,
        %get3A_563 = arith.index_cast %add3A_548 : i32 to index
        %get3A_564 = arith.constant 16 : index
        %get3A_565 = tpu.vector_load %arg16[%get3A_563, %get3A_564] {strides = array<i32>} : memref<80x128xf32, #tpu.memory_space<vmem>>, vector<1x16xf32>,
        %get3A_566 = vector.shape_cast %get3A_565 : vector<1x16xf32> to vector<16xf32>
        %get3A_567 = arith.index_cast %add3A_548 : i32 to index
        %get3A_568 = arith.constant 16 : index
        %get3A_569 = tpu.vector_load %arg18[%get3A_567, %get3A_568] {strides = array<i32>} : memref<80x128xf32, #tpu.memory_space<vmem>>, vector<1x16xf32>,
        %get3A_570 = vector.shape_cast %get3A_569 : vector<1x16xf32> to vector<16xf32>
        %mul3A_571 = arith.mulf %get3A_566, %get3A_570 : vector<16xf32>
        %swap3A_572 = arith.index_cast %add3A_548 : i32 to index
        %swap3A_573 = arith.constant 16 : index
        %swap3A_574 = tpu.vector_load %arg16[%swap3A_572, %swap3A_573] {strides = array<i32>} : memref<80x128xf32, #tpu.memory_space<vmem>>, vector<1x16xf32>,
        %swap3A_575 = vector.shape_cast %swap3A_574 : vector<1x16xf32> to vector<16xf32>
        %swap3A_576 = vector.shape_cast %mul3A_571 : vector<16xf32> to vector<1x16xf32>
        tpu.vector_store %arg16[%swap3A_572, %swap3A_573], %swap3A_576 {strides = array<i32>} : memref<80x128xf32, #tpu.memory_space<vmem>>, vector<1x16xf32>,
        %get3A_577 = arith.index_cast %add3A_548 : i32 to index
        %get3A_578 = arith.constant 32 : index
        %get3A_579 = tpu.vector_load %arg16[%get3A_577, %get3A_578] {strides = array<i32>} : memref<80x128xf32, #tpu.memory_space<vmem>>, vector<1x16xf32>,
        %get3A_580 = vector.shape_cast %get3A_579 : vector<1x16xf32> to vector<16xf32>
        %get3A_581 = arith.index_cast %add3A_548 : i32 to index
        %get3A_582 = arith.constant 32 : index
        %get3A_583 = tpu.vector_load %arg18[%get3A_581, %get3A_582] {strides = array<i32>} : memref<80x128xf32, #tpu.memory_space<vmem>>, vector<1x16xf32>,
        %get3A_584 = vector.shape_cast %get3A_583 : vector<1x16xf32> to vector<16xf32>
        %mul3A_585 = arith.mulf %get3A_580, %get3A_584 : vector<16xf32>
        %swap3A_586 = arith.index_cast %add3A_548 : i32 to index
        %swap3A_587 = arith.constant 32 : index
        %swap3A_588 = tpu.vector_load %arg16[%swap3A_586, %swap3A_587] {strides = array<i32>} : memref<80x128xf32, #tpu.memory_space<vmem>>, vector<1x16xf32>,
        %swap3A_589 = vector.shape_cast %swap3A_588 : vector<1x16xf32> to vector<16xf32>
        %swap3A_590 = vector.shape_cast %mul3A_585 : vector<16xf32> to vector<1x16xf32>
        tpu.vector_store %arg16[%swap3A_586, %swap3A_587], %swap3A_590 {strides = array<i32>} : memref<80x128xf32, #tpu.memory_space<vmem>>, vector<1x16xf32>,
        %get3A_591 = arith.index_cast %add3A_548 : i32 to index
        %get3A_592 = arith.constant 48 : index
        %get3A_593 = tpu.vector_load %arg16[%get3A_591, %get3A_592] {strides = array<i32>} : memref<80x128xf32, #tpu.memory_space<vmem>>, vector<1x16xf32>,
        %get3A_594 = vector.shape_cast %get3A_593 : vector<1x16xf32> to vector<16xf32>
        %get3A_595 = arith.index_cast %add3A_548 : i32 to index
        %get3A_596 = arith.constant 48 : index
        %get3A_597 = tpu.vector_load %arg18[%get3A_595, %get3A_596] {strides = array<i32>} : memref<80x128xf32, #tpu.memory_space<vmem>>, vector<1x16xf32>,
        %get3A_598 = vector.shape_cast %get3A_597 : vector<1x16xf32> to vector<16xf32>
        %mul3A_599 = arith.mulf %get3A_594, %get3A_598 : vector<16xf32>
        %swap3A_600 = arith.index_cast %add3A_548 : i32 to index
        %swap3A_601 = arith.constant 48 : index
        %swap3A_602 = tpu.vector_load %arg16[%swap3A_600, %swap3A_601] {strides = array<i32>} : memref<80x128xf32, #tpu.memory_space<vmem>>, vector<1x16xf32>,
        %swap3A_603 = vector.shape_cast %swap3A_602 : vector<1x16xf32> to vector<16xf32>
        %swap3A_604 = vector.shape_cast %mul3A_599 : vector<16xf32> to vector<1x16xf32>
        tpu.vector_store %arg16[%swap3A_600, %swap3A_601], %swap3A_604 {strides = array<i32>} : memref<80x128xf32, #tpu.memory_space<vmem>>, vector<1x16xf32>,
        %get3A_605 = arith.index_cast %add3A_548 : i32 to index
        %get3A_606 = arith.constant 64 : index
        %get3A_607 = tpu.vector_load %arg16[%get3A_605, %get3A_606] {strides = array<i32>} : memref<80x128xf32, #tpu.memory_space<vmem>>, vector<1x16xf32>,
        %get3A_608 = vector.shape_cast %get3A_607 : vector<1x16xf32> to vector<16xf32>
        %get3A_609 = arith.index_cast %add3A_548 : i32 to index
        %get3A_610 = arith.constant 64 : index
        %get3A_611 = tpu.vector_load %arg18[%get3A_609, %get3A_610] {strides = array<i32>} : memref<80x128xf32, #tpu.memory_space<vmem>>, vector<1x16xf32>,
        %get3A_612 = vector.shape_cast %get3A_611 : vector<1x16xf32> to vector<16xf32>
        %mul3A_613 = arith.mulf %get3A_608, %get3A_612 : vector<16xf32>
        %swap3A_614 = arith.index_cast %add3A_548 : i32 to index
        %swap3A_615 = arith.constant 64 : index
        %swap3A_616 = tpu.vector_load %arg16[%swap3A_614, %swap3A_615] {strides = array<i32>} : memref<80x128xf32, #tpu.memory_space<vmem>>, vector<1x16xf32>,
        %swap3A_617 = vector.shape_cast %swap3A_616 : vector<1x16xf32> to vector<16xf32>
        %swap3A_618 = vector.shape_cast %mul3A_613 : vector<16xf32> to vector<1x16xf32>
        tpu.vector_store %arg16[%swap3A_614, %swap3A_615], %swap3A_618 {strides = array<i32>} : memref<80x128xf32, #tpu.memory_space<vmem>>, vector<1x16xf32>,
        %get3A_619 = arith.index_cast %add3A_548 : i32 to index
        %get3A_620 = arith.constant 80 : index
        %get3A_621 = tpu.vector_load %arg16[%get3A_619, %get3A_620] {strides = array<i32>} : memref<80x128xf32, #tpu.memory_space<vmem>>, vector<1x16xf32>,
        %get3A_622 = vector.shape_cast %get3A_621 : vector<1x16xf32> to vector<16xf32>
        %get3A_623 = arith.index_cast %add3A_548 : i32 to index
        %get3A_624 = arith.constant 80 : index
        %get3A_625 = tpu.vector_load %arg18[%get3A_623, %get3A_624] {strides = array<i32>} : memref<80x128xf32, #tpu.memory_space<vmem>>, vector<1x16xf32>,
        %get3A_626 = vector.shape_cast %get3A_625 : vector<1x16xf32> to vector<16xf32>
        %mul3A_627 = arith.mulf %get3A_622, %get3A_626 : vector<16xf32>
        %swap3A_628 = arith.index_cast %add3A_548 : i32 to index
        %swap3A_629 = arith.constant 80 : index
        %swap3A_630 = tpu.vector_load %arg16[%swap3A_628, %swap3A_629] {strides = array<i32>} : memref<80x128xf32, #tpu.memory_space<vmem>>, vector<1x16xf32>,
        %swap3A_631 = vector.shape_cast %swap3A_630 : vector<1x16xf32> to vector<16xf32>
        %swap3A_632 = vector.shape_cast %mul3A_627 : vector<16xf32> to vector<1x16xf32>
        tpu.vector_store %arg16[%swap3A_628, %swap3A_629], %swap3A_632 {strides = array<i32>} : memref<80x128xf32, #tpu.memory_space<vmem>>, vector<1x16xf32>,
        %get3A_633 = arith.index_cast %add3A_548 : i32 to index
        %get3A_634 = arith.constant 96 : index
        %get3A_635 = tpu.vector_load %arg16[%get3A_633, %get3A_634] {strides = array<i32>} : memref<80x128xf32, #tpu.memory_space<vmem>>, vector<1x16xf32>,
        %get3A_636 = vector.shape_cast %get3A_635 : vector<1x16xf32> to vector<16xf32>
        %get3A_637 = arith.index_cast %add3A_548 : i32 to index
        %get3A_638 = arith.constant 96 : index
        %get3A_639 = tpu.vector_load %arg18[%get3A_637, %get3A_638] {strides = array<i32>} : memref<80x128xf32, #tpu.memory_space<vmem>>, vector<1x16xf32>,
        %get3A_640 = vector.shape_cast %get3A_639 : vector<1x16xf32> to vector<16xf32>
        %mul3A_641 = arith.mulf %get3A_636, %get3A_640 : vector<16xf32>
        %swap3A_642 = arith.index_cast %add3A_548 : i32 to index
        %swap3A_643 = arith.constant 96 : index
        %swap3A_644 = tpu.vector_load %arg16[%swap3A_642, %swap3A_643] {strides = array<i32>} : memref<80x128xf32, #tpu.memory_space<vmem>>, vector<1x16xf32>,
        %swap3A_645 = vector.shape_cast %swap3A_644 : vector<1x16xf32> to vector<16xf32>
        %swap3A_646 = vector.shape_cast %mul3A_641 : vector<16xf32> to vector<1x16xf32>
        tpu.vector_store %arg16[%swap3A_642, %swap3A_643], %swap3A_646 {strides = array<i32>} : memref<80x128xf32, #tpu.memory_space<vmem>>, vector<1x16xf32>,
        %get3A_647 = arith.index_cast %add3A_548 : i32 to index
        %get3A_648 = arith.constant 112 : index
        %get3A_649 = tpu.vector_load %arg16[%get3A_647, %get3A_648] {strides = array<i32>} : memref<80x128xf32, #tpu.memory_space<vmem>>, vector<1x16xf32>,
        %get3A_650 = vector.shape_cast %get3A_649 : vector<1x16xf32> to vector<16xf32>
        %get3A_651 = arith.index_cast %add3A_548 : i32 to index
        %get3A_652 = arith.constant 112 : index
        %get3A_653 = tpu.vector_load %arg18[%get3A_651, %get3A_652] {strides = array<i32>} : memref<80x128xf32, #tpu.memory_space<vmem>>, vector<1x16xf32>,
        %get3A_654 = vector.shape_cast %get3A_653 : vector<1x16xf32> to vector<16xf32>
        %mul3A_655 = arith.mulf %get3A_650, %get3A_654 : vector<16xf32>
        %swap3A_656 = arith.index_cast %add3A_548 : i32 to index
        %swap3A_657 = arith.constant 112 : index
        %swap3A_658 = tpu.vector_load %arg16[%swap3A_656, %swap3A_657] {strides = array<i32>} : memref<80x128xf32, #tpu.memory_space<vmem>>, vector<1x16xf32>,
        %swap3A_659 = vector.shape_cast %swap3A_658 : vector<1x16xf32> to vector<16xf32>
        %swap3A_660 = vector.shape_cast %mul3A_655 : vector<16xf32> to vector<1x16xf32>
        tpu.vector_store %arg16[%swap3A_656, %swap3A_657], %swap3A_660 {strides = array<i32>} : memref<80x128xf32, #tpu.memory_space<vmem>>, vector<1x16xf32>,
        %mul3A_661 = arith.constant 4 : i32
        %mul3A_662 = arith.muli %mul3A_661, %scan3A_314 : i32
        %add3A_663 = arith.constant 3 : i32
        %add3A_664 = arith.addi %mul3A_662, %add3A_663 : i32
        %get3A_665 = arith.index_cast %add3A_664 : i32 to index
        %get3A_666 = arith.constant 0 : index
        %get3A_667 = tpu.vector_load %arg16[%get3A_665, %get3A_666] {strides = array<i32>} : memref<80x128xf32, #tpu.memory_space<vmem>>, vector<1x16xf32>,
        %get3A_668 = vector.shape_cast %get3A_667 : vector<1x16xf32> to vector<16xf32>
        %get3A_669 = arith.index_cast %add3A_664 : i32 to index
        %get3A_670 = arith.constant 0 : index
        %get3A_671 = tpu.vector_load %arg18[%get3A_669, %get3A_670] {strides = array<i32>} : memref<80x128xf32, #tpu.memory_space<vmem>>, vector<1x16xf32>,
        %get3A_672 = vector.shape_cast %get3A_671 : vector<1x16xf32> to vector<16xf32>
        %mul3A_673 = arith.mulf %get3A_668, %get3A_672 : vector<16xf32>
        %swap3A_674 = arith.index_cast %add3A_664 : i32 to index
        %swap3A_675 = arith.constant 0 : index
        %swap3A_676 = tpu.vector_load %arg16[%swap3A_674, %swap3A_675] {strides = array<i32>} : memref<80x128xf32, #tpu.memory_space<vmem>>, vector<1x16xf32>,
        %swap3A_677 = vector.shape_cast %swap3A_676 : vector<1x16xf32> to vector<16xf32>
        %swap3A_678 = vector.shape_cast %mul3A_673 : vector<16xf32> to vector<1x16xf32>
        tpu.vector_store %arg16[%swap3A_674, %swap3A_675], %swap3A_678 {strides = array<i32>} : memref<80x128xf32, #tpu.memory_space<vmem>>, vector<1x16xf32>,
        %get3A_679 = arith.index_cast %add3A_664 : i32 to index
        %get3A_680 = arith.constant 16 : index
        %get3A_681 = tpu.vector_load %arg16[%get3A_679, %get3A_680] {strides = array<i32>} : memref<80x128xf32, #tpu.memory_space<vmem>>, vector<1x16xf32>,
        %get3A_682 = vector.shape_cast %get3A_681 : vector<1x16xf32> to vector<16xf32>
        %get3A_683 = arith.index_cast %add3A_664 : i32 to index
        %get3A_684 = arith.constant 16 : index
        %get3A_685 = tpu.vector_load %arg18[%get3A_683, %get3A_684] {strides = array<i32>} : memref<80x128xf32, #tpu.memory_space<vmem>>, vector<1x16xf32>,
        %get3A_686 = vector.shape_cast %get3A_685 : vector<1x16xf32> to vector<16xf32>
        %mul3A_687 = arith.mulf %get3A_682, %get3A_686 : vector<16xf32>
        %swap3A_688 = arith.index_cast %add3A_664 : i32 to index
        %swap3A_689 = arith.constant 16 : index
        %swap3A_690 = tpu.vector_load %arg16[%swap3A_688, %swap3A_689] {strides = array<i32>} : memref<80x128xf32, #tpu.memory_space<vmem>>, vector<1x16xf32>,
        %swap3A_691 = vector.shape_cast %swap3A_690 : vector<1x16xf32> to vector<16xf32>
        %swap3A_692 = vector.shape_cast %mul3A_687 : vector<16xf32> to vector<1x16xf32>
        tpu.vector_store %arg16[%swap3A_688, %swap3A_689], %swap3A_692 {strides = array<i32>} : memref<80x128xf32, #tpu.memory_space<vmem>>, vector<1x16xf32>,
        %get3A_693 = arith.index_cast %add3A_664 : i32 to index
        %get3A_694 = arith.constant 32 : index
        %get3A_695 = tpu.vector_load %arg16[%get3A_693, %get3A_694] {strides = array<i32>} : memref<80x128xf32, #tpu.memory_space<vmem>>, vector<1x16xf32>,
        %get3A_696 = vector.shape_cast %get3A_695 : vector<1x16xf32> to vector<16xf32>
        %get3A_697 = arith.index_cast %add3A_664 : i32 to index
        %get3A_698 = arith.constant 32 : index
        %get3A_699 = tpu.vector_load %arg18[%get3A_697, %get3A_698] {strides = array<i32>} : memref<80x128xf32, #tpu.memory_space<vmem>>, vector<1x16xf32>,
        %get3A_700 = vector.shape_cast %get3A_699 : vector<1x16xf32> to vector<16xf32>
        %mul3A_701 = arith.mulf %get3A_696, %get3A_700 : vector<16xf32>
        %swap3A_702 = arith.index_cast %add3A_664 : i32 to index
        %swap3A_703 = arith.constant 32 : index
        %swap3A_704 = tpu.vector_load %arg16[%swap3A_702, %swap3A_703] {strides = array<i32>} : memref<80x128xf32, #tpu.memory_space<vmem>>, vector<1x16xf32>,
        %swap3A_705 = vector.shape_cast %swap3A_704 : vector<1x16xf32> to vector<16xf32>
        %swap3A_706 = vector.shape_cast %mul3A_701 : vector<16xf32> to vector<1x16xf32>
        tpu.vector_store %arg16[%swap3A_702, %swap3A_703], %swap3A_706 {strides = array<i32>} : memref<80x128xf32, #tpu.memory_space<vmem>>, vector<1x16xf32>,
        %get3A_707 = arith.index_cast %add3A_664 : i32 to index
        %get3A_708 = arith.constant 48 : index
        %get3A_709 = tpu.vector_load %arg16[%get3A_707, %get3A_708] {strides = array<i32>} : memref<80x128xf32, #tpu.memory_space<vmem>>, vector<1x16xf32>,
        %get3A_710 = vector.shape_cast %get3A_709 : vector<1x16xf32> to vector<16xf32>
        %get3A_711 = arith.index_cast %add3A_664 : i32 to index
        %get3A_712 = arith.constant 48 : index
        %get3A_713 = tpu.vector_load %arg18[%get3A_711, %get3A_712] {strides = array<i32>} : memref<80x128xf32, #tpu.memory_space<vmem>>, vector<1x16xf32>,
        %get3A_714 = vector.shape_cast %get3A_713 : vector<1x16xf32> to vector<16xf32>
        %mul3A_715 = arith.mulf %get3A_710, %get3A_714 : vector<16xf32>
        %swap3A_716 = arith.index_cast %add3A_664 : i32 to index
        %swap3A_717 = arith.constant 48 : index
        %swap3A_718 = tpu.vector_load %arg16[%swap3A_716, %swap3A_717] {strides = array<i32>} : memref<80x128xf32, #tpu.memory_space<vmem>>, vector<1x16xf32>,
        %swap3A_719 = vector.shape_cast %swap3A_718 : vector<1x16xf32> to vector<16xf32>
        %swap3A_720 = vector.shape_cast %mul3A_715 : vector<16xf32> to vector<1x16xf32>
        tpu.vector_store %arg16[%swap3A_716, %swap3A_717], %swap3A_720 {strides = array<i32>} : memref<80x128xf32, #tpu.memory_space<vmem>>, vector<1x16xf32>,
        %get3A_721 = arith.index_cast %add3A_664 : i32 to index
        %get3A_722 = arith.constant 64 : index
        %get3A_723 = tpu.vector_load %arg16[%get3A_721, %get3A_722] {strides = array<i32>} : memref<80x128xf32, #tpu.memory_space<vmem>>, vector<1x16xf32>,
        %get3A_724 = vector.shape_cast %get3A_723 : vector<1x16xf32> to vector<16xf32>
        %get3A_725 = arith.index_cast %add3A_664 : i32 to index
        %get3A_726 = arith.constant 64 : index
        %get3A_727 = tpu.vector_load %arg18[%get3A_725, %get3A_726] {strides = array<i32>} : memref<80x128xf32, #tpu.memory_space<vmem>>, vector<1x16xf32>,
        %get3A_728 = vector.shape_cast %get3A_727 : vector<1x16xf32> to vector<16xf32>
        %mul3A_729 = arith.mulf %get3A_724, %get3A_728 : vector<16xf32>
        %swap3A_730 = arith.index_cast %add3A_664 : i32 to index
        %swap3A_731 = arith.constant 64 : index
        %swap3A_732 = tpu.vector_load %arg16[%swap3A_730, %swap3A_731] {strides = array<i32>} : memref<80x128xf32, #tpu.memory_space<vmem>>, vector<1x16xf32>,
        %swap3A_733 = vector.shape_cast %swap3A_732 : vector<1x16xf32> to vector<16xf32>
        %swap3A_734 = vector.shape_cast %mul3A_729 : vector<16xf32> to vector<1x16xf32>
        tpu.vector_store %arg16[%swap3A_730, %swap3A_731], %swap3A_734 {strides = array<i32>} : memref<80x128xf32, #tpu.memory_space<vmem>>, vector<1x16xf32>,
        %get3A_735 = arith.index_cast %add3A_664 : i32 to index
        %get3A_736 = arith.constant 80 : index
        %get3A_737 = tpu.vector_load %arg16[%get3A_735, %get3A_736] {strides = array<i32>} : memref<80x128xf32, #tpu.memory_space<vmem>>, vector<1x16xf32>,
        %get3A_738 = vector.shape_cast %get3A_737 : vector<1x16xf32> to vector<16xf32>
        %get3A_739 = arith.index_cast %add3A_664 : i32 to index
        %get3A_740 = arith.constant 80 : index
        %get3A_741 = tpu.vector_load %arg18[%get3A_739, %get3A_740] {strides = array<i32>} : memref<80x128xf32, #tpu.memory_space<vmem>>, vector<1x16xf32>,
        %get3A_742 = vector.shape_cast %get3A_741 : vector<1x16xf32> to vector<16xf32>
        %mul3A_743 = arith.mulf %get3A_738, %get3A_742 : vector<16xf32>
        %swap3A_744 = arith.index_cast %add3A_664 : i32 to index
        %swap3A_745 = arith.constant 80 : index
        %swap3A_746 = tpu.vector_load %arg16[%swap3A_744, %swap3A_745] {strides = array<i32>} : memref<80x128xf32, #tpu.memory_space<vmem>>, vector<1x16xf32>,
        %swap3A_747 = vector.shape_cast %swap3A_746 : vector<1x16xf32> to vector<16xf32>
        %swap3A_748 = vector.shape_cast %mul3A_743 : vector<16xf32> to vector<1x16xf32>
        tpu.vector_store %arg16[%swap3A_744, %swap3A_745], %swap3A_748 {strides = array<i32>} : memref<80x128xf32, #tpu.memory_space<vmem>>, vector<1x16xf32>,
        %get3A_749 = arith.index_cast %add3A_664 : i32 to index
        %get3A_750 = arith.constant 96 : index
        %get3A_751 = tpu.vector_load %arg16[%get3A_749, %get3A_750] {strides = array<i32>} : memref<80x128xf32, #tpu.memory_space<vmem>>, vector<1x16xf32>,
        %get3A_752 = vector.shape_cast %get3A_751 : vector<1x16xf32> to vector<16xf32>
        %get3A_753 = arith.index_cast %add3A_664 : i32 to index
        %get3A_754 = arith.constant 96 : index
        %get3A_755 = tpu.vector_load %arg18[%get3A_753, %get3A_754] {strides = array<i32>} : memref<80x128xf32, #tpu.memory_space<vmem>>, vector<1x16xf32>,
        %get3A_756 = vector.shape_cast %get3A_755 : vector<1x16xf32> to vector<16xf32>
        %mul3A_757 = arith.mulf %get3A_752, %get3A_756 : vector<16xf32>
        %swap3A_758 = arith.index_cast %add3A_664 : i32 to index
        %swap3A_759 = arith.constant 96 : index
        %swap3A_760 = tpu.vector_load %arg16[%swap3A_758, %swap3A_759] {strides = array<i32>} : memref<80x128xf32, #tpu.memory_space<vmem>>, vector<1x16xf32>,
        %swap3A_761 = vector.shape_cast %swap3A_760 : vector<1x16xf32> to vector<16xf32>
        %swap3A_762 = vector.shape_cast %mul3A_757 : vector<16xf32> to vector<1x16xf32>
        tpu.vector_store %arg16[%swap3A_758, %swap3A_759], %swap3A_762 {strides = array<i32>} : memref<80x128xf32, #tpu.memory_space<vmem>>, vector<1x16xf32>,
        %get3A_763 = arith.index_cast %add3A_664 : i32 to index
        %get3A_764 = arith.constant 112 : index
        %get3A_765 = tpu.vector_load %arg16[%get3A_763, %get3A_764] {strides = array<i32>} : memref<80x128xf32, #tpu.memory_space<vmem>>, vector<1x16xf32>,
        %get3A_766 = vector.shape_cast %get3A_765 : vector<1x16xf32> to vector<16xf32>
        %get3A_767 = arith.index_cast %add3A_664 : i32 to index
        %get3A_768 = arith.constant 112 : index
        %get3A_769 = tpu.vector_load %arg18[%get3A_767, %get3A_768] {strides = array<i32>} : memref<80x128xf32, #tpu.memory_space<vmem>>, vector<1x16xf32>,
        %get3A_770 = vector.shape_cast %get3A_769 : vector<1x16xf32> to vector<16xf32>
        %mul3A_771 = arith.mulf %get3A_766, %get3A_770 : vector<16xf32>
        %swap3A_772 = arith.index_cast %add3A_664 : i32 to index
        %swap3A_773 = arith.constant 112 : index
        %swap3A_774 = tpu.vector_load %arg16[%swap3A_772, %swap3A_773] {strides = array<i32>} : memref<80x128xf32, #tpu.memory_space<vmem>>, vector<1x16xf32>,
        %swap3A_775 = vector.shape_cast %swap3A_774 : vector<1x16xf32> to vector<16xf32>
        %swap3A_776 = vector.shape_cast %mul3A_771 : vector<16xf32> to vector<1x16xf32>
        tpu.vector_store %arg16[%swap3A_772, %swap3A_773], %swap3A_776 {strides = array<i32>} : memref<80x128xf32, #tpu.memory_space<vmem>>, vector<1x16xf32>,
      }
      %scan3A_222 = arith.constant 20 : i32
      %dma_start3A_223 = arith.constant 0 : i32
      %dma_start3A_224 = arith.constant 0 : i32
      %dma_start3A_225 = tpu.memref_slice %arg19[%dma_start3A_223, %dma_start3A_224] : memref<10240x128xf32, #tpu.memory_space<vmem_shared>> -> memref<10240x128xf32, #tpu.memory_space<vmem_shared>>
      tpu.enqueue_indirect_dma source(%arg16 : memref<80x128xf32, #tpu.memory_space<vmem>>) target(%dma_start3A_225 : memref<10240x128xf32, #tpu.memory_space<vmem_shared>>) offsets(%arg12 : memref<80xi32, #tpu.memory_space<vmem>>) semaphore(%arg24 : memref<!tpu.dma_semaphore, #tpu.memory_space<semaphore_mem>>) {add = true}
      %mul3A_226 = arith.constant 4 : i32
      %mul3A_227 = arith.muli %mul3A_226, %scan3A_142 : i32
      %add3A_228 = arith.constant 2 : i32
      %add3A_229 = arith.addi %mul3A_227, %add3A_228 : i32
      %ge3A_230 = arith.constant 1 : i32
      %ge3A_231 = arith.cmpi sge, %add3A_229, %ge3A_230 : i32
      %convert_element_type3A_232 = arith.extui %ge3A_231 : i1 to i32
      %cond3A_233 = arith.constant 0 : i32
      %cond3A_234 = arith.cmpi ne, %convert_element_type3A_232, %cond3A_233 : i32
      scf.if %cond3A_234 {
        %sub3A_314 = arith.constant 1 : i32
        %sub3A_315 = arith.subi %add3A_229, %sub3A_314 : i32
        %dma_wait3A_316 = arith.constant 0 : i32
        %dma_wait3A_317 = arith.constant 0 : i32
        %dma_wait3A_318 = tpu.memref_slice %arg19[%dma_wait3A_316, %dma_wait3A_317] : memref<10240x128xf32, #tpu.memory_space<vmem_shared>> -> memref<10240x128xf32, #tpu.memory_space<vmem_shared>>
        tpu.wait_indirect_dma semaphore(%arg24 : memref<!tpu.dma_semaphore, #tpu.memory_space<semaphore_mem>>) src(%arg16 : memref<80x128xf32, #tpu.memory_space<vmem>>) dst(%dma_wait3A_318 : memref<10240x128xf32, #tpu.memory_space<vmem_shared>>)
      } else {
      }
      %add3A_235 = arith.constant 4 : i32
      %add3A_236 = arith.addi %add3A_229, %add3A_235 : i32
      %sub3A_237 = arith.constant 1 : i32
      %sub3A_238 = arith.subi %add3A_236, %sub3A_237 : i32
      %lt3A_239 = arith.constant 125 : i32
      %lt3A_240 = arith.cmpi slt, %sub3A_238, %lt3A_239 : i32
      %convert_element_type3A_241 = arith.extui %lt3A_240 : i1 to i32
      %cond3A_242 = arith.constant 0 : i32
      %cond3A_243 = arith.cmpi ne, %convert_element_type3A_241, %cond3A_242 : i32
      scf.if %cond3A_243 {
        %add3A_314 = arith.constant 4 : i32
        %add3A_315 = arith.addi %add3A_229, %add3A_314 : i32
        %sub3A_316 = arith.constant 1 : i32
        %sub3A_317 = arith.subi %add3A_315, %sub3A_316 : i32
        %mul3A_318 = arith.constant 80 : i32
        %mul3A_319 = arith.muli %sub3A_317, %mul3A_318 : i32
        %add3A_320 = arith.addi %mul3A_39, %mul3A_319 : i32
        %dma_start3A_321 = tpu.memref_slice %arg4[%add3A_320] : memref<320000xi32, #tpu.memory_space<hbm>> -> memref<80xi32, #tpu.memory_space<hbm>>
        %dma_start3A_322 = tpu.memref_slice %arg4[%add3A_320] : memref<320000xi32, #tpu.memory_space<hbm>> -> memref<80xi32, #tpu.memory_space<hbm>>
        tpu.enqueue_dma source(%dma_start3A_322 : memref<80xi32, #tpu.memory_space<hbm>>) target(%arg8 : memref<80xi32, #tpu.memory_space<vmem>>) target_semaphore(%arg26 : memref<!tpu.dma_semaphore, #tpu.memory_space<semaphore_mem>>)
        %add3A_323 = arith.constant 4 : i32
        %add3A_324 = arith.addi %add3A_229, %add3A_323 : i32
        %sub3A_325 = arith.constant 1 : i32
        %sub3A_326 = arith.subi %add3A_324, %sub3A_325 : i32
        %mul3A_327 = arith.constant 80 : i32
        %mul3A_328 = arith.muli %sub3A_326, %mul3A_327 : i32
        %add3A_329 = arith.addi %mul3A_39, %mul3A_328 : i32
        %dma_start3A_330 = tpu.memref_slice %arg5[%add3A_329] : memref<320000xi32, #tpu.memory_space<hbm>> -> memref<80xi32, #tpu.memory_space<hbm>>
        %dma_start3A_331 = tpu.memref_slice %arg5[%add3A_329] : memref<320000xi32, #tpu.memory_space<hbm>> -> memref<80xi32, #tpu.memory_space<hbm>>
        tpu.enqueue_dma source(%dma_start3A_331 : memref<80xi32, #tpu.memory_space<hbm>>) target(%arg12 : memref<80xi32, #tpu.memory_space<vmem>>) target_semaphore(%arg26 : memref<!tpu.dma_semaphore, #tpu.memory_space<semaphore_mem>>)
      } else {
      }
      %add3A_244 = arith.constant 1 : i32
      %add3A_245 = arith.addi %add3A_229, %add3A_244 : i32
      %lt3A_246 = arith.constant 125 : i32
      %lt3A_247 = arith.cmpi slt, %add3A_245, %lt3A_246 : i32
      %convert_element_type3A_248 = arith.extui %lt3A_247 : i1 to i32
      %cond3A_249 = arith.constant 0 : i32
      %cond3A_250 = arith.cmpi ne, %convert_element_type3A_248, %cond3A_249 : i32
      scf.if %cond3A_250 {
        %add3A_314 = arith.constant 1 : i32
        %add3A_315 = arith.addi %add3A_229, %add3A_314 : i32
        %mul3A_316 = arith.constant 80 : i32
        %mul3A_317 = arith.muli %add3A_315, %mul3A_316 : i32
        %add3A_318 = arith.addi %mul3A_39, %mul3A_317 : i32
        %dma_wait3A_319 = tpu.memref_slice %arg4[%add3A_318] : memref<320000xi32, #tpu.memory_space<hbm>> -> memref<80xi32, #tpu.memory_space<hbm>>
        %dma_wait3A_320 = tpu.memref_slice %arg4[%add3A_318] : memref<320000xi32, #tpu.memory_space<hbm>> -> memref<80xi32, #tpu.memory_space<hbm>>
        tpu.wait_dma2 semaphore(%arg28 : memref<!tpu.dma_semaphore, #tpu.memory_space<semaphore_mem>>) src(%dma_wait3A_320 : memref<80xi32, #tpu.memory_space<hbm>>) dst(%arg10 : memref<80xi32, #tpu.memory_space<vmem>>)
        %add3A_321 = arith.constant 1 : i32
        %add3A_322 = arith.addi %add3A_229, %add3A_321 : i32
        %mul3A_323 = arith.constant 80 : i32
        %mul3A_324 = arith.muli %add3A_322, %mul3A_323 : i32
        %add3A_325 = arith.addi %mul3A_39, %mul3A_324 : i32
        %dma_wait3A_326 = tpu.memref_slice %arg5[%add3A_325] : memref<320000xi32, #tpu.memory_space<hbm>> -> memref<80xi32, #tpu.memory_space<hbm>>
        %dma_wait3A_327 = tpu.memref_slice %arg5[%add3A_325] : memref<320000xi32, #tpu.memory_space<hbm>> -> memref<80xi32, #tpu.memory_space<hbm>>
        tpu.wait_dma2 semaphore(%arg28 : memref<!tpu.dma_semaphore, #tpu.memory_space<semaphore_mem>>) src(%dma_wait3A_327 : memref<80xi32, #tpu.memory_space<hbm>>) dst(%arg14 : memref<80xi32, #tpu.memory_space<vmem>>)
        %add3A_328 = arith.constant 1 : i32
        %add3A_329 = arith.addi %add3A_229, %add3A_328 : i32
        %dma_start3A_330 = arith.constant 0 : i32
        %dma_start3A_331 = arith.constant 0 : i32
        %dma_start3A_332 = tpu.memref_slice %arg2[%dma_start3A_330, %dma_start3A_331] : memref<10240x128xf32, #tpu.memory_space<hbm>> -> memref<10240x128xf32, #tpu.memory_space<hbm>>
        tpu.enqueue_indirect_dma source(%dma_start3A_332 : memref<10240x128xf32, #tpu.memory_space<hbm>>) target(%arg16 : memref<80x128xf32, #tpu.memory_space<vmem>>) offsets(%arg10 : memref<80xi32, #tpu.memory_space<vmem>>) semaphore(%arg21 : memref<!tpu.dma_semaphore, #tpu.memory_space<semaphore_mem>>)
        %add3A_333 = arith.constant 1 : i32
        %add3A_334 = arith.addi %add3A_229, %add3A_333 : i32
        %mul3A_335 = arith.constant 80 : i32
        %mul3A_336 = arith.muli %add3A_334, %mul3A_335 : i32
        %add3A_337 = arith.addi %mul3A_39, %mul3A_336 : i32
        %dma_start3A_338 = arith.constant 0 : i32
        %dma_start3A_339 = tpu.memref_slice %arg3[%add3A_337, %dma_start3A_338] : memref<320000x128xf32, #tpu.memory_space<hbm>> -> memref<80x128xf32, #tpu.memory_space<hbm>>
        %dma_start3A_340 = arith.constant 0 : i32
        %dma_start3A_341 = tpu.memref_slice %arg3[%add3A_337, %dma_start3A_340] : memref<320000x128xf32, #tpu.memory_space<hbm>> -> memref<80x128xf32, #tpu.memory_space<hbm>>
        tpu.enqueue_dma source(%dma_start3A_341 : memref<80x128xf32, #tpu.memory_space<hbm>>) target(%arg18 : memref<80x128xf32, #tpu.memory_space<vmem>>) target_semaphore(%arg23 : memref<!tpu.dma_semaphore, #tpu.memory_space<semaphore_mem>>)
      } else {
      }
      %dma_wait3A_251 = arith.constant 0 : i32
      %dma_wait3A_252 = arith.constant 0 : i32
      %dma_wait3A_253 = tpu.memref_slice %arg2[%dma_wait3A_251, %dma_wait3A_252] : memref<10240x128xf32, #tpu.memory_space<hbm>> -> memref<10240x128xf32, #tpu.memory_space<hbm>>
      tpu.wait_indirect_dma semaphore(%arg20 : memref<!tpu.dma_semaphore, #tpu.memory_space<semaphore_mem>>) src(%dma_wait3A_253 : memref<10240x128xf32, #tpu.memory_space<hbm>>) dst(%arg15 : memref<80x128xf32, #tpu.memory_space<vmem>>)
      %mul3A_254 = arith.constant 80 : i32
      %mul3A_255 = arith.muli %add3A_229, %mul3A_254 : i32
      %add3A_256 = arith.addi %mul3A_39, %mul3A_255 : i32
      %dma_wait3A_257 = arith.constant 0 : i32
      %dma_wait3A_258 = tpu.memref_slice %arg3[%add3A_256, %dma_wait3A_257] : memref<320000x128xf32, #tpu.memory_space<hbm>> -> memref<80x128xf32, #tpu.memory_space<hbm>>
      %dma_wait3A_259 = arith.constant 0 : i32
      %dma_wait3A_260 = tpu.memref_slice %arg3[%add3A_256, %dma_wait3A_259] : memref<320000x128xf32, #tpu.memory_space<hbm>> -> memref<80x128xf32, #tpu.memory_space<hbm>>
      tpu.wait_dma2 semaphore(%arg22 : memref<!tpu.dma_semaphore, #tpu.memory_space<semaphore_mem>>) src(%dma_wait3A_260 : memref<80x128xf32, #tpu.memory_space<hbm>>) dst(%arg17 : memref<80x128xf32, #tpu.memory_space<vmem>>)
      %scan3A_261 = arith.constant 0 : i32
      %scan3A_262 = arith.constant 0 : i32
      %scan3A_263 = arith.constant 20 : i32
      %scan3A_264 = arith.addi %scan3A_262, %scan3A_263 : i32
      %scan3A_265 = arith.constant 1 : i32
      scf.for %scan3A_314 = %scan3A_262 to %scan3A_264 step %scan3A_265  : i32 {
        %mul3A_315 = arith.constant 4 : i32
        %mul3A_316 = arith.muli %mul3A_315, %scan3A_314 : i32
        %add3A_317 = arith.constant 0 : i32
        %add3A_318 = arith.addi %mul3A_316, %add3A_317 : i32
        %get3A = arith.index_cast %add3A_318 : i32 to index
        %get3A_319 = arith.constant 0 : index
        %get3A_320 = tpu.vector_load %arg15[%get3A, %get3A_319] {strides = array<i32>} : memref<80x128xf32, #tpu.memory_space<vmem>>, vector<1x16xf32>,
        %get3A_321 = vector.shape_cast %get3A_320 : vector<1x16xf32> to vector<16xf32>
        %get3A_322 = arith.index_cast %add3A_318 : i32 to index
        %get3A_323 = arith.constant 0 : index
        %get3A_324 = tpu.vector_load %arg17[%get3A_322, %get3A_323] {strides = array<i32>} : memref<80x128xf32, #tpu.memory_space<vmem>>, vector<1x16xf32>,
        %get3A_325 = vector.shape_cast %get3A_324 : vector<1x16xf32> to vector<16xf32>
        %mul3A_326 = arith.mulf %get3A_321, %get3A_325 : vector<16xf32>
        %swap3A = arith.index_cast %add3A_318 : i32 to index
        %swap3A_327 = arith.constant 0 : index
        %swap3A_328 = tpu.vector_load %arg15[%swap3A, %swap3A_327] {strides = array<i32>} : memref<80x128xf32, #tpu.memory_space<vmem>>, vector<1x16xf32>,
        %swap3A_329 = vector.shape_cast %swap3A_328 : vector<1x16xf32> to vector<16xf32>
        %swap3A_330 = vector.shape_cast %mul3A_326 : vector<16xf32> to vector<1x16xf32>
        tpu.vector_store %arg15[%swap3A, %swap3A_327], %swap3A_330 {strides = array<i32>} : memref<80x128xf32, #tpu.memory_space<vmem>>, vector<1x16xf32>,
        %get3A_331 = arith.index_cast %add3A_318 : i32 to index
        %get3A_332 = arith.constant 16 : index
        %get3A_333 = tpu.vector_load %arg15[%get3A_331, %get3A_332] {strides = array<i32>} : memref<80x128xf32, #tpu.memory_space<vmem>>, vector<1x16xf32>,
        %get3A_334 = vector.shape_cast %get3A_333 : vector<1x16xf32> to vector<16xf32>
        %get3A_335 = arith.index_cast %add3A_318 : i32 to index
        %get3A_336 = arith.constant 16 : index
        %get3A_337 = tpu.vector_load %arg17[%get3A_335, %get3A_336] {strides = array<i32>} : memref<80x128xf32, #tpu.memory_space<vmem>>, vector<1x16xf32>,
        %get3A_338 = vector.shape_cast %get3A_337 : vector<1x16xf32> to vector<16xf32>
        %mul3A_339 = arith.mulf %get3A_334, %get3A_338 : vector<16xf32>
        %swap3A_340 = arith.index_cast %add3A_318 : i32 to index
        %swap3A_341 = arith.constant 16 : index
        %swap3A_342 = tpu.vector_load %arg15[%swap3A_340, %swap3A_341] {strides = array<i32>} : memref<80x128xf32, #tpu.memory_space<vmem>>, vector<1x16xf32>,
        %swap3A_343 = vector.shape_cast %swap3A_342 : vector<1x16xf32> to vector<16xf32>
        %swap3A_344 = vector.shape_cast %mul3A_339 : vector<16xf32> to vector<1x16xf32>
        tpu.vector_store %arg15[%swap3A_340, %swap3A_341], %swap3A_344 {strides = array<i32>} : memref<80x128xf32, #tpu.memory_space<vmem>>, vector<1x16xf32>,
        %get3A_345 = arith.index_cast %add3A_318 : i32 to index
        %get3A_346 = arith.constant 32 : index
        %get3A_347 = tpu.vector_load %arg15[%get3A_345, %get3A_346] {strides = array<i32>} : memref<80x128xf32, #tpu.memory_space<vmem>>, vector<1x16xf32>,
        %get3A_348 = vector.shape_cast %get3A_347 : vector<1x16xf32> to vector<16xf32>
        %get3A_349 = arith.index_cast %add3A_318 : i32 to index
        %get3A_350 = arith.constant 32 : index
        %get3A_351 = tpu.vector_load %arg17[%get3A_349, %get3A_350] {strides = array<i32>} : memref<80x128xf32, #tpu.memory_space<vmem>>, vector<1x16xf32>,
        %get3A_352 = vector.shape_cast %get3A_351 : vector<1x16xf32> to vector<16xf32>
        %mul3A_353 = arith.mulf %get3A_348, %get3A_352 : vector<16xf32>
        %swap3A_354 = arith.index_cast %add3A_318 : i32 to index
        %swap3A_355 = arith.constant 32 : index
        %swap3A_356 = tpu.vector_load %arg15[%swap3A_354, %swap3A_355] {strides = array<i32>} : memref<80x128xf32, #tpu.memory_space<vmem>>, vector<1x16xf32>,
        %swap3A_357 = vector.shape_cast %swap3A_356 : vector<1x16xf32> to vector<16xf32>
        %swap3A_358 = vector.shape_cast %mul3A_353 : vector<16xf32> to vector<1x16xf32>
        tpu.vector_store %arg15[%swap3A_354, %swap3A_355], %swap3A_358 {strides = array<i32>} : memref<80x128xf32, #tpu.memory_space<vmem>>, vector<1x16xf32>,
        %get3A_359 = arith.index_cast %add3A_318 : i32 to index
        %get3A_360 = arith.constant 48 : index
        %get3A_361 = tpu.vector_load %arg15[%get3A_359, %get3A_360] {strides = array<i32>} : memref<80x128xf32, #tpu.memory_space<vmem>>, vector<1x16xf32>,
        %get3A_362 = vector.shape_cast %get3A_361 : vector<1x16xf32> to vector<16xf32>
        %get3A_363 = arith.index_cast %add3A_318 : i32 to index
        %get3A_364 = arith.constant 48 : index
        %get3A_365 = tpu.vector_load %arg17[%get3A_363, %get3A_364] {strides = array<i32>} : memref<80x128xf32, #tpu.memory_space<vmem>>, vector<1x16xf32>,
        %get3A_366 = vector.shape_cast %get3A_365 : vector<1x16xf32> to vector<16xf32>
        %mul3A_367 = arith.mulf %get3A_362, %get3A_366 : vector<16xf32>
        %swap3A_368 = arith.index_cast %add3A_318 : i32 to index
        %swap3A_369 = arith.constant 48 : index
        %swap3A_370 = tpu.vector_load %arg15[%swap3A_368, %swap3A_369] {strides = array<i32>} : memref<80x128xf32, #tpu.memory_space<vmem>>, vector<1x16xf32>,
        %swap3A_371 = vector.shape_cast %swap3A_370 : vector<1x16xf32> to vector<16xf32>
        %swap3A_372 = vector.shape_cast %mul3A_367 : vector<16xf32> to vector<1x16xf32>
        tpu.vector_store %arg15[%swap3A_368, %swap3A_369], %swap3A_372 {strides = array<i32>} : memref<80x128xf32, #tpu.memory_space<vmem>>, vector<1x16xf32>,
        %get3A_373 = arith.index_cast %add3A_318 : i32 to index
        %get3A_374 = arith.constant 64 : index
        %get3A_375 = tpu.vector_load %arg15[%get3A_373, %get3A_374] {strides = array<i32>} : memref<80x128xf32, #tpu.memory_space<vmem>>, vector<1x16xf32>,
        %get3A_376 = vector.shape_cast %get3A_375 : vector<1x16xf32> to vector<16xf32>
        %get3A_377 = arith.index_cast %add3A_318 : i32 to index
        %get3A_378 = arith.constant 64 : index
        %get3A_379 = tpu.vector_load %arg17[%get3A_377, %get3A_378] {strides = array<i32>} : memref<80x128xf32, #tpu.memory_space<vmem>>, vector<1x16xf32>,
        %get3A_380 = vector.shape_cast %get3A_379 : vector<1x16xf32> to vector<16xf32>
        %mul3A_381 = arith.mulf %get3A_376, %get3A_380 : vector<16xf32>
        %swap3A_382 = arith.index_cast %add3A_318 : i32 to index
        %swap3A_383 = arith.constant 64 : index
        %swap3A_384 = tpu.vector_load %arg15[%swap3A_382, %swap3A_383] {strides = array<i32>} : memref<80x128xf32, #tpu.memory_space<vmem>>, vector<1x16xf32>,
        %swap3A_385 = vector.shape_cast %swap3A_384 : vector<1x16xf32> to vector<16xf32>
        %swap3A_386 = vector.shape_cast %mul3A_381 : vector<16xf32> to vector<1x16xf32>
        tpu.vector_store %arg15[%swap3A_382, %swap3A_383], %swap3A_386 {strides = array<i32>} : memref<80x128xf32, #tpu.memory_space<vmem>>, vector<1x16xf32>,
        %get3A_387 = arith.index_cast %add3A_318 : i32 to index
        %get3A_388 = arith.constant 80 : index
        %get3A_389 = tpu.vector_load %arg15[%get3A_387, %get3A_388] {strides = array<i32>} : memref<80x128xf32, #tpu.memory_space<vmem>>, vector<1x16xf32>,
        %get3A_390 = vector.shape_cast %get3A_389 : vector<1x16xf32> to vector<16xf32>
        %get3A_391 = arith.index_cast %add3A_318 : i32 to index
        %get3A_392 = arith.constant 80 : index
        %get3A_393 = tpu.vector_load %arg17[%get3A_391, %get3A_392] {strides = array<i32>} : memref<80x128xf32, #tpu.memory_space<vmem>>, vector<1x16xf32>,
        %get3A_394 = vector.shape_cast %get3A_393 : vector<1x16xf32> to vector<16xf32>
        %mul3A_395 = arith.mulf %get3A_390, %get3A_394 : vector<16xf32>
        %swap3A_396 = arith.index_cast %add3A_318 : i32 to index
        %swap3A_397 = arith.constant 80 : index
        %swap3A_398 = tpu.vector_load %arg15[%swap3A_396, %swap3A_397] {strides = array<i32>} : memref<80x128xf32, #tpu.memory_space<vmem>>, vector<1x16xf32>,
        %swap3A_399 = vector.shape_cast %swap3A_398 : vector<1x16xf32> to vector<16xf32>
        %swap3A_400 = vector.shape_cast %mul3A_395 : vector<16xf32> to vector<1x16xf32>
        tpu.vector_store %arg15[%swap3A_396, %swap3A_397], %swap3A_400 {strides = array<i32>} : memref<80x128xf32, #tpu.memory_space<vmem>>, vector<1x16xf32>,
        %get3A_401 = arith.index_cast %add3A_318 : i32 to index
        %get3A_402 = arith.constant 96 : index
        %get3A_403 = tpu.vector_load %arg15[%get3A_401, %get3A_402] {strides = array<i32>} : memref<80x128xf32, #tpu.memory_space<vmem>>, vector<1x16xf32>,
        %get3A_404 = vector.shape_cast %get3A_403 : vector<1x16xf32> to vector<16xf32>
        %get3A_405 = arith.index_cast %add3A_318 : i32 to index
        %get3A_406 = arith.constant 96 : index
        %get3A_407 = tpu.vector_load %arg17[%get3A_405, %get3A_406] {strides = array<i32>} : memref<80x128xf32, #tpu.memory_space<vmem>>, vector<1x16xf32>,
        %get3A_408 = vector.shape_cast %get3A_407 : vector<1x16xf32> to vector<16xf32>
        %mul3A_409 = arith.mulf %get3A_404, %get3A_408 : vector<16xf32>
        %swap3A_410 = arith.index_cast %add3A_318 : i32 to index
        %swap3A_411 = arith.constant 96 : index
        %swap3A_412 = tpu.vector_load %arg15[%swap3A_410, %swap3A_411] {strides = array<i32>} : memref<80x128xf32, #tpu.memory_space<vmem>>, vector<1x16xf32>,
        %swap3A_413 = vector.shape_cast %swap3A_412 : vector<1x16xf32> to vector<16xf32>
        %swap3A_414 = vector.shape_cast %mul3A_409 : vector<16xf32> to vector<1x16xf32>
        tpu.vector_store %arg15[%swap3A_410, %swap3A_411], %swap3A_414 {strides = array<i32>} : memref<80x128xf32, #tpu.memory_space<vmem>>, vector<1x16xf32>,
        %get3A_415 = arith.index_cast %add3A_318 : i32 to index
        %get3A_416 = arith.constant 112 : index
        %get3A_417 = tpu.vector_load %arg15[%get3A_415, %get3A_416] {strides = array<i32>} : memref<80x128xf32, #tpu.memory_space<vmem>>, vector<1x16xf32>,
        %get3A_418 = vector.shape_cast %get3A_417 : vector<1x16xf32> to vector<16xf32>
        %get3A_419 = arith.index_cast %add3A_318 : i32 to index
        %get3A_420 = arith.constant 112 : index
        %get3A_421 = tpu.vector_load %arg17[%get3A_419, %get3A_420] {strides = array<i32>} : memref<80x128xf32, #tpu.memory_space<vmem>>, vector<1x16xf32>,
        %get3A_422 = vector.shape_cast %get3A_421 : vector<1x16xf32> to vector<16xf32>
        %mul3A_423 = arith.mulf %get3A_418, %get3A_422 : vector<16xf32>
        %swap3A_424 = arith.index_cast %add3A_318 : i32 to index
        %swap3A_425 = arith.constant 112 : index
        %swap3A_426 = tpu.vector_load %arg15[%swap3A_424, %swap3A_425] {strides = array<i32>} : memref<80x128xf32, #tpu.memory_space<vmem>>, vector<1x16xf32>,
        %swap3A_427 = vector.shape_cast %swap3A_426 : vector<1x16xf32> to vector<16xf32>
        %swap3A_428 = vector.shape_cast %mul3A_423 : vector<16xf32> to vector<1x16xf32>
        tpu.vector_store %arg15[%swap3A_424, %swap3A_425], %swap3A_428 {strides = array<i32>} : memref<80x128xf32, #tpu.memory_space<vmem>>, vector<1x16xf32>,
        %mul3A_429 = arith.constant 4 : i32
        %mul3A_430 = arith.muli %mul3A_429, %scan3A_314 : i32
        %add3A_431 = arith.constant 1 : i32
        %add3A_432 = arith.addi %mul3A_430, %add3A_431 : i32
        %get3A_433 = arith.index_cast %add3A_432 : i32 to index
        %get3A_434 = arith.constant 0 : index
        %get3A_435 = tpu.vector_load %arg15[%get3A_433, %get3A_434] {strides = array<i32>} : memref<80x128xf32, #tpu.memory_space<vmem>>, vector<1x16xf32>,
        %get3A_436 = vector.shape_cast %get3A_435 : vector<1x16xf32> to vector<16xf32>
        %get3A_437 = arith.index_cast %add3A_432 : i32 to index
        %get3A_438 = arith.constant 0 : index
        %get3A_439 = tpu.vector_load %arg17[%get3A_437, %get3A_438] {strides = array<i32>} : memref<80x128xf32, #tpu.memory_space<vmem>>, vector<1x16xf32>,
        %get3A_440 = vector.shape_cast %get3A_439 : vector<1x16xf32> to vector<16xf32>
        %mul3A_441 = arith.mulf %get3A_436, %get3A_440 : vector<16xf32>
        %swap3A_442 = arith.index_cast %add3A_432 : i32 to index
        %swap3A_443 = arith.constant 0 : index
        %swap3A_444 = tpu.vector_load %arg15[%swap3A_442, %swap3A_443] {strides = array<i32>} : memref<80x128xf32, #tpu.memory_space<vmem>>, vector<1x16xf32>,
        %swap3A_445 = vector.shape_cast %swap3A_444 : vector<1x16xf32> to vector<16xf32>
        %swap3A_446 = vector.shape_cast %mul3A_441 : vector<16xf32> to vector<1x16xf32>
        tpu.vector_store %arg15[%swap3A_442, %swap3A_443], %swap3A_446 {strides = array<i32>} : memref<80x128xf32, #tpu.memory_space<vmem>>, vector<1x16xf32>,
        %get3A_447 = arith.index_cast %add3A_432 : i32 to index
        %get3A_448 = arith.constant 16 : index
        %get3A_449 = tpu.vector_load %arg15[%get3A_447, %get3A_448] {strides = array<i32>} : memref<80x128xf32, #tpu.memory_space<vmem>>, vector<1x16xf32>,
        %get3A_450 = vector.shape_cast %get3A_449 : vector<1x16xf32> to vector<16xf32>
        %get3A_451 = arith.index_cast %add3A_432 : i32 to index
        %get3A_452 = arith.constant 16 : index
        %get3A_453 = tpu.vector_load %arg17[%get3A_451, %get3A_452] {strides = array<i32>} : memref<80x128xf32, #tpu.memory_space<vmem>>, vector<1x16xf32>,
        %get3A_454 = vector.shape_cast %get3A_453 : vector<1x16xf32> to vector<16xf32>
        %mul3A_455 = arith.mulf %get3A_450, %get3A_454 : vector<16xf32>
        %swap3A_456 = arith.index_cast %add3A_432 : i32 to index
        %swap3A_457 = arith.constant 16 : index
        %swap3A_458 = tpu.vector_load %arg15[%swap3A_456, %swap3A_457] {strides = array<i32>} : memref<80x128xf32, #tpu.memory_space<vmem>>, vector<1x16xf32>,
        %swap3A_459 = vector.shape_cast %swap3A_458 : vector<1x16xf32> to vector<16xf32>
        %swap3A_460 = vector.shape_cast %mul3A_455 : vector<16xf32> to vector<1x16xf32>
        tpu.vector_store %arg15[%swap3A_456, %swap3A_457], %swap3A_460 {strides = array<i32>} : memref<80x128xf32, #tpu.memory_space<vmem>>, vector<1x16xf32>,
        %get3A_461 = arith.index_cast %add3A_432 : i32 to index
        %get3A_462 = arith.constant 32 : index
        %get3A_463 = tpu.vector_load %arg15[%get3A_461, %get3A_462] {strides = array<i32>} : memref<80x128xf32, #tpu.memory_space<vmem>>, vector<1x16xf32>,
        %get3A_464 = vector.shape_cast %get3A_463 : vector<1x16xf32> to vector<16xf32>
        %get3A_465 = arith.index_cast %add3A_432 : i32 to index
        %get3A_466 = arith.constant 32 : index
        %get3A_467 = tpu.vector_load %arg17[%get3A_465, %get3A_466] {strides = array<i32>} : memref<80x128xf32, #tpu.memory_space<vmem>>, vector<1x16xf32>,
        %get3A_468 = vector.shape_cast %get3A_467 : vector<1x16xf32> to vector<16xf32>
        %mul3A_469 = arith.mulf %get3A_464, %get3A_468 : vector<16xf32>
        %swap3A_470 = arith.index_cast %add3A_432 : i32 to index
        %swap3A_471 = arith.constant 32 : index
        %swap3A_472 = tpu.vector_load %arg15[%swap3A_470, %swap3A_471] {strides = array<i32>} : memref<80x128xf32, #tpu.memory_space<vmem>>, vector<1x16xf32>,
        %swap3A_473 = vector.shape_cast %swap3A_472 : vector<1x16xf32> to vector<16xf32>
        %swap3A_474 = vector.shape_cast %mul3A_469 : vector<16xf32> to vector<1x16xf32>
        tpu.vector_store %arg15[%swap3A_470, %swap3A_471], %swap3A_474 {strides = array<i32>} : memref<80x128xf32, #tpu.memory_space<vmem>>, vector<1x16xf32>,
        %get3A_475 = arith.index_cast %add3A_432 : i32 to index
        %get3A_476 = arith.constant 48 : index
        %get3A_477 = tpu.vector_load %arg15[%get3A_475, %get3A_476] {strides = array<i32>} : memref<80x128xf32, #tpu.memory_space<vmem>>, vector<1x16xf32>,
        %get3A_478 = vector.shape_cast %get3A_477 : vector<1x16xf32> to vector<16xf32>
        %get3A_479 = arith.index_cast %add3A_432 : i32 to index
        %get3A_480 = arith.constant 48 : index
        %get3A_481 = tpu.vector_load %arg17[%get3A_479, %get3A_480] {strides = array<i32>} : memref<80x128xf32, #tpu.memory_space<vmem>>, vector<1x16xf32>,
        %get3A_482 = vector.shape_cast %get3A_481 : vector<1x16xf32> to vector<16xf32>
        %mul3A_483 = arith.mulf %get3A_478, %get3A_482 : vector<16xf32>
        %swap3A_484 = arith.index_cast %add3A_432 : i32 to index
        %swap3A_485 = arith.constant 48 : index
        %swap3A_486 = tpu.vector_load %arg15[%swap3A_484, %swap3A_485] {strides = array<i32>} : memref<80x128xf32, #tpu.memory_space<vmem>>, vector<1x16xf32>,
        %swap3A_487 = vector.shape_cast %swap3A_486 : vector<1x16xf32> to vector<16xf32>
        %swap3A_488 = vector.shape_cast %mul3A_483 : vector<16xf32> to vector<1x16xf32>
        tpu.vector_store %arg15[%swap3A_484, %swap3A_485], %swap3A_488 {strides = array<i32>} : memref<80x128xf32, #tpu.memory_space<vmem>>, vector<1x16xf32>,
        %get3A_489 = arith.index_cast %add3A_432 : i32 to index
        %get3A_490 = arith.constant 64 : index
        %get3A_491 = tpu.vector_load %arg15[%get3A_489, %get3A_490] {strides = array<i32>} : memref<80x128xf32, #tpu.memory_space<vmem>>, vector<1x16xf32>,
        %get3A_492 = vector.shape_cast %get3A_491 : vector<1x16xf32> to vector<16xf32>
        %get3A_493 = arith.index_cast %add3A_432 : i32 to index
        %get3A_494 = arith.constant 64 : index
        %get3A_495 = tpu.vector_load %arg17[%get3A_493, %get3A_494] {strides = array<i32>} : memref<80x128xf32, #tpu.memory_space<vmem>>, vector<1x16xf32>,
        %get3A_496 = vector.shape_cast %get3A_495 : vector<1x16xf32> to vector<16xf32>
        %mul3A_497 = arith.mulf %get3A_492, %get3A_496 : vector<16xf32>
        %swap3A_498 = arith.index_cast %add3A_432 : i32 to index
        %swap3A_499 = arith.constant 64 : index
        %swap3A_500 = tpu.vector_load %arg15[%swap3A_498, %swap3A_499] {strides = array<i32>} : memref<80x128xf32, #tpu.memory_space<vmem>>, vector<1x16xf32>,
        %swap3A_501 = vector.shape_cast %swap3A_500 : vector<1x16xf32> to vector<16xf32>
        %swap3A_502 = vector.shape_cast %mul3A_497 : vector<16xf32> to vector<1x16xf32>
        tpu.vector_store %arg15[%swap3A_498, %swap3A_499], %swap3A_502 {strides = array<i32>} : memref<80x128xf32, #tpu.memory_space<vmem>>, vector<1x16xf32>,
        %get3A_503 = arith.index_cast %add3A_432 : i32 to index
        %get3A_504 = arith.constant 80 : index
        %get3A_505 = tpu.vector_load %arg15[%get3A_503, %get3A_504] {strides = array<i32>} : memref<80x128xf32, #tpu.memory_space<vmem>>, vector<1x16xf32>,
        %get3A_506 = vector.shape_cast %get3A_505 : vector<1x16xf32> to vector<16xf32>
        %get3A_507 = arith.index_cast %add3A_432 : i32 to index
        %get3A_508 = arith.constant 80 : index
        %get3A_509 = tpu.vector_load %arg17[%get3A_507, %get3A_508] {strides = array<i32>} : memref<80x128xf32, #tpu.memory_space<vmem>>, vector<1x16xf32>,
        %get3A_510 = vector.shape_cast %get3A_509 : vector<1x16xf32> to vector<16xf32>
        %mul3A_511 = arith.mulf %get3A_506, %get3A_510 : vector<16xf32>
        %swap3A_512 = arith.index_cast %add3A_432 : i32 to index
        %swap3A_513 = arith.constant 80 : index
        %swap3A_514 = tpu.vector_load %arg15[%swap3A_512, %swap3A_513] {strides = array<i32>} : memref<80x128xf32, #tpu.memory_space<vmem>>, vector<1x16xf32>,
        %swap3A_515 = vector.shape_cast %swap3A_514 : vector<1x16xf32> to vector<16xf32>
        %swap3A_516 = vector.shape_cast %mul3A_511 : vector<16xf32> to vector<1x16xf32>
        tpu.vector_store %arg15[%swap3A_512, %swap3A_513], %swap3A_516 {strides = array<i32>} : memref<80x128xf32, #tpu.memory_space<vmem>>, vector<1x16xf32>,
        %get3A_517 = arith.index_cast %add3A_432 : i32 to index
        %get3A_518 = arith.constant 96 : index
        %get3A_519 = tpu.vector_load %arg15[%get3A_517, %get3A_518] {strides = array<i32>} : memref<80x128xf32, #tpu.memory_space<vmem>>, vector<1x16xf32>,
        %get3A_520 = vector.shape_cast %get3A_519 : vector<1x16xf32> to vector<16xf32>
        %get3A_521 = arith.index_cast %add3A_432 : i32 to index
        %get3A_522 = arith.constant 96 : index
        %get3A_523 = tpu.vector_load %arg17[%get3A_521, %get3A_522] {strides = array<i32>} : memref<80x128xf32, #tpu.memory_space<vmem>>, vector<1x16xf32>,
        %get3A_524 = vector.shape_cast %get3A_523 : vector<1x16xf32> to vector<16xf32>
        %mul3A_525 = arith.mulf %get3A_520, %get3A_524 : vector<16xf32>
        %swap3A_526 = arith.index_cast %add3A_432 : i32 to index
        %swap3A_527 = arith.constant 96 : index
        %swap3A_528 = tpu.vector_load %arg15[%swap3A_526, %swap3A_527] {strides = array<i32>} : memref<80x128xf32, #tpu.memory_space<vmem>>, vector<1x16xf32>,
        %swap3A_529 = vector.shape_cast %swap3A_528 : vector<1x16xf32> to vector<16xf32>
        %swap3A_530 = vector.shape_cast %mul3A_525 : vector<16xf32> to vector<1x16xf32>
        tpu.vector_store %arg15[%swap3A_526, %swap3A_527], %swap3A_530 {strides = array<i32>} : memref<80x128xf32, #tpu.memory_space<vmem>>, vector<1x16xf32>,
        %get3A_531 = arith.index_cast %add3A_432 : i32 to index
        %get3A_532 = arith.constant 112 : index
        %get3A_533 = tpu.vector_load %arg15[%get3A_531, %get3A_532] {strides = array<i32>} : memref<80x128xf32, #tpu.memory_space<vmem>>, vector<1x16xf32>,
        %get3A_534 = vector.shape_cast %get3A_533 : vector<1x16xf32> to vector<16xf32>
        %get3A_535 = arith.index_cast %add3A_432 : i32 to index
        %get3A_536 = arith.constant 112 : index
        %get3A_537 = tpu.vector_load %arg17[%get3A_535, %get3A_536] {strides = array<i32>} : memref<80x128xf32, #tpu.memory_space<vmem>>, vector<1x16xf32>,
        %get3A_538 = vector.shape_cast %get3A_537 : vector<1x16xf32> to vector<16xf32>
        %mul3A_539 = arith.mulf %get3A_534, %get3A_538 : vector<16xf32>
        %swap3A_540 = arith.index_cast %add3A_432 : i32 to index
        %swap3A_541 = arith.constant 112 : index
        %swap3A_542 = tpu.vector_load %arg15[%swap3A_540, %swap3A_541] {strides = array<i32>} : memref<80x128xf32, #tpu.memory_space<vmem>>, vector<1x16xf32>,
        %swap3A_543 = vector.shape_cast %swap3A_542 : vector<1x16xf32> to vector<16xf32>
        %swap3A_544 = vector.shape_cast %mul3A_539 : vector<16xf32> to vector<1x16xf32>
        tpu.vector_store %arg15[%swap3A_540, %swap3A_541], %swap3A_544 {strides = array<i32>} : memref<80x128xf32, #tpu.memory_space<vmem>>, vector<1x16xf32>,
        %mul3A_545 = arith.constant 4 : i32
        %mul3A_546 = arith.muli %mul3A_545, %scan3A_314 : i32
        %add3A_547 = arith.constant 2 : i32
        %add3A_548 = arith.addi %mul3A_546, %add3A_547 : i32
        %get3A_549 = arith.index_cast %add3A_548 : i32 to index
        %get3A_550 = arith.constant 0 : index
        %get3A_551 = tpu.vector_load %arg15[%get3A_549, %get3A_550] {strides = array<i32>} : memref<80x128xf32, #tpu.memory_space<vmem>>, vector<1x16xf32>,
        %get3A_552 = vector.shape_cast %get3A_551 : vector<1x16xf32> to vector<16xf32>
        %get3A_553 = arith.index_cast %add3A_548 : i32 to index
        %get3A_554 = arith.constant 0 : index
        %get3A_555 = tpu.vector_load %arg17[%get3A_553, %get3A_554] {strides = array<i32>} : memref<80x128xf32, #tpu.memory_space<vmem>>, vector<1x16xf32>,
        %get3A_556 = vector.shape_cast %get3A_555 : vector<1x16xf32> to vector<16xf32>
        %mul3A_557 = arith.mulf %get3A_552, %get3A_556 : vector<16xf32>
        %swap3A_558 = arith.index_cast %add3A_548 : i32 to index
        %swap3A_559 = arith.constant 0 : index
        %swap3A_560 = tpu.vector_load %arg15[%swap3A_558, %swap3A_559] {strides = array<i32>} : memref<80x128xf32, #tpu.memory_space<vmem>>, vector<1x16xf32>,
        %swap3A_561 = vector.shape_cast %swap3A_560 : vector<1x16xf32> to vector<16xf32>
        %swap3A_562 = vector.shape_cast %mul3A_557 : vector<16xf32> to vector<1x16xf32>
        tpu.vector_store %arg15[%swap3A_558, %swap3A_559], %swap3A_562 {strides = array<i32>} : memref<80x128xf32, #tpu.memory_space<vmem>>, vector<1x16xf32>,
        %get3A_563 = arith.index_cast %add3A_548 : i32 to index
        %get3A_564 = arith.constant 16 : index
        %get3A_565 = tpu.vector_load %arg15[%get3A_563, %get3A_564] {strides = array<i32>} : memref<80x128xf32, #tpu.memory_space<vmem>>, vector<1x16xf32>,
        %get3A_566 = vector.shape_cast %get3A_565 : vector<1x16xf32> to vector<16xf32>
        %get3A_567 = arith.index_cast %add3A_548 : i32 to index
        %get3A_568 = arith.constant 16 : index
        %get3A_569 = tpu.vector_load %arg17[%get3A_567, %get3A_568] {strides = array<i32>} : memref<80x128xf32, #tpu.memory_space<vmem>>, vector<1x16xf32>,
        %get3A_570 = vector.shape_cast %get3A_569 : vector<1x16xf32> to vector<16xf32>
        %mul3A_571 = arith.mulf %get3A_566, %get3A_570 : vector<16xf32>
        %swap3A_572 = arith.index_cast %add3A_548 : i32 to index
        %swap3A_573 = arith.constant 16 : index
        %swap3A_574 = tpu.vector_load %arg15[%swap3A_572, %swap3A_573] {strides = array<i32>} : memref<80x128xf32, #tpu.memory_space<vmem>>, vector<1x16xf32>,
        %swap3A_575 = vector.shape_cast %swap3A_574 : vector<1x16xf32> to vector<16xf32>
        %swap3A_576 = vector.shape_cast %mul3A_571 : vector<16xf32> to vector<1x16xf32>
        tpu.vector_store %arg15[%swap3A_572, %swap3A_573], %swap3A_576 {strides = array<i32>} : memref<80x128xf32, #tpu.memory_space<vmem>>, vector<1x16xf32>,
        %get3A_577 = arith.index_cast %add3A_548 : i32 to index
        %get3A_578 = arith.constant 32 : index
        %get3A_579 = tpu.vector_load %arg15[%get3A_577, %get3A_578] {strides = array<i32>} : memref<80x128xf32, #tpu.memory_space<vmem>>, vector<1x16xf32>,
        %get3A_580 = vector.shape_cast %get3A_579 : vector<1x16xf32> to vector<16xf32>
        %get3A_581 = arith.index_cast %add3A_548 : i32 to index
        %get3A_582 = arith.constant 32 : index
        %get3A_583 = tpu.vector_load %arg17[%get3A_581, %get3A_582] {strides = array<i32>} : memref<80x128xf32, #tpu.memory_space<vmem>>, vector<1x16xf32>,
        %get3A_584 = vector.shape_cast %get3A_583 : vector<1x16xf32> to vector<16xf32>
        %mul3A_585 = arith.mulf %get3A_580, %get3A_584 : vector<16xf32>
        %swap3A_586 = arith.index_cast %add3A_548 : i32 to index
        %swap3A_587 = arith.constant 32 : index
        %swap3A_588 = tpu.vector_load %arg15[%swap3A_586, %swap3A_587] {strides = array<i32>} : memref<80x128xf32, #tpu.memory_space<vmem>>, vector<1x16xf32>,
        %swap3A_589 = vector.shape_cast %swap3A_588 : vector<1x16xf32> to vector<16xf32>
        %swap3A_590 = vector.shape_cast %mul3A_585 : vector<16xf32> to vector<1x16xf32>
        tpu.vector_store %arg15[%swap3A_586, %swap3A_587], %swap3A_590 {strides = array<i32>} : memref<80x128xf32, #tpu.memory_space<vmem>>, vector<1x16xf32>,
        %get3A_591 = arith.index_cast %add3A_548 : i32 to index
        %get3A_592 = arith.constant 48 : index
        %get3A_593 = tpu.vector_load %arg15[%get3A_591, %get3A_592] {strides = array<i32>} : memref<80x128xf32, #tpu.memory_space<vmem>>, vector<1x16xf32>,
        %get3A_594 = vector.shape_cast %get3A_593 : vector<1x16xf32> to vector<16xf32>
        %get3A_595 = arith.index_cast %add3A_548 : i32 to index
        %get3A_596 = arith.constant 48 : index
        %get3A_597 = tpu.vector_load %arg17[%get3A_595, %get3A_596] {strides = array<i32>} : memref<80x128xf32, #tpu.memory_space<vmem>>, vector<1x16xf32>,
        %get3A_598 = vector.shape_cast %get3A_597 : vector<1x16xf32> to vector<16xf32>
        %mul3A_599 = arith.mulf %get3A_594, %get3A_598 : vector<16xf32>
        %swap3A_600 = arith.index_cast %add3A_548 : i32 to index
        %swap3A_601 = arith.constant 48 : index
        %swap3A_602 = tpu.vector_load %arg15[%swap3A_600, %swap3A_601] {strides = array<i32>} : memref<80x128xf32, #tpu.memory_space<vmem>>, vector<1x16xf32>,
        %swap3A_603 = vector.shape_cast %swap3A_602 : vector<1x16xf32> to vector<16xf32>
        %swap3A_604 = vector.shape_cast %mul3A_599 : vector<16xf32> to vector<1x16xf32>
        tpu.vector_store %arg15[%swap3A_600, %swap3A_601], %swap3A_604 {strides = array<i32>} : memref<80x128xf32, #tpu.memory_space<vmem>>, vector<1x16xf32>,
        %get3A_605 = arith.index_cast %add3A_548 : i32 to index
        %get3A_606 = arith.constant 64 : index
        %get3A_607 = tpu.vector_load %arg15[%get3A_605, %get3A_606] {strides = array<i32>} : memref<80x128xf32, #tpu.memory_space<vmem>>, vector<1x16xf32>,
        %get3A_608 = vector.shape_cast %get3A_607 : vector<1x16xf32> to vector<16xf32>
        %get3A_609 = arith.index_cast %add3A_548 : i32 to index
        %get3A_610 = arith.constant 64 : index
        %get3A_611 = tpu.vector_load %arg17[%get3A_609, %get3A_610] {strides = array<i32>} : memref<80x128xf32, #tpu.memory_space<vmem>>, vector<1x16xf32>,
        %get3A_612 = vector.shape_cast %get3A_611 : vector<1x16xf32> to vector<16xf32>
        %mul3A_613 = arith.mulf %get3A_608, %get3A_612 : vector<16xf32>
        %swap3A_614 = arith.index_cast %add3A_548 : i32 to index
        %swap3A_615 = arith.constant 64 : index
        %swap3A_616 = tpu.vector_load %arg15[%swap3A_614, %swap3A_615] {strides = array<i32>} : memref<80x128xf32, #tpu.memory_space<vmem>>, vector<1x16xf32>,
        %swap3A_617 = vector.shape_cast %swap3A_616 : vector<1x16xf32> to vector<16xf32>
        %swap3A_618 = vector.shape_cast %mul3A_613 : vector<16xf32> to vector<1x16xf32>
        tpu.vector_store %arg15[%swap3A_614, %swap3A_615], %swap3A_618 {strides = array<i32>} : memref<80x128xf32, #tpu.memory_space<vmem>>, vector<1x16xf32>,
        %get3A_619 = arith.index_cast %add3A_548 : i32 to index
        %get3A_620 = arith.constant 80 : index
        %get3A_621 = tpu.vector_load %arg15[%get3A_619, %get3A_620] {strides = array<i32>} : memref<80x128xf32, #tpu.memory_space<vmem>>, vector<1x16xf32>,
        %get3A_622 = vector.shape_cast %get3A_621 : vector<1x16xf32> to vector<16xf32>
        %get3A_623 = arith.index_cast %add3A_548 : i32 to index
        %get3A_624 = arith.constant 80 : index
        %get3A_625 = tpu.vector_load %arg17[%get3A_623, %get3A_624] {strides = array<i32>} : memref<80x128xf32, #tpu.memory_space<vmem>>, vector<1x16xf32>,
        %get3A_626 = vector.shape_cast %get3A_625 : vector<1x16xf32> to vector<16xf32>
        %mul3A_627 = arith.mulf %get3A_622, %get3A_626 : vector<16xf32>
        %swap3A_628 = arith.index_cast %add3A_548 : i32 to index
        %swap3A_629 = arith.constant 80 : index
        %swap3A_630 = tpu.vector_load %arg15[%swap3A_628, %swap3A_629] {strides = array<i32>} : memref<80x128xf32, #tpu.memory_space<vmem>>, vector<1x16xf32>,
        %swap3A_631 = vector.shape_cast %swap3A_630 : vector<1x16xf32> to vector<16xf32>
        %swap3A_632 = vector.shape_cast %mul3A_627 : vector<16xf32> to vector<1x16xf32>
        tpu.vector_store %arg15[%swap3A_628, %swap3A_629], %swap3A_632 {strides = array<i32>} : memref<80x128xf32, #tpu.memory_space<vmem>>, vector<1x16xf32>,
        %get3A_633 = arith.index_cast %add3A_548 : i32 to index
        %get3A_634 = arith.constant 96 : index
        %get3A_635 = tpu.vector_load %arg15[%get3A_633, %get3A_634] {strides = array<i32>} : memref<80x128xf32, #tpu.memory_space<vmem>>, vector<1x16xf32>,
        %get3A_636 = vector.shape_cast %get3A_635 : vector<1x16xf32> to vector<16xf32>
        %get3A_637 = arith.index_cast %add3A_548 : i32 to index
        %get3A_638 = arith.constant 96 : index
        %get3A_639 = tpu.vector_load %arg17[%get3A_637, %get3A_638] {strides = array<i32>} : memref<80x128xf32, #tpu.memory_space<vmem>>, vector<1x16xf32>,
        %get3A_640 = vector.shape_cast %get3A_639 : vector<1x16xf32> to vector<16xf32>
        %mul3A_641 = arith.mulf %get3A_636, %get3A_640 : vector<16xf32>
        %swap3A_642 = arith.index_cast %add3A_548 : i32 to index
        %swap3A_643 = arith.constant 96 : index
        %swap3A_644 = tpu.vector_load %arg15[%swap3A_642, %swap3A_643] {strides = array<i32>} : memref<80x128xf32, #tpu.memory_space<vmem>>, vector<1x16xf32>,
        %swap3A_645 = vector.shape_cast %swap3A_644 : vector<1x16xf32> to vector<16xf32>
        %swap3A_646 = vector.shape_cast %mul3A_641 : vector<16xf32> to vector<1x16xf32>
        tpu.vector_store %arg15[%swap3A_642, %swap3A_643], %swap3A_646 {strides = array<i32>} : memref<80x128xf32, #tpu.memory_space<vmem>>, vector<1x16xf32>,
        %get3A_647 = arith.index_cast %add3A_548 : i32 to index
        %get3A_648 = arith.constant 112 : index
        %get3A_649 = tpu.vector_load %arg15[%get3A_647, %get3A_648] {strides = array<i32>} : memref<80x128xf32, #tpu.memory_space<vmem>>, vector<1x16xf32>,
        %get3A_650 = vector.shape_cast %get3A_649 : vector<1x16xf32> to vector<16xf32>
        %get3A_651 = arith.index_cast %add3A_548 : i32 to index
        %get3A_652 = arith.constant 112 : index
        %get3A_653 = tpu.vector_load %arg17[%get3A_651, %get3A_652] {strides = array<i32>} : memref<80x128xf32, #tpu.memory_space<vmem>>, vector<1x16xf32>,
        %get3A_654 = vector.shape_cast %get3A_653 : vector<1x16xf32> to vector<16xf32>
        %mul3A_655 = arith.mulf %get3A_650, %get3A_654 : vector<16xf32>
        %swap3A_656 = arith.index_cast %add3A_548 : i32 to index
        %swap3A_657 = arith.constant 112 : index
        %swap3A_658 = tpu.vector_load %arg15[%swap3A_656, %swap3A_657] {strides = array<i32>} : memref<80x128xf32, #tpu.memory_space<vmem>>, vector<1x16xf32>,
        %swap3A_659 = vector.shape_cast %swap3A_658 : vector<1x16xf32> to vector<16xf32>
        %swap3A_660 = vector.shape_cast %mul3A_655 : vector<16xf32> to vector<1x16xf32>
        tpu.vector_store %arg15[%swap3A_656, %swap3A_657], %swap3A_660 {strides = array<i32>} : memref<80x128xf32, #tpu.memory_space<vmem>>, vector<1x16xf32>,
        %mul3A_661 = arith.constant 4 : i32
        %mul3A_662 = arith.muli %mul3A_661, %scan3A_314 : i32
        %add3A_663 = arith.constant 3 : i32
        %add3A_664 = arith.addi %mul3A_662, %add3A_663 : i32
        %get3A_665 = arith.index_cast %add3A_664 : i32 to index
        %get3A_666 = arith.constant 0 : index
        %get3A_667 = tpu.vector_load %arg15[%get3A_665, %get3A_666] {strides = array<i32>} : memref<80x128xf32, #tpu.memory_space<vmem>>, vector<1x16xf32>,
        %get3A_668 = vector.shape_cast %get3A_667 : vector<1x16xf32> to vector<16xf32>
        %get3A_669 = arith.index_cast %add3A_664 : i32 to index
        %get3A_670 = arith.constant 0 : index
        %get3A_671 = tpu.vector_load %arg17[%get3A_669, %get3A_670] {strides = array<i32>} : memref<80x128xf32, #tpu.memory_space<vmem>>, vector<1x16xf32>,
        %get3A_672 = vector.shape_cast %get3A_671 : vector<1x16xf32> to vector<16xf32>
        %mul3A_673 = arith.mulf %get3A_668, %get3A_672 : vector<16xf32>
        %swap3A_674 = arith.index_cast %add3A_664 : i32 to index
        %swap3A_675 = arith.constant 0 : index
        %swap3A_676 = tpu.vector_load %arg15[%swap3A_674, %swap3A_675] {strides = array<i32>} : memref<80x128xf32, #tpu.memory_space<vmem>>, vector<1x16xf32>,
        %swap3A_677 = vector.shape_cast %swap3A_676 : vector<1x16xf32> to vector<16xf32>
        %swap3A_678 = vector.shape_cast %mul3A_673 : vector<16xf32> to vector<1x16xf32>
        tpu.vector_store %arg15[%swap3A_674, %swap3A_675], %swap3A_678 {strides = array<i32>} : memref<80x128xf32, #tpu.memory_space<vmem>>, vector<1x16xf32>,
        %get3A_679 = arith.index_cast %add3A_664 : i32 to index
        %get3A_680 = arith.constant 16 : index
        %get3A_681 = tpu.vector_load %arg15[%get3A_679, %get3A_680] {strides = array<i32>} : memref<80x128xf32, #tpu.memory_space<vmem>>, vector<1x16xf32>,
        %get3A_682 = vector.shape_cast %get3A_681 : vector<1x16xf32> to vector<16xf32>
        %get3A_683 = arith.index_cast %add3A_664 : i32 to index
        %get3A_684 = arith.constant 16 : index
        %get3A_685 = tpu.vector_load %arg17[%get3A_683, %get3A_684] {strides = array<i32>} : memref<80x128xf32, #tpu.memory_space<vmem>>, vector<1x16xf32>,
        %get3A_686 = vector.shape_cast %get3A_685 : vector<1x16xf32> to vector<16xf32>
        %mul3A_687 = arith.mulf %get3A_682, %get3A_686 : vector<16xf32>
        %swap3A_688 = arith.index_cast %add3A_664 : i32 to index
        %swap3A_689 = arith.constant 16 : index
        %swap3A_690 = tpu.vector_load %arg15[%swap3A_688, %swap3A_689] {strides = array<i32>} : memref<80x128xf32, #tpu.memory_space<vmem>>, vector<1x16xf32>,
        %swap3A_691 = vector.shape_cast %swap3A_690 : vector<1x16xf32> to vector<16xf32>
        %swap3A_692 = vector.shape_cast %mul3A_687 : vector<16xf32> to vector<1x16xf32>
        tpu.vector_store %arg15[%swap3A_688, %swap3A_689], %swap3A_692 {strides = array<i32>} : memref<80x128xf32, #tpu.memory_space<vmem>>, vector<1x16xf32>,
        %get3A_693 = arith.index_cast %add3A_664 : i32 to index
        %get3A_694 = arith.constant 32 : index
        %get3A_695 = tpu.vector_load %arg15[%get3A_693, %get3A_694] {strides = array<i32>} : memref<80x128xf32, #tpu.memory_space<vmem>>, vector<1x16xf32>,
        %get3A_696 = vector.shape_cast %get3A_695 : vector<1x16xf32> to vector<16xf32>
        %get3A_697 = arith.index_cast %add3A_664 : i32 to index
        %get3A_698 = arith.constant 32 : index
        %get3A_699 = tpu.vector_load %arg17[%get3A_697, %get3A_698] {strides = array<i32>} : memref<80x128xf32, #tpu.memory_space<vmem>>, vector<1x16xf32>,
        %get3A_700 = vector.shape_cast %get3A_699 : vector<1x16xf32> to vector<16xf32>
        %mul3A_701 = arith.mulf %get3A_696, %get3A_700 : vector<16xf32>
        %swap3A_702 = arith.index_cast %add3A_664 : i32 to index
        %swap3A_703 = arith.constant 32 : index
        %swap3A_704 = tpu.vector_load %arg15[%swap3A_702, %swap3A_703] {strides = array<i32>} : memref<80x128xf32, #tpu.memory_space<vmem>>, vector<1x16xf32>,
        %swap3A_705 = vector.shape_cast %swap3A_704 : vector<1x16xf32> to vector<16xf32>
        %swap3A_706 = vector.shape_cast %mul3A_701 : vector<16xf32> to vector<1x16xf32>
        tpu.vector_store %arg15[%swap3A_702, %swap3A_703], %swap3A_706 {strides = array<i32>} : memref<80x128xf32, #tpu.memory_space<vmem>>, vector<1x16xf32>,
        %get3A_707 = arith.index_cast %add3A_664 : i32 to index
        %get3A_708 = arith.constant 48 : index
        %get3A_709 = tpu.vector_load %arg15[%get3A_707, %get3A_708] {strides = array<i32>} : memref<80x128xf32, #tpu.memory_space<vmem>>, vector<1x16xf32>,
        %get3A_710 = vector.shape_cast %get3A_709 : vector<1x16xf32> to vector<16xf32>
        %get3A_711 = arith.index_cast %add3A_664 : i32 to index
        %get3A_712 = arith.constant 48 : index
        %get3A_713 = tpu.vector_load %arg17[%get3A_711, %get3A_712] {strides = array<i32>} : memref<80x128xf32, #tpu.memory_space<vmem>>, vector<1x16xf32>,
        %get3A_714 = vector.shape_cast %get3A_713 : vector<1x16xf32> to vector<16xf32>
        %mul3A_715 = arith.mulf %get3A_710, %get3A_714 : vector<16xf32>
        %swap3A_716 = arith.index_cast %add3A_664 : i32 to index
        %swap3A_717 = arith.constant 48 : index
        %swap3A_718 = tpu.vector_load %arg15[%swap3A_716, %swap3A_717] {strides = array<i32>} : memref<80x128xf32, #tpu.memory_space<vmem>>, vector<1x16xf32>,
        %swap3A_719 = vector.shape_cast %swap3A_718 : vector<1x16xf32> to vector<16xf32>
        %swap3A_720 = vector.shape_cast %mul3A_715 : vector<16xf32> to vector<1x16xf32>
        tpu.vector_store %arg15[%swap3A_716, %swap3A_717], %swap3A_720 {strides = array<i32>} : memref<80x128xf32, #tpu.memory_space<vmem>>, vector<1x16xf32>,
        %get3A_721 = arith.index_cast %add3A_664 : i32 to index
        %get3A_722 = arith.constant 64 : index
        %get3A_723 = tpu.vector_load %arg15[%get3A_721, %get3A_722] {strides = array<i32>} : memref<80x128xf32, #tpu.memory_space<vmem>>, vector<1x16xf32>,
        %get3A_724 = vector.shape_cast %get3A_723 : vector<1x16xf32> to vector<16xf32>
        %get3A_725 = arith.index_cast %add3A_664 : i32 to index
        %get3A_726 = arith.constant 64 : index
        %get3A_727 = tpu.vector_load %arg17[%get3A_725, %get3A_726] {strides = array<i32>} : memref<80x128xf32, #tpu.memory_space<vmem>>, vector<1x16xf32>,
        %get3A_728 = vector.shape_cast %get3A_727 : vector<1x16xf32> to vector<16xf32>
        %mul3A_729 = arith.mulf %get3A_724, %get3A_728 : vector<16xf32>
        %swap3A_730 = arith.index_cast %add3A_664 : i32 to index
        %swap3A_731 = arith.constant 64 : index
        %swap3A_732 = tpu.vector_load %arg15[%swap3A_730, %swap3A_731] {strides = array<i32>} : memref<80x128xf32, #tpu.memory_space<vmem>>, vector<1x16xf32>,
        %swap3A_733 = vector.shape_cast %swap3A_732 : vector<1x16xf32> to vector<16xf32>
        %swap3A_734 = vector.shape_cast %mul3A_729 : vector<16xf32> to vector<1x16xf32>
        tpu.vector_store %arg15[%swap3A_730, %swap3A_731], %swap3A_734 {strides = array<i32>} : memref<80x128xf32, #tpu.memory_space<vmem>>, vector<1x16xf32>,
        %get3A_735 = arith.index_cast %add3A_664 : i32 to index
        %get3A_736 = arith.constant 80 : index
        %get3A_737 = tpu.vector_load %arg15[%get3A_735, %get3A_736] {strides = array<i32>} : memref<80x128xf32, #tpu.memory_space<vmem>>, vector<1x16xf32>,
        %get3A_738 = vector.shape_cast %get3A_737 : vector<1x16xf32> to vector<16xf32>
        %get3A_739 = arith.index_cast %add3A_664 : i32 to index
        %get3A_740 = arith.constant 80 : index
        %get3A_741 = tpu.vector_load %arg17[%get3A_739, %get3A_740] {strides = array<i32>} : memref<80x128xf32, #tpu.memory_space<vmem>>, vector<1x16xf32>,
        %get3A_742 = vector.shape_cast %get3A_741 : vector<1x16xf32> to vector<16xf32>
        %mul3A_743 = arith.mulf %get3A_738, %get3A_742 : vector<16xf32>
        %swap3A_744 = arith.index_cast %add3A_664 : i32 to index
        %swap3A_745 = arith.constant 80 : index
        %swap3A_746 = tpu.vector_load %arg15[%swap3A_744, %swap3A_745] {strides = array<i32>} : memref<80x128xf32, #tpu.memory_space<vmem>>, vector<1x16xf32>,
        %swap3A_747 = vector.shape_cast %swap3A_746 : vector<1x16xf32> to vector<16xf32>
        %swap3A_748 = vector.shape_cast %mul3A_743 : vector<16xf32> to vector<1x16xf32>
        tpu.vector_store %arg15[%swap3A_744, %swap3A_745], %swap3A_748 {strides = array<i32>} : memref<80x128xf32, #tpu.memory_space<vmem>>, vector<1x16xf32>,
        %get3A_749 = arith.index_cast %add3A_664 : i32 to index
        %get3A_750 = arith.constant 96 : index
        %get3A_751 = tpu.vector_load %arg15[%get3A_749, %get3A_750] {strides = array<i32>} : memref<80x128xf32, #tpu.memory_space<vmem>>, vector<1x16xf32>,
        %get3A_752 = vector.shape_cast %get3A_751 : vector<1x16xf32> to vector<16xf32>
        %get3A_753 = arith.index_cast %add3A_664 : i32 to index
        %get3A_754 = arith.constant 96 : index
        %get3A_755 = tpu.vector_load %arg17[%get3A_753, %get3A_754] {strides = array<i32>} : memref<80x128xf32, #tpu.memory_space<vmem>>, vector<1x16xf32>,
        %get3A_756 = vector.shape_cast %get3A_755 : vector<1x16xf32> to vector<16xf32>
        %mul3A_757 = arith.mulf %get3A_752, %get3A_756 : vector<16xf32>
        %swap3A_758 = arith.index_cast %add3A_664 : i32 to index
        %swap3A_759 = arith.constant 96 : index
        %swap3A_760 = tpu.vector_load %arg15[%swap3A_758, %swap3A_759] {strides = array<i32>} : memref<80x128xf32, #tpu.memory_space<vmem>>, vector<1x16xf32>,
        %swap3A_761 = vector.shape_cast %swap3A_760 : vector<1x16xf32> to vector<16xf32>
        %swap3A_762 = vector.shape_cast %mul3A_757 : vector<16xf32> to vector<1x16xf32>
        tpu.vector_store %arg15[%swap3A_758, %swap3A_759], %swap3A_762 {strides = array<i32>} : memref<80x128xf32, #tpu.memory_space<vmem>>, vector<1x16xf32>,
        %get3A_763 = arith.index_cast %add3A_664 : i32 to index
        %get3A_764 = arith.constant 112 : index
        %get3A_765 = tpu.vector_load %arg15[%get3A_763, %get3A_764] {strides = array<i32>} : memref<80x128xf32, #tpu.memory_space<vmem>>, vector<1x16xf32>,
        %get3A_766 = vector.shape_cast %get3A_765 : vector<1x16xf32> to vector<16xf32>
        %get3A_767 = arith.index_cast %add3A_664 : i32 to index
        %get3A_768 = arith.constant 112 : index
        %get3A_769 = tpu.vector_load %arg17[%get3A_767, %get3A_768] {strides = array<i32>} : memref<80x128xf32, #tpu.memory_space<vmem>>, vector<1x16xf32>,
        %get3A_770 = vector.shape_cast %get3A_769 : vector<1x16xf32> to vector<16xf32>
        %mul3A_771 = arith.mulf %get3A_766, %get3A_770 : vector<16xf32>
        %swap3A_772 = arith.index_cast %add3A_664 : i32 to index
        %swap3A_773 = arith.constant 112 : index
        %swap3A_774 = tpu.vector_load %arg15[%swap3A_772, %swap3A_773] {strides = array<i32>} : memref<80x128xf32, #tpu.memory_space<vmem>>, vector<1x16xf32>,
        %swap3A_775 = vector.shape_cast %swap3A_774 : vector<1x16xf32> to vector<16xf32>
        %swap3A_776 = vector.shape_cast %mul3A_771 : vector<16xf32> to vector<1x16xf32>
        tpu.vector_store %arg15[%swap3A_772, %swap3A_773], %swap3A_776 {strides = array<i32>} : memref<80x128xf32, #tpu.memory_space<vmem>>, vector<1x16xf32>,
      }
      %scan3A_266 = arith.constant 20 : i32
      %dma_start3A_267 = arith.constant 0 : i32
      %dma_start3A_268 = arith.constant 0 : i32
      %dma_start3A_269 = tpu.memref_slice %arg19[%dma_start3A_267, %dma_start3A_268] : memref<10240x128xf32, #tpu.memory_space<vmem_shared>> -> memref<10240x128xf32, #tpu.memory_space<vmem_shared>>
      tpu.enqueue_indirect_dma source(%arg15 : memref<80x128xf32, #tpu.memory_space<vmem>>) target(%dma_start3A_269 : memref<10240x128xf32, #tpu.memory_space<vmem_shared>>) offsets(%arg13 : memref<80xi32, #tpu.memory_space<vmem>>) semaphore(%arg24 : memref<!tpu.dma_semaphore, #tpu.memory_space<semaphore_mem>>) {add = true}
      %mul3A_270 = arith.constant 4 : i32
      %mul3A_271 = arith.muli %mul3A_270, %scan3A_142 : i32
      %add3A_272 = arith.constant 3 : i32
      %add3A_273 = arith.addi %mul3A_271, %add3A_272 : i32
      %ge3A_274 = arith.constant 1 : i32
      %ge3A_275 = arith.cmpi sge, %add3A_273, %ge3A_274 : i32
      %convert_element_type3A_276 = arith.extui %ge3A_275 : i1 to i32
      %cond3A_277 = arith.constant 0 : i32
      %cond3A_278 = arith.cmpi ne, %convert_element_type3A_276, %cond3A_277 : i32
      scf.if %cond3A_278 {
        %sub3A_314 = arith.constant 1 : i32
        %sub3A_315 = arith.subi %add3A_273, %sub3A_314 : i32
        %dma_wait3A_316 = arith.constant 0 : i32
        %dma_wait3A_317 = arith.constant 0 : i32
        %dma_wait3A_318 = tpu.memref_slice %arg19[%dma_wait3A_316, %dma_wait3A_317] : memref<10240x128xf32, #tpu.memory_space<vmem_shared>> -> memref<10240x128xf32, #tpu.memory_space<vmem_shared>>
        tpu.wait_indirect_dma semaphore(%arg24 : memref<!tpu.dma_semaphore, #tpu.memory_space<semaphore_mem>>) src(%arg15 : memref<80x128xf32, #tpu.memory_space<vmem>>) dst(%dma_wait3A_318 : memref<10240x128xf32, #tpu.memory_space<vmem_shared>>)
      } else {
      }
      %add3A_279 = arith.constant 4 : i32
      %add3A_280 = arith.addi %add3A_273, %add3A_279 : i32
      %sub3A_281 = arith.constant 1 : i32
      %sub3A_282 = arith.subi %add3A_280, %sub3A_281 : i32
      %lt3A_283 = arith.constant 125 : i32
      %lt3A_284 = arith.cmpi slt, %sub3A_282, %lt3A_283 : i32
      %convert_element_type3A_285 = arith.extui %lt3A_284 : i1 to i32
      %cond3A_286 = arith.constant 0 : i32
      %cond3A_287 = arith.cmpi ne, %convert_element_type3A_285, %cond3A_286 : i32
      scf.if %cond3A_287 {
        %add3A_314 = arith.constant 4 : i32
        %add3A_315 = arith.addi %add3A_273, %add3A_314 : i32
        %sub3A_316 = arith.constant 1 : i32
        %sub3A_317 = arith.subi %add3A_315, %sub3A_316 : i32
        %mul3A_318 = arith.constant 80 : i32
        %mul3A_319 = arith.muli %sub3A_317, %mul3A_318 : i32
        %add3A_320 = arith.addi %mul3A_39, %mul3A_319 : i32
        %dma_start3A_321 = tpu.memref_slice %arg4[%add3A_320] : memref<320000xi32, #tpu.memory_space<hbm>> -> memref<80xi32, #tpu.memory_space<hbm>>
        %dma_start3A_322 = tpu.memref_slice %arg4[%add3A_320] : memref<320000xi32, #tpu.memory_space<hbm>> -> memref<80xi32, #tpu.memory_space<hbm>>
        tpu.enqueue_dma source(%dma_start3A_322 : memref<80xi32, #tpu.memory_space<hbm>>) target(%arg9 : memref<80xi32, #tpu.memory_space<vmem>>) target_semaphore(%arg27 : memref<!tpu.dma_semaphore, #tpu.memory_space<semaphore_mem>>)
        %add3A_323 = arith.constant 4 : i32
        %add3A_324 = arith.addi %add3A_273, %add3A_323 : i32
        %sub3A_325 = arith.constant 1 : i32
        %sub3A_326 = arith.subi %add3A_324, %sub3A_325 : i32
        %mul3A_327 = arith.constant 80 : i32
        %mul3A_328 = arith.muli %sub3A_326, %mul3A_327 : i32
        %add3A_329 = arith.addi %mul3A_39, %mul3A_328 : i32
        %dma_start3A_330 = tpu.memref_slice %arg5[%add3A_329] : memref<320000xi32, #tpu.memory_space<hbm>> -> memref<80xi32, #tpu.memory_space<hbm>>
        %dma_start3A_331 = tpu.memref_slice %arg5[%add3A_329] : memref<320000xi32, #tpu.memory_space<hbm>> -> memref<80xi32, #tpu.memory_space<hbm>>
        tpu.enqueue_dma source(%dma_start3A_331 : memref<80xi32, #tpu.memory_space<hbm>>) target(%arg13 : memref<80xi32, #tpu.memory_space<vmem>>) target_semaphore(%arg27 : memref<!tpu.dma_semaphore, #tpu.memory_space<semaphore_mem>>)
      } else {
      }
      %add3A_288 = arith.constant 1 : i32
      %add3A_289 = arith.addi %add3A_273, %add3A_288 : i32
      %lt3A_290 = arith.constant 125 : i32
      %lt3A_291 = arith.cmpi slt, %add3A_289, %lt3A_290 : i32
      %convert_element_type3A_292 = arith.extui %lt3A_291 : i1 to i32
      %cond3A_293 = arith.constant 0 : i32
      %cond3A_294 = arith.cmpi ne, %convert_element_type3A_292, %cond3A_293 : i32
      scf.if %cond3A_294 {
        %add3A_314 = arith.constant 1 : i32
        %add3A_315 = arith.addi %add3A_273, %add3A_314 : i32
        %mul3A_316 = arith.constant 80 : i32
        %mul3A_317 = arith.muli %add3A_315, %mul3A_316 : i32
        %add3A_318 = arith.addi %mul3A_39, %mul3A_317 : i32
        %dma_wait3A_319 = tpu.memref_slice %arg4[%add3A_318] : memref<320000xi32, #tpu.memory_space<hbm>> -> memref<80xi32, #tpu.memory_space<hbm>>
        %dma_wait3A_320 = tpu.memref_slice %arg4[%add3A_318] : memref<320000xi32, #tpu.memory_space<hbm>> -> memref<80xi32, #tpu.memory_space<hbm>>
        tpu.wait_dma2 semaphore(%arg25 : memref<!tpu.dma_semaphore, #tpu.memory_space<semaphore_mem>>) src(%dma_wait3A_320 : memref<80xi32, #tpu.memory_space<hbm>>) dst(%arg7 : memref<80xi32, #tpu.memory_space<vmem>>)
        %add3A_321 = arith.constant 1 : i32
        %add3A_322 = arith.addi %add3A_273, %add3A_321 : i32
        %mul3A_323 = arith.constant 80 : i32
        %mul3A_324 = arith.muli %add3A_322, %mul3A_323 : i32
        %add3A_325 = arith.addi %mul3A_39, %mul3A_324 : i32
        %dma_wait3A_326 = tpu.memref_slice %arg5[%add3A_325] : memref<320000xi32, #tpu.memory_space<hbm>> -> memref<80xi32, #tpu.memory_space<hbm>>
        %dma_wait3A_327 = tpu.memref_slice %arg5[%add3A_325] : memref<320000xi32, #tpu.memory_space<hbm>> -> memref<80xi32, #tpu.memory_space<hbm>>
        tpu.wait_dma2 semaphore(%arg25 : memref<!tpu.dma_semaphore, #tpu.memory_space<semaphore_mem>>) src(%dma_wait3A_327 : memref<80xi32, #tpu.memory_space<hbm>>) dst(%arg11 : memref<80xi32, #tpu.memory_space<vmem>>)
        %add3A_328 = arith.constant 1 : i32
        %add3A_329 = arith.addi %add3A_273, %add3A_328 : i32
        %dma_start3A_330 = arith.constant 0 : i32
        %dma_start3A_331 = arith.constant 0 : i32
        %dma_start3A_332 = tpu.memref_slice %arg2[%dma_start3A_330, %dma_start3A_331] : memref<10240x128xf32, #tpu.memory_space<hbm>> -> memref<10240x128xf32, #tpu.memory_space<hbm>>
        tpu.enqueue_indirect_dma source(%dma_start3A_332 : memref<10240x128xf32, #tpu.memory_space<hbm>>) target(%arg15 : memref<80x128xf32, #tpu.memory_space<vmem>>) offsets(%arg7 : memref<80xi32, #tpu.memory_space<vmem>>) semaphore(%arg20 : memref<!tpu.dma_semaphore, #tpu.memory_space<semaphore_mem>>)
        %add3A_333 = arith.constant 1 : i32
        %add3A_334 = arith.addi %add3A_273, %add3A_333 : i32
        %mul3A_335 = arith.constant 80 : i32
        %mul3A_336 = arith.muli %add3A_334, %mul3A_335 : i32
        %add3A_337 = arith.addi %mul3A_39, %mul3A_336 : i32
        %dma_start3A_338 = arith.constant 0 : i32
        %dma_start3A_339 = tpu.memref_slice %arg3[%add3A_337, %dma_start3A_338] : memref<320000x128xf32, #tpu.memory_space<hbm>> -> memref<80x128xf32, #tpu.memory_space<hbm>>
        %dma_start3A_340 = arith.constant 0 : i32
        %dma_start3A_341 = tpu.memref_slice %arg3[%add3A_337, %dma_start3A_340] : memref<320000x128xf32, #tpu.memory_space<hbm>> -> memref<80x128xf32, #tpu.memory_space<hbm>>
        tpu.enqueue_dma source(%dma_start3A_341 : memref<80x128xf32, #tpu.memory_space<hbm>>) target(%arg17 : memref<80x128xf32, #tpu.memory_space<vmem>>) target_semaphore(%arg22 : memref<!tpu.dma_semaphore, #tpu.memory_space<semaphore_mem>>)
      } else {
      }
      %dma_wait3A_295 = arith.constant 0 : i32
      %dma_wait3A_296 = arith.constant 0 : i32
      %dma_wait3A_297 = tpu.memref_slice %arg2[%dma_wait3A_295, %dma_wait3A_296] : memref<10240x128xf32, #tpu.memory_space<hbm>> -> memref<10240x128xf32, #tpu.memory_space<hbm>>
      tpu.wait_indirect_dma semaphore(%arg21 : memref<!tpu.dma_semaphore, #tpu.memory_space<semaphore_mem>>) src(%dma_wait3A_297 : memref<10240x128xf32, #tpu.memory_space<hbm>>) dst(%arg16 : memref<80x128xf32, #tpu.memory_space<vmem>>)
      %mul3A_298 = arith.constant 80 : i32
      %mul3A_299 = arith.muli %add3A_273, %mul3A_298 : i32
      %add3A_300 = arith.addi %mul3A_39, %mul3A_299 : i32
      %dma_wait3A_301 = arith.constant 0 : i32
      %dma_wait3A_302 = tpu.memref_slice %arg3[%add3A_300, %dma_wait3A_301] : memref<320000x128xf32, #tpu.memory_space<hbm>> -> memref<80x128xf32, #tpu.memory_space<hbm>>
      %dma_wait3A_303 = arith.constant 0 : i32
      %dma_wait3A_304 = tpu.memref_slice %arg3[%add3A_300, %dma_wait3A_303] : memref<320000x128xf32, #tpu.memory_space<hbm>> -> memref<80x128xf32, #tpu.memory_space<hbm>>
      tpu.wait_dma2 semaphore(%arg23 : memref<!tpu.dma_semaphore, #tpu.memory_space<semaphore_mem>>) src(%dma_wait3A_304 : memref<80x128xf32, #tpu.memory_space<hbm>>) dst(%arg18 : memref<80x128xf32, #tpu.memory_space<vmem>>)
      %scan3A_305 = arith.constant 0 : i32
      %scan3A_306 = arith.constant 0 : i32
      %scan3A_307 = arith.constant 20 : i32
      %scan3A_308 = arith.addi %scan3A_306, %scan3A_307 : i32
      %scan3A_309 = arith.constant 1 : i32
      scf.for %scan3A_314 = %scan3A_306 to %scan3A_308 step %scan3A_309  : i32 {
        %mul3A_315 = arith.constant 4 : i32
        %mul3A_316 = arith.muli %mul3A_315, %scan3A_314 : i32
        %add3A_317 = arith.constant 0 : i32
        %add3A_318 = arith.addi %mul3A_316, %add3A_317 : i32
        %get3A = arith.index_cast %add3A_318 : i32 to index
        %get3A_319 = arith.constant 0 : index
        %get3A_320 = tpu.vector_load %arg16[%get3A, %get3A_319] {strides = array<i32>} : memref<80x128xf32, #tpu.memory_space<vmem>>, vector<1x16xf32>,
        %get3A_321 = vector.shape_cast %get3A_320 : vector<1x16xf32> to vector<16xf32>
        %get3A_322 = arith.index_cast %add3A_318 : i32 to index
        %get3A_323 = arith.constant 0 : index
        %get3A_324 = tpu.vector_load %arg18[%get3A_322, %get3A_323] {strides = array<i32>} : memref<80x128xf32, #tpu.memory_space<vmem>>, vector<1x16xf32>,
        %get3A_325 = vector.shape_cast %get3A_324 : vector<1x16xf32> to vector<16xf32>
        %mul3A_326 = arith.mulf %get3A_321, %get3A_325 : vector<16xf32>
        %swap3A = arith.index_cast %add3A_318 : i32 to index
        %swap3A_327 = arith.constant 0 : index
        %swap3A_328 = tpu.vector_load %arg16[%swap3A, %swap3A_327] {strides = array<i32>} : memref<80x128xf32, #tpu.memory_space<vmem>>, vector<1x16xf32>,
        %swap3A_329 = vector.shape_cast %swap3A_328 : vector<1x16xf32> to vector<16xf32>
        %swap3A_330 = vector.shape_cast %mul3A_326 : vector<16xf32> to vector<1x16xf32>
        tpu.vector_store %arg16[%swap3A, %swap3A_327], %swap3A_330 {strides = array<i32>} : memref<80x128xf32, #tpu.memory_space<vmem>>, vector<1x16xf32>,
        %get3A_331 = arith.index_cast %add3A_318 : i32 to index
        %get3A_332 = arith.constant 16 : index
        %get3A_333 = tpu.vector_load %arg16[%get3A_331, %get3A_332] {strides = array<i32>} : memref<80x128xf32, #tpu.memory_space<vmem>>, vector<1x16xf32>,
        %get3A_334 = vector.shape_cast %get3A_333 : vector<1x16xf32> to vector<16xf32>
        %get3A_335 = arith.index_cast %add3A_318 : i32 to index
        %get3A_336 = arith.constant 16 : index
        %get3A_337 = tpu.vector_load %arg18[%get3A_335, %get3A_336] {strides = array<i32>} : memref<80x128xf32, #tpu.memory_space<vmem>>, vector<1x16xf32>,
        %get3A_338 = vector.shape_cast %get3A_337 : vector<1x16xf32> to vector<16xf32>
        %mul3A_339 = arith.mulf %get3A_334, %get3A_338 : vector<16xf32>
        %swap3A_340 = arith.index_cast %add3A_318 : i32 to index
        %swap3A_341 = arith.constant 16 : index
        %swap3A_342 = tpu.vector_load %arg16[%swap3A_340, %swap3A_341] {strides = array<i32>} : memref<80x128xf32, #tpu.memory_space<vmem>>, vector<1x16xf32>,
        %swap3A_343 = vector.shape_cast %swap3A_342 : vector<1x16xf32> to vector<16xf32>
        %swap3A_344 = vector.shape_cast %mul3A_339 : vector<16xf32> to vector<1x16xf32>
        tpu.vector_store %arg16[%swap3A_340, %swap3A_341], %swap3A_344 {strides = array<i32>} : memref<80x128xf32, #tpu.memory_space<vmem>>, vector<1x16xf32>,
        %get3A_345 = arith.index_cast %add3A_318 : i32 to index
        %get3A_346 = arith.constant 32 : index
        %get3A_347 = tpu.vector_load %arg16[%get3A_345, %get3A_346] {strides = array<i32>} : memref<80x128xf32, #tpu.memory_space<vmem>>, vector<1x16xf32>,
        %get3A_348 = vector.shape_cast %get3A_347 : vector<1x16xf32> to vector<16xf32>
        %get3A_349 = arith.index_cast %add3A_318 : i32 to index
        %get3A_350 = arith.constant 32 : index
        %get3A_351 = tpu.vector_load %arg18[%get3A_349, %get3A_350] {strides = array<i32>} : memref<80x128xf32, #tpu.memory_space<vmem>>, vector<1x16xf32>,
        %get3A_352 = vector.shape_cast %get3A_351 : vector<1x16xf32> to vector<16xf32>
        %mul3A_353 = arith.mulf %get3A_348, %get3A_352 : vector<16xf32>
        %swap3A_354 = arith.index_cast %add3A_318 : i32 to index
        %swap3A_355 = arith.constant 32 : index
        %swap3A_356 = tpu.vector_load %arg16[%swap3A_354, %swap3A_355] {strides = array<i32>} : memref<80x128xf32, #tpu.memory_space<vmem>>, vector<1x16xf32>,
        %swap3A_357 = vector.shape_cast %swap3A_356 : vector<1x16xf32> to vector<16xf32>
        %swap3A_358 = vector.shape_cast %mul3A_353 : vector<16xf32> to vector<1x16xf32>
        tpu.vector_store %arg16[%swap3A_354, %swap3A_355], %swap3A_358 {strides = array<i32>} : memref<80x128xf32, #tpu.memory_space<vmem>>, vector<1x16xf32>,
        %get3A_359 = arith.index_cast %add3A_318 : i32 to index
        %get3A_360 = arith.constant 48 : index
        %get3A_361 = tpu.vector_load %arg16[%get3A_359, %get3A_360] {strides = array<i32>} : memref<80x128xf32, #tpu.memory_space<vmem>>, vector<1x16xf32>,
        %get3A_362 = vector.shape_cast %get3A_361 : vector<1x16xf32> to vector<16xf32>
        %get3A_363 = arith.index_cast %add3A_318 : i32 to index
        %get3A_364 = arith.constant 48 : index
        %get3A_365 = tpu.vector_load %arg18[%get3A_363, %get3A_364] {strides = array<i32>} : memref<80x128xf32, #tpu.memory_space<vmem>>, vector<1x16xf32>,
        %get3A_366 = vector.shape_cast %get3A_365 : vector<1x16xf32> to vector<16xf32>
        %mul3A_367 = arith.mulf %get3A_362, %get3A_366 : vector<16xf32>
        %swap3A_368 = arith.index_cast %add3A_318 : i32 to index
        %swap3A_369 = arith.constant 48 : index
        %swap3A_370 = tpu.vector_load %arg16[%swap3A_368, %swap3A_369] {strides = array<i32>} : memref<80x128xf32, #tpu.memory_space<vmem>>, vector<1x16xf32>,
        %swap3A_371 = vector.shape_cast %swap3A_370 : vector<1x16xf32> to vector<16xf32>
        %swap3A_372 = vector.shape_cast %mul3A_367 : vector<16xf32> to vector<1x16xf32>
        tpu.vector_store %arg16[%swap3A_368, %swap3A_369], %swap3A_372 {strides = array<i32>} : memref<80x128xf32, #tpu.memory_space<vmem>>, vector<1x16xf32>,
        %get3A_373 = arith.index_cast %add3A_318 : i32 to index
        %get3A_374 = arith.constant 64 : index
        %get3A_375 = tpu.vector_load %arg16[%get3A_373, %get3A_374] {strides = array<i32>} : memref<80x128xf32, #tpu.memory_space<vmem>>, vector<1x16xf32>,
        %get3A_376 = vector.shape_cast %get3A_375 : vector<1x16xf32> to vector<16xf32>
        %get3A_377 = arith.index_cast %add3A_318 : i32 to index
        %get3A_378 = arith.constant 64 : index
        %get3A_379 = tpu.vector_load %arg18[%get3A_377, %get3A_378] {strides = array<i32>} : memref<80x128xf32, #tpu.memory_space<vmem>>, vector<1x16xf32>,
        %get3A_380 = vector.shape_cast %get3A_379 : vector<1x16xf32> to vector<16xf32>
        %mul3A_381 = arith.mulf %get3A_376, %get3A_380 : vector<16xf32>
        %swap3A_382 = arith.index_cast %add3A_318 : i32 to index
        %swap3A_383 = arith.constant 64 : index
        %swap3A_384 = tpu.vector_load %arg16[%swap3A_382, %swap3A_383] {strides = array<i32>} : memref<80x128xf32, #tpu.memory_space<vmem>>, vector<1x16xf32>,
        %swap3A_385 = vector.shape_cast %swap3A_384 : vector<1x16xf32> to vector<16xf32>
        %swap3A_386 = vector.shape_cast %mul3A_381 : vector<16xf32> to vector<1x16xf32>
        tpu.vector_store %arg16[%swap3A_382, %swap3A_383], %swap3A_386 {strides = array<i32>} : memref<80x128xf32, #tpu.memory_space<vmem>>, vector<1x16xf32>,
        %get3A_387 = arith.index_cast %add3A_318 : i32 to index
        %get3A_388 = arith.constant 80 : index
        %get3A_389 = tpu.vector_load %arg16[%get3A_387, %get3A_388] {strides = array<i32>} : memref<80x128xf32, #tpu.memory_space<vmem>>, vector<1x16xf32>,
        %get3A_390 = vector.shape_cast %get3A_389 : vector<1x16xf32> to vector<16xf32>
        %get3A_391 = arith.index_cast %add3A_318 : i32 to index
        %get3A_392 = arith.constant 80 : index
        %get3A_393 = tpu.vector_load %arg18[%get3A_391, %get3A_392] {strides = array<i32>} : memref<80x128xf32, #tpu.memory_space<vmem>>, vector<1x16xf32>,
        %get3A_394 = vector.shape_cast %get3A_393 : vector<1x16xf32> to vector<16xf32>
        %mul3A_395 = arith.mulf %get3A_390, %get3A_394 : vector<16xf32>
        %swap3A_396 = arith.index_cast %add3A_318 : i32 to index
        %swap3A_397 = arith.constant 80 : index
        %swap3A_398 = tpu.vector_load %arg16[%swap3A_396, %swap3A_397] {strides = array<i32>} : memref<80x128xf32, #tpu.memory_space<vmem>>, vector<1x16xf32>,
        %swap3A_399 = vector.shape_cast %swap3A_398 : vector<1x16xf32> to vector<16xf32>
        %swap3A_400 = vector.shape_cast %mul3A_395 : vector<16xf32> to vector<1x16xf32>
        tpu.vector_store %arg16[%swap3A_396, %swap3A_397], %swap3A_400 {strides = array<i32>} : memref<80x128xf32, #tpu.memory_space<vmem>>, vector<1x16xf32>,
        %get3A_401 = arith.index_cast %add3A_318 : i32 to index
        %get3A_402 = arith.constant 96 : index
        %get3A_403 = tpu.vector_load %arg16[%get3A_401, %get3A_402] {strides = array<i32>} : memref<80x128xf32, #tpu.memory_space<vmem>>, vector<1x16xf32>,
        %get3A_404 = vector.shape_cast %get3A_403 : vector<1x16xf32> to vector<16xf32>
        %get3A_405 = arith.index_cast %add3A_318 : i32 to index
        %get3A_406 = arith.constant 96 : index
        %get3A_407 = tpu.vector_load %arg18[%get3A_405, %get3A_406] {strides = array<i32>} : memref<80x128xf32, #tpu.memory_space<vmem>>, vector<1x16xf32>,
        %get3A_408 = vector.shape_cast %get3A_407 : vector<1x16xf32> to vector<16xf32>
        %mul3A_409 = arith.mulf %get3A_404, %get3A_408 : vector<16xf32>
        %swap3A_410 = arith.index_cast %add3A_318 : i32 to index
        %swap3A_411 = arith.constant 96 : index
        %swap3A_412 = tpu.vector_load %arg16[%swap3A_410, %swap3A_411] {strides = array<i32>} : memref<80x128xf32, #tpu.memory_space<vmem>>, vector<1x16xf32>,
        %swap3A_413 = vector.shape_cast %swap3A_412 : vector<1x16xf32> to vector<16xf32>
        %swap3A_414 = vector.shape_cast %mul3A_409 : vector<16xf32> to vector<1x16xf32>
        tpu.vector_store %arg16[%swap3A_410, %swap3A_411], %swap3A_414 {strides = array<i32>} : memref<80x128xf32, #tpu.memory_space<vmem>>, vector<1x16xf32>,
        %get3A_415 = arith.index_cast %add3A_318 : i32 to index
        %get3A_416 = arith.constant 112 : index
        %get3A_417 = tpu.vector_load %arg16[%get3A_415, %get3A_416] {strides = array<i32>} : memref<80x128xf32, #tpu.memory_space<vmem>>, vector<1x16xf32>,
        %get3A_418 = vector.shape_cast %get3A_417 : vector<1x16xf32> to vector<16xf32>
        %get3A_419 = arith.index_cast %add3A_318 : i32 to index
        %get3A_420 = arith.constant 112 : index
        %get3A_421 = tpu.vector_load %arg18[%get3A_419, %get3A_420] {strides = array<i32>} : memref<80x128xf32, #tpu.memory_space<vmem>>, vector<1x16xf32>,
        %get3A_422 = vector.shape_cast %get3A_421 : vector<1x16xf32> to vector<16xf32>
        %mul3A_423 = arith.mulf %get3A_418, %get3A_422 : vector<16xf32>
        %swap3A_424 = arith.index_cast %add3A_318 : i32 to index
        %swap3A_425 = arith.constant 112 : index
        %swap3A_426 = tpu.vector_load %arg16[%swap3A_424, %swap3A_425] {strides = array<i32>} : memref<80x128xf32, #tpu.memory_space<vmem>>, vector<1x16xf32>,
        %swap3A_427 = vector.shape_cast %swap3A_426 : vector<1x16xf32> to vector<16xf32>
        %swap3A_428 = vector.shape_cast %mul3A_423 : vector<16xf32> to vector<1x16xf32>
        tpu.vector_store %arg16[%swap3A_424, %swap3A_425], %swap3A_428 {strides = array<i32>} : memref<80x128xf32, #tpu.memory_space<vmem>>, vector<1x16xf32>,
        %mul3A_429 = arith.constant 4 : i32
        %mul3A_430 = arith.muli %mul3A_429, %scan3A_314 : i32
        %add3A_431 = arith.constant 1 : i32
        %add3A_432 = arith.addi %mul3A_430, %add3A_431 : i32
        %get3A_433 = arith.index_cast %add3A_432 : i32 to index
        %get3A_434 = arith.constant 0 : index
        %get3A_435 = tpu.vector_load %arg16[%get3A_433, %get3A_434] {strides = array<i32>} : memref<80x128xf32, #tpu.memory_space<vmem>>, vector<1x16xf32>,
        %get3A_436 = vector.shape_cast %get3A_435 : vector<1x16xf32> to vector<16xf32>
        %get3A_437 = arith.index_cast %add3A_432 : i32 to index
        %get3A_438 = arith.constant 0 : index
        %get3A_439 = tpu.vector_load %arg18[%get3A_437, %get3A_438] {strides = array<i32>} : memref<80x128xf32, #tpu.memory_space<vmem>>, vector<1x16xf32>,
        %get3A_440 = vector.shape_cast %get3A_439 : vector<1x16xf32> to vector<16xf32>
        %mul3A_441 = arith.mulf %get3A_436, %get3A_440 : vector<16xf32>
        %swap3A_442 = arith.index_cast %add3A_432 : i32 to index
        %swap3A_443 = arith.constant 0 : index
        %swap3A_444 = tpu.vector_load %arg16[%swap3A_442, %swap3A_443] {strides = array<i32>} : memref<80x128xf32, #tpu.memory_space<vmem>>, vector<1x16xf32>,
        %swap3A_445 = vector.shape_cast %swap3A_444 : vector<1x16xf32> to vector<16xf32>
        %swap3A_446 = vector.shape_cast %mul3A_441 : vector<16xf32> to vector<1x16xf32>
        tpu.vector_store %arg16[%swap3A_442, %swap3A_443], %swap3A_446 {strides = array<i32>} : memref<80x128xf32, #tpu.memory_space<vmem>>, vector<1x16xf32>,
        %get3A_447 = arith.index_cast %add3A_432 : i32 to index
        %get3A_448 = arith.constant 16 : index
        %get3A_449 = tpu.vector_load %arg16[%get3A_447, %get3A_448] {strides = array<i32>} : memref<80x128xf32, #tpu.memory_space<vmem>>, vector<1x16xf32>,
        %get3A_450 = vector.shape_cast %get3A_449 : vector<1x16xf32> to vector<16xf32>
        %get3A_451 = arith.index_cast %add3A_432 : i32 to index
        %get3A_452 = arith.constant 16 : index
        %get3A_453 = tpu.vector_load %arg18[%get3A_451, %get3A_452] {strides = array<i32>} : memref<80x128xf32, #tpu.memory_space<vmem>>, vector<1x16xf32>,
        %get3A_454 = vector.shape_cast %get3A_453 : vector<1x16xf32> to vector<16xf32>
        %mul3A_455 = arith.mulf %get3A_450, %get3A_454 : vector<16xf32>
        %swap3A_456 = arith.index_cast %add3A_432 : i32 to index
        %swap3A_457 = arith.constant 16 : index
        %swap3A_458 = tpu.vector_load %arg16[%swap3A_456, %swap3A_457] {strides = array<i32>} : memref<80x128xf32, #tpu.memory_space<vmem>>, vector<1x16xf32>,
        %swap3A_459 = vector.shape_cast %swap3A_458 : vector<1x16xf32> to vector<16xf32>
        %swap3A_460 = vector.shape_cast %mul3A_455 : vector<16xf32> to vector<1x16xf32>
        tpu.vector_store %arg16[%swap3A_456, %swap3A_457], %swap3A_460 {strides = array<i32>} : memref<80x128xf32, #tpu.memory_space<vmem>>, vector<1x16xf32>,
        %get3A_461 = arith.index_cast %add3A_432 : i32 to index
        %get3A_462 = arith.constant 32 : index
        %get3A_463 = tpu.vector_load %arg16[%get3A_461, %get3A_462] {strides = array<i32>} : memref<80x128xf32, #tpu.memory_space<vmem>>, vector<1x16xf32>,
        %get3A_464 = vector.shape_cast %get3A_463 : vector<1x16xf32> to vector<16xf32>
        %get3A_465 = arith.index_cast %add3A_432 : i32 to index
        %get3A_466 = arith.constant 32 : index
        %get3A_467 = tpu.vector_load %arg18[%get3A_465, %get3A_466] {strides = array<i32>} : memref<80x128xf32, #tpu.memory_space<vmem>>, vector<1x16xf32>,
        %get3A_468 = vector.shape_cast %get3A_467 : vector<1x16xf32> to vector<16xf32>
        %mul3A_469 = arith.mulf %get3A_464, %get3A_468 : vector<16xf32>
        %swap3A_470 = arith.index_cast %add3A_432 : i32 to index
        %swap3A_471 = arith.constant 32 : index
        %swap3A_472 = tpu.vector_load %arg16[%swap3A_470, %swap3A_471] {strides = array<i32>} : memref<80x128xf32, #tpu.memory_space<vmem>>, vector<1x16xf32>,
        %swap3A_473 = vector.shape_cast %swap3A_472 : vector<1x16xf32> to vector<16xf32>
        %swap3A_474 = vector.shape_cast %mul3A_469 : vector<16xf32> to vector<1x16xf32>
        tpu.vector_store %arg16[%swap3A_470, %swap3A_471], %swap3A_474 {strides = array<i32>} : memref<80x128xf32, #tpu.memory_space<vmem>>, vector<1x16xf32>,
        %get3A_475 = arith.index_cast %add3A_432 : i32 to index
        %get3A_476 = arith.constant 48 : index
        %get3A_477 = tpu.vector_load %arg16[%get3A_475, %get3A_476] {strides = array<i32>} : memref<80x128xf32, #tpu.memory_space<vmem>>, vector<1x16xf32>,
        %get3A_478 = vector.shape_cast %get3A_477 : vector<1x16xf32> to vector<16xf32>
        %get3A_479 = arith.index_cast %add3A_432 : i32 to index
        %get3A_480 = arith.constant 48 : index
        %get3A_481 = tpu.vector_load %arg18[%get3A_479, %get3A_480] {strides = array<i32>} : memref<80x128xf32, #tpu.memory_space<vmem>>, vector<1x16xf32>,
        %get3A_482 = vector.shape_cast %get3A_481 : vector<1x16xf32> to vector<16xf32>
        %mul3A_483 = arith.mulf %get3A_478, %get3A_482 : vector<16xf32>
        %swap3A_484 = arith.index_cast %add3A_432 : i32 to index
        %swap3A_485 = arith.constant 48 : index
        %swap3A_486 = tpu.vector_load %arg16[%swap3A_484, %swap3A_485] {strides = array<i32>} : memref<80x128xf32, #tpu.memory_space<vmem>>, vector<1x16xf32>,
        %swap3A_487 = vector.shape_cast %swap3A_486 : vector<1x16xf32> to vector<16xf32>
        %swap3A_488 = vector.shape_cast %mul3A_483 : vector<16xf32> to vector<1x16xf32>
        tpu.vector_store %arg16[%swap3A_484, %swap3A_485], %swap3A_488 {strides = array<i32>} : memref<80x128xf32, #tpu.memory_space<vmem>>, vector<1x16xf32>,
        %get3A_489 = arith.index_cast %add3A_432 : i32 to index
        %get3A_490 = arith.constant 64 : index
        %get3A_491 = tpu.vector_load %arg16[%get3A_489, %get3A_490] {strides = array<i32>} : memref<80x128xf32, #tpu.memory_space<vmem>>, vector<1x16xf32>,
        %get3A_492 = vector.shape_cast %get3A_491 : vector<1x16xf32> to vector<16xf32>
        %get3A_493 = arith.index_cast %add3A_432 : i32 to index
        %get3A_494 = arith.constant 64 : index
        %get3A_495 = tpu.vector_load %arg18[%get3A_493, %get3A_494] {strides = array<i32>} : memref<80x128xf32, #tpu.memory_space<vmem>>, vector<1x16xf32>,
        %get3A_496 = vector.shape_cast %get3A_495 : vector<1x16xf32> to vector<16xf32>
        %mul3A_497 = arith.mulf %get3A_492, %get3A_496 : vector<16xf32>
        %swap3A_498 = arith.index_cast %add3A_432 : i32 to index
        %swap3A_499 = arith.constant 64 : index
        %swap3A_500 = tpu.vector_load %arg16[%swap3A_498, %swap3A_499] {strides = array<i32>} : memref<80x128xf32, #tpu.memory_space<vmem>>, vector<1x16xf32>,
        %swap3A_501 = vector.shape_cast %swap3A_500 : vector<1x16xf32> to vector<16xf32>
        %swap3A_502 = vector.shape_cast %mul3A_497 : vector<16xf32> to vector<1x16xf32>
        tpu.vector_store %arg16[%swap3A_498, %swap3A_499], %swap3A_502 {strides = array<i32>} : memref<80x128xf32, #tpu.memory_space<vmem>>, vector<1x16xf32>,
        %get3A_503 = arith.index_cast %add3A_432 : i32 to index
        %get3A_504 = arith.constant 80 : index
        %get3A_505 = tpu.vector_load %arg16[%get3A_503, %get3A_504] {strides = array<i32>} : memref<80x128xf32, #tpu.memory_space<vmem>>, vector<1x16xf32>,
        %get3A_506 = vector.shape_cast %get3A_505 : vector<1x16xf32> to vector<16xf32>
        %get3A_507 = arith.index_cast %add3A_432 : i32 to index
        %get3A_508 = arith.constant 80 : index
        %get3A_509 = tpu.vector_load %arg18[%get3A_507, %get3A_508] {strides = array<i32>} : memref<80x128xf32, #tpu.memory_space<vmem>>, vector<1x16xf32>,
        %get3A_510 = vector.shape_cast %get3A_509 : vector<1x16xf32> to vector<16xf32>
        %mul3A_511 = arith.mulf %get3A_506, %get3A_510 : vector<16xf32>
        %swap3A_512 = arith.index_cast %add3A_432 : i32 to index
        %swap3A_513 = arith.constant 80 : index
        %swap3A_514 = tpu.vector_load %arg16[%swap3A_512, %swap3A_513] {strides = array<i32>} : memref<80x128xf32, #tpu.memory_space<vmem>>, vector<1x16xf32>,
        %swap3A_515 = vector.shape_cast %swap3A_514 : vector<1x16xf32> to vector<16xf32>
        %swap3A_516 = vector.shape_cast %mul3A_511 : vector<16xf32> to vector<1x16xf32>
        tpu.vector_store %arg16[%swap3A_512, %swap3A_513], %swap3A_516 {strides = array<i32>} : memref<80x128xf32, #tpu.memory_space<vmem>>, vector<1x16xf32>,
        %get3A_517 = arith.index_cast %add3A_432 : i32 to index
        %get3A_518 = arith.constant 96 : index
        %get3A_519 = tpu.vector_load %arg16[%get3A_517, %get3A_518] {strides = array<i32>} : memref<80x128xf32, #tpu.memory_space<vmem>>, vector<1x16xf32>,
        %get3A_520 = vector.shape_cast %get3A_519 : vector<1x16xf32> to vector<16xf32>
        %get3A_521 = arith.index_cast %add3A_432 : i32 to index
        %get3A_522 = arith.constant 96 : index
        %get3A_523 = tpu.vector_load %arg18[%get3A_521, %get3A_522] {strides = array<i32>} : memref<80x128xf32, #tpu.memory_space<vmem>>, vector<1x16xf32>,
        %get3A_524 = vector.shape_cast %get3A_523 : vector<1x16xf32> to vector<16xf32>
        %mul3A_525 = arith.mulf %get3A_520, %get3A_524 : vector<16xf32>
        %swap3A_526 = arith.index_cast %add3A_432 : i32 to index
        %swap3A_527 = arith.constant 96 : index
        %swap3A_528 = tpu.vector_load %arg16[%swap3A_526, %swap3A_527] {strides = array<i32>} : memref<80x128xf32, #tpu.memory_space<vmem>>, vector<1x16xf32>,
        %swap3A_529 = vector.shape_cast %swap3A_528 : vector<1x16xf32> to vector<16xf32>
        %swap3A_530 = vector.shape_cast %mul3A_525 : vector<16xf32> to vector<1x16xf32>
        tpu.vector_store %arg16[%swap3A_526, %swap3A_527], %swap3A_530 {strides = array<i32>} : memref<80x128xf32, #tpu.memory_space<vmem>>, vector<1x16xf32>,
        %get3A_531 = arith.index_cast %add3A_432 : i32 to index
        %get3A_532 = arith.constant 112 : index
        %get3A_533 = tpu.vector_load %arg16[%get3A_531, %get3A_532] {strides = array<i32>} : memref<80x128xf32, #tpu.memory_space<vmem>>, vector<1x16xf32>,
        %get3A_534 = vector.shape_cast %get3A_533 : vector<1x16xf32> to vector<16xf32>
        %get3A_535 = arith.index_cast %add3A_432 : i32 to index
        %get3A_536 = arith.constant 112 : index
        %get3A_537 = tpu.vector_load %arg18[%get3A_535, %get3A_536] {strides = array<i32>} : memref<80x128xf32, #tpu.memory_space<vmem>>, vector<1x16xf32>,
        %get3A_538 = vector.shape_cast %get3A_537 : vector<1x16xf32> to vector<16xf32>
        %mul3A_539 = arith.mulf %get3A_534, %get3A_538 : vector<16xf32>
        %swap3A_540 = arith.index_cast %add3A_432 : i32 to index
        %swap3A_541 = arith.constant 112 : index
        %swap3A_542 = tpu.vector_load %arg16[%swap3A_540, %swap3A_541] {strides = array<i32>} : memref<80x128xf32, #tpu.memory_space<vmem>>, vector<1x16xf32>,
        %swap3A_543 = vector.shape_cast %swap3A_542 : vector<1x16xf32> to vector<16xf32>
        %swap3A_544 = vector.shape_cast %mul3A_539 : vector<16xf32> to vector<1x16xf32>
        tpu.vector_store %arg16[%swap3A_540, %swap3A_541], %swap3A_544 {strides = array<i32>} : memref<80x128xf32, #tpu.memory_space<vmem>>, vector<1x16xf32>,
        %mul3A_545 = arith.constant 4 : i32
        %mul3A_546 = arith.muli %mul3A_545, %scan3A_314 : i32
        %add3A_547 = arith.constant 2 : i32
        %add3A_548 = arith.addi %mul3A_546, %add3A_547 : i32
        %get3A_549 = arith.index_cast %add3A_548 : i32 to index
        %get3A_550 = arith.constant 0 : index
        %get3A_551 = tpu.vector_load %arg16[%get3A_549, %get3A_550] {strides = array<i32>} : memref<80x128xf32, #tpu.memory_space<vmem>>, vector<1x16xf32>,
        %get3A_552 = vector.shape_cast %get3A_551 : vector<1x16xf32> to vector<16xf32>
        %get3A_553 = arith.index_cast %add3A_548 : i32 to index
        %get3A_554 = arith.constant 0 : index
        %get3A_555 = tpu.vector_load %arg18[%get3A_553, %get3A_554] {strides = array<i32>} : memref<80x128xf32, #tpu.memory_space<vmem>>, vector<1x16xf32>,
        %get3A_556 = vector.shape_cast %get3A_555 : vector<1x16xf32> to vector<16xf32>
        %mul3A_557 = arith.mulf %get3A_552, %get3A_556 : vector<16xf32>
        %swap3A_558 = arith.index_cast %add3A_548 : i32 to index
        %swap3A_559 = arith.constant 0 : index
        %swap3A_560 = tpu.vector_load %arg16[%swap3A_558, %swap3A_559] {strides = array<i32>} : memref<80x128xf32, #tpu.memory_space<vmem>>, vector<1x16xf32>,
        %swap3A_561 = vector.shape_cast %swap3A_560 : vector<1x16xf32> to vector<16xf32>
        %swap3A_562 = vector.shape_cast %mul3A_557 : vector<16xf32> to vector<1x16xf32>
        tpu.vector_store %arg16[%swap3A_558, %swap3A_559], %swap3A_562 {strides = array<i32>} : memref<80x128xf32, #tpu.memory_space<vmem>>, vector<1x16xf32>,
        %get3A_563 = arith.index_cast %add3A_548 : i32 to index
        %get3A_564 = arith.constant 16 : index
        %get3A_565 = tpu.vector_load %arg16[%get3A_563, %get3A_564] {strides = array<i32>} : memref<80x128xf32, #tpu.memory_space<vmem>>, vector<1x16xf32>,
        %get3A_566 = vector.shape_cast %get3A_565 : vector<1x16xf32> to vector<16xf32>
        %get3A_567 = arith.index_cast %add3A_548 : i32 to index
        %get3A_568 = arith.constant 16 : index
        %get3A_569 = tpu.vector_load %arg18[%get3A_567, %get3A_568] {strides = array<i32>} : memref<80x128xf32, #tpu.memory_space<vmem>>, vector<1x16xf32>,
        %get3A_570 = vector.shape_cast %get3A_569 : vector<1x16xf32> to vector<16xf32>
        %mul3A_571 = arith.mulf %get3A_566, %get3A_570 : vector<16xf32>
        %swap3A_572 = arith.index_cast %add3A_548 : i32 to index
        %swap3A_573 = arith.constant 16 : index
        %swap3A_574 = tpu.vector_load %arg16[%swap3A_572, %swap3A_573] {strides = array<i32>} : memref<80x128xf32, #tpu.memory_space<vmem>>, vector<1x16xf32>,
        %swap3A_575 = vector.shape_cast %swap3A_574 : vector<1x16xf32> to vector<16xf32>
        %swap3A_576 = vector.shape_cast %mul3A_571 : vector<16xf32> to vector<1x16xf32>
        tpu.vector_store %arg16[%swap3A_572, %swap3A_573], %swap3A_576 {strides = array<i32>} : memref<80x128xf32, #tpu.memory_space<vmem>>, vector<1x16xf32>,
        %get3A_577 = arith.index_cast %add3A_548 : i32 to index
        %get3A_578 = arith.constant 32 : index
        %get3A_579 = tpu.vector_load %arg16[%get3A_577, %get3A_578] {strides = array<i32>} : memref<80x128xf32, #tpu.memory_space<vmem>>, vector<1x16xf32>,
        %get3A_580 = vector.shape_cast %get3A_579 : vector<1x16xf32> to vector<16xf32>
        %get3A_581 = arith.index_cast %add3A_548 : i32 to index
        %get3A_582 = arith.constant 32 : index
        %get3A_583 = tpu.vector_load %arg18[%get3A_581, %get3A_582] {strides = array<i32>} : memref<80x128xf32, #tpu.memory_space<vmem>>, vector<1x16xf32>,
        %get3A_584 = vector.shape_cast %get3A_583 : vector<1x16xf32> to vector<16xf32>
        %mul3A_585 = arith.mulf %get3A_580, %get3A_584 : vector<16xf32>
        %swap3A_586 = arith.index_cast %add3A_548 : i32 to index
        %swap3A_587 = arith.constant 32 : index
        %swap3A_588 = tpu.vector_load %arg16[%swap3A_586, %swap3A_587] {strides = array<i32>} : memref<80x128xf32, #tpu.memory_space<vmem>>, vector<1x16xf32>,
        %swap3A_589 = vector.shape_cast %swap3A_588 : vector<1x16xf32> to vector<16xf32>
        %swap3A_590 = vector.shape_cast %mul3A_585 : vector<16xf32> to vector<1x16xf32>
        tpu.vector_store %arg16[%swap3A_586, %swap3A_587], %swap3A_590 {strides = array<i32>} : memref<80x128xf32, #tpu.memory_space<vmem>>, vector<1x16xf32>,
        %get3A_591 = arith.index_cast %add3A_548 : i32 to index
        %get3A_592 = arith.constant 48 : index
        %get3A_593 = tpu.vector_load %arg16[%get3A_591, %get3A_592] {strides = array<i32>} : memref<80x128xf32, #tpu.memory_space<vmem>>, vector<1x16xf32>,
        %get3A_594 = vector.shape_cast %get3A_593 : vector<1x16xf32> to vector<16xf32>
        %get3A_595 = arith.index_cast %add3A_548 : i32 to index
        %get3A_596 = arith.constant 48 : index
        %get3A_597 = tpu.vector_load %arg18[%get3A_595, %get3A_596] {strides = array<i32>} : memref<80x128xf32, #tpu.memory_space<vmem>>, vector<1x16xf32>,
        %get3A_598 = vector.shape_cast %get3A_597 : vector<1x16xf32> to vector<16xf32>
        %mul3A_599 = arith.mulf %get3A_594, %get3A_598 : vector<16xf32>
        %swap3A_600 = arith.index_cast %add3A_548 : i32 to index
        %swap3A_601 = arith.constant 48 : index
        %swap3A_602 = tpu.vector_load %arg16[%swap3A_600, %swap3A_601] {strides = array<i32>} : memref<80x128xf32, #tpu.memory_space<vmem>>, vector<1x16xf32>,
        %swap3A_603 = vector.shape_cast %swap3A_602 : vector<1x16xf32> to vector<16xf32>
        %swap3A_604 = vector.shape_cast %mul3A_599 : vector<16xf32> to vector<1x16xf32>
        tpu.vector_store %arg16[%swap3A_600, %swap3A_601], %swap3A_604 {strides = array<i32>} : memref<80x128xf32, #tpu.memory_space<vmem>>, vector<1x16xf32>,
        %get3A_605 = arith.index_cast %add3A_548 : i32 to index
        %get3A_606 = arith.constant 64 : index
        %get3A_607 = tpu.vector_load %arg16[%get3A_605, %get3A_606] {strides = array<i32>} : memref<80x128xf32, #tpu.memory_space<vmem>>, vector<1x16xf32>,
        %get3A_608 = vector.shape_cast %get3A_607 : vector<1x16xf32> to vector<16xf32>
        %get3A_609 = arith.index_cast %add3A_548 : i32 to index
        %get3A_610 = arith.constant 64 : index
        %get3A_611 = tpu.vector_load %arg18[%get3A_609, %get3A_610] {strides = array<i32>} : memref<80x128xf32, #tpu.memory_space<vmem>>, vector<1x16xf32>,
        %get3A_612 = vector.shape_cast %get3A_611 : vector<1x16xf32> to vector<16xf32>
        %mul3A_613 = arith.mulf %get3A_608, %get3A_612 : vector<16xf32>
        %swap3A_614 = arith.index_cast %add3A_548 : i32 to index
        %swap3A_615 = arith.constant 64 : index
        %swap3A_616 = tpu.vector_load %arg16[%swap3A_614, %swap3A_615] {strides = array<i32>} : memref<80x128xf32, #tpu.memory_space<vmem>>, vector<1x16xf32>,
        %swap3A_617 = vector.shape_cast %swap3A_616 : vector<1x16xf32> to vector<16xf32>
        %swap3A_618 = vector.shape_cast %mul3A_613 : vector<16xf32> to vector<1x16xf32>
        tpu.vector_store %arg16[%swap3A_614, %swap3A_615], %swap3A_618 {strides = array<i32>} : memref<80x128xf32, #tpu.memory_space<vmem>>, vector<1x16xf32>,
        %get3A_619 = arith.index_cast %add3A_548 : i32 to index
        %get3A_620 = arith.constant 80 : index
        %get3A_621 = tpu.vector_load %arg16[%get3A_619, %get3A_620] {strides = array<i32>} : memref<80x128xf32, #tpu.memory_space<vmem>>, vector<1x16xf32>,
        %get3A_622 = vector.shape_cast %get3A_621 : vector<1x16xf32> to vector<16xf32>
        %get3A_623 = arith.index_cast %add3A_548 : i32 to index
        %get3A_624 = arith.constant 80 : index
        %get3A_625 = tpu.vector_load %arg18[%get3A_623, %get3A_624] {strides = array<i32>} : memref<80x128xf32, #tpu.memory_space<vmem>>, vector<1x16xf32>,
        %get3A_626 = vector.shape_cast %get3A_625 : vector<1x16xf32> to vector<16xf32>
        %mul3A_627 = arith.mulf %get3A_622, %get3A_626 : vector<16xf32>
        %swap3A_628 = arith.index_cast %add3A_548 : i32 to index
        %swap3A_629 = arith.constant 80 : index
        %swap3A_630 = tpu.vector_load %arg16[%swap3A_628, %swap3A_629] {strides = array<i32>} : memref<80x128xf32, #tpu.memory_space<vmem>>, vector<1x16xf32>,
        %swap3A_631 = vector.shape_cast %swap3A_630 : vector<1x16xf32> to vector<16xf32>
        %swap3A_632 = vector.shape_cast %mul3A_627 : vector<16xf32> to vector<1x16xf32>
        tpu.vector_store %arg16[%swap3A_628, %swap3A_629], %swap3A_632 {strides = array<i32>} : memref<80x128xf32, #tpu.memory_space<vmem>>, vector<1x16xf32>,
        %get3A_633 = arith.index_cast %add3A_548 : i32 to index
        %get3A_634 = arith.constant 96 : index
        %get3A_635 = tpu.vector_load %arg16[%get3A_633, %get3A_634] {strides = array<i32>} : memref<80x128xf32, #tpu.memory_space<vmem>>, vector<1x16xf32>,
        %get3A_636 = vector.shape_cast %get3A_635 : vector<1x16xf32> to vector<16xf32>
        %get3A_637 = arith.index_cast %add3A_548 : i32 to index
        %get3A_638 = arith.constant 96 : index
        %get3A_639 = tpu.vector_load %arg18[%get3A_637, %get3A_638] {strides = array<i32>} : memref<80x128xf32, #tpu.memory_space<vmem>>, vector<1x16xf32>,
        %get3A_640 = vector.shape_cast %get3A_639 : vector<1x16xf32> to vector<16xf32>
        %mul3A_641 = arith.mulf %get3A_636, %get3A_640 : vector<16xf32>
        %swap3A_642 = arith.index_cast %add3A_548 : i32 to index
        %swap3A_643 = arith.constant 96 : index
        %swap3A_644 = tpu.vector_load %arg16[%swap3A_642, %swap3A_643] {strides = array<i32>} : memref<80x128xf32, #tpu.memory_space<vmem>>, vector<1x16xf32>,
        %swap3A_645 = vector.shape_cast %swap3A_644 : vector<1x16xf32> to vector<16xf32>
        %swap3A_646 = vector.shape_cast %mul3A_641 : vector<16xf32> to vector<1x16xf32>
        tpu.vector_store %arg16[%swap3A_642, %swap3A_643], %swap3A_646 {strides = array<i32>} : memref<80x128xf32, #tpu.memory_space<vmem>>, vector<1x16xf32>,
        %get3A_647 = arith.index_cast %add3A_548 : i32 to index
        %get3A_648 = arith.constant 112 : index
        %get3A_649 = tpu.vector_load %arg16[%get3A_647, %get3A_648] {strides = array<i32>} : memref<80x128xf32, #tpu.memory_space<vmem>>, vector<1x16xf32>,
        %get3A_650 = vector.shape_cast %get3A_649 : vector<1x16xf32> to vector<16xf32>
        %get3A_651 = arith.index_cast %add3A_548 : i32 to index
        %get3A_652 = arith.constant 112 : index
        %get3A_653 = tpu.vector_load %arg18[%get3A_651, %get3A_652] {strides = array<i32>} : memref<80x128xf32, #tpu.memory_space<vmem>>, vector<1x16xf32>,
        %get3A_654 = vector.shape_cast %get3A_653 : vector<1x16xf32> to vector<16xf32>
        %mul3A_655 = arith.mulf %get3A_650, %get3A_654 : vector<16xf32>
        %swap3A_656 = arith.index_cast %add3A_548 : i32 to index
        %swap3A_657 = arith.constant 112 : index
        %swap3A_658 = tpu.vector_load %arg16[%swap3A_656, %swap3A_657] {strides = array<i32>} : memref<80x128xf32, #tpu.memory_space<vmem>>, vector<1x16xf32>,
        %swap3A_659 = vector.shape_cast %swap3A_658 : vector<1x16xf32> to vector<16xf32>
        %swap3A_660 = vector.shape_cast %mul3A_655 : vector<16xf32> to vector<1x16xf32>
        tpu.vector_store %arg16[%swap3A_656, %swap3A_657], %swap3A_660 {strides = array<i32>} : memref<80x128xf32, #tpu.memory_space<vmem>>, vector<1x16xf32>,
        %mul3A_661 = arith.constant 4 : i32
        %mul3A_662 = arith.muli %mul3A_661, %scan3A_314 : i32
        %add3A_663 = arith.constant 3 : i32
        %add3A_664 = arith.addi %mul3A_662, %add3A_663 : i32
        %get3A_665 = arith.index_cast %add3A_664 : i32 to index
        %get3A_666 = arith.constant 0 : index
        %get3A_667 = tpu.vector_load %arg16[%get3A_665, %get3A_666] {strides = array<i32>} : memref<80x128xf32, #tpu.memory_space<vmem>>, vector<1x16xf32>,
        %get3A_668 = vector.shape_cast %get3A_667 : vector<1x16xf32> to vector<16xf32>
        %get3A_669 = arith.index_cast %add3A_664 : i32 to index
        %get3A_670 = arith.constant 0 : index
        %get3A_671 = tpu.vector_load %arg18[%get3A_669, %get3A_670] {strides = array<i32>} : memref<80x128xf32, #tpu.memory_space<vmem>>, vector<1x16xf32>,
        %get3A_672 = vector.shape_cast %get3A_671 : vector<1x16xf32> to vector<16xf32>
        %mul3A_673 = arith.mulf %get3A_668, %get3A_672 : vector<16xf32>
        %swap3A_674 = arith.index_cast %add3A_664 : i32 to index
        %swap3A_675 = arith.constant 0 : index
        %swap3A_676 = tpu.vector_load %arg16[%swap3A_674, %swap3A_675] {strides = array<i32>} : memref<80x128xf32, #tpu.memory_space<vmem>>, vector<1x16xf32>,
        %swap3A_677 = vector.shape_cast %swap3A_676 : vector<1x16xf32> to vector<16xf32>
        %swap3A_678 = vector.shape_cast %mul3A_673 : vector<16xf32> to vector<1x16xf32>
        tpu.vector_store %arg16[%swap3A_674, %swap3A_675], %swap3A_678 {strides = array<i32>} : memref<80x128xf32, #tpu.memory_space<vmem>>, vector<1x16xf32>,
        %get3A_679 = arith.index_cast %add3A_664 : i32 to index
        %get3A_680 = arith.constant 16 : index
        %get3A_681 = tpu.vector_load %arg16[%get3A_679, %get3A_680] {strides = array<i32>} : memref<80x128xf32, #tpu.memory_space<vmem>>, vector<1x16xf32>,
        %get3A_682 = vector.shape_cast %get3A_681 : vector<1x16xf32> to vector<16xf32>
        %get3A_683 = arith.index_cast %add3A_664 : i32 to index
        %get3A_684 = arith.constant 16 : index
        %get3A_685 = tpu.vector_load %arg18[%get3A_683, %get3A_684] {strides = array<i32>} : memref<80x128xf32, #tpu.memory_space<vmem>>, vector<1x16xf32>,
        %get3A_686 = vector.shape_cast %get3A_685 : vector<1x16xf32> to vector<16xf32>
        %mul3A_687 = arith.mulf %get3A_682, %get3A_686 : vector<16xf32>
        %swap3A_688 = arith.index_cast %add3A_664 : i32 to index
        %swap3A_689 = arith.constant 16 : index
        %swap3A_690 = tpu.vector_load %arg16[%swap3A_688, %swap3A_689] {strides = array<i32>} : memref<80x128xf32, #tpu.memory_space<vmem>>, vector<1x16xf32>,
        %swap3A_691 = vector.shape_cast %swap3A_690 : vector<1x16xf32> to vector<16xf32>
        %swap3A_692 = vector.shape_cast %mul3A_687 : vector<16xf32> to vector<1x16xf32>
        tpu.vector_store %arg16[%swap3A_688, %swap3A_689], %swap3A_692 {strides = array<i32>} : memref<80x128xf32, #tpu.memory_space<vmem>>, vector<1x16xf32>,
        %get3A_693 = arith.index_cast %add3A_664 : i32 to index
        %get3A_694 = arith.constant 32 : index
        %get3A_695 = tpu.vector_load %arg16[%get3A_693, %get3A_694] {strides = array<i32>} : memref<80x128xf32, #tpu.memory_space<vmem>>, vector<1x16xf32>,
        %get3A_696 = vector.shape_cast %get3A_695 : vector<1x16xf32> to vector<16xf32>
        %get3A_697 = arith.index_cast %add3A_664 : i32 to index
        %get3A_698 = arith.constant 32 : index
        %get3A_699 = tpu.vector_load %arg18[%get3A_697, %get3A_698] {strides = array<i32>} : memref<80x128xf32, #tpu.memory_space<vmem>>, vector<1x16xf32>,
        %get3A_700 = vector.shape_cast %get3A_699 : vector<1x16xf32> to vector<16xf32>
        %mul3A_701 = arith.mulf %get3A_696, %get3A_700 : vector<16xf32>
        %swap3A_702 = arith.index_cast %add3A_664 : i32 to index
        %swap3A_703 = arith.constant 32 : index
        %swap3A_704 = tpu.vector_load %arg16[%swap3A_702, %swap3A_703] {strides = array<i32>} : memref<80x128xf32, #tpu.memory_space<vmem>>, vector<1x16xf32>,
        %swap3A_705 = vector.shape_cast %swap3A_704 : vector<1x16xf32> to vector<16xf32>
        %swap3A_706 = vector.shape_cast %mul3A_701 : vector<16xf32> to vector<1x16xf32>
        tpu.vector_store %arg16[%swap3A_702, %swap3A_703], %swap3A_706 {strides = array<i32>} : memref<80x128xf32, #tpu.memory_space<vmem>>, vector<1x16xf32>,
        %get3A_707 = arith.index_cast %add3A_664 : i32 to index
        %get3A_708 = arith.constant 48 : index
        %get3A_709 = tpu.vector_load %arg16[%get3A_707, %get3A_708] {strides = array<i32>} : memref<80x128xf32, #tpu.memory_space<vmem>>, vector<1x16xf32>,
        %get3A_710 = vector.shape_cast %get3A_709 : vector<1x16xf32> to vector<16xf32>
        %get3A_711 = arith.index_cast %add3A_664 : i32 to index
        %get3A_712 = arith.constant 48 : index
        %get3A_713 = tpu.vector_load %arg18[%get3A_711, %get3A_712] {strides = array<i32>} : memref<80x128xf32, #tpu.memory_space<vmem>>, vector<1x16xf32>,
        %get3A_714 = vector.shape_cast %get3A_713 : vector<1x16xf32> to vector<16xf32>
        %mul3A_715 = arith.mulf %get3A_710, %get3A_714 : vector<16xf32>
        %swap3A_716 = arith.index_cast %add3A_664 : i32 to index
        %swap3A_717 = arith.constant 48 : index
        %swap3A_718 = tpu.vector_load %arg16[%swap3A_716, %swap3A_717] {strides = array<i32>} : memref<80x128xf32, #tpu.memory_space<vmem>>, vector<1x16xf32>,
        %swap3A_719 = vector.shape_cast %swap3A_718 : vector<1x16xf32> to vector<16xf32>
        %swap3A_720 = vector.shape_cast %mul3A_715 : vector<16xf32> to vector<1x16xf32>
        tpu.vector_store %arg16[%swap3A_716, %swap3A_717], %swap3A_720 {strides = array<i32>} : memref<80x128xf32, #tpu.memory_space<vmem>>, vector<1x16xf32>,
        %get3A_721 = arith.index_cast %add3A_664 : i32 to index
        %get3A_722 = arith.constant 64 : index
        %get3A_723 = tpu.vector_load %arg16[%get3A_721, %get3A_722] {strides = array<i32>} : memref<80x128xf32, #tpu.memory_space<vmem>>, vector<1x16xf32>,
        %get3A_724 = vector.shape_cast %get3A_723 : vector<1x16xf32> to vector<16xf32>
        %get3A_725 = arith.index_cast %add3A_664 : i32 to index
        %get3A_726 = arith.constant 64 : index
        %get3A_727 = tpu.vector_load %arg18[%get3A_725, %get3A_726] {strides = array<i32>} : memref<80x128xf32, #tpu.memory_space<vmem>>, vector<1x16xf32>,
        %get3A_728 = vector.shape_cast %get3A_727 : vector<1x16xf32> to vector<16xf32>
        %mul3A_729 = arith.mulf %get3A_724, %get3A_728 : vector<16xf32>
        %swap3A_730 = arith.index_cast %add3A_664 : i32 to index
        %swap3A_731 = arith.constant 64 : index
        %swap3A_732 = tpu.vector_load %arg16[%swap3A_730, %swap3A_731] {strides = array<i32>} : memref<80x128xf32, #tpu.memory_space<vmem>>, vector<1x16xf32>,
        %swap3A_733 = vector.shape_cast %swap3A_732 : vector<1x16xf32> to vector<16xf32>
        %swap3A_734 = vector.shape_cast %mul3A_729 : vector<16xf32> to vector<1x16xf32>
        tpu.vector_store %arg16[%swap3A_730, %swap3A_731], %swap3A_734 {strides = array<i32>} : memref<80x128xf32, #tpu.memory_space<vmem>>, vector<1x16xf32>,
        %get3A_735 = arith.index_cast %add3A_664 : i32 to index
        %get3A_736 = arith.constant 80 : index
        %get3A_737 = tpu.vector_load %arg16[%get3A_735, %get3A_736] {strides = array<i32>} : memref<80x128xf32, #tpu.memory_space<vmem>>, vector<1x16xf32>,
        %get3A_738 = vector.shape_cast %get3A_737 : vector<1x16xf32> to vector<16xf32>
        %get3A_739 = arith.index_cast %add3A_664 : i32 to index
        %get3A_740 = arith.constant 80 : index
        %get3A_741 = tpu.vector_load %arg18[%get3A_739, %get3A_740] {strides = array<i32>} : memref<80x128xf32, #tpu.memory_space<vmem>>, vector<1x16xf32>,
        %get3A_742 = vector.shape_cast %get3A_741 : vector<1x16xf32> to vector<16xf32>
        %mul3A_743 = arith.mulf %get3A_738, %get3A_742 : vector<16xf32>
        %swap3A_744 = arith.index_cast %add3A_664 : i32 to index
        %swap3A_745 = arith.constant 80 : index
        %swap3A_746 = tpu.vector_load %arg16[%swap3A_744, %swap3A_745] {strides = array<i32>} : memref<80x128xf32, #tpu.memory_space<vmem>>, vector<1x16xf32>,
        %swap3A_747 = vector.shape_cast %swap3A_746 : vector<1x16xf32> to vector<16xf32>
        %swap3A_748 = vector.shape_cast %mul3A_743 : vector<16xf32> to vector<1x16xf32>
        tpu.vector_store %arg16[%swap3A_744, %swap3A_745], %swap3A_748 {strides = array<i32>} : memref<80x128xf32, #tpu.memory_space<vmem>>, vector<1x16xf32>,
        %get3A_749 = arith.index_cast %add3A_664 : i32 to index
        %get3A_750 = arith.constant 96 : index
        %get3A_751 = tpu.vector_load %arg16[%get3A_749, %get3A_750] {strides = array<i32>} : memref<80x128xf32, #tpu.memory_space<vmem>>, vector<1x16xf32>,
        %get3A_752 = vector.shape_cast %get3A_751 : vector<1x16xf32> to vector<16xf32>
        %get3A_753 = arith.index_cast %add3A_664 : i32 to index
        %get3A_754 = arith.constant 96 : index
        %get3A_755 = tpu.vector_load %arg18[%get3A_753, %get3A_754] {strides = array<i32>} : memref<80x128xf32, #tpu.memory_space<vmem>>, vector<1x16xf32>,
        %get3A_756 = vector.shape_cast %get3A_755 : vector<1x16xf32> to vector<16xf32>
        %mul3A_757 = arith.mulf %get3A_752, %get3A_756 : vector<16xf32>
        %swap3A_758 = arith.index_cast %add3A_664 : i32 to index
        %swap3A_759 = arith.constant 96 : index
        %swap3A_760 = tpu.vector_load %arg16[%swap3A_758, %swap3A_759] {strides = array<i32>} : memref<80x128xf32, #tpu.memory_space<vmem>>, vector<1x16xf32>,
        %swap3A_761 = vector.shape_cast %swap3A_760 : vector<1x16xf32> to vector<16xf32>
        %swap3A_762 = vector.shape_cast %mul3A_757 : vector<16xf32> to vector<1x16xf32>
        tpu.vector_store %arg16[%swap3A_758, %swap3A_759], %swap3A_762 {strides = array<i32>} : memref<80x128xf32, #tpu.memory_space<vmem>>, vector<1x16xf32>,
        %get3A_763 = arith.index_cast %add3A_664 : i32 to index
        %get3A_764 = arith.constant 112 : index
        %get3A_765 = tpu.vector_load %arg16[%get3A_763, %get3A_764] {strides = array<i32>} : memref<80x128xf32, #tpu.memory_space<vmem>>, vector<1x16xf32>,
        %get3A_766 = vector.shape_cast %get3A_765 : vector<1x16xf32> to vector<16xf32>
        %get3A_767 = arith.index_cast %add3A_664 : i32 to index
        %get3A_768 = arith.constant 112 : index
        %get3A_769 = tpu.vector_load %arg18[%get3A_767, %get3A_768] {strides = array<i32>} : memref<80x128xf32, #tpu.memory_space<vmem>>, vector<1x16xf32>,
        %get3A_770 = vector.shape_cast %get3A_769 : vector<1x16xf32> to vector<16xf32>
        %mul3A_771 = arith.mulf %get3A_766, %get3A_770 : vector<16xf32>
        %swap3A_772 = arith.index_cast %add3A_664 : i32 to index
        %swap3A_773 = arith.constant 112 : index
        %swap3A_774 = tpu.vector_load %arg16[%swap3A_772, %swap3A_773] {strides = array<i32>} : memref<80x128xf32, #tpu.memory_space<vmem>>, vector<1x16xf32>,
        %swap3A_775 = vector.shape_cast %swap3A_774 : vector<1x16xf32> to vector<16xf32>
        %swap3A_776 = vector.shape_cast %mul3A_771 : vector<16xf32> to vector<1x16xf32>
        tpu.vector_store %arg16[%swap3A_772, %swap3A_773], %swap3A_776 {strides = array<i32>} : memref<80x128xf32, #tpu.memory_space<vmem>>, vector<1x16xf32>,
      }
      %scan3A_310 = arith.constant 20 : i32
      %dma_start3A_311 = arith.constant 0 : i32
      %dma_start3A_312 = arith.constant 0 : i32
      %dma_start3A_313 = tpu.memref_slice %arg19[%dma_start3A_311, %dma_start3A_312] : memref<10240x128xf32, #tpu.memory_space<vmem_shared>> -> memref<10240x128xf32, #tpu.memory_space<vmem_shared>>
      tpu.enqueue_indirect_dma source(%arg16 : memref<80x128xf32, #tpu.memory_space<vmem>>) target(%dma_start3A_313 : memref<10240x128xf32, #tpu.memory_space<vmem_shared>>) offsets(%arg14 : memref<80xi32, #tpu.memory_space<vmem>>) semaphore(%arg24 : memref<!tpu.dma_semaphore, #tpu.memory_space<semaphore_mem>>) {add = true}
    }
    %scan3A_84 = arith.constant 31 : i32
    %dma_wait3A_85 = arith.constant 0 : i32
    %dma_wait3A_86 = arith.constant 0 : i32
    %dma_wait3A_87 = tpu.memref_slice %arg19[%dma_wait3A_85, %dma_wait3A_86] : memref<10240x128xf32, #tpu.memory_space<vmem_shared>> -> memref<10240x128xf32, #tpu.memory_space<vmem_shared>>
    tpu.wait_indirect_dma semaphore(%arg24 : memref<!tpu.dma_semaphore, #tpu.memory_space<semaphore_mem>>) src(%arg16 : memref<80x128xf32, #tpu.memory_space<vmem>>) dst(%dma_wait3A_87 : memref<10240x128xf32, #tpu.memory_space<vmem_shared>>)
    %dma_wait3A_88 = arith.constant 0 : i32
    %dma_wait3A_89 = arith.constant 0 : i32
    %dma_wait3A_90 = tpu.memref_slice %arg2[%dma_wait3A_88, %dma_wait3A_89] : memref<10240x128xf32, #tpu.memory_space<hbm>> -> memref<10240x128xf32, #tpu.memory_space<hbm>>
    tpu.wait_indirect_dma semaphore(%arg20 : memref<!tpu.dma_semaphore, #tpu.memory_space<semaphore_mem>>) src(%dma_wait3A_90 : memref<10240x128xf32, #tpu.memory_space<hbm>>) dst(%arg15 : memref<80x128xf32, #tpu.memory_space<vmem>>)
    %add3A_91 = arith.constant 9920 : i32
    %add3A_92 = arith.addi %mul3A_39, %add3A_91 : i32
    %dma_wait3A_93 = arith.constant 0 : i32
    %dma_wait3A_94 = tpu.memref_slice %arg3[%add3A_92, %dma_wait3A_93] : memref<320000x128xf32, #tpu.memory_space<hbm>> -> memref<80x128xf32, #tpu.memory_space<hbm>>
    %dma_wait3A_95 = arith.constant 0 : i32
    %dma_wait3A_96 = tpu.memref_slice %arg3[%add3A_92, %dma_wait3A_95] : memref<320000x128xf32, #tpu.memory_space<hbm>> -> memref<80x128xf32, #tpu.memory_space<hbm>>
    tpu.wait_dma2 semaphore(%arg22 : memref<!tpu.dma_semaphore, #tpu.memory_space<semaphore_mem>>) src(%dma_wait3A_96 : memref<80x128xf32, #tpu.memory_space<hbm>>) dst(%arg17 : memref<80x128xf32, #tpu.memory_space<vmem>>)
    %scan3A_97 = arith.constant 0 : i32
    %scan3A_98 = arith.constant 0 : i32
    %scan3A_99 = arith.constant 20 : i32
    %scan3A_100 = arith.addi %scan3A_98, %scan3A_99 : i32
    %scan3A_101 = arith.constant 1 : i32
    scf.for %scan3A_142 = %scan3A_98 to %scan3A_100 step %scan3A_101  : i32 {
      %mul3A_143 = arith.constant 4 : i32
      %mul3A_144 = arith.muli %mul3A_143, %scan3A_142 : i32
      %add3A_145 = arith.constant 0 : i32
      %add3A_146 = arith.addi %mul3A_144, %add3A_145 : i32
      %get3A = arith.index_cast %add3A_146 : i32 to index
      %get3A_147 = arith.constant 0 : index
      %get3A_148 = tpu.vector_load %arg15[%get3A, %get3A_147] {strides = array<i32>} : memref<80x128xf32, #tpu.memory_space<vmem>>, vector<1x16xf32>,
      %get3A_149 = vector.shape_cast %get3A_148 : vector<1x16xf32> to vector<16xf32>
      %get3A_150 = arith.index_cast %add3A_146 : i32 to index
      %get3A_151 = arith.constant 0 : index
      %get3A_152 = tpu.vector_load %arg17[%get3A_150, %get3A_151] {strides = array<i32>} : memref<80x128xf32, #tpu.memory_space<vmem>>, vector<1x16xf32>,
      %get3A_153 = vector.shape_cast %get3A_152 : vector<1x16xf32> to vector<16xf32>
      %mul3A_154 = arith.mulf %get3A_149, %get3A_153 : vector<16xf32>
      %swap3A = arith.index_cast %add3A_146 : i32 to index
      %swap3A_155 = arith.constant 0 : index
      %swap3A_156 = tpu.vector_load %arg15[%swap3A, %swap3A_155] {strides = array<i32>} : memref<80x128xf32, #tpu.memory_space<vmem>>, vector<1x16xf32>,
      %swap3A_157 = vector.shape_cast %swap3A_156 : vector<1x16xf32> to vector<16xf32>
      %swap3A_158 = vector.shape_cast %mul3A_154 : vector<16xf32> to vector<1x16xf32>
      tpu.vector_store %arg15[%swap3A, %swap3A_155], %swap3A_158 {strides = array<i32>} : memref<80x128xf32, #tpu.memory_space<vmem>>, vector<1x16xf32>,
      %get3A_159 = arith.index_cast %add3A_146 : i32 to index
      %get3A_160 = arith.constant 16 : index
      %get3A_161 = tpu.vector_load %arg15[%get3A_159, %get3A_160] {strides = array<i32>} : memref<80x128xf32, #tpu.memory_space<vmem>>, vector<1x16xf32>,
      %get3A_162 = vector.shape_cast %get3A_161 : vector<1x16xf32> to vector<16xf32>
      %get3A_163 = arith.index_cast %add3A_146 : i32 to index
      %get3A_164 = arith.constant 16 : index
      %get3A_165 = tpu.vector_load %arg17[%get3A_163, %get3A_164] {strides = array<i32>} : memref<80x128xf32, #tpu.memory_space<vmem>>, vector<1x16xf32>,
      %get3A_166 = vector.shape_cast %get3A_165 : vector<1x16xf32> to vector<16xf32>
      %mul3A_167 = arith.mulf %get3A_162, %get3A_166 : vector<16xf32>
      %swap3A_168 = arith.index_cast %add3A_146 : i32 to index
      %swap3A_169 = arith.constant 16 : index
      %swap3A_170 = tpu.vector_load %arg15[%swap3A_168, %swap3A_169] {strides = array<i32>} : memref<80x128xf32, #tpu.memory_space<vmem>>, vector<1x16xf32>,
      %swap3A_171 = vector.shape_cast %swap3A_170 : vector<1x16xf32> to vector<16xf32>
      %swap3A_172 = vector.shape_cast %mul3A_167 : vector<16xf32> to vector<1x16xf32>
      tpu.vector_store %arg15[%swap3A_168, %swap3A_169], %swap3A_172 {strides = array<i32>} : memref<80x128xf32, #tpu.memory_space<vmem>>, vector<1x16xf32>,
      %get3A_173 = arith.index_cast %add3A_146 : i32 to index
      %get3A_174 = arith.constant 32 : index
      %get3A_175 = tpu.vector_load %arg15[%get3A_173, %get3A_174] {strides = array<i32>} : memref<80x128xf32, #tpu.memory_space<vmem>>, vector<1x16xf32>,
      %get3A_176 = vector.shape_cast %get3A_175 : vector<1x16xf32> to vector<16xf32>
      %get3A_177 = arith.index_cast %add3A_146 : i32 to index
      %get3A_178 = arith.constant 32 : index
      %get3A_179 = tpu.vector_load %arg17[%get3A_177, %get3A_178] {strides = array<i32>} : memref<80x128xf32, #tpu.memory_space<vmem>>, vector<1x16xf32>,
      %get3A_180 = vector.shape_cast %get3A_179 : vector<1x16xf32> to vector<16xf32>
      %mul3A_181 = arith.mulf %get3A_176, %get3A_180 : vector<16xf32>
      %swap3A_182 = arith.index_cast %add3A_146 : i32 to index
      %swap3A_183 = arith.constant 32 : index
      %swap3A_184 = tpu.vector_load %arg15[%swap3A_182, %swap3A_183] {strides = array<i32>} : memref<80x128xf32, #tpu.memory_space<vmem>>, vector<1x16xf32>,
      %swap3A_185 = vector.shape_cast %swap3A_184 : vector<1x16xf32> to vector<16xf32>
      %swap3A_186 = vector.shape_cast %mul3A_181 : vector<16xf32> to vector<1x16xf32>
      tpu.vector_store %arg15[%swap3A_182, %swap3A_183], %swap3A_186 {strides = array<i32>} : memref<80x128xf32, #tpu.memory_space<vmem>>, vector<1x16xf32>,
      %get3A_187 = arith.index_cast %add3A_146 : i32 to index
      %get3A_188 = arith.constant 48 : index
      %get3A_189 = tpu.vector_load %arg15[%get3A_187, %get3A_188] {strides = array<i32>} : memref<80x128xf32, #tpu.memory_space<vmem>>, vector<1x16xf32>,
      %get3A_190 = vector.shape_cast %get3A_189 : vector<1x16xf32> to vector<16xf32>
      %get3A_191 = arith.index_cast %add3A_146 : i32 to index
      %get3A_192 = arith.constant 48 : index
      %get3A_193 = tpu.vector_load %arg17[%get3A_191, %get3A_192] {strides = array<i32>} : memref<80x128xf32, #tpu.memory_space<vmem>>, vector<1x16xf32>,
      %get3A_194 = vector.shape_cast %get3A_193 : vector<1x16xf32> to vector<16xf32>
      %mul3A_195 = arith.mulf %get3A_190, %get3A_194 : vector<16xf32>
      %swap3A_196 = arith.index_cast %add3A_146 : i32 to index
      %swap3A_197 = arith.constant 48 : index
      %swap3A_198 = tpu.vector_load %arg15[%swap3A_196, %swap3A_197] {strides = array<i32>} : memref<80x128xf32, #tpu.memory_space<vmem>>, vector<1x16xf32>,
      %swap3A_199 = vector.shape_cast %swap3A_198 : vector<1x16xf32> to vector<16xf32>
      %swap3A_200 = vector.shape_cast %mul3A_195 : vector<16xf32> to vector<1x16xf32>
      tpu.vector_store %arg15[%swap3A_196, %swap3A_197], %swap3A_200 {strides = array<i32>} : memref<80x128xf32, #tpu.memory_space<vmem>>, vector<1x16xf32>,
      %get3A_201 = arith.index_cast %add3A_146 : i32 to index
      %get3A_202 = arith.constant 64 : index
      %get3A_203 = tpu.vector_load %arg15[%get3A_201, %get3A_202] {strides = array<i32>} : memref<80x128xf32, #tpu.memory_space<vmem>>, vector<1x16xf32>,
      %get3A_204 = vector.shape_cast %get3A_203 : vector<1x16xf32> to vector<16xf32>
      %get3A_205 = arith.index_cast %add3A_146 : i32 to index
      %get3A_206 = arith.constant 64 : index
      %get3A_207 = tpu.vector_load %arg17[%get3A_205, %get3A_206] {strides = array<i32>} : memref<80x128xf32, #tpu.memory_space<vmem>>, vector<1x16xf32>,
      %get3A_208 = vector.shape_cast %get3A_207 : vector<1x16xf32> to vector<16xf32>
      %mul3A_209 = arith.mulf %get3A_204, %get3A_208 : vector<16xf32>
      %swap3A_210 = arith.index_cast %add3A_146 : i32 to index
      %swap3A_211 = arith.constant 64 : index
      %swap3A_212 = tpu.vector_load %arg15[%swap3A_210, %swap3A_211] {strides = array<i32>} : memref<80x128xf32, #tpu.memory_space<vmem>>, vector<1x16xf32>,
      %swap3A_213 = vector.shape_cast %swap3A_212 : vector<1x16xf32> to vector<16xf32>
      %swap3A_214 = vector.shape_cast %mul3A_209 : vector<16xf32> to vector<1x16xf32>
      tpu.vector_store %arg15[%swap3A_210, %swap3A_211], %swap3A_214 {strides = array<i32>} : memref<80x128xf32, #tpu.memory_space<vmem>>, vector<1x16xf32>,
      %get3A_215 = arith.index_cast %add3A_146 : i32 to index
      %get3A_216 = arith.constant 80 : index
      %get3A_217 = tpu.vector_load %arg15[%get3A_215, %get3A_216] {strides = array<i32>} : memref<80x128xf32, #tpu.memory_space<vmem>>, vector<1x16xf32>,
      %get3A_218 = vector.shape_cast %get3A_217 : vector<1x16xf32> to vector<16xf32>
      %get3A_219 = arith.index_cast %add3A_146 : i32 to index
      %get3A_220 = arith.constant 80 : index
      %get3A_221 = tpu.vector_load %arg17[%get3A_219, %get3A_220] {strides = array<i32>} : memref<80x128xf32, #tpu.memory_space<vmem>>, vector<1x16xf32>,
      %get3A_222 = vector.shape_cast %get3A_221 : vector<1x16xf32> to vector<16xf32>
      %mul3A_223 = arith.mulf %get3A_218, %get3A_222 : vector<16xf32>
      %swap3A_224 = arith.index_cast %add3A_146 : i32 to index
      %swap3A_225 = arith.constant 80 : index
      %swap3A_226 = tpu.vector_load %arg15[%swap3A_224, %swap3A_225] {strides = array<i32>} : memref<80x128xf32, #tpu.memory_space<vmem>>, vector<1x16xf32>,
      %swap3A_227 = vector.shape_cast %swap3A_226 : vector<1x16xf32> to vector<16xf32>
      %swap3A_228 = vector.shape_cast %mul3A_223 : vector<16xf32> to vector<1x16xf32>
      tpu.vector_store %arg15[%swap3A_224, %swap3A_225], %swap3A_228 {strides = array<i32>} : memref<80x128xf32, #tpu.memory_space<vmem>>, vector<1x16xf32>,
      %get3A_229 = arith.index_cast %add3A_146 : i32 to index
      %get3A_230 = arith.constant 96 : index
      %get3A_231 = tpu.vector_load %arg15[%get3A_229, %get3A_230] {strides = array<i32>} : memref<80x128xf32, #tpu.memory_space<vmem>>, vector<1x16xf32>,
      %get3A_232 = vector.shape_cast %get3A_231 : vector<1x16xf32> to vector<16xf32>
      %get3A_233 = arith.index_cast %add3A_146 : i32 to index
      %get3A_234 = arith.constant 96 : index
      %get3A_235 = tpu.vector_load %arg17[%get3A_233, %get3A_234] {strides = array<i32>} : memref<80x128xf32, #tpu.memory_space<vmem>>, vector<1x16xf32>,
      %get3A_236 = vector.shape_cast %get3A_235 : vector<1x16xf32> to vector<16xf32>
      %mul3A_237 = arith.mulf %get3A_232, %get3A_236 : vector<16xf32>
      %swap3A_238 = arith.index_cast %add3A_146 : i32 to index
      %swap3A_239 = arith.constant 96 : index
      %swap3A_240 = tpu.vector_load %arg15[%swap3A_238, %swap3A_239] {strides = array<i32>} : memref<80x128xf32, #tpu.memory_space<vmem>>, vector<1x16xf32>,
      %swap3A_241 = vector.shape_cast %swap3A_240 : vector<1x16xf32> to vector<16xf32>
      %swap3A_242 = vector.shape_cast %mul3A_237 : vector<16xf32> to vector<1x16xf32>
      tpu.vector_store %arg15[%swap3A_238, %swap3A_239], %swap3A_242 {strides = array<i32>} : memref<80x128xf32, #tpu.memory_space<vmem>>, vector<1x16xf32>,
      %get3A_243 = arith.index_cast %add3A_146 : i32 to index
      %get3A_244 = arith.constant 112 : index
      %get3A_245 = tpu.vector_load %arg15[%get3A_243, %get3A_244] {strides = array<i32>} : memref<80x128xf32, #tpu.memory_space<vmem>>, vector<1x16xf32>,
      %get3A_246 = vector.shape_cast %get3A_245 : vector<1x16xf32> to vector<16xf32>
      %get3A_247 = arith.index_cast %add3A_146 : i32 to index
      %get3A_248 = arith.constant 112 : index
      %get3A_249 = tpu.vector_load %arg17[%get3A_247, %get3A_248] {strides = array<i32>} : memref<80x128xf32, #tpu.memory_space<vmem>>, vector<1x16xf32>,
      %get3A_250 = vector.shape_cast %get3A_249 : vector<1x16xf32> to vector<16xf32>
      %mul3A_251 = arith.mulf %get3A_246, %get3A_250 : vector<16xf32>
      %swap3A_252 = arith.index_cast %add3A_146 : i32 to index
      %swap3A_253 = arith.constant 112 : index
      %swap3A_254 = tpu.vector_load %arg15[%swap3A_252, %swap3A_253] {strides = array<i32>} : memref<80x128xf32, #tpu.memory_space<vmem>>, vector<1x16xf32>,
      %swap3A_255 = vector.shape_cast %swap3A_254 : vector<1x16xf32> to vector<16xf32>
      %swap3A_256 = vector.shape_cast %mul3A_251 : vector<16xf32> to vector<1x16xf32>
      tpu.vector_store %arg15[%swap3A_252, %swap3A_253], %swap3A_256 {strides = array<i32>} : memref<80x128xf32, #tpu.memory_space<vmem>>, vector<1x16xf32>,
      %mul3A_257 = arith.constant 4 : i32
      %mul3A_258 = arith.muli %mul3A_257, %scan3A_142 : i32
      %add3A_259 = arith.constant 1 : i32
      %add3A_260 = arith.addi %mul3A_258, %add3A_259 : i32
      %get3A_261 = arith.index_cast %add3A_260 : i32 to index
      %get3A_262 = arith.constant 0 : index
      %get3A_263 = tpu.vector_load %arg15[%get3A_261, %get3A_262] {strides = array<i32>} : memref<80x128xf32, #tpu.memory_space<vmem>>, vector<1x16xf32>,
      %get3A_264 = vector.shape_cast %get3A_263 : vector<1x16xf32> to vector<16xf32>
      %get3A_265 = arith.index_cast %add3A_260 : i32 to index
      %get3A_266 = arith.constant 0 : index
      %get3A_267 = tpu.vector_load %arg17[%get3A_265, %get3A_266] {strides = array<i32>} : memref<80x128xf32, #tpu.memory_space<vmem>>, vector<1x16xf32>,
      %get3A_268 = vector.shape_cast %get3A_267 : vector<1x16xf32> to vector<16xf32>
      %mul3A_269 = arith.mulf %get3A_264, %get3A_268 : vector<16xf32>
      %swap3A_270 = arith.index_cast %add3A_260 : i32 to index
      %swap3A_271 = arith.constant 0 : index
      %swap3A_272 = tpu.vector_load %arg15[%swap3A_270, %swap3A_271] {strides = array<i32>} : memref<80x128xf32, #tpu.memory_space<vmem>>, vector<1x16xf32>,
      %swap3A_273 = vector.shape_cast %swap3A_272 : vector<1x16xf32> to vector<16xf32>
      %swap3A_274 = vector.shape_cast %mul3A_269 : vector<16xf32> to vector<1x16xf32>
      tpu.vector_store %arg15[%swap3A_270, %swap3A_271], %swap3A_274 {strides = array<i32>} : memref<80x128xf32, #tpu.memory_space<vmem>>, vector<1x16xf32>,
      %get3A_275 = arith.index_cast %add3A_260 : i32 to index
      %get3A_276 = arith.constant 16 : index
      %get3A_277 = tpu.vector_load %arg15[%get3A_275, %get3A_276] {strides = array<i32>} : memref<80x128xf32, #tpu.memory_space<vmem>>, vector<1x16xf32>,
      %get3A_278 = vector.shape_cast %get3A_277 : vector<1x16xf32> to vector<16xf32>
      %get3A_279 = arith.index_cast %add3A_260 : i32 to index
      %get3A_280 = arith.constant 16 : index
      %get3A_281 = tpu.vector_load %arg17[%get3A_279, %get3A_280] {strides = array<i32>} : memref<80x128xf32, #tpu.memory_space<vmem>>, vector<1x16xf32>,
      %get3A_282 = vector.shape_cast %get3A_281 : vector<1x16xf32> to vector<16xf32>
      %mul3A_283 = arith.mulf %get3A_278, %get3A_282 : vector<16xf32>
      %swap3A_284 = arith.index_cast %add3A_260 : i32 to index
      %swap3A_285 = arith.constant 16 : index
      %swap3A_286 = tpu.vector_load %arg15[%swap3A_284, %swap3A_285] {strides = array<i32>} : memref<80x128xf32, #tpu.memory_space<vmem>>, vector<1x16xf32>,
      %swap3A_287 = vector.shape_cast %swap3A_286 : vector<1x16xf32> to vector<16xf32>
      %swap3A_288 = vector.shape_cast %mul3A_283 : vector<16xf32> to vector<1x16xf32>
      tpu.vector_store %arg15[%swap3A_284, %swap3A_285], %swap3A_288 {strides = array<i32>} : memref<80x128xf32, #tpu.memory_space<vmem>>, vector<1x16xf32>,
      %get3A_289 = arith.index_cast %add3A_260 : i32 to index
      %get3A_290 = arith.constant 32 : index
      %get3A_291 = tpu.vector_load %arg15[%get3A_289, %get3A_290] {strides = array<i32>} : memref<80x128xf32, #tpu.memory_space<vmem>>, vector<1x16xf32>,
      %get3A_292 = vector.shape_cast %get3A_291 : vector<1x16xf32> to vector<16xf32>
      %get3A_293 = arith.index_cast %add3A_260 : i32 to index
      %get3A_294 = arith.constant 32 : index
      %get3A_295 = tpu.vector_load %arg17[%get3A_293, %get3A_294] {strides = array<i32>} : memref<80x128xf32, #tpu.memory_space<vmem>>, vector<1x16xf32>,
      %get3A_296 = vector.shape_cast %get3A_295 : vector<1x16xf32> to vector<16xf32>
      %mul3A_297 = arith.mulf %get3A_292, %get3A_296 : vector<16xf32>
      %swap3A_298 = arith.index_cast %add3A_260 : i32 to index
      %swap3A_299 = arith.constant 32 : index
      %swap3A_300 = tpu.vector_load %arg15[%swap3A_298, %swap3A_299] {strides = array<i32>} : memref<80x128xf32, #tpu.memory_space<vmem>>, vector<1x16xf32>,
      %swap3A_301 = vector.shape_cast %swap3A_300 : vector<1x16xf32> to vector<16xf32>
      %swap3A_302 = vector.shape_cast %mul3A_297 : vector<16xf32> to vector<1x16xf32>
      tpu.vector_store %arg15[%swap3A_298, %swap3A_299], %swap3A_302 {strides = array<i32>} : memref<80x128xf32, #tpu.memory_space<vmem>>, vector<1x16xf32>,
      %get3A_303 = arith.index_cast %add3A_260 : i32 to index
      %get3A_304 = arith.constant 48 : index
      %get3A_305 = tpu.vector_load %arg15[%get3A_303, %get3A_304] {strides = array<i32>} : memref<80x128xf32, #tpu.memory_space<vmem>>, vector<1x16xf32>,
      %get3A_306 = vector.shape_cast %get3A_305 : vector<1x16xf32> to vector<16xf32>
      %get3A_307 = arith.index_cast %add3A_260 : i32 to index
      %get3A_308 = arith.constant 48 : index
      %get3A_309 = tpu.vector_load %arg17[%get3A_307, %get3A_308] {strides = array<i32>} : memref<80x128xf32, #tpu.memory_space<vmem>>, vector<1x16xf32>,
      %get3A_310 = vector.shape_cast %get3A_309 : vector<1x16xf32> to vector<16xf32>
      %mul3A_311 = arith.mulf %get3A_306, %get3A_310 : vector<16xf32>
      %swap3A_312 = arith.index_cast %add3A_260 : i32 to index
      %swap3A_313 = arith.constant 48 : index
      %swap3A_314 = tpu.vector_load %arg15[%swap3A_312, %swap3A_313] {strides = array<i32>} : memref<80x128xf32, #tpu.memory_space<vmem>>, vector<1x16xf32>,
      %swap3A_315 = vector.shape_cast %swap3A_314 : vector<1x16xf32> to vector<16xf32>
      %swap3A_316 = vector.shape_cast %mul3A_311 : vector<16xf32> to vector<1x16xf32>
      tpu.vector_store %arg15[%swap3A_312, %swap3A_313], %swap3A_316 {strides = array<i32>} : memref<80x128xf32, #tpu.memory_space<vmem>>, vector<1x16xf32>,
      %get3A_317 = arith.index_cast %add3A_260 : i32 to index
      %get3A_318 = arith.constant 64 : index
      %get3A_319 = tpu.vector_load %arg15[%get3A_317, %get3A_318] {strides = array<i32>} : memref<80x128xf32, #tpu.memory_space<vmem>>, vector<1x16xf32>,
      %get3A_320 = vector.shape_cast %get3A_319 : vector<1x16xf32> to vector<16xf32>
      %get3A_321 = arith.index_cast %add3A_260 : i32 to index
      %get3A_322 = arith.constant 64 : index
      %get3A_323 = tpu.vector_load %arg17[%get3A_321, %get3A_322] {strides = array<i32>} : memref<80x128xf32, #tpu.memory_space<vmem>>, vector<1x16xf32>,
      %get3A_324 = vector.shape_cast %get3A_323 : vector<1x16xf32> to vector<16xf32>
      %mul3A_325 = arith.mulf %get3A_320, %get3A_324 : vector<16xf32>
      %swap3A_326 = arith.index_cast %add3A_260 : i32 to index
      %swap3A_327 = arith.constant 64 : index
      %swap3A_328 = tpu.vector_load %arg15[%swap3A_326, %swap3A_327] {strides = array<i32>} : memref<80x128xf32, #tpu.memory_space<vmem>>, vector<1x16xf32>,
      %swap3A_329 = vector.shape_cast %swap3A_328 : vector<1x16xf32> to vector<16xf32>
      %swap3A_330 = vector.shape_cast %mul3A_325 : vector<16xf32> to vector<1x16xf32>
      tpu.vector_store %arg15[%swap3A_326, %swap3A_327], %swap3A_330 {strides = array<i32>} : memref<80x128xf32, #tpu.memory_space<vmem>>, vector<1x16xf32>,
      %get3A_331 = arith.index_cast %add3A_260 : i32 to index
      %get3A_332 = arith.constant 80 : index
      %get3A_333 = tpu.vector_load %arg15[%get3A_331, %get3A_332] {strides = array<i32>} : memref<80x128xf32, #tpu.memory_space<vmem>>, vector<1x16xf32>,
      %get3A_334 = vector.shape_cast %get3A_333 : vector<1x16xf32> to vector<16xf32>
      %get3A_335 = arith.index_cast %add3A_260 : i32 to index
      %get3A_336 = arith.constant 80 : index
      %get3A_337 = tpu.vector_load %arg17[%get3A_335, %get3A_336] {strides = array<i32>} : memref<80x128xf32, #tpu.memory_space<vmem>>, vector<1x16xf32>,
      %get3A_338 = vector.shape_cast %get3A_337 : vector<1x16xf32> to vector<16xf32>
      %mul3A_339 = arith.mulf %get3A_334, %get3A_338 : vector<16xf32>
      %swap3A_340 = arith.index_cast %add3A_260 : i32 to index
      %swap3A_341 = arith.constant 80 : index
      %swap3A_342 = tpu.vector_load %arg15[%swap3A_340, %swap3A_341] {strides = array<i32>} : memref<80x128xf32, #tpu.memory_space<vmem>>, vector<1x16xf32>,
      %swap3A_343 = vector.shape_cast %swap3A_342 : vector<1x16xf32> to vector<16xf32>
      %swap3A_344 = vector.shape_cast %mul3A_339 : vector<16xf32> to vector<1x16xf32>
      tpu.vector_store %arg15[%swap3A_340, %swap3A_341], %swap3A_344 {strides = array<i32>} : memref<80x128xf32, #tpu.memory_space<vmem>>, vector<1x16xf32>,
      %get3A_345 = arith.index_cast %add3A_260 : i32 to index
      %get3A_346 = arith.constant 96 : index
      %get3A_347 = tpu.vector_load %arg15[%get3A_345, %get3A_346] {strides = array<i32>} : memref<80x128xf32, #tpu.memory_space<vmem>>, vector<1x16xf32>,
      %get3A_348 = vector.shape_cast %get3A_347 : vector<1x16xf32> to vector<16xf32>
      %get3A_349 = arith.index_cast %add3A_260 : i32 to index
      %get3A_350 = arith.constant 96 : index
      %get3A_351 = tpu.vector_load %arg17[%get3A_349, %get3A_350] {strides = array<i32>} : memref<80x128xf32, #tpu.memory_space<vmem>>, vector<1x16xf32>,
      %get3A_352 = vector.shape_cast %get3A_351 : vector<1x16xf32> to vector<16xf32>
      %mul3A_353 = arith.mulf %get3A_348, %get3A_352 : vector<16xf32>
      %swap3A_354 = arith.index_cast %add3A_260 : i32 to index
      %swap3A_355 = arith.constant 96 : index
      %swap3A_356 = tpu.vector_load %arg15[%swap3A_354, %swap3A_355] {strides = array<i32>} : memref<80x128xf32, #tpu.memory_space<vmem>>, vector<1x16xf32>,
      %swap3A_357 = vector.shape_cast %swap3A_356 : vector<1x16xf32> to vector<16xf32>
      %swap3A_358 = vector.shape_cast %mul3A_353 : vector<16xf32> to vector<1x16xf32>
      tpu.vector_store %arg15[%swap3A_354, %swap3A_355], %swap3A_358 {strides = array<i32>} : memref<80x128xf32, #tpu.memory_space<vmem>>, vector<1x16xf32>,
      %get3A_359 = arith.index_cast %add3A_260 : i32 to index
      %get3A_360 = arith.constant 112 : index
      %get3A_361 = tpu.vector_load %arg15[%get3A_359, %get3A_360] {strides = array<i32>} : memref<80x128xf32, #tpu.memory_space<vmem>>, vector<1x16xf32>,
      %get3A_362 = vector.shape_cast %get3A_361 : vector<1x16xf32> to vector<16xf32>
      %get3A_363 = arith.index_cast %add3A_260 : i32 to index
      %get3A_364 = arith.constant 112 : index
      %get3A_365 = tpu.vector_load %arg17[%get3A_363, %get3A_364] {strides = array<i32>} : memref<80x128xf32, #tpu.memory_space<vmem>>, vector<1x16xf32>,
      %get3A_366 = vector.shape_cast %get3A_365 : vector<1x16xf32> to vector<16xf32>
      %mul3A_367 = arith.mulf %get3A_362, %get3A_366 : vector<16xf32>
      %swap3A_368 = arith.index_cast %add3A_260 : i32 to index
      %swap3A_369 = arith.constant 112 : index
      %swap3A_370 = tpu.vector_load %arg15[%swap3A_368, %swap3A_369] {strides = array<i32>} : memref<80x128xf32, #tpu.memory_space<vmem>>, vector<1x16xf32>,
      %swap3A_371 = vector.shape_cast %swap3A_370 : vector<1x16xf32> to vector<16xf32>
      %swap3A_372 = vector.shape_cast %mul3A_367 : vector<16xf32> to vector<1x16xf32>
      tpu.vector_store %arg15[%swap3A_368, %swap3A_369], %swap3A_372 {strides = array<i32>} : memref<80x128xf32, #tpu.memory_space<vmem>>, vector<1x16xf32>,
      %mul3A_373 = arith.constant 4 : i32
      %mul3A_374 = arith.muli %mul3A_373, %scan3A_142 : i32
      %add3A_375 = arith.constant 2 : i32
      %add3A_376 = arith.addi %mul3A_374, %add3A_375 : i32
      %get3A_377 = arith.index_cast %add3A_376 : i32 to index
      %get3A_378 = arith.constant 0 : index
      %get3A_379 = tpu.vector_load %arg15[%get3A_377, %get3A_378] {strides = array<i32>} : memref<80x128xf32, #tpu.memory_space<vmem>>, vector<1x16xf32>,
      %get3A_380 = vector.shape_cast %get3A_379 : vector<1x16xf32> to vector<16xf32>
      %get3A_381 = arith.index_cast %add3A_376 : i32 to index
      %get3A_382 = arith.constant 0 : index
      %get3A_383 = tpu.vector_load %arg17[%get3A_381, %get3A_382] {strides = array<i32>} : memref<80x128xf32, #tpu.memory_space<vmem>>, vector<1x16xf32>,
      %get3A_384 = vector.shape_cast %get3A_383 : vector<1x16xf32> to vector<16xf32>
      %mul3A_385 = arith.mulf %get3A_380, %get3A_384 : vector<16xf32>
      %swap3A_386 = arith.index_cast %add3A_376 : i32 to index
      %swap3A_387 = arith.constant 0 : index
      %swap3A_388 = tpu.vector_load %arg15[%swap3A_386, %swap3A_387] {strides = array<i32>} : memref<80x128xf32, #tpu.memory_space<vmem>>, vector<1x16xf32>,
      %swap3A_389 = vector.shape_cast %swap3A_388 : vector<1x16xf32> to vector<16xf32>
      %swap3A_390 = vector.shape_cast %mul3A_385 : vector<16xf32> to vector<1x16xf32>
      tpu.vector_store %arg15[%swap3A_386, %swap3A_387], %swap3A_390 {strides = array<i32>} : memref<80x128xf32, #tpu.memory_space<vmem>>, vector<1x16xf32>,
      %get3A_391 = arith.index_cast %add3A_376 : i32 to index
      %get3A_392 = arith.constant 16 : index
      %get3A_393 = tpu.vector_load %arg15[%get3A_391, %get3A_392] {strides = array<i32>} : memref<80x128xf32, #tpu.memory_space<vmem>>, vector<1x16xf32>,
      %get3A_394 = vector.shape_cast %get3A_393 : vector<1x16xf32> to vector<16xf32>
      %get3A_395 = arith.index_cast %add3A_376 : i32 to index
      %get3A_396 = arith.constant 16 : index
      %get3A_397 = tpu.vector_load %arg17[%get3A_395, %get3A_396] {strides = array<i32>} : memref<80x128xf32, #tpu.memory_space<vmem>>, vector<1x16xf32>,
      %get3A_398 = vector.shape_cast %get3A_397 : vector<1x16xf32> to vector<16xf32>
      %mul3A_399 = arith.mulf %get3A_394, %get3A_398 : vector<16xf32>
      %swap3A_400 = arith.index_cast %add3A_376 : i32 to index
      %swap3A_401 = arith.constant 16 : index
      %swap3A_402 = tpu.vector_load %arg15[%swap3A_400, %swap3A_401] {strides = array<i32>} : memref<80x128xf32, #tpu.memory_space<vmem>>, vector<1x16xf32>,
      %swap3A_403 = vector.shape_cast %swap3A_402 : vector<1x16xf32> to vector<16xf32>
      %swap3A_404 = vector.shape_cast %mul3A_399 : vector<16xf32> to vector<1x16xf32>
      tpu.vector_store %arg15[%swap3A_400, %swap3A_401], %swap3A_404 {strides = array<i32>} : memref<80x128xf32, #tpu.memory_space<vmem>>, vector<1x16xf32>,
      %get3A_405 = arith.index_cast %add3A_376 : i32 to index
      %get3A_406 = arith.constant 32 : index
      %get3A_407 = tpu.vector_load %arg15[%get3A_405, %get3A_406] {strides = array<i32>} : memref<80x128xf32, #tpu.memory_space<vmem>>, vector<1x16xf32>,
      %get3A_408 = vector.shape_cast %get3A_407 : vector<1x16xf32> to vector<16xf32>
      %get3A_409 = arith.index_cast %add3A_376 : i32 to index
      %get3A_410 = arith.constant 32 : index
      %get3A_411 = tpu.vector_load %arg17[%get3A_409, %get3A_410] {strides = array<i32>} : memref<80x128xf32, #tpu.memory_space<vmem>>, vector<1x16xf32>,
      %get3A_412 = vector.shape_cast %get3A_411 : vector<1x16xf32> to vector<16xf32>
      %mul3A_413 = arith.mulf %get3A_408, %get3A_412 : vector<16xf32>
      %swap3A_414 = arith.index_cast %add3A_376 : i32 to index
      %swap3A_415 = arith.constant 32 : index
      %swap3A_416 = tpu.vector_load %arg15[%swap3A_414, %swap3A_415] {strides = array<i32>} : memref<80x128xf32, #tpu.memory_space<vmem>>, vector<1x16xf32>,
      %swap3A_417 = vector.shape_cast %swap3A_416 : vector<1x16xf32> to vector<16xf32>
      %swap3A_418 = vector.shape_cast %mul3A_413 : vector<16xf32> to vector<1x16xf32>
      tpu.vector_store %arg15[%swap3A_414, %swap3A_415], %swap3A_418 {strides = array<i32>} : memref<80x128xf32, #tpu.memory_space<vmem>>, vector<1x16xf32>,
      %get3A_419 = arith.index_cast %add3A_376 : i32 to index
      %get3A_420 = arith.constant 48 : index
      %get3A_421 = tpu.vector_load %arg15[%get3A_419, %get3A_420] {strides = array<i32>} : memref<80x128xf32, #tpu.memory_space<vmem>>, vector<1x16xf32>,
      %get3A_422 = vector.shape_cast %get3A_421 : vector<1x16xf32> to vector<16xf32>
      %get3A_423 = arith.index_cast %add3A_376 : i32 to index
      %get3A_424 = arith.constant 48 : index
      %get3A_425 = tpu.vector_load %arg17[%get3A_423, %get3A_424] {strides = array<i32>} : memref<80x128xf32, #tpu.memory_space<vmem>>, vector<1x16xf32>,
      %get3A_426 = vector.shape_cast %get3A_425 : vector<1x16xf32> to vector<16xf32>
      %mul3A_427 = arith.mulf %get3A_422, %get3A_426 : vector<16xf32>
      %swap3A_428 = arith.index_cast %add3A_376 : i32 to index
      %swap3A_429 = arith.constant 48 : index
      %swap3A_430 = tpu.vector_load %arg15[%swap3A_428, %swap3A_429] {strides = array<i32>} : memref<80x128xf32, #tpu.memory_space<vmem>>, vector<1x16xf32>,
      %swap3A_431 = vector.shape_cast %swap3A_430 : vector<1x16xf32> to vector<16xf32>
      %swap3A_432 = vector.shape_cast %mul3A_427 : vector<16xf32> to vector<1x16xf32>
      tpu.vector_store %arg15[%swap3A_428, %swap3A_429], %swap3A_432 {strides = array<i32>} : memref<80x128xf32, #tpu.memory_space<vmem>>, vector<1x16xf32>,
      %get3A_433 = arith.index_cast %add3A_376 : i32 to index
      %get3A_434 = arith.constant 64 : index
      %get3A_435 = tpu.vector_load %arg15[%get3A_433, %get3A_434] {strides = array<i32>} : memref<80x128xf32, #tpu.memory_space<vmem>>, vector<1x16xf32>,
      %get3A_436 = vector.shape_cast %get3A_435 : vector<1x16xf32> to vector<16xf32>
      %get3A_437 = arith.index_cast %add3A_376 : i32 to index
      %get3A_438 = arith.constant 64 : index
      %get3A_439 = tpu.vector_load %arg17[%get3A_437, %get3A_438] {strides = array<i32>} : memref<80x128xf32, #tpu.memory_space<vmem>>, vector<1x16xf32>,
      %get3A_440 = vector.shape_cast %get3A_439 : vector<1x16xf32> to vector<16xf32>
      %mul3A_441 = arith.mulf %get3A_436, %get3A_440 : vector<16xf32>
      %swap3A_442 = arith.index_cast %add3A_376 : i32 to index
      %swap3A_443 = arith.constant 64 : index
      %swap3A_444 = tpu.vector_load %arg15[%swap3A_442, %swap3A_443] {strides = array<i32>} : memref<80x128xf32, #tpu.memory_space<vmem>>, vector<1x16xf32>,
      %swap3A_445 = vector.shape_cast %swap3A_444 : vector<1x16xf32> to vector<16xf32>
      %swap3A_446 = vector.shape_cast %mul3A_441 : vector<16xf32> to vector<1x16xf32>
      tpu.vector_store %arg15[%swap3A_442, %swap3A_443], %swap3A_446 {strides = array<i32>} : memref<80x128xf32, #tpu.memory_space<vmem>>, vector<1x16xf32>,
      %get3A_447 = arith.index_cast %add3A_376 : i32 to index
      %get3A_448 = arith.constant 80 : index
      %get3A_449 = tpu.vector_load %arg15[%get3A_447, %get3A_448] {strides = array<i32>} : memref<80x128xf32, #tpu.memory_space<vmem>>, vector<1x16xf32>,
      %get3A_450 = vector.shape_cast %get3A_449 : vector<1x16xf32> to vector<16xf32>
      %get3A_451 = arith.index_cast %add3A_376 : i32 to index
      %get3A_452 = arith.constant 80 : index
      %get3A_453 = tpu.vector_load %arg17[%get3A_451, %get3A_452] {strides = array<i32>} : memref<80x128xf32, #tpu.memory_space<vmem>>, vector<1x16xf32>,
      %get3A_454 = vector.shape_cast %get3A_453 : vector<1x16xf32> to vector<16xf32>
      %mul3A_455 = arith.mulf %get3A_450, %get3A_454 : vector<16xf32>
      %swap3A_456 = arith.index_cast %add3A_376 : i32 to index
      %swap3A_457 = arith.constant 80 : index
      %swap3A_458 = tpu.vector_load %arg15[%swap3A_456, %swap3A_457] {strides = array<i32>} : memref<80x128xf32, #tpu.memory_space<vmem>>, vector<1x16xf32>,
      %swap3A_459 = vector.shape_cast %swap3A_458 : vector<1x16xf32> to vector<16xf32>
      %swap3A_460 = vector.shape_cast %mul3A_455 : vector<16xf32> to vector<1x16xf32>
      tpu.vector_store %arg15[%swap3A_456, %swap3A_457], %swap3A_460 {strides = array<i32>} : memref<80x128xf32, #tpu.memory_space<vmem>>, vector<1x16xf32>,
      %get3A_461 = arith.index_cast %add3A_376 : i32 to index
      %get3A_462 = arith.constant 96 : index
      %get3A_463 = tpu.vector_load %arg15[%get3A_461, %get3A_462] {strides = array<i32>} : memref<80x128xf32, #tpu.memory_space<vmem>>, vector<1x16xf32>,
      %get3A_464 = vector.shape_cast %get3A_463 : vector<1x16xf32> to vector<16xf32>
      %get3A_465 = arith.index_cast %add3A_376 : i32 to index
      %get3A_466 = arith.constant 96 : index
      %get3A_467 = tpu.vector_load %arg17[%get3A_465, %get3A_466] {strides = array<i32>} : memref<80x128xf32, #tpu.memory_space<vmem>>, vector<1x16xf32>,
      %get3A_468 = vector.shape_cast %get3A_467 : vector<1x16xf32> to vector<16xf32>
      %mul3A_469 = arith.mulf %get3A_464, %get3A_468 : vector<16xf32>
      %swap3A_470 = arith.index_cast %add3A_376 : i32 to index
      %swap3A_471 = arith.constant 96 : index
      %swap3A_472 = tpu.vector_load %arg15[%swap3A_470, %swap3A_471] {strides = array<i32>} : memref<80x128xf32, #tpu.memory_space<vmem>>, vector<1x16xf32>,
      %swap3A_473 = vector.shape_cast %swap3A_472 : vector<1x16xf32> to vector<16xf32>
      %swap3A_474 = vector.shape_cast %mul3A_469 : vector<16xf32> to vector<1x16xf32>
      tpu.vector_store %arg15[%swap3A_470, %swap3A_471], %swap3A_474 {strides = array<i32>} : memref<80x128xf32, #tpu.memory_space<vmem>>, vector<1x16xf32>,
      %get3A_475 = arith.index_cast %add3A_376 : i32 to index
      %get3A_476 = arith.constant 112 : index
      %get3A_477 = tpu.vector_load %arg15[%get3A_475, %get3A_476] {strides = array<i32>} : memref<80x128xf32, #tpu.memory_space<vmem>>, vector<1x16xf32>,
      %get3A_478 = vector.shape_cast %get3A_477 : vector<1x16xf32> to vector<16xf32>
      %get3A_479 = arith.index_cast %add3A_376 : i32 to index
      %get3A_480 = arith.constant 112 : index
      %get3A_481 = tpu.vector_load %arg17[%get3A_479, %get3A_480] {strides = array<i32>} : memref<80x128xf32, #tpu.memory_space<vmem>>, vector<1x16xf32>,
      %get3A_482 = vector.shape_cast %get3A_481 : vector<1x16xf32> to vector<16xf32>
      %mul3A_483 = arith.mulf %get3A_478, %get3A_482 : vector<16xf32>
      %swap3A_484 = arith.index_cast %add3A_376 : i32 to index
      %swap3A_485 = arith.constant 112 : index
      %swap3A_486 = tpu.vector_load %arg15[%swap3A_484, %swap3A_485] {strides = array<i32>} : memref<80x128xf32, #tpu.memory_space<vmem>>, vector<1x16xf32>,
      %swap3A_487 = vector.shape_cast %swap3A_486 : vector<1x16xf32> to vector<16xf32>
      %swap3A_488 = vector.shape_cast %mul3A_483 : vector<16xf32> to vector<1x16xf32>
      tpu.vector_store %arg15[%swap3A_484, %swap3A_485], %swap3A_488 {strides = array<i32>} : memref<80x128xf32, #tpu.memory_space<vmem>>, vector<1x16xf32>,
      %mul3A_489 = arith.constant 4 : i32
      %mul3A_490 = arith.muli %mul3A_489, %scan3A_142 : i32
      %add3A_491 = arith.constant 3 : i32
      %add3A_492 = arith.addi %mul3A_490, %add3A_491 : i32
      %get3A_493 = arith.index_cast %add3A_492 : i32 to index
      %get3A_494 = arith.constant 0 : index
      %get3A_495 = tpu.vector_load %arg15[%get3A_493, %get3A_494] {strides = array<i32>} : memref<80x128xf32, #tpu.memory_space<vmem>>, vector<1x16xf32>,
      %get3A_496 = vector.shape_cast %get3A_495 : vector<1x16xf32> to vector<16xf32>
      %get3A_497 = arith.index_cast %add3A_492 : i32 to index
      %get3A_498 = arith.constant 0 : index
      %get3A_499 = tpu.vector_load %arg17[%get3A_497, %get3A_498] {strides = array<i32>} : memref<80x128xf32, #tpu.memory_space<vmem>>, vector<1x16xf32>,
      %get3A_500 = vector.shape_cast %get3A_499 : vector<1x16xf32> to vector<16xf32>
      %mul3A_501 = arith.mulf %get3A_496, %get3A_500 : vector<16xf32>
      %swap3A_502 = arith.index_cast %add3A_492 : i32 to index
      %swap3A_503 = arith.constant 0 : index
      %swap3A_504 = tpu.vector_load %arg15[%swap3A_502, %swap3A_503] {strides = array<i32>} : memref<80x128xf32, #tpu.memory_space<vmem>>, vector<1x16xf32>,
      %swap3A_505 = vector.shape_cast %swap3A_504 : vector<1x16xf32> to vector<16xf32>
      %swap3A_506 = vector.shape_cast %mul3A_501 : vector<16xf32> to vector<1x16xf32>
      tpu.vector_store %arg15[%swap3A_502, %swap3A_503], %swap3A_506 {strides = array<i32>} : memref<80x128xf32, #tpu.memory_space<vmem>>, vector<1x16xf32>,
      %get3A_507 = arith.index_cast %add3A_492 : i32 to index
      %get3A_508 = arith.constant 16 : index
      %get3A_509 = tpu.vector_load %arg15[%get3A_507, %get3A_508] {strides = array<i32>} : memref<80x128xf32, #tpu.memory_space<vmem>>, vector<1x16xf32>,
      %get3A_510 = vector.shape_cast %get3A_509 : vector<1x16xf32> to vector<16xf32>
      %get3A_511 = arith.index_cast %add3A_492 : i32 to index
      %get3A_512 = arith.constant 16 : index
      %get3A_513 = tpu.vector_load %arg17[%get3A_511, %get3A_512] {strides = array<i32>} : memref<80x128xf32, #tpu.memory_space<vmem>>, vector<1x16xf32>,
      %get3A_514 = vector.shape_cast %get3A_513 : vector<1x16xf32> to vector<16xf32>
      %mul3A_515 = arith.mulf %get3A_510, %get3A_514 : vector<16xf32>
      %swap3A_516 = arith.index_cast %add3A_492 : i32 to index
      %swap3A_517 = arith.constant 16 : index
      %swap3A_518 = tpu.vector_load %arg15[%swap3A_516, %swap3A_517] {strides = array<i32>} : memref<80x128xf32, #tpu.memory_space<vmem>>, vector<1x16xf32>,
      %swap3A_519 = vector.shape_cast %swap3A_518 : vector<1x16xf32> to vector<16xf32>
      %swap3A_520 = vector.shape_cast %mul3A_515 : vector<16xf32> to vector<1x16xf32>
      tpu.vector_store %arg15[%swap3A_516, %swap3A_517], %swap3A_520 {strides = array<i32>} : memref<80x128xf32, #tpu.memory_space<vmem>>, vector<1x16xf32>,
      %get3A_521 = arith.index_cast %add3A_492 : i32 to index
      %get3A_522 = arith.constant 32 : index
      %get3A_523 = tpu.vector_load %arg15[%get3A_521, %get3A_522] {strides = array<i32>} : memref<80x128xf32, #tpu.memory_space<vmem>>, vector<1x16xf32>,
      %get3A_524 = vector.shape_cast %get3A_523 : vector<1x16xf32> to vector<16xf32>
      %get3A_525 = arith.index_cast %add3A_492 : i32 to index
      %get3A_526 = arith.constant 32 : index
      %get3A_527 = tpu.vector_load %arg17[%get3A_525, %get3A_526] {strides = array<i32>} : memref<80x128xf32, #tpu.memory_space<vmem>>, vector<1x16xf32>,
      %get3A_528 = vector.shape_cast %get3A_527 : vector<1x16xf32> to vector<16xf32>
      %mul3A_529 = arith.mulf %get3A_524, %get3A_528 : vector<16xf32>
      %swap3A_530 = arith.index_cast %add3A_492 : i32 to index
      %swap3A_531 = arith.constant 32 : index
      %swap3A_532 = tpu.vector_load %arg15[%swap3A_530, %swap3A_531] {strides = array<i32>} : memref<80x128xf32, #tpu.memory_space<vmem>>, vector<1x16xf32>,
      %swap3A_533 = vector.shape_cast %swap3A_532 : vector<1x16xf32> to vector<16xf32>
      %swap3A_534 = vector.shape_cast %mul3A_529 : vector<16xf32> to vector<1x16xf32>
      tpu.vector_store %arg15[%swap3A_530, %swap3A_531], %swap3A_534 {strides = array<i32>} : memref<80x128xf32, #tpu.memory_space<vmem>>, vector<1x16xf32>,
      %get3A_535 = arith.index_cast %add3A_492 : i32 to index
      %get3A_536 = arith.constant 48 : index
      %get3A_537 = tpu.vector_load %arg15[%get3A_535, %get3A_536] {strides = array<i32>} : memref<80x128xf32, #tpu.memory_space<vmem>>, vector<1x16xf32>,
      %get3A_538 = vector.shape_cast %get3A_537 : vector<1x16xf32> to vector<16xf32>
      %get3A_539 = arith.index_cast %add3A_492 : i32 to index
      %get3A_540 = arith.constant 48 : index
      %get3A_541 = tpu.vector_load %arg17[%get3A_539, %get3A_540] {strides = array<i32>} : memref<80x128xf32, #tpu.memory_space<vmem>>, vector<1x16xf32>,
      %get3A_542 = vector.shape_cast %get3A_541 : vector<1x16xf32> to vector<16xf32>
      %mul3A_543 = arith.mulf %get3A_538, %get3A_542 : vector<16xf32>
      %swap3A_544 = arith.index_cast %add3A_492 : i32 to index
      %swap3A_545 = arith.constant 48 : index
      %swap3A_546 = tpu.vector_load %arg15[%swap3A_544, %swap3A_545] {strides = array<i32>} : memref<80x128xf32, #tpu.memory_space<vmem>>, vector<1x16xf32>,
      %swap3A_547 = vector.shape_cast %swap3A_546 : vector<1x16xf32> to vector<16xf32>
      %swap3A_548 = vector.shape_cast %mul3A_543 : vector<16xf32> to vector<1x16xf32>
      tpu.vector_store %arg15[%swap3A_544, %swap3A_545], %swap3A_548 {strides = array<i32>} : memref<80x128xf32, #tpu.memory_space<vmem>>, vector<1x16xf32>,
      %get3A_549 = arith.index_cast %add3A_492 : i32 to index
      %get3A_550 = arith.constant 64 : index
      %get3A_551 = tpu.vector_load %arg15[%get3A_549, %get3A_550] {strides = array<i32>} : memref<80x128xf32, #tpu.memory_space<vmem>>, vector<1x16xf32>,
      %get3A_552 = vector.shape_cast %get3A_551 : vector<1x16xf32> to vector<16xf32>
      %get3A_553 = arith.index_cast %add3A_492 : i32 to index
      %get3A_554 = arith.constant 64 : index
      %get3A_555 = tpu.vector_load %arg17[%get3A_553, %get3A_554] {strides = array<i32>} : memref<80x128xf32, #tpu.memory_space<vmem>>, vector<1x16xf32>,
      %get3A_556 = vector.shape_cast %get3A_555 : vector<1x16xf32> to vector<16xf32>
      %mul3A_557 = arith.mulf %get3A_552, %get3A_556 : vector<16xf32>
      %swap3A_558 = arith.index_cast %add3A_492 : i32 to index
      %swap3A_559 = arith.constant 64 : index
      %swap3A_560 = tpu.vector_load %arg15[%swap3A_558, %swap3A_559] {strides = array<i32>} : memref<80x128xf32, #tpu.memory_space<vmem>>, vector<1x16xf32>,
      %swap3A_561 = vector.shape_cast %swap3A_560 : vector<1x16xf32> to vector<16xf32>
      %swap3A_562 = vector.shape_cast %mul3A_557 : vector<16xf32> to vector<1x16xf32>
      tpu.vector_store %arg15[%swap3A_558, %swap3A_559], %swap3A_562 {strides = array<i32>} : memref<80x128xf32, #tpu.memory_space<vmem>>, vector<1x16xf32>,
      %get3A_563 = arith.index_cast %add3A_492 : i32 to index
      %get3A_564 = arith.constant 80 : index
      %get3A_565 = tpu.vector_load %arg15[%get3A_563, %get3A_564] {strides = array<i32>} : memref<80x128xf32, #tpu.memory_space<vmem>>, vector<1x16xf32>,
      %get3A_566 = vector.shape_cast %get3A_565 : vector<1x16xf32> to vector<16xf32>
      %get3A_567 = arith.index_cast %add3A_492 : i32 to index
      %get3A_568 = arith.constant 80 : index
      %get3A_569 = tpu.vector_load %arg17[%get3A_567, %get3A_568] {strides = array<i32>} : memref<80x128xf32, #tpu.memory_space<vmem>>, vector<1x16xf32>,
      %get3A_570 = vector.shape_cast %get3A_569 : vector<1x16xf32> to vector<16xf32>
      %mul3A_571 = arith.mulf %get3A_566, %get3A_570 : vector<16xf32>
      %swap3A_572 = arith.index_cast %add3A_492 : i32 to index
      %swap3A_573 = arith.constant 80 : index
      %swap3A_574 = tpu.vector_load %arg15[%swap3A_572, %swap3A_573] {strides = array<i32>} : memref<80x128xf32, #tpu.memory_space<vmem>>, vector<1x16xf32>,
      %swap3A_575 = vector.shape_cast %swap3A_574 : vector<1x16xf32> to vector<16xf32>
      %swap3A_576 = vector.shape_cast %mul3A_571 : vector<16xf32> to vector<1x16xf32>
      tpu.vector_store %arg15[%swap3A_572, %swap3A_573], %swap3A_576 {strides = array<i32>} : memref<80x128xf32, #tpu.memory_space<vmem>>, vector<1x16xf32>,
      %get3A_577 = arith.index_cast %add3A_492 : i32 to index
      %get3A_578 = arith.constant 96 : index
      %get3A_579 = tpu.vector_load %arg15[%get3A_577, %get3A_578] {strides = array<i32>} : memref<80x128xf32, #tpu.memory_space<vmem>>, vector<1x16xf32>,
      %get3A_580 = vector.shape_cast %get3A_579 : vector<1x16xf32> to vector<16xf32>
      %get3A_581 = arith.index_cast %add3A_492 : i32 to index
      %get3A_582 = arith.constant 96 : index
      %get3A_583 = tpu.vector_load %arg17[%get3A_581, %get3A_582] {strides = array<i32>} : memref<80x128xf32, #tpu.memory_space<vmem>>, vector<1x16xf32>,
      %get3A_584 = vector.shape_cast %get3A_583 : vector<1x16xf32> to vector<16xf32>
      %mul3A_585 = arith.mulf %get3A_580, %get3A_584 : vector<16xf32>
      %swap3A_586 = arith.index_cast %add3A_492 : i32 to index
      %swap3A_587 = arith.constant 96 : index
      %swap3A_588 = tpu.vector_load %arg15[%swap3A_586, %swap3A_587] {strides = array<i32>} : memref<80x128xf32, #tpu.memory_space<vmem>>, vector<1x16xf32>,
      %swap3A_589 = vector.shape_cast %swap3A_588 : vector<1x16xf32> to vector<16xf32>
      %swap3A_590 = vector.shape_cast %mul3A_585 : vector<16xf32> to vector<1x16xf32>
      tpu.vector_store %arg15[%swap3A_586, %swap3A_587], %swap3A_590 {strides = array<i32>} : memref<80x128xf32, #tpu.memory_space<vmem>>, vector<1x16xf32>,
      %get3A_591 = arith.index_cast %add3A_492 : i32 to index
      %get3A_592 = arith.constant 112 : index
      %get3A_593 = tpu.vector_load %arg15[%get3A_591, %get3A_592] {strides = array<i32>} : memref<80x128xf32, #tpu.memory_space<vmem>>, vector<1x16xf32>,
      %get3A_594 = vector.shape_cast %get3A_593 : vector<1x16xf32> to vector<16xf32>
      %get3A_595 = arith.index_cast %add3A_492 : i32 to index
      %get3A_596 = arith.constant 112 : index
      %get3A_597 = tpu.vector_load %arg17[%get3A_595, %get3A_596] {strides = array<i32>} : memref<80x128xf32, #tpu.memory_space<vmem>>, vector<1x16xf32>,
      %get3A_598 = vector.shape_cast %get3A_597 : vector<1x16xf32> to vector<16xf32>
      %mul3A_599 = arith.mulf %get3A_594, %get3A_598 : vector<16xf32>
      %swap3A_600 = arith.index_cast %add3A_492 : i32 to index
      %swap3A_601 = arith.constant 112 : index
      %swap3A_602 = tpu.vector_load %arg15[%swap3A_600, %swap3A_601] {strides = array<i32>} : memref<80x128xf32, #tpu.memory_space<vmem>>, vector<1x16xf32>,
      %swap3A_603 = vector.shape_cast %swap3A_602 : vector<1x16xf32> to vector<16xf32>
      %swap3A_604 = vector.shape_cast %mul3A_599 : vector<16xf32> to vector<1x16xf32>
      tpu.vector_store %arg15[%swap3A_600, %swap3A_601], %swap3A_604 {strides = array<i32>} : memref<80x128xf32, #tpu.memory_space<vmem>>, vector<1x16xf32>,
    }
    %scan3A_102 = arith.constant 20 : i32
    %dma_start3A_103 = arith.constant 0 : i32
    %dma_start3A_104 = arith.constant 0 : i32
    %dma_start3A_105 = tpu.memref_slice %arg19[%dma_start3A_103, %dma_start3A_104] : memref<10240x128xf32, #tpu.memory_space<vmem_shared>> -> memref<10240x128xf32, #tpu.memory_space<vmem_shared>>
    tpu.enqueue_indirect_dma source(%arg15 : memref<80x128xf32, #tpu.memory_space<vmem>>) target(%dma_start3A_105 : memref<10240x128xf32, #tpu.memory_space<vmem_shared>>) offsets(%arg11 : memref<80xi32, #tpu.memory_space<vmem>>) semaphore(%arg24 : memref<!tpu.dma_semaphore, #tpu.memory_space<semaphore_mem>>) {add = true}
    %dma_wait3A_106 = arith.constant 0 : i32
    %dma_wait3A_107 = arith.constant 0 : i32
    %dma_wait3A_108 = tpu.memref_slice %arg19[%dma_wait3A_106, %dma_wait3A_107] : memref<10240x128xf32, #tpu.memory_space<vmem_shared>> -> memref<10240x128xf32, #tpu.memory_space<vmem_shared>>
    tpu.wait_indirect_dma semaphore(%arg24 : memref<!tpu.dma_semaphore, #tpu.memory_space<semaphore_mem>>) src(%arg15 : memref<80x128xf32, #tpu.memory_space<vmem>>) dst(%dma_wait3A_108 : memref<10240x128xf32, #tpu.memory_space<vmem_shared>>)
    %barrier3A_109 = arith.constant 0 : index
    tpu.barrier barrier_id(%barrier3A_109)
    %mul3A_110 = arith.constant 640 : i32
    %mul3A_111 = arith.muli %arg1, %mul3A_110 : i32
    %add3A_112 = arith.constant 0 : i32
    %add3A_113 = arith.addi %mul3A_111, %add3A_112 : i32
    "tpu.region"() ({
      %run_scoped3A = tpu.sem_alloc : memref<!tpu.dma_semaphore, #tpu.memory_space<semaphore_mem>>
      %dma_start3A_142 = arith.constant 0 : i32
      %dma_start3A_143 = tpu.memref_slice %arg19[%add3A_113, %dma_start3A_142] : memref<10240x128xf32, #tpu.memory_space<vmem_shared>> -> memref<80x128xf32, #tpu.memory_space<vmem_shared>>
      %dma_start3A_144 = arith.constant 0 : i32
      %dma_start3A_145 = tpu.memref_slice %arg19[%add3A_113, %dma_start3A_144] : memref<10240x128xf32, #tpu.memory_space<vmem_shared>> -> memref<80x128xf32, #tpu.memory_space<vmem_shared>>
      tpu.enqueue_dma source(%dma_start3A_145 : memref<80x128xf32, #tpu.memory_space<vmem_shared>>) target(%arg15 : memref<80x128xf32, #tpu.memory_space<vmem>>) target_semaphore(%run_scoped3A : memref<!tpu.dma_semaphore, #tpu.memory_space<semaphore_mem>>)
      %dma_wait3A_146 = arith.constant 0 : i32
      %dma_wait3A_147 = tpu.memref_slice %arg19[%add3A_113, %dma_wait3A_146] : memref<10240x128xf32, #tpu.memory_space<vmem_shared>> -> memref<80x128xf32, #tpu.memory_space<vmem_shared>>
      %dma_wait3A_148 = arith.constant 0 : i32
      %dma_wait3A_149 = tpu.memref_slice %arg19[%add3A_113, %dma_wait3A_148] : memref<10240x128xf32, #tpu.memory_space<vmem_shared>> -> memref<80x128xf32, #tpu.memory_space<vmem_shared>>
      tpu.wait_dma2 semaphore(%run_scoped3A : memref<!tpu.dma_semaphore, #tpu.memory_space<semaphore_mem>>) src(%dma_wait3A_149 : memref<80x128xf32, #tpu.memory_space<vmem_shared>>) dst(%arg15 : memref<80x128xf32, #tpu.memory_space<vmem>>)
      tpu.yield
    }) : () -> ()
    "tpu.region"() ({
      %run_scoped3A = tpu.sem_alloc : memref<!tpu.dma_semaphore, #tpu.memory_space<semaphore_mem>>
      %dma_start3A_142 = arith.constant 0 : i32
      %dma_start3A_143 = tpu.memref_slice %arg6[%arg0, %add3A_113, %dma_start3A_142] : memref<2x10240x128xf32, #tpu.memory_space<hbm>> -> memref<1x80x128xf32, #tpu.memory_space<hbm>>
      %dma_start3A_144 = tpu.memref_squeeze %dma_start3A_143 : memref<1x80x128xf32, #tpu.memory_space<hbm>> -> memref<80x128xf32, #tpu.memory_space<hbm>>
      %dma_start3A_145 = arith.constant 0 : i32
      %dma_start3A_146 = tpu.memref_slice %arg6[%arg0, %add3A_113, %dma_start3A_145] : memref<2x10240x128xf32, #tpu.memory_space<hbm>> -> memref<1x80x128xf32, #tpu.memory_space<hbm>>
      %dma_start3A_147 = tpu.memref_squeeze %dma_start3A_146 : memref<1x80x128xf32, #tpu.memory_space<hbm>> -> memref<80x128xf32, #tpu.memory_space<hbm>>
      tpu.enqueue_dma source(%arg15 : memref<80x128xf32, #tpu.memory_space<vmem>>) target(%dma_start3A_147 : memref<80x128xf32, #tpu.memory_space<hbm>>) target_semaphore(%run_scoped3A : memref<!tpu.dma_semaphore, #tpu.memory_space<semaphore_mem>>)
      %dma_wait3A_148 = arith.constant 0 : i32
      %dma_wait3A_149 = tpu.memref_slice %arg6[%arg0, %add3A_113, %dma_wait3A_148] : memref<2x10240x128xf32, #tpu.memory_space<hbm>> -> memref<1x80x128xf32, #tpu.memory_space<hbm>>
      %dma_wait3A_150 = tpu.memref_squeeze %dma_wait3A_149 : memref<1x80x128xf32, #tpu.memory_space<hbm>> -> memref<80x128xf32, #tpu.memory_space<hbm>>
      %dma_wait3A_151 = arith.constant 0 : i32
      %dma_wait3A_152 = tpu.memref_slice %arg6[%arg0, %add3A_113, %dma_wait3A_151] : memref<2x10240x128xf32, #tpu.memory_space<hbm>> -> memref<1x80x128xf32, #tpu.memory_space<hbm>>
      %dma_wait3A_153 = tpu.memref_squeeze %dma_wait3A_152 : memref<1x80x128xf32, #tpu.memory_space<hbm>> -> memref<80x128xf32, #tpu.memory_space<hbm>>
      tpu.wait_dma2 semaphore(%run_scoped3A : memref<!tpu.dma_semaphore, #tpu.memory_space<semaphore_mem>>) src(%arg15 : memref<80x128xf32, #tpu.memory_space<vmem>>) dst(%dma_wait3A_153 : memref<80x128xf32, #tpu.memory_space<hbm>>)
      tpu.yield
    }) : () -> ()
    %mul3A_114 = arith.constant 640 : i32
    %mul3A_115 = arith.muli %arg1, %mul3A_114 : i32
    %add3A_116 = arith.constant 80 : i32
    %add3A_117 = arith.addi %mul3A_115, %add3A_116 : i32
    "tpu.region"() ({
      %run_scoped3A = tpu.sem_alloc : memref<!tpu.dma_semaphore, #tpu.memory_space<semaphore_mem>>
      %dma_start3A_142 = arith.constant 0 : i32
      %dma_start3A_143 = tpu.memref_slice %arg19[%add3A_117, %dma_start3A_142] : memref<10240x128xf32, #tpu.memory_space<vmem_shared>> -> memref<80x128xf32, #tpu.memory_space<vmem_shared>>
      %dma_start3A_144 = arith.constant 0 : i32
      %dma_start3A_145 = tpu.memref_slice %arg19[%add3A_117, %dma_start3A_144] : memref<10240x128xf32, #tpu.memory_space<vmem_shared>> -> memref<80x128xf32, #tpu.memory_space<vmem_shared>>
      tpu.enqueue_dma source(%dma_start3A_145 : memref<80x128xf32, #tpu.memory_space<vmem_shared>>) target(%arg15 : memref<80x128xf32, #tpu.memory_space<vmem>>) target_semaphore(%run_scoped3A : memref<!tpu.dma_semaphore, #tpu.memory_space<semaphore_mem>>)
      %dma_wait3A_146 = arith.constant 0 : i32
      %dma_wait3A_147 = tpu.memref_slice %arg19[%add3A_117, %dma_wait3A_146] : memref<10240x128xf32, #tpu.memory_space<vmem_shared>> -> memref<80x128xf32, #tpu.memory_space<vmem_shared>>
      %dma_wait3A_148 = arith.constant 0 : i32
      %dma_wait3A_149 = tpu.memref_slice %arg19[%add3A_117, %dma_wait3A_148] : memref<10240x128xf32, #tpu.memory_space<vmem_shared>> -> memref<80x128xf32, #tpu.memory_space<vmem_shared>>
      tpu.wait_dma2 semaphore(%run_scoped3A : memref<!tpu.dma_semaphore, #tpu.memory_space<semaphore_mem>>) src(%dma_wait3A_149 : memref<80x128xf32, #tpu.memory_space<vmem_shared>>) dst(%arg15 : memref<80x128xf32, #tpu.memory_space<vmem>>)
      tpu.yield
    }) : () -> ()
    "tpu.region"() ({
      %run_scoped3A = tpu.sem_alloc : memref<!tpu.dma_semaphore, #tpu.memory_space<semaphore_mem>>
      %dma_start3A_142 = arith.constant 0 : i32
      %dma_start3A_143 = tpu.memref_slice %arg6[%arg0, %add3A_117, %dma_start3A_142] : memref<2x10240x128xf32, #tpu.memory_space<hbm>> -> memref<1x80x128xf32, #tpu.memory_space<hbm>>
      %dma_start3A_144 = tpu.memref_squeeze %dma_start3A_143 : memref<1x80x128xf32, #tpu.memory_space<hbm>> -> memref<80x128xf32, #tpu.memory_space<hbm>>
      %dma_start3A_145 = arith.constant 0 : i32
      %dma_start3A_146 = tpu.memref_slice %arg6[%arg0, %add3A_117, %dma_start3A_145] : memref<2x10240x128xf32, #tpu.memory_space<hbm>> -> memref<1x80x128xf32, #tpu.memory_space<hbm>>
      %dma_start3A_147 = tpu.memref_squeeze %dma_start3A_146 : memref<1x80x128xf32, #tpu.memory_space<hbm>> -> memref<80x128xf32, #tpu.memory_space<hbm>>
      tpu.enqueue_dma source(%arg15 : memref<80x128xf32, #tpu.memory_space<vmem>>) target(%dma_start3A_147 : memref<80x128xf32, #tpu.memory_space<hbm>>) target_semaphore(%run_scoped3A : memref<!tpu.dma_semaphore, #tpu.memory_space<semaphore_mem>>)
      %dma_wait3A_148 = arith.constant 0 : i32
      %dma_wait3A_149 = tpu.memref_slice %arg6[%arg0, %add3A_117, %dma_wait3A_148] : memref<2x10240x128xf32, #tpu.memory_space<hbm>> -> memref<1x80x128xf32, #tpu.memory_space<hbm>>
      %dma_wait3A_150 = tpu.memref_squeeze %dma_wait3A_149 : memref<1x80x128xf32, #tpu.memory_space<hbm>> -> memref<80x128xf32, #tpu.memory_space<hbm>>
      %dma_wait3A_151 = arith.constant 0 : i32
      %dma_wait3A_152 = tpu.memref_slice %arg6[%arg0, %add3A_117, %dma_wait3A_151] : memref<2x10240x128xf32, #tpu.memory_space<hbm>> -> memref<1x80x128xf32, #tpu.memory_space<hbm>>
      %dma_wait3A_153 = tpu.memref_squeeze %dma_wait3A_152 : memref<1x80x128xf32, #tpu.memory_space<hbm>> -> memref<80x128xf32, #tpu.memory_space<hbm>>
      tpu.wait_dma2 semaphore(%run_scoped3A : memref<!tpu.dma_semaphore, #tpu.memory_space<semaphore_mem>>) src(%arg15 : memref<80x128xf32, #tpu.memory_space<vmem>>) dst(%dma_wait3A_153 : memref<80x128xf32, #tpu.memory_space<hbm>>)
      tpu.yield
    }) : () -> ()
    %mul3A_118 = arith.constant 640 : i32
    %mul3A_119 = arith.muli %arg1, %mul3A_118 : i32
    %add3A_120 = arith.constant 160 : i32
    %add3A_121 = arith.addi %mul3A_119, %add3A_120 : i32
    "tpu.region"() ({
      %run_scoped3A = tpu.sem_alloc : memref<!tpu.dma_semaphore, #tpu.memory_space<semaphore_mem>>
      %dma_start3A_142 = arith.constant 0 : i32
      %dma_start3A_143 = tpu.memref_slice %arg19[%add3A_121, %dma_start3A_142] : memref<10240x128xf32, #tpu.memory_space<vmem_shared>> -> memref<80x128xf32, #tpu.memory_space<vmem_shared>>
      %dma_start3A_144 = arith.constant 0 : i32
      %dma_start3A_145 = tpu.memref_slice %arg19[%add3A_121, %dma_start3A_144] : memref<10240x128xf32, #tpu.memory_space<vmem_shared>> -> memref<80x128xf32, #tpu.memory_space<vmem_shared>>
      tpu.enqueue_dma source(%dma_start3A_145 : memref<80x128xf32, #tpu.memory_space<vmem_shared>>) target(%arg15 : memref<80x128xf32, #tpu.memory_space<vmem>>) target_semaphore(%run_scoped3A : memref<!tpu.dma_semaphore, #tpu.memory_space<semaphore_mem>>)
      %dma_wait3A_146 = arith.constant 0 : i32
      %dma_wait3A_147 = tpu.memref_slice %arg19[%add3A_121, %dma_wait3A_146] : memref<10240x128xf32, #tpu.memory_space<vmem_shared>> -> memref<80x128xf32, #tpu.memory_space<vmem_shared>>
      %dma_wait3A_148 = arith.constant 0 : i32
      %dma_wait3A_149 = tpu.memref_slice %arg19[%add3A_121, %dma_wait3A_148] : memref<10240x128xf32, #tpu.memory_space<vmem_shared>> -> memref<80x128xf32, #tpu.memory_space<vmem_shared>>
      tpu.wait_dma2 semaphore(%run_scoped3A : memref<!tpu.dma_semaphore, #tpu.memory_space<semaphore_mem>>) src(%dma_wait3A_149 : memref<80x128xf32, #tpu.memory_space<vmem_shared>>) dst(%arg15 : memref<80x128xf32, #tpu.memory_space<vmem>>)
      tpu.yield
    }) : () -> ()
    "tpu.region"() ({
      %run_scoped3A = tpu.sem_alloc : memref<!tpu.dma_semaphore, #tpu.memory_space<semaphore_mem>>
      %dma_start3A_142 = arith.constant 0 : i32
      %dma_start3A_143 = tpu.memref_slice %arg6[%arg0, %add3A_121, %dma_start3A_142] : memref<2x10240x128xf32, #tpu.memory_space<hbm>> -> memref<1x80x128xf32, #tpu.memory_space<hbm>>
      %dma_start3A_144 = tpu.memref_squeeze %dma_start3A_143 : memref<1x80x128xf32, #tpu.memory_space<hbm>> -> memref<80x128xf32, #tpu.memory_space<hbm>>
      %dma_start3A_145 = arith.constant 0 : i32
      %dma_start3A_146 = tpu.memref_slice %arg6[%arg0, %add3A_121, %dma_start3A_145] : memref<2x10240x128xf32, #tpu.memory_space<hbm>> -> memref<1x80x128xf32, #tpu.memory_space<hbm>>
      %dma_start3A_147 = tpu.memref_squeeze %dma_start3A_146 : memref<1x80x128xf32, #tpu.memory_space<hbm>> -> memref<80x128xf32, #tpu.memory_space<hbm>>
      tpu.enqueue_dma source(%arg15 : memref<80x128xf32, #tpu.memory_space<vmem>>) target(%dma_start3A_147 : memref<80x128xf32, #tpu.memory_space<hbm>>) target_semaphore(%run_scoped3A : memref<!tpu.dma_semaphore, #tpu.memory_space<semaphore_mem>>)
      %dma_wait3A_148 = arith.constant 0 : i32
      %dma_wait3A_149 = tpu.memref_slice %arg6[%arg0, %add3A_121, %dma_wait3A_148] : memref<2x10240x128xf32, #tpu.memory_space<hbm>> -> memref<1x80x128xf32, #tpu.memory_space<hbm>>
      %dma_wait3A_150 = tpu.memref_squeeze %dma_wait3A_149 : memref<1x80x128xf32, #tpu.memory_space<hbm>> -> memref<80x128xf32, #tpu.memory_space<hbm>>
      %dma_wait3A_151 = arith.constant 0 : i32
      %dma_wait3A_152 = tpu.memref_slice %arg6[%arg0, %add3A_121, %dma_wait3A_151] : memref<2x10240x128xf32, #tpu.memory_space<hbm>> -> memref<1x80x128xf32, #tpu.memory_space<hbm>>
      %dma_wait3A_153 = tpu.memref_squeeze %dma_wait3A_152 : memref<1x80x128xf32, #tpu.memory_space<hbm>> -> memref<80x128xf32, #tpu.memory_space<hbm>>
      tpu.wait_dma2 semaphore(%run_scoped3A : memref<!tpu.dma_semaphore, #tpu.memory_space<semaphore_mem>>) src(%arg15 : memref<80x128xf32, #tpu.memory_space<vmem>>) dst(%dma_wait3A_153 : memref<80x128xf32, #tpu.memory_space<hbm>>)
      tpu.yield
    }) : () -> ()
    %mul3A_122 = arith.constant 640 : i32
    %mul3A_123 = arith.muli %arg1, %mul3A_122 : i32
    %add3A_124 = arith.constant 240 : i32
    %add3A_125 = arith.addi %mul3A_123, %add3A_124 : i32
    "tpu.region"() ({
      %run_scoped3A = tpu.sem_alloc : memref<!tpu.dma_semaphore, #tpu.memory_space<semaphore_mem>>
      %dma_start3A_142 = arith.constant 0 : i32
      %dma_start3A_143 = tpu.memref_slice %arg19[%add3A_125, %dma_start3A_142] : memref<10240x128xf32, #tpu.memory_space<vmem_shared>> -> memref<80x128xf32, #tpu.memory_space<vmem_shared>>
      %dma_start3A_144 = arith.constant 0 : i32
      %dma_start3A_145 = tpu.memref_slice %arg19[%add3A_125, %dma_start3A_144] : memref<10240x128xf32, #tpu.memory_space<vmem_shared>> -> memref<80x128xf32, #tpu.memory_space<vmem_shared>>
      tpu.enqueue_dma source(%dma_start3A_145 : memref<80x128xf32, #tpu.memory_space<vmem_shared>>) target(%arg15 : memref<80x128xf32, #tpu.memory_space<vmem>>) target_semaphore(%run_scoped3A : memref<!tpu.dma_semaphore, #tpu.memory_space<semaphore_mem>>)
      %dma_wait3A_146 = arith.constant 0 : i32
      %dma_wait3A_147 = tpu.memref_slice %arg19[%add3A_125, %dma_wait3A_146] : memref<10240x128xf32, #tpu.memory_space<vmem_shared>> -> memref<80x128xf32, #tpu.memory_space<vmem_shared>>
      %dma_wait3A_148 = arith.constant 0 : i32
      %dma_wait3A_149 = tpu.memref_slice %arg19[%add3A_125, %dma_wait3A_148] : memref<10240x128xf32, #tpu.memory_space<vmem_shared>> -> memref<80x128xf32, #tpu.memory_space<vmem_shared>>
      tpu.wait_dma2 semaphore(%run_scoped3A : memref<!tpu.dma_semaphore, #tpu.memory_space<semaphore_mem>>) src(%dma_wait3A_149 : memref<80x128xf32, #tpu.memory_space<vmem_shared>>) dst(%arg15 : memref<80x128xf32, #tpu.memory_space<vmem>>)
      tpu.yield
    }) : () -> ()
    "tpu.region"() ({
      %run_scoped3A = tpu.sem_alloc : memref<!tpu.dma_semaphore, #tpu.memory_space<semaphore_mem>>
      %dma_start3A_142 = arith.constant 0 : i32
      %dma_start3A_143 = tpu.memref_slice %arg6[%arg0, %add3A_125, %dma_start3A_142] : memref<2x10240x128xf32, #tpu.memory_space<hbm>> -> memref<1x80x128xf32, #tpu.memory_space<hbm>>
      %dma_start3A_144 = tpu.memref_squeeze %dma_start3A_143 : memref<1x80x128xf32, #tpu.memory_space<hbm>> -> memref<80x128xf32, #tpu.memory_space<hbm>>
      %dma_start3A_145 = arith.constant 0 : i32
      %dma_start3A_146 = tpu.memref_slice %arg6[%arg0, %add3A_125, %dma_start3A_145] : memref<2x10240x128xf32, #tpu.memory_space<hbm>> -> memref<1x80x128xf32, #tpu.memory_space<hbm>>
      %dma_start3A_147 = tpu.memref_squeeze %dma_start3A_146 : memref<1x80x128xf32, #tpu.memory_space<hbm>> -> memref<80x128xf32, #tpu.memory_space<hbm>>
      tpu.enqueue_dma source(%arg15 : memref<80x128xf32, #tpu.memory_space<vmem>>) target(%dma_start3A_147 : memref<80x128xf32, #tpu.memory_space<hbm>>) target_semaphore(%run_scoped3A : memref<!tpu.dma_semaphore, #tpu.memory_space<semaphore_mem>>)
      %dma_wait3A_148 = arith.constant 0 : i32
      %dma_wait3A_149 = tpu.memref_slice %arg6[%arg0, %add3A_125, %dma_wait3A_148] : memref<2x10240x128xf32, #tpu.memory_space<hbm>> -> memref<1x80x128xf32, #tpu.memory_space<hbm>>
      %dma_wait3A_150 = tpu.memref_squeeze %dma_wait3A_149 : memref<1x80x128xf32, #tpu.memory_space<hbm>> -> memref<80x128xf32, #tpu.memory_space<hbm>>
      %dma_wait3A_151 = arith.constant 0 : i32
      %dma_wait3A_152 = tpu.memref_slice %arg6[%arg0, %add3A_125, %dma_wait3A_151] : memref<2x10240x128xf32, #tpu.memory_space<hbm>> -> memref<1x80x128xf32, #tpu.memory_space<hbm>>
      %dma_wait3A_153 = tpu.memref_squeeze %dma_wait3A_152 : memref<1x80x128xf32, #tpu.memory_space<hbm>> -> memref<80x128xf32, #tpu.memory_space<hbm>>
      tpu.wait_dma2 semaphore(%run_scoped3A : memref<!tpu.dma_semaphore, #tpu.memory_space<semaphore_mem>>) src(%arg15 : memref<80x128xf32, #tpu.memory_space<vmem>>) dst(%dma_wait3A_153 : memref<80x128xf32, #tpu.memory_space<hbm>>)
      tpu.yield
    }) : () -> ()
    %mul3A_126 = arith.constant 640 : i32
    %mul3A_127 = arith.muli %arg1, %mul3A_126 : i32
    %add3A_128 = arith.constant 320 : i32
    %add3A_129 = arith.addi %mul3A_127, %add3A_128 : i32
    "tpu.region"() ({
      %run_scoped3A = tpu.sem_alloc : memref<!tpu.dma_semaphore, #tpu.memory_space<semaphore_mem>>
      %dma_start3A_142 = arith.constant 0 : i32
      %dma_start3A_143 = tpu.memref_slice %arg19[%add3A_129, %dma_start3A_142] : memref<10240x128xf32, #tpu.memory_space<vmem_shared>> -> memref<80x128xf32, #tpu.memory_space<vmem_shared>>
      %dma_start3A_144 = arith.constant 0 : i32
      %dma_start3A_145 = tpu.memref_slice %arg19[%add3A_129, %dma_start3A_144] : memref<10240x128xf32, #tpu.memory_space<vmem_shared>> -> memref<80x128xf32, #tpu.memory_space<vmem_shared>>
      tpu.enqueue_dma source(%dma_start3A_145 : memref<80x128xf32, #tpu.memory_space<vmem_shared>>) target(%arg15 : memref<80x128xf32, #tpu.memory_space<vmem>>) target_semaphore(%run_scoped3A : memref<!tpu.dma_semaphore, #tpu.memory_space<semaphore_mem>>)
      %dma_wait3A_146 = arith.constant 0 : i32
      %dma_wait3A_147 = tpu.memref_slice %arg19[%add3A_129, %dma_wait3A_146] : memref<10240x128xf32, #tpu.memory_space<vmem_shared>> -> memref<80x128xf32, #tpu.memory_space<vmem_shared>>
      %dma_wait3A_148 = arith.constant 0 : i32
      %dma_wait3A_149 = tpu.memref_slice %arg19[%add3A_129, %dma_wait3A_148] : memref<10240x128xf32, #tpu.memory_space<vmem_shared>> -> memref<80x128xf32, #tpu.memory_space<vmem_shared>>
      tpu.wait_dma2 semaphore(%run_scoped3A : memref<!tpu.dma_semaphore, #tpu.memory_space<semaphore_mem>>) src(%dma_wait3A_149 : memref<80x128xf32, #tpu.memory_space<vmem_shared>>) dst(%arg15 : memref<80x128xf32, #tpu.memory_space<vmem>>)
      tpu.yield
    }) : () -> ()
    "tpu.region"() ({
      %run_scoped3A = tpu.sem_alloc : memref<!tpu.dma_semaphore, #tpu.memory_space<semaphore_mem>>
      %dma_start3A_142 = arith.constant 0 : i32
      %dma_start3A_143 = tpu.memref_slice %arg6[%arg0, %add3A_129, %dma_start3A_142] : memref<2x10240x128xf32, #tpu.memory_space<hbm>> -> memref<1x80x128xf32, #tpu.memory_space<hbm>>
      %dma_start3A_144 = tpu.memref_squeeze %dma_start3A_143 : memref<1x80x128xf32, #tpu.memory_space<hbm>> -> memref<80x128xf32, #tpu.memory_space<hbm>>
      %dma_start3A_145 = arith.constant 0 : i32
      %dma_start3A_146 = tpu.memref_slice %arg6[%arg0, %add3A_129, %dma_start3A_145] : memref<2x10240x128xf32, #tpu.memory_space<hbm>> -> memref<1x80x128xf32, #tpu.memory_space<hbm>>
      %dma_start3A_147 = tpu.memref_squeeze %dma_start3A_146 : memref<1x80x128xf32, #tpu.memory_space<hbm>> -> memref<80x128xf32, #tpu.memory_space<hbm>>
      tpu.enqueue_dma source(%arg15 : memref<80x128xf32, #tpu.memory_space<vmem>>) target(%dma_start3A_147 : memref<80x128xf32, #tpu.memory_space<hbm>>) target_semaphore(%run_scoped3A : memref<!tpu.dma_semaphore, #tpu.memory_space<semaphore_mem>>)
      %dma_wait3A_148 = arith.constant 0 : i32
      %dma_wait3A_149 = tpu.memref_slice %arg6[%arg0, %add3A_129, %dma_wait3A_148] : memref<2x10240x128xf32, #tpu.memory_space<hbm>> -> memref<1x80x128xf32, #tpu.memory_space<hbm>>
      %dma_wait3A_150 = tpu.memref_squeeze %dma_wait3A_149 : memref<1x80x128xf32, #tpu.memory_space<hbm>> -> memref<80x128xf32, #tpu.memory_space<hbm>>
      %dma_wait3A_151 = arith.constant 0 : i32
      %dma_wait3A_152 = tpu.memref_slice %arg6[%arg0, %add3A_129, %dma_wait3A_151] : memref<2x10240x128xf32, #tpu.memory_space<hbm>> -> memref<1x80x128xf32, #tpu.memory_space<hbm>>
      %dma_wait3A_153 = tpu.memref_squeeze %dma_wait3A_152 : memref<1x80x128xf32, #tpu.memory_space<hbm>> -> memref<80x128xf32, #tpu.memory_space<hbm>>
      tpu.wait_dma2 semaphore(%run_scoped3A : memref<!tpu.dma_semaphore, #tpu.memory_space<semaphore_mem>>) src(%arg15 : memref<80x128xf32, #tpu.memory_space<vmem>>) dst(%dma_wait3A_153 : memref<80x128xf32, #tpu.memory_space<hbm>>)
      tpu.yield
    }) : () -> ()
    %mul3A_130 = arith.constant 640 : i32
    %mul3A_131 = arith.muli %arg1, %mul3A_130 : i32
    %add3A_132 = arith.constant 400 : i32
    %add3A_133 = arith.addi %mul3A_131, %add3A_132 : i32
    "tpu.region"() ({
      %run_scoped3A = tpu.sem_alloc : memref<!tpu.dma_semaphore, #tpu.memory_space<semaphore_mem>>
      %dma_start3A_142 = arith.constant 0 : i32
      %dma_start3A_143 = tpu.memref_slice %arg19[%add3A_133, %dma_start3A_142] : memref<10240x128xf32, #tpu.memory_space<vmem_shared>> -> memref<80x128xf32, #tpu.memory_space<vmem_shared>>
      %dma_start3A_144 = arith.constant 0 : i32
      %dma_start3A_145 = tpu.memref_slice %arg19[%add3A_133, %dma_start3A_144] : memref<10240x128xf32, #tpu.memory_space<vmem_shared>> -> memref<80x128xf32, #tpu.memory_space<vmem_shared>>
      tpu.enqueue_dma source(%dma_start3A_145 : memref<80x128xf32, #tpu.memory_space<vmem_shared>>) target(%arg15 : memref<80x128xf32, #tpu.memory_space<vmem>>) target_semaphore(%run_scoped3A : memref<!tpu.dma_semaphore, #tpu.memory_space<semaphore_mem>>)
      %dma_wait3A_146 = arith.constant 0 : i32
      %dma_wait3A_147 = tpu.memref_slice %arg19[%add3A_133, %dma_wait3A_146] : memref<10240x128xf32, #tpu.memory_space<vmem_shared>> -> memref<80x128xf32, #tpu.memory_space<vmem_shared>>
      %dma_wait3A_148 = arith.constant 0 : i32
      %dma_wait3A_149 = tpu.memref_slice %arg19[%add3A_133, %dma_wait3A_148] : memref<10240x128xf32, #tpu.memory_space<vmem_shared>> -> memref<80x128xf32, #tpu.memory_space<vmem_shared>>
      tpu.wait_dma2 semaphore(%run_scoped3A : memref<!tpu.dma_semaphore, #tpu.memory_space<semaphore_mem>>) src(%dma_wait3A_149 : memref<80x128xf32, #tpu.memory_space<vmem_shared>>) dst(%arg15 : memref<80x128xf32, #tpu.memory_space<vmem>>)
      tpu.yield
    }) : () -> ()
    "tpu.region"() ({
      %run_scoped3A = tpu.sem_alloc : memref<!tpu.dma_semaphore, #tpu.memory_space<semaphore_mem>>
      %dma_start3A_142 = arith.constant 0 : i32
      %dma_start3A_143 = tpu.memref_slice %arg6[%arg0, %add3A_133, %dma_start3A_142] : memref<2x10240x128xf32, #tpu.memory_space<hbm>> -> memref<1x80x128xf32, #tpu.memory_space<hbm>>
      %dma_start3A_144 = tpu.memref_squeeze %dma_start3A_143 : memref<1x80x128xf32, #tpu.memory_space<hbm>> -> memref<80x128xf32, #tpu.memory_space<hbm>>
      %dma_start3A_145 = arith.constant 0 : i32
      %dma_start3A_146 = tpu.memref_slice %arg6[%arg0, %add3A_133, %dma_start3A_145] : memref<2x10240x128xf32, #tpu.memory_space<hbm>> -> memref<1x80x128xf32, #tpu.memory_space<hbm>>
      %dma_start3A_147 = tpu.memref_squeeze %dma_start3A_146 : memref<1x80x128xf32, #tpu.memory_space<hbm>> -> memref<80x128xf32, #tpu.memory_space<hbm>>
      tpu.enqueue_dma source(%arg15 : memref<80x128xf32, #tpu.memory_space<vmem>>) target(%dma_start3A_147 : memref<80x128xf32, #tpu.memory_space<hbm>>) target_semaphore(%run_scoped3A : memref<!tpu.dma_semaphore, #tpu.memory_space<semaphore_mem>>)
      %dma_wait3A_148 = arith.constant 0 : i32
      %dma_wait3A_149 = tpu.memref_slice %arg6[%arg0, %add3A_133, %dma_wait3A_148] : memref<2x10240x128xf32, #tpu.memory_space<hbm>> -> memref<1x80x128xf32, #tpu.memory_space<hbm>>
      %dma_wait3A_150 = tpu.memref_squeeze %dma_wait3A_149 : memref<1x80x128xf32, #tpu.memory_space<hbm>> -> memref<80x128xf32, #tpu.memory_space<hbm>>
      %dma_wait3A_151 = arith.constant 0 : i32
      %dma_wait3A_152 = tpu.memref_slice %arg6[%arg0, %add3A_133, %dma_wait3A_151] : memref<2x10240x128xf32, #tpu.memory_space<hbm>> -> memref<1x80x128xf32, #tpu.memory_space<hbm>>
      %dma_wait3A_153 = tpu.memref_squeeze %dma_wait3A_152 : memref<1x80x128xf32, #tpu.memory_space<hbm>> -> memref<80x128xf32, #tpu.memory_space<hbm>>
      tpu.wait_dma2 semaphore(%run_scoped3A : memref<!tpu.dma_semaphore, #tpu.memory_space<semaphore_mem>>) src(%arg15 : memref<80x128xf32, #tpu.memory_space<vmem>>) dst(%dma_wait3A_153 : memref<80x128xf32, #tpu.memory_space<hbm>>)
      tpu.yield
    }) : () -> ()
    %mul3A_134 = arith.constant 640 : i32
    %mul3A_135 = arith.muli %arg1, %mul3A_134 : i32
    %add3A_136 = arith.constant 480 : i32
    %add3A_137 = arith.addi %mul3A_135, %add3A_136 : i32
    "tpu.region"() ({
      %run_scoped3A = tpu.sem_alloc : memref<!tpu.dma_semaphore, #tpu.memory_space<semaphore_mem>>
      %dma_start3A_142 = arith.constant 0 : i32
      %dma_start3A_143 = tpu.memref_slice %arg19[%add3A_137, %dma_start3A_142] : memref<10240x128xf32, #tpu.memory_space<vmem_shared>> -> memref<80x128xf32, #tpu.memory_space<vmem_shared>>
      %dma_start3A_144 = arith.constant 0 : i32
      %dma_start3A_145 = tpu.memref_slice %arg19[%add3A_137, %dma_start3A_144] : memref<10240x128xf32, #tpu.memory_space<vmem_shared>> -> memref<80x128xf32, #tpu.memory_space<vmem_shared>>
      tpu.enqueue_dma source(%dma_start3A_145 : memref<80x128xf32, #tpu.memory_space<vmem_shared>>) target(%arg15 : memref<80x128xf32, #tpu.memory_space<vmem>>) target_semaphore(%run_scoped3A : memref<!tpu.dma_semaphore, #tpu.memory_space<semaphore_mem>>)
      %dma_wait3A_146 = arith.constant 0 : i32
      %dma_wait3A_147 = tpu.memref_slice %arg19[%add3A_137, %dma_wait3A_146] : memref<10240x128xf32, #tpu.memory_space<vmem_shared>> -> memref<80x128xf32, #tpu.memory_space<vmem_shared>>
      %dma_wait3A_148 = arith.constant 0 : i32
      %dma_wait3A_149 = tpu.memref_slice %arg19[%add3A_137, %dma_wait3A_148] : memref<10240x128xf32, #tpu.memory_space<vmem_shared>> -> memref<80x128xf32, #tpu.memory_space<vmem_shared>>
      tpu.wait_dma2 semaphore(%run_scoped3A : memref<!tpu.dma_semaphore, #tpu.memory_space<semaphore_mem>>) src(%dma_wait3A_149 : memref<80x128xf32, #tpu.memory_space<vmem_shared>>) dst(%arg15 : memref<80x128xf32, #tpu.memory_space<vmem>>)
      tpu.yield
    }) : () -> ()
    "tpu.region"() ({
      %run_scoped3A = tpu.sem_alloc : memref<!tpu.dma_semaphore, #tpu.memory_space<semaphore_mem>>
      %dma_start3A_142 = arith.constant 0 : i32
      %dma_start3A_143 = tpu.memref_slice %arg6[%arg0, %add3A_137, %dma_start3A_142] : memref<2x10240x128xf32, #tpu.memory_space<hbm>> -> memref<1x80x128xf32, #tpu.memory_space<hbm>>
      %dma_start3A_144 = tpu.memref_squeeze %dma_start3A_143 : memref<1x80x128xf32, #tpu.memory_space<hbm>> -> memref<80x128xf32, #tpu.memory_space<hbm>>
      %dma_start3A_145 = arith.constant 0 : i32
      %dma_start3A_146 = tpu.memref_slice %arg6[%arg0, %add3A_137, %dma_start3A_145] : memref<2x10240x128xf32, #tpu.memory_space<hbm>> -> memref<1x80x128xf32, #tpu.memory_space<hbm>>
      %dma_start3A_147 = tpu.memref_squeeze %dma_start3A_146 : memref<1x80x128xf32, #tpu.memory_space<hbm>> -> memref<80x128xf32, #tpu.memory_space<hbm>>
      tpu.enqueue_dma source(%arg15 : memref<80x128xf32, #tpu.memory_space<vmem>>) target(%dma_start3A_147 : memref<80x128xf32, #tpu.memory_space<hbm>>) target_semaphore(%run_scoped3A : memref<!tpu.dma_semaphore, #tpu.memory_space<semaphore_mem>>)
      %dma_wait3A_148 = arith.constant 0 : i32
      %dma_wait3A_149 = tpu.memref_slice %arg6[%arg0, %add3A_137, %dma_wait3A_148] : memref<2x10240x128xf32, #tpu.memory_space<hbm>> -> memref<1x80x128xf32, #tpu.memory_space<hbm>>
      %dma_wait3A_150 = tpu.memref_squeeze %dma_wait3A_149 : memref<1x80x128xf32, #tpu.memory_space<hbm>> -> memref<80x128xf32, #tpu.memory_space<hbm>>
      %dma_wait3A_151 = arith.constant 0 : i32
      %dma_wait3A_152 = tpu.memref_slice %arg6[%arg0, %add3A_137, %dma_wait3A_151] : memref<2x10240x128xf32, #tpu.memory_space<hbm>> -> memref<1x80x128xf32, #tpu.memory_space<hbm>>
      %dma_wait3A_153 = tpu.memref_squeeze %dma_wait3A_152 : memref<1x80x128xf32, #tpu.memory_space<hbm>> -> memref<80x128xf32, #tpu.memory_space<hbm>>
      tpu.wait_dma2 semaphore(%run_scoped3A : memref<!tpu.dma_semaphore, #tpu.memory_space<semaphore_mem>>) src(%arg15 : memref<80x128xf32, #tpu.memory_space<vmem>>) dst(%dma_wait3A_153 : memref<80x128xf32, #tpu.memory_space<hbm>>)
      tpu.yield
    }) : () -> ()
    %mul3A_138 = arith.constant 640 : i32
    %mul3A_139 = arith.muli %arg1, %mul3A_138 : i32
    %add3A_140 = arith.constant 560 : i32
    %add3A_141 = arith.addi %mul3A_139, %add3A_140 : i32
    "tpu.region"() ({
      %run_scoped3A = tpu.sem_alloc : memref<!tpu.dma_semaphore, #tpu.memory_space<semaphore_mem>>
      %dma_start3A_142 = arith.constant 0 : i32
      %dma_start3A_143 = tpu.memref_slice %arg19[%add3A_141, %dma_start3A_142] : memref<10240x128xf32, #tpu.memory_space<vmem_shared>> -> memref<80x128xf32, #tpu.memory_space<vmem_shared>>
      %dma_start3A_144 = arith.constant 0 : i32
      %dma_start3A_145 = tpu.memref_slice %arg19[%add3A_141, %dma_start3A_144] : memref<10240x128xf32, #tpu.memory_space<vmem_shared>> -> memref<80x128xf32, #tpu.memory_space<vmem_shared>>
      tpu.enqueue_dma source(%dma_start3A_145 : memref<80x128xf32, #tpu.memory_space<vmem_shared>>) target(%arg15 : memref<80x128xf32, #tpu.memory_space<vmem>>) target_semaphore(%run_scoped3A : memref<!tpu.dma_semaphore, #tpu.memory_space<semaphore_mem>>)
      %dma_wait3A_146 = arith.constant 0 : i32
      %dma_wait3A_147 = tpu.memref_slice %arg19[%add3A_141, %dma_wait3A_146] : memref<10240x128xf32, #tpu.memory_space<vmem_shared>> -> memref<80x128xf32, #tpu.memory_space<vmem_shared>>
      %dma_wait3A_148 = arith.constant 0 : i32
      %dma_wait3A_149 = tpu.memref_slice %arg19[%add3A_141, %dma_wait3A_148] : memref<10240x128xf32, #tpu.memory_space<vmem_shared>> -> memref<80x128xf32, #tpu.memory_space<vmem_shared>>
      tpu.wait_dma2 semaphore(%run_scoped3A : memref<!tpu.dma_semaphore, #tpu.memory_space<semaphore_mem>>) src(%dma_wait3A_149 : memref<80x128xf32, #tpu.memory_space<vmem_shared>>) dst(%arg15 : memref<80x128xf32, #tpu.memory_space<vmem>>)
      tpu.yield
    }) : () -> ()
    "tpu.region"() ({
      %run_scoped3A = tpu.sem_alloc : memref<!tpu.dma_semaphore, #tpu.memory_space<semaphore_mem>>
      %dma_start3A_142 = arith.constant 0 : i32
      %dma_start3A_143 = tpu.memref_slice %arg6[%arg0, %add3A_141, %dma_start3A_142] : memref<2x10240x128xf32, #tpu.memory_space<hbm>> -> memref<1x80x128xf32, #tpu.memory_space<hbm>>
      %dma_start3A_144 = tpu.memref_squeeze %dma_start3A_143 : memref<1x80x128xf32, #tpu.memory_space<hbm>> -> memref<80x128xf32, #tpu.memory_space<hbm>>
      %dma_start3A_145 = arith.constant 0 : i32
      %dma_start3A_146 = tpu.memref_slice %arg6[%arg0, %add3A_141, %dma_start3A_145] : memref<2x10240x128xf32, #tpu.memory_space<hbm>> -> memref<1x80x128xf32, #tpu.memory_space<hbm>>
      %dma_start3A_147 = tpu.memref_squeeze %dma_start3A_146 : memref<1x80x128xf32, #tpu.memory_space<hbm>> -> memref<80x128xf32, #tpu.memory_space<hbm>>
      tpu.enqueue_dma source(%arg15 : memref<80x128xf32, #tpu.memory_space<vmem>>) target(%dma_start3A_147 : memref<80x128xf32, #tpu.memory_space<hbm>>) target_semaphore(%run_scoped3A : memref<!tpu.dma_semaphore, #tpu.memory_space<semaphore_mem>>)
      %dma_wait3A_148 = arith.constant 0 : i32
      %dma_wait3A_149 = tpu.memref_slice %arg6[%arg0, %add3A_141, %dma_wait3A_148] : memref<2x10240x128xf32, #tpu.memory_space<hbm>> -> memref<1x80x128xf32, #tpu.memory_space<hbm>>
      %dma_wait3A_150 = tpu.memref_squeeze %dma_wait3A_149 : memref<1x80x128xf32, #tpu.memory_space<hbm>> -> memref<80x128xf32, #tpu.memory_space<hbm>>
      %dma_wait3A_151 = arith.constant 0 : i32
      %dma_wait3A_152 = tpu.memref_slice %arg6[%arg0, %add3A_141, %dma_wait3A_151] : memref<2x10240x128xf32, #tpu.memory_space<hbm>> -> memref<1x80x128xf32, #tpu.memory_space<hbm>>
      %dma_wait3A_153 = tpu.memref_squeeze %dma_wait3A_152 : memref<1x80x128xf32, #tpu.memory_space<hbm>> -> memref<80x128xf32, #tpu.memory_space<hbm>>
      tpu.wait_dma2 semaphore(%run_scoped3A : memref<!tpu.dma_semaphore, #tpu.memory_space<semaphore_mem>>) src(%arg15 : memref<80x128xf32, #tpu.memory_space<vmem>>) dst(%dma_wait3A_153 : memref<80x128xf32, #tpu.memory_space<hbm>>)
      tpu.yield
    }) : () -> ()
    return
  }
}

module attributes {stable_mosaic.version = 14 : i64} {
  func.func @_ef_body(%arg0: i32, %arg1: memref<2000x1xf32, #tpu.memory_space<vmem>>, %arg2: memref<8x16xf32, #tpu.memory_space<vmem>>, %arg3: memref<16x128xf32, #tpu.memory_space<vmem>>, %arg4: memref<8x128xf32, #tpu.memory_space<vmem>>, %arg5: memref<2000x128xf32, #tpu.memory_space<vmem>>) attributes {dimension_semantics = [#tpu.dimension_semantics<arbitrary>], iteration_bounds = array<i64: 160>, scalar_prefetch = 0 : i64, scratch_operands = 0 : i64, tpu.core_type = #tpu.core_type<tc>, window_params = [{transform_indices = @transform_0, window_bounds = array<i64: 2000, 1>}, {pipeline_mode = #tpu.pipeline_mode<synchronous>, transform_indices = @transform_1, window_bounds = array<i64: 8, 16>}, {pipeline_mode = #tpu.pipeline_mode<synchronous>, transform_indices = @transform_2, window_bounds = array<i64: 16, 128>}, {pipeline_mode = #tpu.pipeline_mode<synchronous>, transform_indices = @transform_3, window_bounds = array<i64: 8, 128>}, {transform_indices = @transform_4, window_bounds = array<i64: 2000, 128>}]} {
    %get3A = arith.constant 0 : index
    %get3A_0 = arith.constant 0 : index
    %get3A_1 = vector.load %arg1[%get3A, %get3A_0] : memref<2000x1xf32, #tpu.memory_space<vmem>>, vector<2000x1xf32>
    %get3A_2 = arith.constant 0 : index
    %get3A_3 = arith.constant 0 : index
    %get3A_4 = vector.load %arg2[%get3A_2, %get3A_3] : memref<8x16xf32, #tpu.memory_space<vmem>>, vector<1x16xf32>
    %sub3A = vector.broadcast %get3A_1 : vector<2000x1xf32> to vector<2000x16xf32>
    %sub3A_5 = vector.broadcast %get3A_4 : vector<1x16xf32> to vector<2000x16xf32>
    %sub3A_6 = arith.subf %sub3A, %sub3A_5 : vector<2000x16xf32>
    %integer_pow3A = arith.mulf %sub3A_6, %sub3A_6 : vector<2000x16xf32>
    %mul3A = arith.constant -1.000000e+01 : f32
    %mul3A_7 = vector.broadcast %mul3A : f32 to vector<2000x16xf32>
    %mul3A_8 = arith.mulf %mul3A_7, %integer_pow3A : vector<2000x16xf32>
    %exp3A = math.exp %mul3A_8 : vector<2000x16xf32>
    %get3A_9 = arith.constant 0 : index
    %get3A_10 = arith.constant 0 : index
    %get3A_11 = vector.load %arg3[%get3A_9, %get3A_10] : memref<16x128xf32, #tpu.memory_space<vmem>>, vector<16x128xf32>
    %dot_general3A = arith.constant dense<0.000000e+00> : vector<2000x128xf32>
    %dot_general3A_12 = tpu.matmul %exp3A, %get3A_11, %dot_general3A {dimension_numbers = #tpu.dot_dimension_numbers<[1], [0], [0], [1], [0, 0, 1, 1], [], []>, transpose_lhs_hint = false} : vector<2000x16xf32>, vector<16x128xf32>, vector<2000x128xf32> -> vector<2000x128xf32>
    %get3A_13 = arith.constant 0 : index
    %get3A_14 = arith.constant 0 : index
    %get3A_15 = vector.load %arg4[%get3A_13, %get3A_14] : memref<8x128xf32, #tpu.memory_space<vmem>>, vector<1x128xf32>
    %add3A = vector.broadcast %get3A_15 : vector<1x128xf32> to vector<2000x128xf32>
    %add3A_16 = arith.addf %dot_general3A_12, %add3A : vector<2000x128xf32>
    %swap3A = arith.constant 0 : index
    %swap3A_17 = arith.constant 0 : index
    %swap3A_18 = vector.load %arg5[%swap3A, %swap3A_17] : memref<2000x128xf32, #tpu.memory_space<vmem>>, vector<2000x128xf32>
    tpu.vector_store %arg5[%swap3A, %swap3A_17], %add3A_16 {strides = array<i32>} : memref<2000x128xf32, #tpu.memory_space<vmem>>, vector<2000x128xf32>,
    return
  }
  func.func @transform_0(%arg0: i32) -> (i32, i32) {
    %c0_i32 = arith.constant 0 : i32
    %c0_i32_0 = arith.constant 0 : i32
    return %arg0, %c0_i32 : i32, i32
  }
  func.func @transform_1(%arg0: i32) -> (i32, i32) {
    %c0_i32 = arith.constant 0 : i32
    %c0_i32_0 = arith.constant 0 : i32
    %c0_i32_1 = arith.constant 0 : i32
    return %c0_i32, %c0_i32_0 : i32, i32
  }
  func.func @transform_2(%arg0: i32) -> (i32, i32) {
    %c0_i32 = arith.constant 0 : i32
    %c0_i32_0 = arith.constant 0 : i32
    %c0_i32_1 = arith.constant 0 : i32
    return %c0_i32, %c0_i32_0 : i32, i32
  }
  func.func @transform_3(%arg0: i32) -> (i32, i32) {
    %c0_i32 = arith.constant 0 : i32
    %c0_i32_0 = arith.constant 0 : i32
    %c0_i32_1 = arith.constant 0 : i32
    return %c0_i32, %c0_i32_0 : i32, i32
  }
  func.func @transform_4(%arg0: i32) -> (i32, i32) {
    %c0_i32 = arith.constant 0 : i32
    %c0_i32_0 = arith.constant 0 : i32
    return %arg0, %c0_i32 : i32, i32
  }
}

module attributes {stable_mosaic.version = 14 : i64} {
  func.func @_upd_body(%arg0: i32, %arg1: memref<1x2048x128xf32, #tpu.memory_space<vmem>>, %arg2: memref<1x2048x128xf32, #tpu.memory_space<vmem>>, %arg3: memref<2048x128xf32, #tpu.memory_space<vmem>>, %arg4: memref<128x128xf32, #tpu.memory_space<vmem>>, %arg5: memref<8x128xf32, #tpu.memory_space<vmem>>, %arg6: memref<2048x128xf32, #tpu.memory_space<vmem>>) attributes {dimension_semantics = [#tpu.dimension_semantics<arbitrary>], iteration_bounds = array<i64: 5>, scalar_prefetch = 0 : i64, scratch_operands = 0 : i64, tpu.core_type = #tpu.core_type<tc>, window_params = [{transform_indices = @transform_0, window_bounds = array<i64: 1, 2048, 128>}, {transform_indices = @transform_1, window_bounds = array<i64: 1, 2048, 128>}, {transform_indices = @transform_2, window_bounds = array<i64: 2048, 128>}, {pipeline_mode = #tpu.pipeline_mode<synchronous>, transform_indices = @transform_3, window_bounds = array<i64: 128, 128>}, {pipeline_mode = #tpu.pipeline_mode<synchronous>, transform_indices = @transform_4, window_bounds = array<i64: 8, 128>}, {transform_indices = @transform_5, window_bounds = array<i64: 2048, 128>}]} {
    %get3A = arith.constant 0 : index
    %get3A_0 = arith.constant 0 : index
    %get3A_1 = arith.constant 0 : index
    %get3A_2 = vector.load %arg1[%get3A, %get3A_0, %get3A_1] : memref<1x2048x128xf32, #tpu.memory_space<vmem>>, vector<1x2048x128xf32>
    %get3A_3 = vector.shape_cast %get3A_2 : vector<1x2048x128xf32> to vector<2048x128xf32>
    %get3A_4 = arith.constant 0 : index
    %get3A_5 = arith.constant 0 : index
    %get3A_6 = arith.constant 0 : index
    %get3A_7 = vector.load %arg2[%get3A_4, %get3A_5, %get3A_6] : memref<1x2048x128xf32, #tpu.memory_space<vmem>>, vector<1x2048x128xf32>
    %get3A_8 = vector.shape_cast %get3A_7 : vector<1x2048x128xf32> to vector<2048x128xf32>
    %add3A = arith.addf %get3A_3, %get3A_8 : vector<2048x128xf32>
    %get3A_9 = arith.constant 0 : index
    %get3A_10 = arith.constant 0 : index
    %get3A_11 = vector.load %arg4[%get3A_9, %get3A_10] : memref<128x128xf32, #tpu.memory_space<vmem>>, vector<128x128xf32>
    %dot_general3A = arith.constant dense<0.000000e+00> : vector<2048x128xf32>
    %dot_general3A_12 = tpu.matmul %add3A, %get3A_11, %dot_general3A {dimension_numbers = #tpu.dot_dimension_numbers<[1], [0], [0], [1], [0, 0, 1, 1], [], []>, transpose_lhs_hint = false} : vector<2048x128xf32>, vector<128x128xf32>, vector<2048x128xf32> -> vector<2048x128xf32>
    %get3A_13 = arith.constant 0 : index
    %get3A_14 = arith.constant 0 : index
    %get3A_15 = vector.load %arg5[%get3A_13, %get3A_14] : memref<8x128xf32, #tpu.memory_space<vmem>>, vector<1x128xf32>
    %add3A_16 = vector.broadcast %get3A_15 : vector<1x128xf32> to vector<2048x128xf32>
    %add3A_17 = arith.addf %dot_general3A_12, %add3A_16 : vector<2048x128xf32>
    %max3A = arith.constant 0.000000e+00 : f32
    %max3A_18 = vector.broadcast %max3A : f32 to vector<2048x128xf32>
    %max3A_19 = arith.maximumf %add3A_17, %max3A_18 : vector<2048x128xf32>
    %get3A_20 = arith.constant 0 : index
    %get3A_21 = arith.constant 0 : index
    %get3A_22 = vector.load %arg3[%get3A_20, %get3A_21] : memref<2048x128xf32, #tpu.memory_space<vmem>>, vector<2048x128xf32>
    %add3A_23 = arith.addf %max3A_19, %get3A_22 : vector<2048x128xf32>
    %swap3A = arith.constant 0 : index
    %swap3A_24 = arith.constant 0 : index
    %swap3A_25 = vector.load %arg6[%swap3A, %swap3A_24] : memref<2048x128xf32, #tpu.memory_space<vmem>>, vector<2048x128xf32>
    tpu.vector_store %arg6[%swap3A, %swap3A_24], %add3A_23 {strides = array<i32>} : memref<2048x128xf32, #tpu.memory_space<vmem>>, vector<2048x128xf32>,
    return
  }
  func.func @transform_0(%arg0: i32) -> (i32, i32, i32) {
    %c0_i32 = arith.constant 0 : i32
    %c0_i32_0 = arith.constant 0 : i32
    %c0_i32_1 = arith.constant 0 : i32
    return %c0_i32, %arg0, %c0_i32_0 : i32, i32, i32
  }
  func.func @transform_1(%arg0: i32) -> (i32, i32, i32) {
    %c1_i32 = arith.constant 1 : i32
    %c0_i32 = arith.constant 0 : i32
    %c0_i32_0 = arith.constant 0 : i32
    return %c1_i32, %arg0, %c0_i32 : i32, i32, i32
  }
  func.func @transform_2(%arg0: i32) -> (i32, i32) {
    %c0_i32 = arith.constant 0 : i32
    %c0_i32_0 = arith.constant 0 : i32
    return %arg0, %c0_i32 : i32, i32
  }
  func.func @transform_3(%arg0: i32) -> (i32, i32) {
    %c0_i32 = arith.constant 0 : i32
    %c0_i32_0 = arith.constant 0 : i32
    %c0_i32_1 = arith.constant 0 : i32
    return %c0_i32, %c0_i32_0 : i32, i32
  }
  func.func @transform_4(%arg0: i32) -> (i32, i32) {
    %c0_i32 = arith.constant 0 : i32
    %c0_i32_0 = arith.constant 0 : i32
    %c0_i32_1 = arith.constant 0 : i32
    return %c0_i32, %c0_i32_0 : i32, i32
  }
  func.func @transform_5(%arg0: i32) -> (i32, i32) {
    %c0_i32 = arith.constant 0 : i32
    %c0_i32_0 = arith.constant 0 : i32
    return %arg0, %c0_i32 : i32, i32
  }
}

module attributes {stable_mosaic.version = 14 : i64} {
  func.func @_fin_body(%arg0: memref<10240x128xf32, #tpu.memory_space<vmem>>, %arg1: memref<128x8xf32, #tpu.memory_space<vmem>>, %arg2: memref<10240x8xf32, #tpu.memory_space<vmem>>, %arg3: memref<8x10240xi32, #tpu.memory_space<vmem>>, %arg4: memref<128x1xf32, #tpu.memory_space<vmem>>) attributes {dimension_semantics = [], scalar_prefetch = 0 : i64, scratch_operands = 0 : i64, tpu.core_type = #tpu.core_type<tc>} {
    %get3A = arith.constant 0 : index
    %get3A_0 = arith.constant 0 : index
    %get3A_1 = vector.load %arg0[%get3A, %get3A_0] : memref<10240x128xf32, #tpu.memory_space<vmem>>, vector<10240x128xf32>
    %get3A_2 = arith.constant 0 : index
    %get3A_3 = arith.constant 0 : index
    %get3A_4 = vector.load %arg1[%get3A_2, %get3A_3] : memref<128x8xf32, #tpu.memory_space<vmem>>, vector<128x8xf32>
    %dot_general3A = arith.constant dense<0.000000e+00> : vector<10240x8xf32>
    %dot_general3A_5 = tpu.matmul %get3A_1, %get3A_4, %dot_general3A {dimension_numbers = #tpu.dot_dimension_numbers<[1], [0], [0], [1], [0, 0, 1, 1], [], []>, transpose_lhs_hint = false} : vector<10240x128xf32>, vector<128x8xf32>, vector<10240x8xf32> -> vector<10240x8xf32>
    %get3A_6 = arith.constant 0 : index
    %get3A_7 = arith.constant 0 : index
    %get3A_8 = vector.load %arg2[%get3A_6, %get3A_7] : memref<10240x8xf32, #tpu.memory_space<vmem>>, vector<10240x8xf32>
    %add3A = arith.addf %dot_general3A_5, %get3A_8 : vector<10240x8xf32>
    %get3A_9 = arith.constant 0 : index
    %get3A_10 = arith.constant 0 : index
    %get3A_11 = vector.load %arg3[%get3A_9, %get3A_10] : memref<8x10240xi32, #tpu.memory_space<vmem>>, vector<1x10240xi32>
    %iota3A = tpu.iota {dimensions = array<i32: 0>} : vector<128x10240xi32>
    %eq3A = vector.broadcast %get3A_11 : vector<1x10240xi32> to vector<128x10240xi32>
    %eq3A_12 = arith.cmpi eq, %iota3A, %eq3A : vector<128x10240xi32>
    %jit3A = arith.constant 1.000000e+00 : f32
    %jit3A_13 = arith.constant 0.000000e+00 : f32
    %broadcast_in_dim3A = vector.broadcast %jit3A : f32 to vector<128x10240xf32>
    %broadcast_in_dim3A_14 = vector.broadcast %jit3A_13 : f32 to vector<128x10240xf32>
    %select_n3A = arith.select %eq3A_12, %broadcast_in_dim3A, %broadcast_in_dim3A_14 : vector<128x10240xi1>, vector<128x10240xf32>
    %dot_general3A_15 = arith.constant dense<0.000000e+00> : vector<128x8xf32>
    %dot_general3A_16 = tpu.matmul %select_n3A, %add3A, %dot_general3A_15 {dimension_numbers = #tpu.dot_dimension_numbers<[1], [0], [0], [1], [0, 0, 1, 1], [], []>, transpose_lhs_hint = false} : vector<128x10240xf32>, vector<10240x8xf32>, vector<128x8xf32> -> vector<128x8xf32>
    %slice3A = vector.extract_strided_slice %dot_general3A_16 {offsets = [0, 0], sizes = [128, 1], strides = [1, 1]} : vector<128x8xf32> to vector<128x1xf32>
    %slice3A_17 = vector.extract_strided_slice %dot_general3A_16 {offsets = [0, 1], sizes = [128, 1], strides = [1, 1]} : vector<128x8xf32> to vector<128x1xf32>
    %max3A = arith.constant 1.000000e+00 : f32
    %max3A_18 = vector.broadcast %max3A : f32 to vector<128x1xf32>
    %max3A_19 = arith.maximumf %slice3A_17, %max3A_18 : vector<128x1xf32>
    %div3A = arith.divf %slice3A, %max3A_19 : vector<128x1xf32>
    %swap3A = arith.constant 0 : index
    %swap3A_20 = arith.constant 0 : index
    %swap3A_21 = vector.load %arg4[%swap3A, %swap3A_20] : memref<128x1xf32, #tpu.memory_space<vmem>>, vector<128x1xf32>
    tpu.vector_store %arg4[%swap3A, %swap3A_20], %div3A {strides = array<i32>} : memref<128x1xf32, #tpu.memory_space<vmem>>, vector<128x1xf32>,
    return
  }
}

</mosaic_0001>

<sc_bundles>
// kernel: closed_call.9.cloned.1.call-start
scs
__scs_entry_jumppad:
0x0: {  	(pc) =	sbr.rel $0x88, $3  }
0x1: {  	(tag) =	ssettag $0x0;
	lr =	simm.s32 $0x1  }
0x2: {  	[smem:$0x3F95] =	sst lr;
	_ =	strace $0xD0000000  }
0x3: {  	_ = 	snop  }
0x4: {  	_ = 	snop  }
0x5: {  	_ = 	snop  }
0x6: {  	_ = 	snop  }
0x7: {  	_ = 	snop  }
__scs_overlays_trampoline_lowered:
0x8: {  	[smem:$0x3FA4] =	sst s0  }
0x9: {  	[smem:$0x3FA5] =	sst s1  }
0xa: {  	[smem:$0x3FA6] =	sst s2  }
0xb: {  	[smem:$0x3FA7] =	sst s3  }
0xc: {  	[smem:$0x3FA8] =	sst s4  }
0xd: {  	[smem:$0x3FA9] =	sst s5  }
0xe: {  	[smem:$0x3FAA] =	sst s6  }
0xf: {  	[smem:$0x3FAB] =	sst s7  }
0x10: {  	[smem:$0x3FAC] =	sst s8  }
0x11: {  	[smem:$0x3FAD] =	sst s9;
	s0 =	simm.s32 @!p0 $0x0  }
0x12: {  	s1 =	sld [smem:$0x3F93];
	s0 =	simm.s32 @p0 $0x1  }
0x13: {  	[smem:$0x3FAE] =	sst s0;
	s0 =	simm.s32 @!p1 $0x0  }
0x14: {  	s2 =	sld [smem:$0x3F92];
	s0 =	simm.s32 @p1 $0x1  }
0x15: {  	[smem:$0x3FAF] =	sst s0;
	s0 =	simm.s32 @!p2 $0x0  }
0x16: {  	s3 =	sld [smem:$0x3FDB];
	s0 =	simm.s32 @p2 $0x1  }
0x17: {  	s4 =	simm.s32 $0x1BF5;
	[smem:$0x3FB1] =	sst s0  }
0x18: {  	s0 =	sld [smem:$0x3F94];
	_ =	swait.ge [sflag:s4], $0x0  }
0x19: {  	s7 =	sld [smem:$0x3F95]  }
0x1a: {  	s8 =	sadd.s32 $0xFFFFE003, lr  }
0x1b: {  	s9 =	sadd.s32 $0xFFFFFEF7, lr;
	s5 =	simm.s32 $0xFFFFFFFF;
	p2 =	slt.u32 s8, $0xFFFFF086  }
0x1c: {  	p1 =	slt.u32 s9, $0xF7A;
	s5 =	simm.s32 @!p2 $0x0  }
0x1d: {  	s5 =	simm.s32 @p1 $0x1;
	p0 =	seq.s32 s7, s2  }
0x1e: {  	s7 =	smul.u32 @!p0 $0xF7A, s2;
	p2 =	seq.s32 @!p0 s5, $0x0  }
0x1f: {  	s9 =	smul.u32 $0xF7A, s1;
	s8 =	simm.s32 @!p0 $0x1BF5;
	p2 =	por !p2, p0  }
0x20: {  	[sflag:s8] =	ssyncset.s32 @!p0 $0xFFFFF086;
	s6 =	sadd.s32 @!p0 s3, s7;
	s7 =	simm.s32 @!p0 $0x108  }
0x21: {  	s3 =	sadd.s32 s3, s9;
	s6 =	sadd.s32 @!p0 $0x88, s6;
	s7 =	simm.s32 @p2 $0x1082  }
0x22: {  	[simem:s7], [sflag:s8] =	dma.local @!p0 [hbm:s6], $0xF7A  }
0x23: {  	s9 =	sor.u32 $0xD0000000, s2;
	s6 =	simm.s32 $0x108;
	_ =	swait.ge @!p0 [sflag:s8], $0x0  }
0x24: {  	s3 =	sadd.s32 $0x88, s3;
	s6 =	simm.s32 @!p1 $0x1082;
	[sflag:s4] =	ssyncset.s32 $0xFFFFF086  }
0x25: {  	[simem:s6], [sflag:s4] =	dma.local [hbm:s3], $0xF7A  }
0x26: {  	[smem:$0x3F95] =	sst s1;
	(tag) =	ssettag s2;
	_ =	strace s9  }
0x27: {  	s1 =	sld [smem:$0x3FA5]  }
0x28: {  	s2 =	sld [smem:$0x3FA6]  }
0x29: {  	s4 =	sld [smem:$0x3FA8]  }
0x2a: {  	p0 =	seq.s32 s5, $0x0;
	s5 =	sld [smem:$0x3FA9]  }
0x2b: {  	s6 =	sld [smem:$0x3FAA]  }
0x2c: {  	s7 =	sld [smem:$0x3FAB]  }
0x2d: {  	s3 =	simm.s32 $0x108;
	s8 =	sld [smem:$0x3FAC]  }
0x2e: {  	s3 =	simm.s32 @!p0 $0x1082;
	s9 =	sld [smem:$0x3FAD]  }
0x2f: {  	lr =	sadd.s32 s0, s3;
	s0 =	sld [smem:$0x3FA4]  }
0x30: {  	s3 =	sld [smem:$0x3FA7]  }
0x31: {  	[smem:$0x3FB0] =	sst s10  }
0x32: {  	s10 =	sld [smem:$0x3FAE];
	_ =	sdelay $0x3  }
0x33: {  	p0 =	seq.s32 s10, $0x1;
	s10 =	sld [smem:$0x3FB0];
	_ =	sdelay $0x3  }
0x34: {  	[smem:$0x3FB0] =	sst s10  }
0x35: {  	s10 =	sld [smem:$0x3FAF];
	_ =	sdelay $0x3  }
0x36: {  	p1 =	seq.s32 s10, $0x1;
	s10 =	sld [smem:$0x3FB0];
	_ =	sdelay $0x3  }
0x37: {  	[smem:$0x3FB0] =	sst s10  }
0x38: {  	s10 =	sld [smem:$0x3FB1]  }
0x39: {  	_ = 	snop;
	(pc) =	sbr.ind lr, $3  }
0x3a: {  	_ = 	snop  }
0x3b: {  	_ = 	snop  }
0x3c: {  	p2 =	seq.s32 s10, $0x1;
	s10 =	sld [smem:$0x3FB0]  }
0x3d: {  	_ =	shalt  }
0x3e: {  	_ =	shalt  }
0x3f: {  	_ =	shalt  }
0x40: {  	_ =	shalt  }
0x41: {  	_ =	shalt  }
0x42: {  	_ =	shalt  }
0x43: {  	_ =	shalt  }
0x44: {  	_ =	shalt  }
0x45: {  	_ =	shalt  }
0x46: {  	_ =	shalt  }
0x47: {  	_ =	shalt  }
0x48: {  	_ =	shalt  }
0x49: {  	_ =	shalt  }
0x4a: {  	_ =	shalt  }
0x4b: {  	_ =	shalt  }
0x4c: {  	_ =	shalt  }
0x4d: {  	_ =	shalt  }
0x4e: {  	_ =	shalt  }
0x4f: {  	_ =	shalt  }
0x50: {  	_ =	shalt  }
0x51: {  	_ =	shalt  }
0x52: {  	_ =	shalt  }
0x53: {  	_ =	shalt  }
0x54: {  	_ =	shalt  }
0x55: {  	_ =	shalt  }
0x56: {  	_ =	shalt  }
0x57: {  	_ =	shalt  }
0x58: {  	_ =	shalt  }
0x59: {  	_ =	shalt  }
0x5a: {  	_ =	shalt  }
0x5b: {  	_ =	shalt  }
0x5c: {  	_ =	shalt  }
0x5d: {  	_ =	shalt  }
0x5e: {  	_ =	shalt  }
0x5f: {  	_ =	shalt  }
0x60: {  	_ =	shalt  }
0x61: {  	_ =	shalt  }
0x62: {  	_ =	shalt  }
0x63: {  	_ =	shalt  }
0x64: {  	_ =	shalt  }
0x65: {  	_ =	shalt  }
0x66: {  	_ =	shalt  }
0x67: {  	_ =	shalt  }
0x68: {  	_ =	shalt  }
0x69: {  	_ =	shalt  }
0x6a: {  	_ =	shalt  }
0x6b: {  	_ =	shalt  }
0x6c: {  	_ =	shalt  }
0x6d: {  	_ =	shalt  }
0x6e: {  	_ =	shalt  }
0x6f: {  	_ =	shalt  }
0x70: {  	_ =	shalt  }
0x71: {  	_ =	shalt  }
0x72: {  	_ =	shalt  }
0x73: {  	_ =	shalt  }
0x74: {  	_ =	shalt  }
0x75: {  	_ =	shalt  }
0x76: {  	_ =	shalt  }
0x77: {  	_ =	shalt  }
0x78: {  	_ =	shalt  }
0x79: {  	_ =	shalt  }
0x7a: {  	_ =	shalt  }
0x7b: {  	_ =	shalt  }
0x7c: {  	_ =	shalt  }
0x7d: {  	_ =	shalt  }
0x7e: {  	_ =	shalt  }
0x7f: {  	_ =	shalt  }
0x80: {  	_ =	shalt  }
0x81: {  	_ =	shalt  }
0x82: {  	_ =	shalt  }
0x83: {  	_ =	shalt  }
0x84: {  	_ =	shalt  }
0x85: {  	_ =	shalt  }
0x86: {  	_ =	shalt  }
0x87: {  	_ =	shalt  }
.Lfunc_end0:
.L_simem_size_0:
called_computation_lowered:
.L_overlay_start_0:
0x88: {  	s2 =	sld [smem:$0x3FD9]  }
0x89: {  	s3 =	sld [smem:$0x3FFE];
	_ =	sdelay $0x1  }
0x8a: {  	s1 =	srdreg.scid  }
0x8b: {  	s0 =	sand.u32 $0x1, s1  }
0x8c: {  	s16 =	sshll.u32 s0, $0xA;
	s2 =	sadd.s32 s3, s2  }
0x8d: {  	s2 =	sadd.s32 s2, s16  }
0x8e: {  	[smem:$0x3FBC] =	sst s2  }
0x8f: {  	_ = 	snop  }
0x90: {  	(tm) =	ssettm $0x1  }
0x91: {  	s17 =	sld [smem:$0x3FFB];
	_ =	sdelay $0x3  }
0x92: {  	_ =	strace s17  }
0x93: {  	s2 =	sld [smem:$0x3FFC];
	_ =	sdelay $0x3  }
0x94: {  	_ =	strace s2  }
0x95: {  	s2 =	sld [smem:$0x3FFD];
	_ =	sdelay $0x3  }
0x96: {  	_ =	strace s2  }
0x97: {  	_ =	strace $0x8FFFFFFF  }
0x98: {  	s18 =	sld [smem:$0x3FDB];
	_ =	sdelay $0x1  }
0x99: {  	s19 =	simm.s32 $_scs_section_size  }
0x9a: {  	s4 =	simm.s32 $_size__tile_overlayer_lowered;
	s5 =	simm.s32 $_tile_overlayer_lowered  }
0x9b: {  	s22 =	simm.s32 $0x1BFF;
	s21 =	sshll.u32 s5, $0x1;
	s2 =	sadd.s32 s19, s18  }
0x9c: {  	s6 =	simm.s32 $0x0;
	s20 =	sshll.u32 s4, $0x1;
	s4 =	sadd.s32 s21, s2  }
0x9d: {  	[timem:s6], [sflag:s22] =	dma.local [hbm:s4], s20  }
0x9e: {  	_ =	swait.ge [sflag:s22], s20  }
0x9f: {  	s3 =	ssub.s32 $0x0, s20;
	[sflag:s22] =	ssyncset.done $0x0  }
0xa0: {  	[sflag:s22] =	ssyncadd.s32 s3;
	_ =	sdelay $0x1  }
0xa1: {  	s23 =	simm.s32 $0x1B8B  }
0xa2: {  	_ =	swait.ge [sflag:s23], $0x1  }
0xa3: {  	[sflag:s23] =	ssyncset.done $0x0  }
0xa4: {  	s25 =	simm.s32 $0x1B8E;
	s24 =	sld [smem:$0x3FFE];
	[sflag:s23] =	ssyncadd.s32 $0xFFFFFFFF  }
0xa5: {  	s26 =	simm.s32 $execute0_lowered;
	[smem:$0x3FD2] =	sst s25  }
0xa6: {  	s4 =	sshll.u32 s26, $0x1;
	_ =	strace $0x80000049;
	[dreg:$0x1] =	wrdreg $0xFFFFFFFF  }
0xa7: {  	s28 =	simm.s32 $_size_execute0_lowered;
	s2 =	sadd.s32 s2, s4;
	[dreg:$0x0] =	wrdreg $0x0  }
0xa8: {  	s4 =	sshll.u32 s28, $0x1;
	[dreg:$0x2] =	wrdreg s2  }
0xa9: {  	[dreg:$0x3] =	wrdreg s4  }
0xaa: {  	[dreg:$0x4] =	wrdreg $0xC0  }
0xab: {  	_ =	task [dreg:s6], $0x5FFFF  }
0xac: {  	[dreg:$0x1] =	wrdreg $0xFFFFFFFF  }
0xad: {  	[dreg:$0x0] =	wrdreg $0x60  }
0xae: {  	[dreg:$0x2] =	wrdreg s24  }
0xaf: {  	[dreg:$0x3] =	wrdreg $0xA4000  }
0xb0: {  	[dreg:$0x4] =	wrdreg $0x9  }
0xb1: {  	_ =	task.clear_ibuf [dreg:s6], $0x5FFFF;
	_ =	strace $0x90000049  }
0xb2: {  	s29 =	simm.s32 $0x9;
	_ =	strace $0x8000004B  }
0xb3: {  	_ =	swait.ge [sflag:s29], $0x1  }
0xb4: {  	[sflag:s29] =	ssyncadd.s32 $0xFFFFFFFF  }
0xb5: {  	_ =	strace $0x9000004B  }
0xb6: {  	_ =	sfence  }
0xb7: {  	s30 =	sld [smem:$0x0];
	_ =	sdelay $0x2  }
0xb8: {  	s31 =	sshll.u32 s1, $0xD;
	s1 =	sshrl.u32 s1, $0x2  }
0xb9: {  	s3 =	sand.u32 $0x4000, s31;
	s1 =	sadd.s32 s1, s30  }
0xba: {  	s0 =	sor.u32 s3, s0;
	s1 =	sshll.u32 s1, $0x11  }
0xbb: {  	s0 =	sor.u32 s1, s0  }
0xbc: {  	s0 =	sadd.s32 $0x8F2B, s0  }
0xbd: {  	[sflag:s0] =	ssyncadd.remote.s32 $0x1  }
0xbe: {  	_ =	sfence.sel $0xFFFF  }
0xbf: {  	[dreg:$0x0] =	wrdreg $0xFFFFFFFF;
	(pc) =	sbr.abs _section_cstart, $3  }
0xc0: {  	[dreg:$0x1] =	wrdreg $0xFFFFFFFF  }
0xc1: {  	_ =	task.clear_ibuf [dreg:s6], $0x2FFFF;
	_ =	strace $0x9FFFFFFF  }
0xc2: {  	(tm) =	ssettm $0x7FFFFFFF  }
0xc3: {  	_ =	shalt  }
tec
execute0_lowered:
.L_overlay_start_1:
0x0: {  	(tag) =	ssettag $0x1  }
0x1: {  	s0 =	rddreg [dreg:$0x0]  }
0x2: {  	s1 =	rddreg [dreg:$0x1];
	s2 =	simm.s32 $0x0;
	s25 =	srdreg.scid  }
0x3: {  	s19 =	stileid.u32;
	[smem:$0x7FF] =	sst s2  }
0x4: {  	s4 =	sadd.s32 $0x66600, s0;
	s2 =	sand.u32 $0x1, s25;
	s6 =	smul.u32 $0x14000, s19  }
0x5: {  	s5 =	sadd.s32 $0x535A00, s0;
	s7 =	sadd.s32 $0x8E600, s0;
	s9 =	smul.u32 $0x50000, s19  }
0x6: {  	_ =	strace $0x8000004A;
	s3 =	ssub.s32 $0x2, s2;
	s10 =	smul.u32 $0x140000, s2  }
0x7: {  	s2 =	sshll.u32 s2, $0x4;
	s8 =	sshrl.u32 s3, $0x1;
	s11 =	sadd.s32 $0x5000, s6  }
0x8: {  	s12 =	sadd.s32 $0x7800, s6;
	s13 =	sadd.s32 $0xA000, s6;
	s16 =	sadd.s32 $0xC800, s6  }
0x9: {  	s17 =	sadd.s32 $0xF000, s6;
	s3 =	ssub.s32 s3, s8;
	s8 =	sor.u32 $0x2800, s6  }
0xa: {  	s14 =	sadd.s32 s6, s10;
	s6 =	sadd.s32 $0x11800, s6;
	s20 =	sadd.s32 s10, s12  }
0xb: {  	s18 =	sadd.s32 s10, s13;
	s29 =	sadd.s32 s12, s1;
	s12 =	sadd.s32 s17, s1  }
0xc: {  	s23 =	sadd.s32 s10, s16;
	s28 =	sadd.s32 s11, s1;
	[dreg:$0x11] =	wrdreg s12  }
0xd: {  	s24 =	sadd.s32 s10, s17;
	s30 =	sadd.s32 s13, s1;
	[dreg:$0xd] =	wrdreg s28  }
0xe: {  	s31 =	sadd.s32 s16, s1;
	s15 =	sadd.s32 s10, s8;
	[dreg:$0xe] =	wrdreg s29  }
0xf: {  	s14 =	sshrl.u32 s14, $0x3;
	s18 =	sshrl.u32 s18, $0x3;
	[dreg:$0xf] =	wrdreg s30  }
0x10: {  	s13 =	sadd.s32 s6, s1;
	s12 =	simm.s32 $0xA;
	[dreg:$0x10] =	wrdreg s31  }
0x11: {  	s15 =	sshrl.u32 s15, $0x3;
	s14 =	sadd.s32 s7, s14;
	[dreg:$0x12] =	wrdreg s13  }
0x12: {  	s22 =	sadd.s32 s7, s18;
	s13 =	simm.s32 $0x200;
	[dreg:$0x3] =	wrdreg s14  }
0x13: {  	s26 =	sadd.s32 s7, s15;
	s15 =	sadd.s32 s10, s11;
	[dreg:$0x7] =	wrdreg s22  }
0x14: {  	s10 =	sadd.s32 s10, s6;
	[dreg:$0x4] =	wrdreg s26;
	s14 =	sshrl.u32 s15, $0x3  }
0x15: {  	s15 =	sshrl.u32 s20, $0x3;
	s10 =	sshrl.u32 s10, $0x3;
	s26 =	sshrl.u32 s9, $0x2  }
0x16: {  	s9 =	sor.u32 s19, s2;
	s19 =	sadd.s32 s8, s1;
	s8 =	simm.s32 $0x0  }
0x17: {  	s14 =	sadd.s32 s7, s14;
	s21 =	sadd.s32 s7, s15;
	[dreg:$0xc] =	wrdreg s19  }
0x18: {  	s15 =	sshrl.u32 s24, $0x3;
	s11 =	smul.u32 $0x2710, s9;
	[dreg:$0x5] =	wrdreg s14  }
0x19: {  	[dreg:$0x6] =	wrdreg s21;
	s14 =	sshrl.u32 s23, $0x3;
	s25 =	sadd.s32 s7, s15  }
0x1a: {  	s15 =	sadd.s32 $0x52A00, s0;
	s23 =	smax.u32 s3, $0x1;
	[dreg:$0x9] =	wrdreg s25  }
0x1b: {  	s3 =	simm.s32 $0x50;
	s14 =	sadd.s32 s7, s14;
	[dreg:$0x1c] =	wrdreg s23  }
0x1c: {  	s7 =	sadd.s32 s7, s10;
	s10 =	sadd.s32 s26, s1;
	[dreg:$0x8] =	wrdreg s14  }
0x1d: {  	s16 =	sshrl.u32 s11, $0x3;
	s18 =	sadd.s32 $0x50, s11;
	[dreg:$0xa] =	wrdreg s7  }
0x1e: {  	s20 =	sadd.s32 $0xA0, s11;
	s24 =	sadd.s32 $0x140, s11;
	[dreg:$0x15] =	wrdreg s18  }
0x1f: {  	s25 =	sadd.s32 $0x190, s11;
	s26 =	sadd.s32 $0x1E0, s11;
	[dreg:$0x16] =	wrdreg s20  }
0x20: {  	s23 =	simm.s32 $0x5;
	s14 =	sadd.s32 $0x5C800, s0;
	[dreg:$0x1d] =	wrdreg s24  }
0x21: {  	s2 =	sadd.s32 s15, s16;
	s0 =	smul.u32 $0x27100, s9;
	[dreg:$0x1e] =	wrdreg s25  }
0x22: {  	s22 =	sshrl.u32 s20, $0x3;
	[dreg:$0x1f] =	wrdreg s26;
	s20 =	simm.s32 $0x7C00  }
0x23: {  	s24 =	simm.s32 $0x8;
	s25 =	simm.s32 $0x4;
	[dreg:$0xb] =	wrdreg s10  }
0x24: {  	s26 =	simm.s32 $0x9;
	s17 =	sadd.s32 s14, s16;
	[dreg:$0x14] =	wrdreg s2  }
0x25: {  	s2 =	sshrl.u32 s18, $0x3;
	s6 =	sadd.s32 s14, s22;
	s16 =	smov.u32 s11  }
0x26: {  	s11 =	simm.s32 $0x400;
	s18 =	simm.s32 $0x2C00;
	[dreg:$0x13] =	wrdreg s17  }
0x27: {  	s21 =	sadd.s32 s14, s2;
	s2 =	sadd.s32 s15, s2;
	[dreg:$0x19] =	wrdreg s6  }
0x28: {  	s0 =	sadd.s32 s5, s0;
	s6 =	simm.s32 $0x5400;
	[dreg:$0x17] =	wrdreg s21  }
0x29: {  	s17 =	simm.s32 $0x7;
	[dreg:$0x18] =	wrdreg s2;
	s2 =	sadd.s32 s15, s22  }
0x2a: {  	[dreg:$0x1b] =	wrdreg s0;
	s0 =	simm.s32 $0x6;
	s21 =	simm.s32 $0x1  }
0x2b: {  	v0 =	vimm.f32 $0.0e+00;
	s22 =	simm.s32 $0x3;
	[dreg:$0x1a] =	wrdreg s2;
	s2 =	simm.s32 $0x2  }
.LBB2_1:
0x2c: {  	[smem:$0x7FD] =	sst s8;
	s8 =	simm.s32 $0x0;
	s9 =	simm.s32 $0x200  }
.LBB2_2:
0x2d: {  	p0 =	sne.s32 s9, $0x9E00;
	[tilespmem:s8+$0x470] =	vst v0  }
0x2e: {  	[tilespmem:s8+$0x400] =	vst v0  }
0x2f: {  	[tilespmem:s8+$0x410] =	vst v0  }
.Ltmp0:
0x30: {  	[tilespmem:s8+$0x420] =	vst v0;
	(pc) =	sbr.rel @p0 .LBB2_2-.Ltmp0, $4  }
0x31: {  	[tilespmem:s8+$0x430] =	vst v0  }
0x32: {  	[tilespmem:s8+$0x440] =	vst v0  }
0x33: {  	[tilespmem:s8+$0x450] =	vst v0  }
0x34: {  	[tilespmem:s8+$0x460] =	vst v0;
	s8 =	sshra.s32 s9, $0x2;
	s9 =	sadd.s32 $0x200, s9  }
0x35: {  	[tilespmem:s8+$0x470] =	vst v0  }
0x36: {  	[tilespmem:s8+$0x400] =	vst v0  }
0x37: {  	[tilespmem:s8+$0x410] =	vst v0  }
0x38: {  	[tilespmem:s8+$0x420] =	vst v0  }
0x39: {  	[tilespmem:s8+$0x430] =	vst v0  }
0x3a: {  	[tilespmem:s8+$0x440] =	vst v0  }
0x3b: {  	[tilespmem:s8+$0x450] =	vst v0  }
0x3c: {  	[tilespmem:s8+$0x460] =	vst v0  }
0x3d: {  	[spmem:s10] =	stream.linear.scatter [tilespmem:s11], [sflag:$0xA], $0x2800, $0x38;
	[tilespmem:$0x1E400] =	vst v63  }
0x3e: {  	_ =	swait.ge [sflag:s12], $0x2800  }
0x3f: {  	[sflag:s12] =	ssyncset.done $0x0  }
0x40: {  	[sflag:s12] =	ssyncadd.s32 $0xFFFFD800  }
0x41: {  	[spmem:s19] =	stream.linear.scatter [tilespmem:s11], [sflag:$0xA], $0x2800, $0x38;
	[tilespmem:$0x1E400] =	vst v63  }
0x42: {  	_ =	swait.ge [sflag:s12], $0x2800  }
0x43: {  	[sflag:s12] =	ssyncset.done $0x0  }
0x44: {  	[sflag:s12] =	ssyncadd.s32 $0xFFFFD800  }
0x45: {  	[spmem:s28] =	stream.linear.scatter [tilespmem:s11], [sflag:$0xA], $0x2800, $0x38;
	[tilespmem:$0x1E400] =	vst v63  }
0x46: {  	_ =	swait.ge [sflag:s12], $0x2800  }
0x47: {  	[sflag:s12] =	ssyncset.done $0x0  }
0x48: {  	[sflag:s12] =	ssyncadd.s32 $0xFFFFD800  }
0x49: {  	[spmem:s29] =	stream.linear.scatter [tilespmem:s11], [sflag:$0xA], $0x2800, $0x38;
	[tilespmem:$0x1E400] =	vst v63  }
0x4a: {  	_ =	swait.ge [sflag:s12], $0x2800  }
0x4b: {  	[sflag:s12] =	ssyncset.done $0x0  }
0x4c: {  	[sflag:s12] =	ssyncadd.s32 $0xFFFFD800  }
0x4d: {  	[spmem:s30] =	stream.linear.scatter [tilespmem:s11], [sflag:$0xA], $0x2800, $0x38;
	[tilespmem:$0x1E400] =	vst v63  }
0x4e: {  	_ =	swait.ge [sflag:s12], $0x2800  }
0x4f: {  	[sflag:s12] =	ssyncset.done $0x0  }
0x50: {  	[sflag:s12] =	ssyncadd.s32 $0xFFFFD800  }
0x51: {  	[spmem:s31] =	stream.linear.scatter [tilespmem:s11], [sflag:$0xA], $0x2800, $0x38;
	[tilespmem:$0x1E400] =	vst v63  }
0x52: {  	_ =	swait.ge [sflag:s12], $0x2800  }
0x53: {  	[sflag:s12] =	ssyncset.done $0x0  }
0x54: {  	s7 =	rddreg [dreg:$0x11];
	[sflag:s12] =	ssyncadd.s32 $0xFFFFD800  }
0x55: {  	[spmem:s7] =	stream.linear.scatter [tilespmem:s11], [sflag:$0xA], $0x2800, $0x38;
	[tilespmem:$0x1E400] =	vst v63  }
0x56: {  	_ =	swait.ge [sflag:s12], $0x2800  }
0x57: {  	[sflag:s12] =	ssyncset.done $0x0  }
0x58: {  	s29 =	rddreg [dreg:$0x12];
	[sflag:s12] =	ssyncadd.s32 $0xFFFFD800  }
0x59: {  	[spmem:s29] =	stream.linear.scatter [tilespmem:s11], [sflag:$0xA], $0x2800, $0x38;
	[tilespmem:$0x1E400] =	vst v63  }
0x5a: {  	_ =	swait.ge [sflag:s12], $0x2800  }
0x5b: {  	[sflag:s12] =	ssyncset.done $0x0  }
0x5c: {  	[sflag:s12] =	ssyncadd.s32 $0xFFFFD800  }
0x5d: {  	[bflag:$0x0] =	sbarrier.arrive $0xFFFF  }
0x5e: {  	s30 =	simm.s32 $0x0;
	s8 =	rddreg [dreg:$0x13]  }
0x5f: {  	[tilespmem:s30], [sflag:$0x6] =	stream.linear.gather [hbm4b:s8+s30], $0x50, $0x38;
	[tilespmem:$0x1E400] =	vst v63  }
0x60: {  	s9 =	rddreg [dreg:$0x14]  }
0x61: {  	[tilespmem:s13], [sflag:$0x6] =	stream.linear.gather [hbm4b:s9+s30], $0x50, $0x38;
	[tilespmem:$0x1E400] =	vst v63  }
0x62: {  	s19 =	simm.s32 $0x80;
	s10 =	rddreg [dreg:$0x17]  }
0x63: {  	[tilespmem:s19], [sflag:$0x7] =	stream.linear.gather [hbm4b:s10+s30], $0x50, $0x38;
	[tilespmem:$0x1E400] =	vst v63  }
0x64: {  	s29 =	simm.s32 $0x280;
	s28 =	rddreg [dreg:$0x18]  }
0x65: {  	[tilespmem:s29], [sflag:$0x7] =	stream.linear.gather [hbm4b:s28+s30], $0x50, $0x38;
	[tilespmem:$0x1E400] =	vst v63  }
0x66: {  	s9 =	rddreg [dreg:$0x19];
	s10 =	simm.s32 $0x100  }
0x67: {  	[tilespmem:s10], [sflag:$0x8] =	stream.linear.gather [hbm4b:s9+s30], $0x50, $0x38;
	[tilespmem:$0x1E400] =	vst v63  }
0x68: {  	s19 =	rddreg [dreg:$0x1a];
	s28 =	simm.s32 $0x300  }
0x69: {  	[tilespmem:s28], [sflag:$0x8] =	stream.linear.gather [hbm4b:s19+s30], $0x50, $0x38;
	[tilespmem:$0x1E400] =	vst v63  }
0x6a: {  	_ =	swait.ge [sflag:s0], $0x50  }
0x6b: {  	[sflag:s0] =	ssyncset.done $0x0  }
0x6c: {  	[sflag:s0] =	ssyncadd.s32 $0xFFFFFFB0  }
0x6d: {  	_ =	swait.ge [sflag:s0], $0x50  }
0x6e: {  	[sflag:s0] =	ssyncset.done $0x0  }
0x6f: {  	[sflag:s0] =	ssyncadd.s32 $0xFFFFFFB0  }
0x70: {  	[tilespmem:s11], [sflag:$0x1] =	stream.indirect.gather [hbm4b:s4+s3], $0x80, s30, s3, $0xb8;
	[tilespmem:$0x1E400] =	vst v63  }
0x71: {  	s31 =	simm.s32 $0x0;
	s10 =	simm.s32 $0x380;
	s29 =	rddreg [dreg:$0x1b]  }
0x72: {  	[tilespmem:s6], [sflag:$0x3] =	stream.linear.gather [hbm4b:s29+s30], $0x2800, $0x38;
	[tilespmem:$0x1E400] =	vst v63  }
.LBB2_4:
0x73: {  	p0 =	seq.s32 s31, $0x0  }
0x74: {  	s28 =	smul.u32 @!p0 $0x140, s31;
	_ =	sdelay $0x1  }
0x75: {  	s8 =	sadd.s32 @!p0 $0xF0, s28  }
0x76: {  	s9 =	simm.s32 @!p0 $0x5;
	s8 =	simm.s32 @p0 $0xF0  }
0x77: {  	_ =	swait.ge @!p0 [sflag:s9], $0x2800;
	s29 =	sadd.s32 s16, s8  }
0x78: {  	[sflag:s9] =	ssyncset.done @!p0 $0x0;
	s8 =	sshrl.u32 s29, $0x3  }
0x79: {  	s7 =	simm.s32 $0x180;
	[sflag:s9] =	ssyncadd.s32 @!p0 $0xFFFFD800;
	s19 =	sadd.s32 s14, s8  }
0x7a: {  	[tilespmem:s7], [sflag:$0x9] =	stream.linear.gather [hbm4b:s19+s30], $0x50, $0x38;
	[tilespmem:$0x1E400] =	vst v63  }
0x7b: {  	s8 =	sadd.s32 s15, s8  }
0x7c: {  	[tilespmem:s10], [sflag:$0x9] =	stream.linear.gather [hbm4b:s8+s30], $0x50, $0x38;
	[tilespmem:$0x1E400] =	vst v63  }
0x7d: {  	_ =	swait.ge [sflag:s17], $0x50  }
0x7e: {  	[sflag:s17] =	ssyncset.done $0x0  }
0x7f: {  	[sflag:s17] =	ssyncadd.s32 $0xFFFFFFB0  }
0x80: {  	_ =	swait.ge [sflag:s17], $0x50  }
0x81: {  	s28 =	simm.s32 @p0 $0x0;
	[sflag:s17] =	ssyncset.done $0x0;
	s10 =	rddreg [dreg:$0x15]  }
0x82: {  	s9 =	simm.s32 $0x80;
	[sflag:s17] =	ssyncadd.s32 $0xFFFFFFB0;
	s19 =	sadd.s32 s28, s10  }
0x83: {  	[tilespmem:s18], [sflag:$0x2] =	stream.indirect.gather [hbm4b:s4+s3], $0x80, s9, s3, $0xb8;
	[tilespmem:$0x1E400] =	vst v63  }
0x84: {  	s8 =	sshll.u32 s19, $0x4  }
0x85: {  	s8 =	sadd.s32 s5, s8  }
0x86: {  	[tilespmem:s20], [sflag:$0x4] =	stream.linear.gather [hbm4b:s8+s30], $0x2800, $0x38;
	[tilespmem:$0x1E400] =	vst v63  }
0x87: {  	_ =	swait.ge [sflag:s21], $0x2800  }
0x88: {  	[sflag:s21] =	ssyncset.done $0x0  }
0x89: {  	[sflag:s21] =	ssyncadd.s32 $0xFFFFD800  }
0x8a: {  	_ =	swait.ge [sflag:s22], $0x2800  }
0x8b: {  	[sflag:s22] =	ssyncset.done $0x0  }
0x8c: {  	s19 =	simm.s32 $0x0;
	[sflag:s22] =	ssyncadd.s32 $0xFFFFD800  }
0x8d: {  	v7 =	vld [tilespmem:s19+$0x5400]  }
0x8e: {  	v8 =	vld [tilespmem:s19+$0x5410]  }
0x8f: {  	v9 =	vld [tilespmem:s19+$0x5420]  }
0x90: {  	v10 =	vld [tilespmem:s19+$0x5430]  }
0x91: {  	v11 =	vld [tilespmem:s19+$0x5440]  }
0x92: {  	v12 =	vld [tilespmem:s19+$0x5450]  }
0x93: {  	v13 =	vld [tilespmem:s19+$0x5460]  }
0x94: {  	v14 =	vld [tilespmem:s19+$0x5470]  }
0x95: {  	v15 =	vld [tilespmem:s19+$0x5480]  }
0x96: {  	v16 =	vld [tilespmem:s19+$0x5490]  }
0x97: {  	v17 =	vld [tilespmem:s19+$0x54A0]  }
0x98: {  	v18 =	vld [tilespmem:s19+$0x54B0]  }
0x99: {  	v19 =	vld [tilespmem:s19+$0x54C0]  }
0x9a: {  	v20 =	vld [tilespmem:s19+$0x54D0]  }
0x9b: {  	v21 =	vld [tilespmem:s19+$0x54E0]  }
0x9c: {  	v22 =	vld [tilespmem:s19+$0x54F0]  }
0x9d: {  	v23 =	vld [tilespmem:s19+$0x5500]  }
0x9e: {  	v24 =	vld [tilespmem:s19+$0x5510]  }
0x9f: {  	v25 =	vld [tilespmem:s19+$0x5520]  }
0xa0: {  	v26 =	vld [tilespmem:s19+$0x5530]  }
0xa1: {  	v27 =	vld [tilespmem:s19+$0x5540]  }
0xa2: {  	v28 =	vld [tilespmem:s19+$0x5550]  }
0xa3: {  	v29 =	vld [tilespmem:s19+$0x5560]  }
0xa4: {  	v30 =	vld [tilespmem:s19+$0x5570]  }
0xa5: {  	v31 =	vld [tilespmem:s19+$0x5580]  }
0xa6: {  	v32 =	vld [tilespmem:s19+$0x5590]  }
0xa7: {  	v6 =	vld [tilespmem:s19+$0x55A0]  }
0xa8: {  	v5 =	vld [tilespmem:s19+$0x55B0]  }
0xa9: {  	v4 =	vld [tilespmem:s19+$0x55C0]  }
0xaa: {  	v3 =	vld [tilespmem:s19+$0x55D0]  }
0xab: {  	v2 =	vld [tilespmem:s19+$0x55E0]  }
0xac: {  	v33 =	vld [tilespmem:s19+$0x400]  }
0xad: {  	v34 =	vld [tilespmem:s19+$0x410]  }
0xae: {  	v35 =	vld [tilespmem:s19+$0x420]  }
0xaf: {  	v36 =	vld [tilespmem:s19+$0x430]  }
0xb0: {  	v37 =	vld [tilespmem:s19+$0x440]  }
0xb1: {  	v63 =	vld [tilespmem:s19+$0x450];
	v7 =	vmul.f32 v7, v33  }
0xb2: {  	v38 =	vld [tilespmem:s19+$0x460];
	v8 =	vmul.f32 v8, v34  }
0xb3: {  	v9 =	vmul.f32 v9, v35;
	[tilespmem:s19+$0x400] =	vst v7;
	v7 =	vld [tilespmem:s19+$0x470]  }
0xb4: {  	v10 =	vmul.f32 v10, v36;
	[tilespmem:s19+$0x410] =	vst v8;
	v8 =	vld [tilespmem:s19+$0x480]  }
0xb5: {  	v11 =	vmul.f32 v11, v37;
	[tilespmem:s19+$0x420] =	vst v9;
	v9 =	vld [tilespmem:s19+$0x490]  }
0xb6: {  	v12 =	vmul.f32 v12, v63;
	[tilespmem:s19+$0x430] =	vst v10;
	v10 =	vld [tilespmem:s19+$0x4A0]  }
0xb7: {  	v13 =	vmul.f32 v13, v38;
	[tilespmem:s19+$0x440] =	vst v11;
	v11 =	vld [tilespmem:s19+$0x4B0]  }
0xb8: {  	[tilespmem:s19+$0x450] =	vst v12;
	v12 =	vld [tilespmem:s19+$0x4C0];
	v7 =	vmul.f32 v14, v7  }
0xb9: {  	[tilespmem:s19+$0x460] =	vst v13;
	v13 =	vld [tilespmem:s19+$0x4D0];
	v8 =	vmul.f32 v15, v8  }
0xba: {  	v9 =	vmul.f32 v16, v9;
	[tilespmem:s19+$0x470] =	vst v7;
	v7 =	vld [tilespmem:s19+$0x4E0]  }
0xbb: {  	v10 =	vmul.f32 v17, v10;
	[tilespmem:s19+$0x480] =	vst v8;
	v8 =	vld [tilespmem:s19+$0x4F0]  }
0xbc: {  	v11 =	vmul.f32 v18, v11;
	[tilespmem:s19+$0x490] =	vst v9;
	v9 =	vld [tilespmem:s19+$0x500]  }
0xbd: {  	v12 =	vmul.f32 v19, v12;
	[tilespmem:s19+$0x4A0] =	vst v10;
	v10 =	vld [tilespmem:s19+$0x510]  }
0xbe: {  	v13 =	vmul.f32 v20, v13;
	[tilespmem:s19+$0x4B0] =	vst v11;
	v11 =	vld [tilespmem:s19+$0x520]  }
0xbf: {  	[tilespmem:s19+$0x4C0] =	vst v12;
	v12 =	vld [tilespmem:s19+$0x530];
	v7 =	vmul.f32 v21, v7  }
0xc0: {  	[tilespmem:s19+$0x4D0] =	vst v13;
	v13 =	vld [tilespmem:s19+$0x540]  }
0xc1: {  	v8 =	vmul.f32 v22, v8;
	[tilespmem:s19+$0x4E0] =	vst v7;
	v7 =	vld [tilespmem:s19+$0x550]  }
0xc2: {  	v1 =	vld [tilespmem:s19+$0x55F0];
	v9 =	vmul.f32 v23, v9  }
0xc3: {  	[tilespmem:s19+$0x4F0] =	vst v8;
	v8 =	vmul.f32 v24, v10;
	v10 =	vld [tilespmem:s19+$0x570]  }
0xc4: {  	v14 =	vld [tilespmem:s19+$0x560];
	[tilespmem:s19+$0x500] =	vst v9;
	v9 =	vmul.f32 v25, v11  }
0xc5: {  	v11 =	vld [tilespmem:s19+$0x580];
	[tilespmem:s19+$0x510] =	vst v8;
	v8 =	vmul.f32 v26, v12  }
0xc6: {  	[tilespmem:s19+$0x520] =	vst v9;
	v12 =	vld [tilespmem:s19+$0x590];
	v9 =	vmul.f32 v27, v13;
	v13 =	vmul.f32 v28, v7  }
0xc7: {  	[tilespmem:s19+$0x530] =	vst v8;
	v8 =	vld [tilespmem:s19+$0x5A0]  }
0xc8: {  	v7 =	vld [tilespmem:s19+$0x5B0];
	[tilespmem:s19+$0x550] =	vst v13;
	v13 =	vmul.f32 v30, v10  }
0xc9: {  	v14 =	vmul.f32 v29, v14;
	[tilespmem:s19+$0x540] =	vst v9;
	v9 =	vld [tilespmem:s19+$0x5C0]  }
0xca: {  	v10 =	vld [tilespmem:s19+$0x5D0];
	[tilespmem:s19+$0x570] =	vst v13;
	v13 =	vmul.f32 v31, v11  }
0xcb: {  	s8 =	simm.s32 $0x800;
	[tilespmem:s19+$0x560] =	vst v14;
	v12 =	vmul.f32 v32, v12;
	v11 =	vld [tilespmem:s19+$0x5E0]  }
.LBB2_5:
0xcc: {  	s9 =	sshra.s32 s8, $0x2;
	p0 =	sne.s32 s8, $0x9800;
	[tilespmem:s19+$0x580] =	vst v13;
	v6 =	vmul.f32 v6, v8;
	v8 =	vld [tilespmem:s19+$0x5F0]  }
0xcd: {  	v13 =	vld [tilespmem:s9+$0x5400];
	[tilespmem:s19+$0x590] =	vst v12;
	v5 =	vmul.f32 v5, v7  }
0xce: {  	v7 =	vld [tilespmem:s9+$0x5410];
	[tilespmem:s19+$0x5A0] =	vst v6;
	v4 =	vmul.f32 v4, v9  }
0xcf: {  	v9 =	vld [tilespmem:s9+$0x5420];
	[tilespmem:s19+$0x5B0] =	vst v5;
	v3 =	vmul.f32 v3, v10  }
0xd0: {  	v10 =	vld [tilespmem:s9+$0x5430];
	[tilespmem:s19+$0x5C0] =	vst v4;
	v2 =	vmul.f32 v2, v11  }
0xd1: {  	v11 =	vld [tilespmem:s9+$0x5440];
	[tilespmem:s19+$0x5D0] =	vst v3;
	v1 =	vmul.f32 v1, v8  }
0xd2: {  	v8 =	vld [tilespmem:s9+$0x5450];
	[tilespmem:s19+$0x5E0] =	vst v2  }
0xd3: {  	v12 =	vld [tilespmem:s9+$0x5460];
	[tilespmem:s19+$0x5F0] =	vst v1;
	s19 =	smov.u32 s9  }
0xd4: {  	v14 =	vld [tilespmem:s19+$0x5470]  }
0xd5: {  	v15 =	vld [tilespmem:s19+$0x5480]  }
0xd6: {  	v16 =	vld [tilespmem:s19+$0x5490]  }
0xd7: {  	v17 =	vld [tilespmem:s19+$0x54A0]  }
0xd8: {  	v18 =	vld [tilespmem:s19+$0x54B0]  }
0xd9: {  	v19 =	vld [tilespmem:s19+$0x54C0]  }
0xda: {  	v20 =	vld [tilespmem:s19+$0x54D0]  }
0xdb: {  	v21 =	vld [tilespmem:s19+$0x54E0]  }
0xdc: {  	v22 =	vld [tilespmem:s19+$0x54F0]  }
0xdd: {  	v23 =	vld [tilespmem:s19+$0x5500]  }
0xde: {  	v24 =	vld [tilespmem:s19+$0x5510]  }
0xdf: {  	v25 =	vld [tilespmem:s19+$0x5520]  }
0xe0: {  	v26 =	vld [tilespmem:s19+$0x5530]  }
0xe1: {  	v27 =	vld [tilespmem:s19+$0x5540]  }
0xe2: {  	v28 =	vld [tilespmem:s19+$0x5550]  }
0xe3: {  	v29 =	vld [tilespmem:s19+$0x5560]  }
0xe4: {  	v30 =	vld [tilespmem:s19+$0x5570]  }
0xe5: {  	v31 =	vld [tilespmem:s19+$0x5580]  }
0xe6: {  	v32 =	vld [tilespmem:s19+$0x5590]  }
0xe7: {  	v6 =	vld [tilespmem:s19+$0x55A0]  }
0xe8: {  	v5 =	vld [tilespmem:s19+$0x55B0]  }
0xe9: {  	v4 =	vld [tilespmem:s19+$0x55C0]  }
0xea: {  	v3 =	vld [tilespmem:s19+$0x55D0]  }
0xeb: {  	v2 =	vld [tilespmem:s19+$0x55E0]  }
0xec: {  	v1 =	vld [tilespmem:s19+$0x55F0]  }
0xed: {  	v33 =	vld [tilespmem:s19+$0x400]  }
0xee: {  	v34 =	vld [tilespmem:s19+$0x410]  }
0xef: {  	v35 =	vld [tilespmem:s19+$0x420]  }
0xf0: {  	v36 =	vld [tilespmem:s19+$0x430]  }
0xf1: {  	v37 =	vld [tilespmem:s19+$0x440]  }
0xf2: {  	v13 =	vmul.f32 v13, v33;
	v33 =	vld [tilespmem:s19+$0x450]  }
0xf3: {  	v7 =	vmul.f32 v7, v34;
	v34 =	vld [tilespmem:s19+$0x460]  }
0xf4: {  	[tilespmem:s19+$0x400] =	vst v13;
	v9 =	vmul.f32 v9, v35;
	v13 =	vld [tilespmem:s19+$0x470]  }
0xf5: {  	[tilespmem:s19+$0x410] =	vst v7;
	v7 =	vmul.f32 v10, v36;
	v10 =	vld [tilespmem:s19+$0x480]  }
0xf6: {  	[tilespmem:s19+$0x420] =	vst v9;
	v9 =	vmul.f32 v11, v37;
	v11 =	vld [tilespmem:s19+$0x490]  }
0xf7: {  	[tilespmem:s19+$0x430] =	vst v7;
	v7 =	vmul.f32 v8, v33;
	v8 =	vld [tilespmem:s19+$0x4A0]  }
0xf8: {  	[tilespmem:s19+$0x440] =	vst v9;
	v9 =	vmul.f32 v12, v34;
	v12 =	vld [tilespmem:s19+$0x4B0]  }
0xf9: {  	[tilespmem:s19+$0x450] =	vst v7;
	v7 =	vmul.f32 v14, v13;
	v13 =	vld [tilespmem:s19+$0x4C0]  }
0xfa: {  	[tilespmem:s19+$0x460] =	vst v9;
	v9 =	vmul.f32 v15, v10;
	v10 =	vld [tilespmem:s19+$0x4D0]  }
0xfb: {  	[tilespmem:s19+$0x470] =	vst v7;
	v7 =	vmul.f32 v16, v11;
	v11 =	vld [tilespmem:s19+$0x4E0]  }
0xfc: {  	[tilespmem:s19+$0x480] =	vst v9;
	v8 =	vmul.f32 v17, v8;
	v9 =	vld [tilespmem:s19+$0x4F0]  }
0xfd: {  	[tilespmem:s19+$0x490] =	vst v7;
	v7 =	vmul.f32 v18, v12;
	v12 =	vld [tilespmem:s19+$0x500]  }
0xfe: {  	[tilespmem:s19+$0x4A0] =	vst v8;
	v8 =	vmul.f32 v19, v13;
	v13 =	vld [tilespmem:s19+$0x510]  }
0xff: {  	[tilespmem:s19+$0x4B0] =	vst v7;
	v7 =	vmul.f32 v20, v10;
	v10 =	vld [tilespmem:s19+$0x520]  }
0x100: {  	[tilespmem:s19+$0x4C0] =	vst v8;
	v8 =	vmul.f32 v21, v11;
	v11 =	vld [tilespmem:s19+$0x530]  }
0x101: {  	[tilespmem:s19+$0x4D0] =	vst v7;
	v7 =	vmul.f32 v22, v9;
	v9 =	vld [tilespmem:s19+$0x540]  }
0x102: {  	[tilespmem:s19+$0x4E0] =	vst v8;
	v8 =	vmul.f32 v23, v12;
	v12 =	vld [tilespmem:s19+$0x550]  }
0x103: {  	[tilespmem:s19+$0x4F0] =	vst v7;
	v7 =	vmul.f32 v24, v13;
	v13 =	vld [tilespmem:s19+$0x560]  }
0x104: {  	[tilespmem:s19+$0x500] =	vst v8;
	v8 =	vmul.f32 v25, v10;
	v10 =	vld [tilespmem:s19+$0x570]  }
0x105: {  	[tilespmem:s19+$0x510] =	vst v7;
	v7 =	vmul.f32 v26, v11;
	v11 =	vld [tilespmem:s19+$0x580]  }
0x106: {  	[tilespmem:s19+$0x520] =	vst v8;
	v9 =	vmul.f32 v27, v9;
	v14 =	vld [tilespmem:s19+$0x590]  }
.Ltmp1:
0x107: {  	[tilespmem:s19+$0x530] =	vst v7;
	v12 =	vmul.f32 v28, v12;
	v8 =	vld [tilespmem:s19+$0x5A0];
	(pc) =	sbr.rel @p0 .LBB2_5-.Ltmp1, $4  }
0x108: {  	[tilespmem:s19+$0x540] =	vst v9;
	v13 =	vmul.f32 v29, v13;
	v7 =	vld [tilespmem:s19+$0x5B0]  }
0x109: {  	[tilespmem:s19+$0x550] =	vst v12;
	v12 =	vmul.f32 v30, v10;
	v9 =	vld [tilespmem:s19+$0x5C0]  }
0x10a: {  	[tilespmem:s19+$0x560] =	vst v13;
	v13 =	vmul.f32 v31, v11;
	v10 =	vld [tilespmem:s19+$0x5D0]  }
0x10b: {  	s8 =	sadd.s32 $0x800, s8;
	[tilespmem:s19+$0x570] =	vst v12;
	v12 =	vmul.f32 v32, v14;
	v11 =	vld [tilespmem:s19+$0x5E0]  }
0x10c: {  	[tilespmem:s19+$0x580] =	vst v13;
	v6 =	vmul.f32 v6, v8;
	v8 =	vld [tilespmem:s19+$0x5F0]  }
0x10d: {  	[tilespmem:s19+$0x590] =	vst v12;
	v5 =	vmul.f32 v5, v7  }
0x10e: {  	[tilespmem:s19+$0x5A0] =	vst v6;
	v4 =	vmul.f32 v4, v9  }
0x10f: {  	[tilespmem:s19+$0x5B0] =	vst v5;
	v3 =	vmul.f32 v3, v10  }
0x110: {  	[tilespmem:s19+$0x5C0] =	vst v4;
	v2 =	vmul.f32 v2, v11  }
0x111: {  	[tilespmem:s19+$0x5D0] =	vst v3;
	v1 =	vmul.f32 v1, v8  }
0x112: {  	[tilespmem:s19+$0x5E0] =	vst v2  }
0x113: {  	[tilespmem:s19+$0x5F0] =	vst v1  }
0x114: {  	[spmem:s1] =	stream.indirect.scatter.add.f32 [tilespmem:s11], [sflag:$0x5], $0x80, s13, s3, $0xb8;
	[tilespmem:$0x1E400] =	vst v63  }
0x115: {  	_ =	swait.ge [sflag:s23], $0x2800  }
0x116: {  	s7 =	rddreg [dreg:$0x1d]  }
0x117: {  	s19 =	sadd.s32 s28, s7  }
0x118: {  	[sflag:s23] =	ssyncset.done $0x0;
	s8 =	sshrl.u32 s19, $0x3  }
0x119: {  	s10 =	simm.s32 $0x0;
	[sflag:s23] =	ssyncadd.s32 $0xFFFFD800;
	s9 =	sadd.s32 s14, s8  }
0x11a: {  	[tilespmem:s10], [sflag:$0x6] =	stream.linear.gather [hbm4b:s9+s10], $0x50, $0x38;
	[tilespmem:$0x1E400] =	vst v63  }
0x11b: {  	s8 =	sadd.s32 s15, s8  }
0x11c: {  	[tilespmem:s13], [sflag:$0x6] =	stream.linear.gather [hbm4b:s8+s10], $0x50, $0x38;
	[tilespmem:$0x1E400] =	vst v63  }
0x11d: {  	_ =	swait.ge [sflag:s24], $0x50  }
0x11e: {  	[sflag:s24] =	ssyncset.done $0x0  }
0x11f: {  	[sflag:s24] =	ssyncadd.s32 $0xFFFFFFB0  }
0x120: {  	_ =	swait.ge [sflag:s24], $0x50  }
0x121: {  	[sflag:s24] =	ssyncset.done $0x0  }
0x122: {  	s9 =	simm.s32 $0x100;
	s8 =	rddreg [dreg:$0x16];
	[sflag:s24] =	ssyncadd.s32 $0xFFFFFFB0  }
0x123: {  	[tilespmem:s11], [sflag:$0x1] =	stream.indirect.gather [hbm4b:s4+s3], $0x80, s9, s3, $0xb8;
	[tilespmem:$0x1E400] =	vst v63  }
0x124: {  	s9 =	sadd.s32 s8, s28  }
0x125: {  	s8 =	sshll.u32 s9, $0x4  }
0x126: {  	s8 =	sadd.s32 s5, s8  }
0x127: {  	[tilespmem:s6], [sflag:$0x3] =	stream.linear.gather [hbm4b:s8+s10], $0x2800, $0x38;
	[tilespmem:$0x1E400] =	vst v63  }
0x128: {  	_ =	swait.ge [sflag:s2], $0x2800  }
0x129: {  	[sflag:s2] =	ssyncset.done $0x0  }
0x12a: {  	[sflag:s2] =	ssyncadd.s32 $0xFFFFD800  }
0x12b: {  	_ =	swait.ge [sflag:s25], $0x2800  }
0x12c: {  	[sflag:s25] =	ssyncset.done $0x0  }
0x12d: {  	s8 =	simm.s32 $0x0;
	[sflag:s25] =	ssyncadd.s32 $0xFFFFD800  }
0x12e: {  	v7 =	vld [tilespmem:s8+$0x7C00]  }
0x12f: {  	v8 =	vld [tilespmem:s8+$0x7C10]  }
0x130: {  	v9 =	vld [tilespmem:s8+$0x7C20]  }
0x131: {  	v10 =	vld [tilespmem:s8+$0x7C30]  }
0x132: {  	v11 =	vld [tilespmem:s8+$0x7C40]  }
0x133: {  	v12 =	vld [tilespmem:s8+$0x7C50]  }
0x134: {  	v13 =	vld [tilespmem:s8+$0x7C60]  }
0x135: {  	v14 =	vld [tilespmem:s8+$0x7C70]  }
0x136: {  	v15 =	vld [tilespmem:s8+$0x7C80]  }
0x137: {  	v16 =	vld [tilespmem:s8+$0x7C90]  }
0x138: {  	v17 =	vld [tilespmem:s8+$0x7CA0]  }
0x139: {  	v18 =	vld [tilespmem:s8+$0x7CB0]  }
0x13a: {  	v19 =	vld [tilespmem:s8+$0x7CC0]  }
0x13b: {  	v20 =	vld [tilespmem:s8+$0x7CD0]  }
0x13c: {  	v21 =	vld [tilespmem:s8+$0x7CE0]  }
0x13d: {  	v22 =	vld [tilespmem:s8+$0x7CF0]  }
0x13e: {  	v23 =	vld [tilespmem:s8+$0x7D00]  }
0x13f: {  	v24 =	vld [tilespmem:s8+$0x7D10]  }
0x140: {  	v25 =	vld [tilespmem:s8+$0x7D20]  }
0x141: {  	v26 =	vld [tilespmem:s8+$0x7D30]  }
0x142: {  	v27 =	vld [tilespmem:s8+$0x7D40]  }
0x143: {  	v28 =	vld [tilespmem:s8+$0x7D50]  }
0x144: {  	v29 =	vld [tilespmem:s8+$0x7D60]  }
0x145: {  	v30 =	vld [tilespmem:s8+$0x7D70]  }
0x146: {  	v31 =	vld [tilespmem:s8+$0x7D80]  }
0x147: {  	v32 =	vld [tilespmem:s8+$0x7D90]  }
0x148: {  	v6 =	vld [tilespmem:s8+$0x7DA0]  }
0x149: {  	v5 =	vld [tilespmem:s8+$0x7DB0]  }
0x14a: {  	v4 =	vld [tilespmem:s8+$0x7DC0]  }
0x14b: {  	v3 =	vld [tilespmem:s8+$0x7DD0]  }
0x14c: {  	v2 =	vld [tilespmem:s8+$0x7DE0]  }
0x14d: {  	v33 =	vld [tilespmem:s8+$0x2C00]  }
0x14e: {  	v34 =	vld [tilespmem:s8+$0x2C10]  }
0x14f: {  	v35 =	vld [tilespmem:s8+$0x2C20]  }
0x150: {  	v36 =	vld [tilespmem:s8+$0x2C30]  }
0x151: {  	v37 =	vld [tilespmem:s8+$0x2C40]  }
0x152: {  	v63 =	vld [tilespmem:s8+$0x2C50];
	v7 =	vmul.f32 v7, v33  }
0x153: {  	v38 =	vld [tilespmem:s8+$0x2C60];
	v8 =	vmul.f32 v8, v34  }
0x154: {  	v9 =	vmul.f32 v9, v35;
	[tilespmem:s8+$0x2C00] =	vst v7;
	v7 =	vld [tilespmem:s8+$0x2C70]  }
0x155: {  	v10 =	vmul.f32 v10, v36;
	[tilespmem:s8+$0x2C10] =	vst v8;
	v8 =	vld [tilespmem:s8+$0x2C80]  }
0x156: {  	v11 =	vmul.f32 v11, v37;
	[tilespmem:s8+$0x2C20] =	vst v9;
	v9 =	vld [tilespmem:s8+$0x2C90]  }
0x157: {  	v12 =	vmul.f32 v12, v63;
	[tilespmem:s8+$0x2C30] =	vst v10;
	v10 =	vld [tilespmem:s8+$0x2CA0]  }
0x158: {  	v13 =	vmul.f32 v13, v38;
	[tilespmem:s8+$0x2C40] =	vst v11;
	v11 =	vld [tilespmem:s8+$0x2CB0]  }
0x159: {  	[tilespmem:s8+$0x2C50] =	vst v12;
	v12 =	vld [tilespmem:s8+$0x2CC0];
	v7 =	vmul.f32 v14, v7  }
0x15a: {  	[tilespmem:s8+$0x2C60] =	vst v13;
	v13 =	vld [tilespmem:s8+$0x2CD0];
	v8 =	vmul.f32 v15, v8  }
0x15b: {  	v9 =	vmul.f32 v16, v9;
	[tilespmem:s8+$0x2C70] =	vst v7;
	v7 =	vld [tilespmem:s8+$0x2CE0]  }
0x15c: {  	v10 =	vmul.f32 v17, v10;
	[tilespmem:s8+$0x2C80] =	vst v8;
	v8 =	vld [tilespmem:s8+$0x2CF0]  }
0x15d: {  	v11 =	vmul.f32 v18, v11;
	[tilespmem:s8+$0x2C90] =	vst v9;
	v9 =	vld [tilespmem:s8+$0x2D00]  }
0x15e: {  	v12 =	vmul.f32 v19, v12;
	[tilespmem:s8+$0x2CA0] =	vst v10;
	v10 =	vld [tilespmem:s8+$0x2D10]  }
0x15f: {  	v13 =	vmul.f32 v20, v13;
	[tilespmem:s8+$0x2CB0] =	vst v11;
	v11 =	vld [tilespmem:s8+$0x2D20]  }
0x160: {  	[tilespmem:s8+$0x2CC0] =	vst v12;
	v12 =	vld [tilespmem:s8+$0x2D30];
	v7 =	vmul.f32 v21, v7  }
0x161: {  	[tilespmem:s8+$0x2CD0] =	vst v13;
	v13 =	vld [tilespmem:s8+$0x2D40]  }
0x162: {  	v8 =	vmul.f32 v22, v8;
	[tilespmem:s8+$0x2CE0] =	vst v7;
	v7 =	vld [tilespmem:s8+$0x2D50]  }
0x163: {  	v1 =	vld [tilespmem:s8+$0x7DF0];
	v9 =	vmul.f32 v23, v9  }
0x164: {  	[tilespmem:s8+$0x2CF0] =	vst v8;
	v8 =	vmul.f32 v24, v10;
	v10 =	vld [tilespmem:s8+$0x2D70]  }
0x165: {  	v14 =	vld [tilespmem:s8+$0x2D60];
	[tilespmem:s8+$0x2D00] =	vst v9;
	v9 =	vmul.f32 v25, v11  }
0x166: {  	v11 =	vld [tilespmem:s8+$0x2D80];
	[tilespmem:s8+$0x2D10] =	vst v8;
	v8 =	vmul.f32 v26, v12  }
0x167: {  	[tilespmem:s8+$0x2D20] =	vst v9;
	v12 =	vld [tilespmem:s8+$0x2D90];
	v9 =	vmul.f32 v27, v13;
	v13 =	vmul.f32 v28, v7  }
0x168: {  	[tilespmem:s8+$0x2D30] =	vst v8;
	v8 =	vld [tilespmem:s8+$0x2DA0]  }
0x169: {  	v7 =	vld [tilespmem:s8+$0x2DB0];
	[tilespmem:s8+$0x2D50] =	vst v13;
	v13 =	vmul.f32 v30, v10  }
0x16a: {  	v14 =	vmul.f32 v29, v14;
	[tilespmem:s8+$0x2D40] =	vst v9;
	v9 =	vld [tilespmem:s8+$0x2DC0]  }
0x16b: {  	v10 =	vld [tilespmem:s8+$0x2DD0];
	[tilespmem:s8+$0x2D70] =	vst v13;
	v13 =	vmul.f32 v31, v11  }
0x16c: {  	s9 =	simm.s32 $0x800;
	[tilespmem:s8+$0x2D60] =	vst v14;
	v12 =	vmul.f32 v32, v12;
	v11 =	vld [tilespmem:s8+$0x2DE0]  }
.LBB2_7:
0x16d: {  	s10 =	sshra.s32 s9, $0x2;
	p0 =	sne.s32 s9, $0x9800;
	[tilespmem:s8+$0x2D80] =	vst v13;
	v6 =	vmul.f32 v6, v8;
	v8 =	vld [tilespmem:s8+$0x2DF0]  }
0x16e: {  	v13 =	vld [tilespmem:s10+$0x7C00];
	[tilespmem:s8+$0x2D90] =	vst v12;
	v5 =	vmul.f32 v5, v7  }
0x16f: {  	v7 =	vld [tilespmem:s10+$0x7C10];
	[tilespmem:s8+$0x2DA0] =	vst v6;
	v4 =	vmul.f32 v4, v9  }
0x170: {  	v9 =	vld [tilespmem:s10+$0x7C20];
	[tilespmem:s8+$0x2DB0] =	vst v5;
	v3 =	vmul.f32 v3, v10  }
0x171: {  	v10 =	vld [tilespmem:s10+$0x7C30];
	[tilespmem:s8+$0x2DC0] =	vst v4;
	v2 =	vmul.f32 v2, v11  }
0x172: {  	v11 =	vld [tilespmem:s10+$0x7C40];
	[tilespmem:s8+$0x2DD0] =	vst v3;
	v1 =	vmul.f32 v1, v8  }
0x173: {  	v8 =	vld [tilespmem:s10+$0x7C50];
	[tilespmem:s8+$0x2DE0] =	vst v2  }
0x174: {  	v12 =	vld [tilespmem:s10+$0x7C60];
	[tilespmem:s8+$0x2DF0] =	vst v1;
	s8 =	smov.u32 s10  }
0x175: {  	v14 =	vld [tilespmem:s8+$0x7C70]  }
0x176: {  	v15 =	vld [tilespmem:s8+$0x7C80]  }
0x177: {  	v16 =	vld [tilespmem:s8+$0x7C90]  }
0x178: {  	v17 =	vld [tilespmem:s8+$0x7CA0]  }
0x179: {  	v18 =	vld [tilespmem:s8+$0x7CB0]  }
0x17a: {  	v19 =	vld [tilespmem:s8+$0x7CC0]  }
0x17b: {  	v20 =	vld [tilespmem:s8+$0x7CD0]  }
0x17c: {  	v21 =	vld [tilespmem:s8+$0x7CE0]  }
0x17d: {  	v22 =	vld [tilespmem:s8+$0x7CF0]  }
0x17e: {  	v23 =	vld [tilespmem:s8+$0x7D00]  }
0x17f: {  	v24 =	vld [tilespmem:s8+$0x7D10]  }
0x180: {  	v25 =	vld [tilespmem:s8+$0x7D20]  }
0x181: {  	v26 =	vld [tilespmem:s8+$0x7D30]  }
0x182: {  	v27 =	vld [tilespmem:s8+$0x7D40]  }
0x183: {  	v28 =	vld [tilespmem:s8+$0x7D50]  }
0x184: {  	v29 =	vld [tilespmem:s8+$0x7D60]  }
0x185: {  	v30 =	vld [tilespmem:s8+$0x7D70]  }
0x186: {  	v31 =	vld [tilespmem:s8+$0x7D80]  }
0x187: {  	v32 =	vld [tilespmem:s8+$0x7D90]  }
0x188: {  	v6 =	vld [tilespmem:s8+$0x7DA0]  }
0x189: {  	v5 =	vld [tilespmem:s8+$0x7DB0]  }
0x18a: {  	v4 =	vld [tilespmem:s8+$0x7DC0]  }
0x18b: {  	v3 =	vld [tilespmem:s8+$0x7DD0]  }
0x18c: {  	v2 =	vld [tilespmem:s8+$0x7DE0]  }
0x18d: {  	v1 =	vld [tilespmem:s8+$0x7DF0]  }
0x18e: {  	v33 =	vld [tilespmem:s8+$0x2C00]  }
0x18f: {  	v34 =	vld [tilespmem:s8+$0x2C10]  }
0x190: {  	v35 =	vld [tilespmem:s8+$0x2C20]  }
0x191: {  	v36 =	vld [tilespmem:s8+$0x2C30]  }
0x192: {  	v37 =	vld [tilespmem:s8+$0x2C40]  }
0x193: {  	v13 =	vmul.f32 v13, v33;
	v33 =	vld [tilespmem:s8+$0x2C50]  }
0x194: {  	v7 =	vmul.f32 v7, v34;
	v34 =	vld [tilespmem:s8+$0x2C60]  }
0x195: {  	[tilespmem:s8+$0x2C00] =	vst v13;
	v9 =	vmul.f32 v9, v35;
	v13 =	vld [tilespmem:s8+$0x2C70]  }
0x196: {  	[tilespmem:s8+$0x2C10] =	vst v7;
	v7 =	vmul.f32 v10, v36;
	v10 =	vld [tilespmem:s8+$0x2C80]  }
0x197: {  	[tilespmem:s8+$0x2C20] =	vst v9;
	v9 =	vmul.f32 v11, v37;
	v11 =	vld [tilespmem:s8+$0x2C90]  }
0x198: {  	[tilespmem:s8+$0x2C30] =	vst v7;
	v7 =	vmul.f32 v8, v33;
	v8 =	vld [tilespmem:s8+$0x2CA0]  }
0x199: {  	[tilespmem:s8+$0x2C40] =	vst v9;
	v9 =	vmul.f32 v12, v34;
	v12 =	vld [tilespmem:s8+$0x2CB0]  }
0x19a: {  	[tilespmem:s8+$0x2C50] =	vst v7;
	v7 =	vmul.f32 v14, v13;
	v13 =	vld [tilespmem:s8+$0x2CC0]  }
0x19b: {  	[tilespmem:s8+$0x2C60] =	vst v9;
	v9 =	vmul.f32 v15, v10;
	v10 =	vld [tilespmem:s8+$0x2CD0]  }
0x19c: {  	[tilespmem:s8+$0x2C70] =	vst v7;
	v7 =	vmul.f32 v16, v11;
	v11 =	vld [tilespmem:s8+$0x2CE0]  }
0x19d: {  	[tilespmem:s8+$0x2C80] =	vst v9;
	v8 =	vmul.f32 v17, v8;
	v9 =	vld [tilespmem:s8+$0x2CF0]  }
0x19e: {  	[tilespmem:s8+$0x2C90] =	vst v7;
	v7 =	vmul.f32 v18, v12;
	v12 =	vld [tilespmem:s8+$0x2D00]  }
0x19f: {  	[tilespmem:s8+$0x2CA0] =	vst v8;
	v8 =	vmul.f32 v19, v13;
	v13 =	vld [tilespmem:s8+$0x2D10]  }
0x1a0: {  	[tilespmem:s8+$0x2CB0] =	vst v7;
	v7 =	vmul.f32 v20, v10;
	v10 =	vld [tilespmem:s8+$0x2D20]  }
0x1a1: {  	[tilespmem:s8+$0x2CC0] =	vst v8;
	v8 =	vmul.f32 v21, v11;
	v11 =	vld [tilespmem:s8+$0x2D30]  }
0x1a2: {  	[tilespmem:s8+$0x2CD0] =	vst v7;
	v7 =	vmul.f32 v22, v9;
	v9 =	vld [tilespmem:s8+$0x2D40]  }
0x1a3: {  	[tilespmem:s8+$0x2CE0] =	vst v8;
	v8 =	vmul.f32 v23, v12;
	v12 =	vld [tilespmem:s8+$0x2D50]  }
0x1a4: {  	[tilespmem:s8+$0x2CF0] =	vst v7;
	v7 =	vmul.f32 v24, v13;
	v13 =	vld [tilespmem:s8+$0x2D60]  }
0x1a5: {  	[tilespmem:s8+$0x2D00] =	vst v8;
	v8 =	vmul.f32 v25, v10;
	v10 =	vld [tilespmem:s8+$0x2D70]  }
0x1a6: {  	[tilespmem:s8+$0x2D10] =	vst v7;
	v7 =	vmul.f32 v26, v11;
	v11 =	vld [tilespmem:s8+$0x2D80]  }
0x1a7: {  	[tilespmem:s8+$0x2D20] =	vst v8;
	v9 =	vmul.f32 v27, v9;
	v14 =	vld [tilespmem:s8+$0x2D90]  }
.Ltmp2:
0x1a8: {  	[tilespmem:s8+$0x2D30] =	vst v7;
	v12 =	vmul.f32 v28, v12;
	v8 =	vld [tilespmem:s8+$0x2DA0];
	(pc) =	sbr.rel @p0 .LBB2_7-.Ltmp2, $4  }
0x1a9: {  	[tilespmem:s8+$0x2D40] =	vst v9;
	v13 =	vmul.f32 v29, v13;
	v7 =	vld [tilespmem:s8+$0x2DB0]  }
0x1aa: {  	[tilespmem:s8+$0x2D50] =	vst v12;
	v12 =	vmul.f32 v30, v10;
	v9 =	vld [tilespmem:s8+$0x2DC0]  }
0x1ab: {  	[tilespmem:s8+$0x2D60] =	vst v13;
	v13 =	vmul.f32 v31, v11;
	v10 =	vld [tilespmem:s8+$0x2DD0]  }
0x1ac: {  	s9 =	sadd.s32 $0x800, s9;
	[tilespmem:s8+$0x2D70] =	vst v12;
	v12 =	vmul.f32 v32, v14;
	v11 =	vld [tilespmem:s8+$0x2DE0]  }
0x1ad: {  	[tilespmem:s8+$0x2D80] =	vst v13;
	v6 =	vmul.f32 v6, v8;
	v8 =	vld [tilespmem:s8+$0x2DF0]  }
0x1ae: {  	[tilespmem:s8+$0x2D90] =	vst v12;
	v5 =	vmul.f32 v5, v7  }
0x1af: {  	[tilespmem:s8+$0x2DA0] =	vst v6;
	v4 =	vmul.f32 v4, v9  }
0x1b0: {  	[tilespmem:s8+$0x2DB0] =	vst v5;
	v3 =	vmul.f32 v3, v10  }
0x1b1: {  	[tilespmem:s8+$0x2DC0] =	vst v4;
	v2 =	vmul.f32 v2, v11  }
0x1b2: {  	[tilespmem:s8+$0x2DD0] =	vst v3;
	v1 =	vmul.f32 v1, v8  }
0x1b3: {  	[tilespmem:s8+$0x2DE0] =	vst v2  }
0x1b4: {  	s7 =	simm.s32 $0x280;
	[tilespmem:s8+$0x2DF0] =	vst v1  }
0x1b5: {  	[spmem:s1] =	stream.indirect.scatter.add.f32 [tilespmem:s18], [sflag:$0x5], $0x80, s7, s3, $0xb8;
	[tilespmem:$0x1E400] =	vst v63  }
0x1b6: {  	_ =	swait.ge [sflag:s23], $0x2800  }
0x1b7: {  	p0 =	seq.s32 s31, $0x1E;
	s7 =	rddreg [dreg:$0x1e]  }
0x1b8: {  	s8 =	sadd.s32 @!p0 s28, s7  }
0x1b9: {  	s10 =	simm.s32 @!p0 $0x0;
	[sflag:s23] =	ssyncset.done $0x0;
	s8 =	sshrl.u32 @!p0 s8, $0x3  }
0x1ba: {  	[sflag:s23] =	ssyncadd.s32 $0xFFFFD800;
	s7 =	simm.s32 @!p0 $0x80;
	s9 =	sadd.s32 @!p0 s14, s8  }
0x1bb: {  	[tilespmem:s7], [sflag:$0x7] =	stream.linear.gather @!p0 [hbm4b:s9+s10], $0x50, $0x38;
	[tilespmem:$0x1E400] =	vst v63  }
0x1bc: {  	s7 =	sadd.s32 @!p0 s15, s8;
	s8 =	simm.s32 @!p0 $0x280  }
0x1bd: {  	[tilespmem:s8], [sflag:$0x7] =	stream.linear.gather @!p0 [hbm4b:s7+s10], $0x50, $0x38;
	[tilespmem:$0x1E400] =	vst v63  }
0x1be: {  	_ =	swait.ge [sflag:s26], $0x50  }
0x1bf: {  	[sflag:s26] =	ssyncset.done $0x0  }
0x1c0: {  	[sflag:s26] =	ssyncadd.s32 $0xFFFFFFB0  }
0x1c1: {  	_ =	swait.ge [sflag:s26], $0x50  }
0x1c2: {  	[sflag:s26] =	ssyncset.done $0x0  }
0x1c3: {  	s9 =	simm.s32 $0x180;
	s10 =	sshll.u32 s29, $0x4;
	[sflag:s26] =	ssyncadd.s32 $0xFFFFFFB0  }
0x1c4: {  	[tilespmem:s18], [sflag:$0x2] =	stream.indirect.gather [hbm4b:s4+s3], $0x80, s9, s3, $0xb8;
	[tilespmem:$0x1E400] =	vst v63  }
0x1c5: {  	s29 =	simm.s32 $0x0;
	s7 =	sadd.s32 s5, s10  }
0x1c6: {  	[tilespmem:s20], [sflag:$0x4] =	stream.linear.gather [hbm4b:s7+s29], $0x2800, $0x38;
	[tilespmem:$0x1E400] =	vst v63  }
0x1c7: {  	_ =	swait.ge [sflag:s21], $0x2800  }
0x1c8: {  	[sflag:s21] =	ssyncset.done $0x0  }
0x1c9: {  	[sflag:s21] =	ssyncadd.s32 $0xFFFFD800  }
0x1ca: {  	_ =	swait.ge [sflag:s22], $0x2800  }
0x1cb: {  	[sflag:s22] =	ssyncset.done $0x0  }
0x1cc: {  	s8 =	simm.s32 $0x0;
	[sflag:s22] =	ssyncadd.s32 $0xFFFFD800  }
0x1cd: {  	v7 =	vld [tilespmem:s8+$0x5400]  }
0x1ce: {  	v8 =	vld [tilespmem:s8+$0x5410]  }
0x1cf: {  	v9 =	vld [tilespmem:s8+$0x5420]  }
0x1d0: {  	v10 =	vld [tilespmem:s8+$0x5430]  }
0x1d1: {  	v11 =	vld [tilespmem:s8+$0x5440]  }
0x1d2: {  	v12 =	vld [tilespmem:s8+$0x5450]  }
0x1d3: {  	v13 =	vld [tilespmem:s8+$0x5460]  }
0x1d4: {  	v14 =	vld [tilespmem:s8+$0x5470]  }
0x1d5: {  	v15 =	vld [tilespmem:s8+$0x5480]  }
0x1d6: {  	v16 =	vld [tilespmem:s8+$0x5490]  }
0x1d7: {  	v17 =	vld [tilespmem:s8+$0x54A0]  }
0x1d8: {  	v18 =	vld [tilespmem:s8+$0x54B0]  }
0x1d9: {  	v19 =	vld [tilespmem:s8+$0x54C0]  }
0x1da: {  	v20 =	vld [tilespmem:s8+$0x54D0]  }
0x1db: {  	v21 =	vld [tilespmem:s8+$0x54E0]  }
0x1dc: {  	v22 =	vld [tilespmem:s8+$0x54F0]  }
0x1dd: {  	v23 =	vld [tilespmem:s8+$0x5500]  }
0x1de: {  	v24 =	vld [tilespmem:s8+$0x5510]  }
0x1df: {  	v25 =	vld [tilespmem:s8+$0x5520]  }
0x1e0: {  	v26 =	vld [tilespmem:s8+$0x5530]  }
0x1e1: {  	v27 =	vld [tilespmem:s8+$0x5540]  }
0x1e2: {  	v28 =	vld [tilespmem:s8+$0x5550]  }
0x1e3: {  	v29 =	vld [tilespmem:s8+$0x5560]  }
0x1e4: {  	v30 =	vld [tilespmem:s8+$0x5570]  }
0x1e5: {  	v31 =	vld [tilespmem:s8+$0x5580]  }
0x1e6: {  	v32 =	vld [tilespmem:s8+$0x5590]  }
0x1e7: {  	v6 =	vld [tilespmem:s8+$0x55A0]  }
0x1e8: {  	v5 =	vld [tilespmem:s8+$0x55B0]  }
0x1e9: {  	v4 =	vld [tilespmem:s8+$0x55C0]  }
0x1ea: {  	v3 =	vld [tilespmem:s8+$0x55D0]  }
0x1eb: {  	v2 =	vld [tilespmem:s8+$0x55E0]  }
0x1ec: {  	v33 =	vld [tilespmem:s8+$0x400]  }
0x1ed: {  	v34 =	vld [tilespmem:s8+$0x410]  }
0x1ee: {  	v35 =	vld [tilespmem:s8+$0x420]  }
0x1ef: {  	v36 =	vld [tilespmem:s8+$0x430]  }
0x1f0: {  	v37 =	vld [tilespmem:s8+$0x440]  }
0x1f1: {  	v63 =	vld [tilespmem:s8+$0x450];
	v7 =	vmul.f32 v7, v33  }
0x1f2: {  	v38 =	vld [tilespmem:s8+$0x460];
	v8 =	vmul.f32 v8, v34  }
0x1f3: {  	v9 =	vmul.f32 v9, v35;
	[tilespmem:s8+$0x400] =	vst v7;
	v7 =	vld [tilespmem:s8+$0x470]  }
0x1f4: {  	v10 =	vmul.f32 v10, v36;
	[tilespmem:s8+$0x410] =	vst v8;
	v8 =	vld [tilespmem:s8+$0x480]  }
0x1f5: {  	v11 =	vmul.f32 v11, v37;
	[tilespmem:s8+$0x420] =	vst v9;
	v9 =	vld [tilespmem:s8+$0x490]  }
0x1f6: {  	v12 =	vmul.f32 v12, v63;
	[tilespmem:s8+$0x430] =	vst v10;
	v10 =	vld [tilespmem:s8+$0x4A0]  }
0x1f7: {  	v13 =	vmul.f32 v13, v38;
	[tilespmem:s8+$0x440] =	vst v11;
	v11 =	vld [tilespmem:s8+$0x4B0]  }
0x1f8: {  	[tilespmem:s8+$0x450] =	vst v12;
	v12 =	vld [tilespmem:s8+$0x4C0];
	v7 =	vmul.f32 v14, v7  }
0x1f9: {  	[tilespmem:s8+$0x460] =	vst v13;
	v13 =	vld [tilespmem:s8+$0x4D0];
	v8 =	vmul.f32 v15, v8  }
0x1fa: {  	v9 =	vmul.f32 v16, v9;
	[tilespmem:s8+$0x470] =	vst v7;
	v7 =	vld [tilespmem:s8+$0x4E0]  }
0x1fb: {  	v10 =	vmul.f32 v17, v10;
	[tilespmem:s8+$0x480] =	vst v8;
	v8 =	vld [tilespmem:s8+$0x4F0]  }
0x1fc: {  	v11 =	vmul.f32 v18, v11;
	[tilespmem:s8+$0x490] =	vst v9;
	v9 =	vld [tilespmem:s8+$0x500]  }
0x1fd: {  	v12 =	vmul.f32 v19, v12;
	[tilespmem:s8+$0x4A0] =	vst v10;
	v10 =	vld [tilespmem:s8+$0x510]  }
0x1fe: {  	v13 =	vmul.f32 v20, v13;
	[tilespmem:s8+$0x4B0] =	vst v11;
	v11 =	vld [tilespmem:s8+$0x520]  }
0x1ff: {  	[tilespmem:s8+$0x4C0] =	vst v12;
	v12 =	vld [tilespmem:s8+$0x530];
	v7 =	vmul.f32 v21, v7  }
0x200: {  	[tilespmem:s8+$0x4D0] =	vst v13;
	v13 =	vld [tilespmem:s8+$0x540]  }
0x201: {  	v8 =	vmul.f32 v22, v8;
	[tilespmem:s8+$0x4E0] =	vst v7;
	v7 =	vld [tilespmem:s8+$0x550]  }
0x202: {  	v1 =	vld [tilespmem:s8+$0x55F0];
	v9 =	vmul.f32 v23, v9  }
0x203: {  	[tilespmem:s8+$0x4F0] =	vst v8;
	v8 =	vmul.f32 v24, v10;
	v10 =	vld [tilespmem:s8+$0x570]  }
0x204: {  	v14 =	vld [tilespmem:s8+$0x560];
	[tilespmem:s8+$0x500] =	vst v9;
	v9 =	vmul.f32 v25, v11  }
0x205: {  	v11 =	vld [tilespmem:s8+$0x580];
	[tilespmem:s8+$0x510] =	vst v8;
	v8 =	vmul.f32 v26, v12  }
0x206: {  	[tilespmem:s8+$0x520] =	vst v9;
	v12 =	vld [tilespmem:s8+$0x590];
	v9 =	vmul.f32 v27, v13;
	v13 =	vmul.f32 v28, v7  }
0x207: {  	[tilespmem:s8+$0x530] =	vst v8;
	v8 =	vld [tilespmem:s8+$0x5A0]  }
0x208: {  	v7 =	vld [tilespmem:s8+$0x5B0];
	[tilespmem:s8+$0x550] =	vst v13;
	v13 =	vmul.f32 v30, v10  }
0x209: {  	v14 =	vmul.f32 v29, v14;
	[tilespmem:s8+$0x540] =	vst v9;
	v9 =	vld [tilespmem:s8+$0x5C0]  }
0x20a: {  	v10 =	vld [tilespmem:s8+$0x5D0];
	[tilespmem:s8+$0x570] =	vst v13;
	v13 =	vmul.f32 v31, v11  }
0x20b: {  	s9 =	simm.s32 $0x800;
	[tilespmem:s8+$0x560] =	vst v14;
	v12 =	vmul.f32 v32, v12;
	v11 =	vld [tilespmem:s8+$0x5E0]  }
.LBB2_9:
0x20c: {  	s7 =	sshra.s32 s9, $0x2;
	p1 =	sne.s32 s9, $0x9800;
	[tilespmem:s8+$0x580] =	vst v13;
	v6 =	vmul.f32 v6, v8;
	v8 =	vld [tilespmem:s8+$0x5F0]  }
0x20d: {  	v13 =	vld [tilespmem:s7+$0x5400];
	[tilespmem:s8+$0x590] =	vst v12;
	v5 =	vmul.f32 v5, v7  }
0x20e: {  	v7 =	vld [tilespmem:s7+$0x5410];
	[tilespmem:s8+$0x5A0] =	vst v6;
	v4 =	vmul.f32 v4, v9  }
0x20f: {  	v9 =	vld [tilespmem:s7+$0x5420];
	[tilespmem:s8+$0x5B0] =	vst v5;
	v3 =	vmul.f32 v3, v10  }
0x210: {  	v10 =	vld [tilespmem:s7+$0x5430];
	[tilespmem:s8+$0x5C0] =	vst v4;
	v2 =	vmul.f32 v2, v11  }
0x211: {  	v11 =	vld [tilespmem:s7+$0x5440];
	[tilespmem:s8+$0x5D0] =	vst v3;
	v1 =	vmul.f32 v1, v8  }
0x212: {  	v8 =	vld [tilespmem:s7+$0x5450];
	[tilespmem:s8+$0x5E0] =	vst v2  }
0x213: {  	v12 =	vld [tilespmem:s7+$0x5460];
	[tilespmem:s8+$0x5F0] =	vst v1;
	s8 =	smov.u32 s7  }
0x214: {  	v14 =	vld [tilespmem:s8+$0x5470]  }
0x215: {  	v15 =	vld [tilespmem:s8+$0x5480]  }
0x216: {  	v16 =	vld [tilespmem:s8+$0x5490]  }
0x217: {  	v17 =	vld [tilespmem:s8+$0x54A0]  }
0x218: {  	v18 =	vld [tilespmem:s8+$0x54B0]  }
0x219: {  	v19 =	vld [tilespmem:s8+$0x54C0]  }
0x21a: {  	v20 =	vld [tilespmem:s8+$0x54D0]  }
0x21b: {  	v21 =	vld [tilespmem:s8+$0x54E0]  }
0x21c: {  	v22 =	vld [tilespmem:s8+$0x54F0]  }
0x21d: {  	v23 =	vld [tilespmem:s8+$0x5500]  }
0x21e: {  	v24 =	vld [tilespmem:s8+$0x5510]  }
0x21f: {  	v25 =	vld [tilespmem:s8+$0x5520]  }
0x220: {  	v26 =	vld [tilespmem:s8+$0x5530]  }
0x221: {  	v27 =	vld [tilespmem:s8+$0x5540]  }
0x222: {  	v28 =	vld [tilespmem:s8+$0x5550]  }
0x223: {  	v29 =	vld [tilespmem:s8+$0x5560]  }
0x224: {  	v30 =	vld [tilespmem:s8+$0x5570]  }
0x225: {  	v31 =	vld [tilespmem:s8+$0x5580]  }
0x226: {  	v32 =	vld [tilespmem:s8+$0x5590]  }
0x227: {  	v6 =	vld [tilespmem:s8+$0x55A0]  }
0x228: {  	v5 =	vld [tilespmem:s8+$0x55B0]  }
0x229: {  	v4 =	vld [tilespmem:s8+$0x55C0]  }
0x22a: {  	v3 =	vld [tilespmem:s8+$0x55D0]  }
0x22b: {  	v2 =	vld [tilespmem:s8+$0x55E0]  }
0x22c: {  	v1 =	vld [tilespmem:s8+$0x55F0]  }
0x22d: {  	v33 =	vld [tilespmem:s8+$0x400]  }
0x22e: {  	v34 =	vld [tilespmem:s8+$0x410]  }
0x22f: {  	v35 =	vld [tilespmem:s8+$0x420]  }
0x230: {  	v36 =	vld [tilespmem:s8+$0x430]  }
0x231: {  	v37 =	vld [tilespmem:s8+$0x440]  }
0x232: {  	v13 =	vmul.f32 v13, v33;
	v33 =	vld [tilespmem:s8+$0x450]  }
0x233: {  	v7 =	vmul.f32 v7, v34;
	v34 =	vld [tilespmem:s8+$0x460]  }
0x234: {  	[tilespmem:s8+$0x400] =	vst v13;
	v9 =	vmul.f32 v9, v35;
	v13 =	vld [tilespmem:s8+$0x470]  }
0x235: {  	[tilespmem:s8+$0x410] =	vst v7;
	v7 =	vmul.f32 v10, v36;
	v10 =	vld [tilespmem:s8+$0x480]  }
0x236: {  	[tilespmem:s8+$0x420] =	vst v9;
	v9 =	vmul.f32 v11, v37;
	v11 =	vld [tilespmem:s8+$0x490]  }
0x237: {  	[tilespmem:s8+$0x430] =	vst v7;
	v7 =	vmul.f32 v8, v33;
	v8 =	vld [tilespmem:s8+$0x4A0]  }
0x238: {  	[tilespmem:s8+$0x440] =	vst v9;
	v9 =	vmul.f32 v12, v34;
	v12 =	vld [tilespmem:s8+$0x4B0]  }
0x239: {  	[tilespmem:s8+$0x450] =	vst v7;
	v7 =	vmul.f32 v14, v13;
	v13 =	vld [tilespmem:s8+$0x4C0]  }
0x23a: {  	[tilespmem:s8+$0x460] =	vst v9;
	v9 =	vmul.f32 v15, v10;
	v10 =	vld [tilespmem:s8+$0x4D0]  }
0x23b: {  	[tilespmem:s8+$0x470] =	vst v7;
	v7 =	vmul.f32 v16, v11;
	v11 =	vld [tilespmem:s8+$0x4E0]  }
0x23c: {  	[tilespmem:s8+$0x480] =	vst v9;
	v8 =	vmul.f32 v17, v8;
	v9 =	vld [tilespmem:s8+$0x4F0]  }
0x23d: {  	[tilespmem:s8+$0x490] =	vst v7;
	v7 =	vmul.f32 v18, v12;
	v12 =	vld [tilespmem:s8+$0x500]  }
0x23e: {  	[tilespmem:s8+$0x4A0] =	vst v8;
	v8 =	vmul.f32 v19, v13;
	v13 =	vld [tilespmem:s8+$0x510]  }
0x23f: {  	[tilespmem:s8+$0x4B0] =	vst v7;
	v7 =	vmul.f32 v20, v10;
	v10 =	vld [tilespmem:s8+$0x520]  }
0x240: {  	[tilespmem:s8+$0x4C0] =	vst v8;
	v8 =	vmul.f32 v21, v11;
	v11 =	vld [tilespmem:s8+$0x530]  }
0x241: {  	[tilespmem:s8+$0x4D0] =	vst v7;
	v7 =	vmul.f32 v22, v9;
	v9 =	vld [tilespmem:s8+$0x540]  }
0x242: {  	[tilespmem:s8+$0x4E0] =	vst v8;
	v8 =	vmul.f32 v23, v12;
	v12 =	vld [tilespmem:s8+$0x550]  }
0x243: {  	[tilespmem:s8+$0x4F0] =	vst v7;
	v7 =	vmul.f32 v24, v13;
	v13 =	vld [tilespmem:s8+$0x560]  }
0x244: {  	[tilespmem:s8+$0x500] =	vst v8;
	v8 =	vmul.f32 v25, v10;
	v10 =	vld [tilespmem:s8+$0x570]  }
0x245: {  	[tilespmem:s8+$0x510] =	vst v7;
	v7 =	vmul.f32 v26, v11;
	v11 =	vld [tilespmem:s8+$0x580]  }
0x246: {  	[tilespmem:s8+$0x520] =	vst v8;
	v9 =	vmul.f32 v27, v9;
	v14 =	vld [tilespmem:s8+$0x590]  }
.Ltmp3:
0x247: {  	[tilespmem:s8+$0x530] =	vst v7;
	v12 =	vmul.f32 v28, v12;
	v8 =	vld [tilespmem:s8+$0x5A0];
	(pc) =	sbr.rel @p1 .LBB2_9-.Ltmp3, $4  }
0x248: {  	[tilespmem:s8+$0x540] =	vst v9;
	v13 =	vmul.f32 v29, v13;
	v7 =	vld [tilespmem:s8+$0x5B0]  }
0x249: {  	[tilespmem:s8+$0x550] =	vst v12;
	v12 =	vmul.f32 v30, v10;
	v9 =	vld [tilespmem:s8+$0x5C0]  }
0x24a: {  	[tilespmem:s8+$0x560] =	vst v13;
	v13 =	vmul.f32 v31, v11;
	v10 =	vld [tilespmem:s8+$0x5D0]  }
0x24b: {  	s9 =	sadd.s32 $0x800, s9;
	[tilespmem:s8+$0x570] =	vst v12;
	v12 =	vmul.f32 v32, v14;
	v11 =	vld [tilespmem:s8+$0x5E0]  }
0x24c: {  	[tilespmem:s8+$0x580] =	vst v13;
	v6 =	vmul.f32 v6, v8;
	v8 =	vld [tilespmem:s8+$0x5F0]  }
0x24d: {  	[tilespmem:s8+$0x590] =	vst v12;
	v5 =	vmul.f32 v5, v7  }
0x24e: {  	[tilespmem:s8+$0x5A0] =	vst v6;
	v4 =	vmul.f32 v4, v9  }
0x24f: {  	[tilespmem:s8+$0x5B0] =	vst v5;
	v3 =	vmul.f32 v3, v10  }
0x250: {  	[tilespmem:s8+$0x5C0] =	vst v4;
	v2 =	vmul.f32 v2, v11  }
0x251: {  	[tilespmem:s8+$0x5D0] =	vst v3;
	v1 =	vmul.f32 v1, v8  }
0x252: {  	[tilespmem:s8+$0x5E0] =	vst v2  }
0x253: {  	s7 =	simm.s32 $0x300;
	[tilespmem:s8+$0x5F0] =	vst v1  }
0x254: {  	[spmem:s1] =	stream.indirect.scatter.add.f32 [tilespmem:s11], [sflag:$0x5], $0x80, s7, s3, $0xb8;
	[tilespmem:$0x1E400] =	vst v63  }
0x255: {  	_ =	swait.ge [sflag:s23], $0x2800  }
0x256: {  	s7 =	rddreg [dreg:$0x1f]  }
0x257: {  	s7 =	sadd.s32 @!p0 s28, s7  }
0x258: {  	s9 =	simm.s32 @!p0 $0x0;
	[sflag:s23] =	ssyncset.done $0x0;
	s7 =	sshrl.u32 @!p0 s7, $0x3  }
0x259: {  	s10 =	simm.s32 @!p0 $0x100;
	[sflag:s23] =	ssyncadd.s32 $0xFFFFD800;
	s8 =	sadd.s32 @!p0 s14, s7  }
0x25a: {  	[tilespmem:s10], [sflag:$0x8] =	stream.linear.gather @!p0 [hbm4b:s8+s9], $0x50, $0x38;
	[tilespmem:$0x1E400] =	vst v63  }
0x25b: {  	s7 =	sadd.s32 @!p0 s15, s7;
	s8 =	simm.s32 @!p0 $0x300  }
0x25c: {  	[tilespmem:s8], [sflag:$0x8] =	stream.linear.gather @!p0 [hbm4b:s7+s9], $0x50, $0x38;
	[tilespmem:$0x1E400] =	vst v63  }
0x25d: {  	_ =	swait.ge [sflag:s0], $0x50  }
0x25e: {  	[sflag:s0] =	ssyncset.done $0x0  }
0x25f: {  	[sflag:s0] =	ssyncadd.s32 $0xFFFFFFB0  }
0x260: {  	_ =	swait.ge [sflag:s0], $0x50  }
0x261: {  	[sflag:s0] =	ssyncset.done $0x0  }
0x262: {  	s29 =	sshll.u32 s19, $0x4;
	s28 =	simm.s32 $0x0;
	[sflag:s0] =	ssyncadd.s32 $0xFFFFFFB0  }
0x263: {  	[tilespmem:s11], [sflag:$0x1] =	stream.indirect.gather [hbm4b:s4+s3], $0x80, s28, s3, $0xb8;
	[tilespmem:$0x1E400] =	vst v63  }
0x264: {  	s8 =	sadd.s32 s5, s29  }
0x265: {  	[tilespmem:s6], [sflag:$0x3] =	stream.linear.gather [hbm4b:s8+s28], $0x2800, $0x38;
	[tilespmem:$0x1E400] =	vst v63  }
0x266: {  	_ =	swait.ge [sflag:s2], $0x2800  }
0x267: {  	[sflag:s2] =	ssyncset.done $0x0  }
0x268: {  	[sflag:s2] =	ssyncadd.s32 $0xFFFFD800  }
0x269: {  	_ =	swait.ge [sflag:s25], $0x2800  }
0x26a: {  	[sflag:s25] =	ssyncset.done $0x0  }
0x26b: {  	s8 =	simm.s32 $0x0;
	[sflag:s25] =	ssyncadd.s32 $0xFFFFD800  }
0x26c: {  	v7 =	vld [tilespmem:s8+$0x7C00]  }
0x26d: {  	v8 =	vld [tilespmem:s8+$0x7C10]  }
0x26e: {  	v9 =	vld [tilespmem:s8+$0x7C20]  }
0x26f: {  	v10 =	vld [tilespmem:s8+$0x7C30]  }
0x270: {  	v11 =	vld [tilespmem:s8+$0x7C40]  }
0x271: {  	v12 =	vld [tilespmem:s8+$0x7C50]  }
0x272: {  	v13 =	vld [tilespmem:s8+$0x7C60]  }
0x273: {  	v14 =	vld [tilespmem:s8+$0x7C70]  }
0x274: {  	v15 =	vld [tilespmem:s8+$0x7C80]  }
0x275: {  	v16 =	vld [tilespmem:s8+$0x7C90]  }
0x276: {  	v17 =	vld [tilespmem:s8+$0x7CA0]  }
0x277: {  	v18 =	vld [tilespmem:s8+$0x7CB0]  }
0x278: {  	v19 =	vld [tilespmem:s8+$0x7CC0]  }
0x279: {  	v20 =	vld [tilespmem:s8+$0x7CD0]  }
0x27a: {  	v21 =	vld [tilespmem:s8+$0x7CE0]  }
0x27b: {  	v22 =	vld [tilespmem:s8+$0x7CF0]  }
0x27c: {  	v23 =	vld [tilespmem:s8+$0x7D00]  }
0x27d: {  	v24 =	vld [tilespmem:s8+$0x7D10]  }
0x27e: {  	v25 =	vld [tilespmem:s8+$0x7D20]  }
0x27f: {  	v26 =	vld [tilespmem:s8+$0x7D30]  }
0x280: {  	v27 =	vld [tilespmem:s8+$0x7D40]  }
0x281: {  	v28 =	vld [tilespmem:s8+$0x7D50]  }
0x282: {  	v29 =	vld [tilespmem:s8+$0x7D60]  }
0x283: {  	v30 =	vld [tilespmem:s8+$0x7D70]  }
0x284: {  	v31 =	vld [tilespmem:s8+$0x7D80]  }
0x285: {  	v32 =	vld [tilespmem:s8+$0x7D90]  }
0x286: {  	v6 =	vld [tilespmem:s8+$0x7DA0]  }
0x287: {  	v5 =	vld [tilespmem:s8+$0x7DB0]  }
0x288: {  	v4 =	vld [tilespmem:s8+$0x7DC0]  }
0x289: {  	v3 =	vld [tilespmem:s8+$0x7DD0]  }
0x28a: {  	v2 =	vld [tilespmem:s8+$0x7DE0]  }
0x28b: {  	v33 =	vld [tilespmem:s8+$0x2C00]  }
0x28c: {  	v34 =	vld [tilespmem:s8+$0x2C10]  }
0x28d: {  	v35 =	vld [tilespmem:s8+$0x2C20]  }
0x28e: {  	v36 =	vld [tilespmem:s8+$0x2C30]  }
0x28f: {  	v37 =	vld [tilespmem:s8+$0x2C40]  }
0x290: {  	v63 =	vld [tilespmem:s8+$0x2C50];
	v7 =	vmul.f32 v7, v33  }
0x291: {  	v38 =	vld [tilespmem:s8+$0x2C60];
	v8 =	vmul.f32 v8, v34  }
0x292: {  	v9 =	vmul.f32 v9, v35;
	[tilespmem:s8+$0x2C00] =	vst v7;
	v7 =	vld [tilespmem:s8+$0x2C70]  }
0x293: {  	v10 =	vmul.f32 v10, v36;
	[tilespmem:s8+$0x2C10] =	vst v8;
	v8 =	vld [tilespmem:s8+$0x2C80]  }
0x294: {  	v11 =	vmul.f32 v11, v37;
	[tilespmem:s8+$0x2C20] =	vst v9;
	v9 =	vld [tilespmem:s8+$0x2C90]  }
0x295: {  	v12 =	vmul.f32 v12, v63;
	[tilespmem:s8+$0x2C30] =	vst v10;
	v10 =	vld [tilespmem:s8+$0x2CA0]  }
0x296: {  	v13 =	vmul.f32 v13, v38;
	[tilespmem:s8+$0x2C40] =	vst v11;
	v11 =	vld [tilespmem:s8+$0x2CB0]  }
0x297: {  	[tilespmem:s8+$0x2C50] =	vst v12;
	v12 =	vld [tilespmem:s8+$0x2CC0];
	v7 =	vmul.f32 v14, v7  }
0x298: {  	[tilespmem:s8+$0x2C60] =	vst v13;
	v13 =	vld [tilespmem:s8+$0x2CD0];
	v8 =	vmul.f32 v15, v8  }
0x299: {  	v9 =	vmul.f32 v16, v9;
	[tilespmem:s8+$0x2C70] =	vst v7;
	v7 =	vld [tilespmem:s8+$0x2CE0]  }
0x29a: {  	v10 =	vmul.f32 v17, v10;
	[tilespmem:s8+$0x2C80] =	vst v8;
	v8 =	vld [tilespmem:s8+$0x2CF0]  }
0x29b: {  	v11 =	vmul.f32 v18, v11;
	[tilespmem:s8+$0x2C90] =	vst v9;
	v9 =	vld [tilespmem:s8+$0x2D00]  }
0x29c: {  	v12 =	vmul.f32 v19, v12;
	[tilespmem:s8+$0x2CA0] =	vst v10;
	v10 =	vld [tilespmem:s8+$0x2D10]  }
0x29d: {  	v13 =	vmul.f32 v20, v13;
	[tilespmem:s8+$0x2CB0] =	vst v11;
	v11 =	vld [tilespmem:s8+$0x2D20]  }
0x29e: {  	[tilespmem:s8+$0x2CC0] =	vst v12;
	v12 =	vld [tilespmem:s8+$0x2D30];
	v7 =	vmul.f32 v21, v7  }
0x29f: {  	[tilespmem:s8+$0x2CD0] =	vst v13;
	v13 =	vld [tilespmem:s8+$0x2D40]  }
0x2a0: {  	v8 =	vmul.f32 v22, v8;
	[tilespmem:s8+$0x2CE0] =	vst v7;
	v7 =	vld [tilespmem:s8+$0x2D50]  }
0x2a1: {  	v1 =	vld [tilespmem:s8+$0x7DF0];
	v9 =	vmul.f32 v23, v9  }
0x2a2: {  	[tilespmem:s8+$0x2CF0] =	vst v8;
	v8 =	vmul.f32 v24, v10;
	v10 =	vld [tilespmem:s8+$0x2D70]  }
0x2a3: {  	v14 =	vld [tilespmem:s8+$0x2D60];
	[tilespmem:s8+$0x2D00] =	vst v9;
	v9 =	vmul.f32 v25, v11  }
0x2a4: {  	v11 =	vld [tilespmem:s8+$0x2D80];
	[tilespmem:s8+$0x2D10] =	vst v8;
	v8 =	vmul.f32 v26, v12  }
0x2a5: {  	[tilespmem:s8+$0x2D20] =	vst v9;
	v12 =	vld [tilespmem:s8+$0x2D90];
	v9 =	vmul.f32 v27, v13;
	v13 =	vmul.f32 v28, v7  }
0x2a6: {  	[tilespmem:s8+$0x2D30] =	vst v8;
	v8 =	vld [tilespmem:s8+$0x2DA0]  }
0x2a7: {  	v7 =	vld [tilespmem:s8+$0x2DB0];
	[tilespmem:s8+$0x2D50] =	vst v13;
	v13 =	vmul.f32 v30, v10  }
0x2a8: {  	v14 =	vmul.f32 v29, v14;
	[tilespmem:s8+$0x2D40] =	vst v9;
	v9 =	vld [tilespmem:s8+$0x2DC0]  }
0x2a9: {  	v10 =	vld [tilespmem:s8+$0x2DD0];
	[tilespmem:s8+$0x2D70] =	vst v13;
	v13 =	vmul.f32 v31, v11  }
0x2aa: {  	s9 =	simm.s32 $0x800;
	[tilespmem:s8+$0x2D60] =	vst v14;
	v12 =	vmul.f32 v32, v12;
	v11 =	vld [tilespmem:s8+$0x2DE0]  }
.LBB2_11:
0x2ab: {  	s7 =	sshra.s32 s9, $0x2;
	p0 =	sne.s32 s9, $0x9800;
	[tilespmem:s8+$0x2D80] =	vst v13;
	v6 =	vmul.f32 v6, v8;
	v8 =	vld [tilespmem:s8+$0x2DF0]  }
0x2ac: {  	v13 =	vld [tilespmem:s7+$0x7C00];
	[tilespmem:s8+$0x2D90] =	vst v12;
	v5 =	vmul.f32 v5, v7  }
0x2ad: {  	v7 =	vld [tilespmem:s7+$0x7C10];
	[tilespmem:s8+$0x2DA0] =	vst v6;
	v4 =	vmul.f32 v4, v9  }
0x2ae: {  	v9 =	vld [tilespmem:s7+$0x7C20];
	[tilespmem:s8+$0x2DB0] =	vst v5;
	v3 =	vmul.f32 v3, v10  }
0x2af: {  	v10 =	vld [tilespmem:s7+$0x7C30];
	[tilespmem:s8+$0x2DC0] =	vst v4;
	v2 =	vmul.f32 v2, v11  }
0x2b0: {  	v11 =	vld [tilespmem:s7+$0x7C40];
	[tilespmem:s8+$0x2DD0] =	vst v3;
	v1 =	vmul.f32 v1, v8  }
0x2b1: {  	v8 =	vld [tilespmem:s7+$0x7C50];
	[tilespmem:s8+$0x2DE0] =	vst v2  }
0x2b2: {  	v12 =	vld [tilespmem:s7+$0x7C60];
	[tilespmem:s8+$0x2DF0] =	vst v1;
	s8 =	smov.u32 s7  }
0x2b3: {  	v14 =	vld [tilespmem:s8+$0x7C70]  }
0x2b4: {  	v15 =	vld [tilespmem:s8+$0x7C80]  }
0x2b5: {  	v16 =	vld [tilespmem:s8+$0x7C90]  }
0x2b6: {  	v17 =	vld [tilespmem:s8+$0x7CA0]  }
0x2b7: {  	v18 =	vld [tilespmem:s8+$0x7CB0]  }
0x2b8: {  	v19 =	vld [tilespmem:s8+$0x7CC0]  }
0x2b9: {  	v20 =	vld [tilespmem:s8+$0x7CD0]  }
0x2ba: {  	v21 =	vld [tilespmem:s8+$0x7CE0]  }
0x2bb: {  	v22 =	vld [tilespmem:s8+$0x7CF0]  }
0x2bc: {  	v23 =	vld [tilespmem:s8+$0x7D00]  }
0x2bd: {  	v24 =	vld [tilespmem:s8+$0x7D10]  }
0x2be: {  	v25 =	vld [tilespmem:s8+$0x7D20]  }
0x2bf: {  	v26 =	vld [tilespmem:s8+$0x7D30]  }
0x2c0: {  	v27 =	vld [tilespmem:s8+$0x7D40]  }
0x2c1: {  	v28 =	vld [tilespmem:s8+$0x7D50]  }
0x2c2: {  	v29 =	vld [tilespmem:s8+$0x7D60]  }
0x2c3: {  	v30 =	vld [tilespmem:s8+$0x7D70]  }
0x2c4: {  	v31 =	vld [tilespmem:s8+$0x7D80]  }
0x2c5: {  	v32 =	vld [tilespmem:s8+$0x7D90]  }
0x2c6: {  	v6 =	vld [tilespmem:s8+$0x7DA0]  }
0x2c7: {  	v5 =	vld [tilespmem:s8+$0x7DB0]  }
0x2c8: {  	v4 =	vld [tilespmem:s8+$0x7DC0]  }
0x2c9: {  	v3 =	vld [tilespmem:s8+$0x7DD0]  }
0x2ca: {  	v2 =	vld [tilespmem:s8+$0x7DE0]  }
0x2cb: {  	v1 =	vld [tilespmem:s8+$0x7DF0]  }
0x2cc: {  	v33 =	vld [tilespmem:s8+$0x2C00]  }
0x2cd: {  	v34 =	vld [tilespmem:s8+$0x2C10]  }
0x2ce: {  	v35 =	vld [tilespmem:s8+$0x2C20]  }
0x2cf: {  	v36 =	vld [tilespmem:s8+$0x2C30]  }
0x2d0: {  	v37 =	vld [tilespmem:s8+$0x2C40]  }
0x2d1: {  	v13 =	vmul.f32 v13, v33;
	v33 =	vld [tilespmem:s8+$0x2C50]  }
0x2d2: {  	v7 =	vmul.f32 v7, v34;
	v34 =	vld [tilespmem:s8+$0x2C60]  }
0x2d3: {  	[tilespmem:s8+$0x2C00] =	vst v13;
	v9 =	vmul.f32 v9, v35;
	v13 =	vld [tilespmem:s8+$0x2C70]  }
0x2d4: {  	[tilespmem:s8+$0x2C10] =	vst v7;
	v7 =	vmul.f32 v10, v36;
	v10 =	vld [tilespmem:s8+$0x2C80]  }
0x2d5: {  	[tilespmem:s8+$0x2C20] =	vst v9;
	v9 =	vmul.f32 v11, v37;
	v11 =	vld [tilespmem:s8+$0x2C90]  }
0x2d6: {  	[tilespmem:s8+$0x2C30] =	vst v7;
	v7 =	vmul.f32 v8, v33;
	v8 =	vld [tilespmem:s8+$0x2CA0]  }
0x2d7: {  	[tilespmem:s8+$0x2C40] =	vst v9;
	v9 =	vmul.f32 v12, v34;
	v12 =	vld [tilespmem:s8+$0x2CB0]  }
0x2d8: {  	[tilespmem:s8+$0x2C50] =	vst v7;
	v7 =	vmul.f32 v14, v13;
	v13 =	vld [tilespmem:s8+$0x2CC0]  }
0x2d9: {  	[tilespmem:s8+$0x2C60] =	vst v9;
	v9 =	vmul.f32 v15, v10;
	v10 =	vld [tilespmem:s8+$0x2CD0]  }
0x2da: {  	[tilespmem:s8+$0x2C70] =	vst v7;
	v7 =	vmul.f32 v16, v11;
	v11 =	vld [tilespmem:s8+$0x2CE0]  }
0x2db: {  	[tilespmem:s8+$0x2C80] =	vst v9;
	v8 =	vmul.f32 v17, v8;
	v9 =	vld [tilespmem:s8+$0x2CF0]  }
0x2dc: {  	[tilespmem:s8+$0x2C90] =	vst v7;
	v7 =	vmul.f32 v18, v12;
	v12 =	vld [tilespmem:s8+$0x2D00]  }
0x2dd: {  	[tilespmem:s8+$0x2CA0] =	vst v8;
	v8 =	vmul.f32 v19, v13;
	v13 =	vld [tilespmem:s8+$0x2D10]  }
0x2de: {  	[tilespmem:s8+$0x2CB0] =	vst v7;
	v7 =	vmul.f32 v20, v10;
	v10 =	vld [tilespmem:s8+$0x2D20]  }
0x2df: {  	[tilespmem:s8+$0x2CC0] =	vst v8;
	v8 =	vmul.f32 v21, v11;
	v11 =	vld [tilespmem:s8+$0x2D30]  }
0x2e0: {  	[tilespmem:s8+$0x2CD0] =	vst v7;
	v7 =	vmul.f32 v22, v9;
	v9 =	vld [tilespmem:s8+$0x2D40]  }
0x2e1: {  	[tilespmem:s8+$0x2CE0] =	vst v8;
	v8 =	vmul.f32 v23, v12;
	v12 =	vld [tilespmem:s8+$0x2D50]  }
0x2e2: {  	[tilespmem:s8+$0x2CF0] =	vst v7;
	v7 =	vmul.f32 v24, v13;
	v13 =	vld [tilespmem:s8+$0x2D60]  }
0x2e3: {  	[tilespmem:s8+$0x2D00] =	vst v8;
	v8 =	vmul.f32 v25, v10;
	v10 =	vld [tilespmem:s8+$0x2D70]  }
0x2e4: {  	[tilespmem:s8+$0x2D10] =	vst v7;
	v7 =	vmul.f32 v26, v11;
	v11 =	vld [tilespmem:s8+$0x2D80]  }
0x2e5: {  	[tilespmem:s8+$0x2D20] =	vst v8;
	v9 =	vmul.f32 v27, v9;
	v14 =	vld [tilespmem:s8+$0x2D90]  }
.Ltmp4:
0x2e6: {  	[tilespmem:s8+$0x2D30] =	vst v7;
	v12 =	vmul.f32 v28, v12;
	v8 =	vld [tilespmem:s8+$0x2DA0];
	(pc) =	sbr.rel @p0 .LBB2_11-.Ltmp4, $4  }
0x2e7: {  	[tilespmem:s8+$0x2D40] =	vst v9;
	v13 =	vmul.f32 v29, v13;
	v7 =	vld [tilespmem:s8+$0x2DB0]  }
0x2e8: {  	[tilespmem:s8+$0x2D50] =	vst v12;
	v12 =	vmul.f32 v30, v10;
	v9 =	vld [tilespmem:s8+$0x2DC0]  }
0x2e9: {  	[tilespmem:s8+$0x2D60] =	vst v13;
	v13 =	vmul.f32 v31, v11;
	v10 =	vld [tilespmem:s8+$0x2DD0]  }
0x2ea: {  	s9 =	sadd.s32 $0x800, s9;
	[tilespmem:s8+$0x2D70] =	vst v12;
	v12 =	vmul.f32 v32, v14;
	v11 =	vld [tilespmem:s8+$0x2DE0]  }
0x2eb: {  	[tilespmem:s8+$0x2D80] =	vst v13;
	v6 =	vmul.f32 v6, v8;
	v63 =	vld [tilespmem:s8+$0x2DF0]  }
0x2ec: {  	[tilespmem:s8+$0x2D90] =	vst v12;
	v5 =	vmul.f32 v5, v7  }
0x2ed: {  	s31 =	sadd.s32 $0x1, s31;
	[tilespmem:s8+$0x2DA0] =	vst v6;
	v4 =	vmul.f32 v4, v9  }
0x2ee: {  	p0 =	sne.s32 s31, $0x1F;
	[tilespmem:s8+$0x2DB0] =	vst v5;
	v3 =	vmul.f32 v3, v10  }
.Ltmp5:
0x2ef: {  	[tilespmem:s8+$0x2DC0] =	vst v4;
	v2 =	vmul.f32 v2, v11;
	(pc) =	sbr.rel @p0 .LBB2_4-.Ltmp5, $4  }
0x2f0: {  	[tilespmem:s8+$0x2DD0] =	vst v3;
	v1 =	vmul.f32 v1, v63  }
0x2f1: {  	[tilespmem:s8+$0x2DE0] =	vst v2  }
0x2f2: {  	s10 =	simm.s32 $0x380;
	[tilespmem:s8+$0x2DF0] =	vst v1  }
0x2f3: {  	[spmem:s1] =	stream.indirect.scatter.add.f32 [tilespmem:s18], [sflag:$0x5], $0x80, s10, s3, $0xb8;
	[tilespmem:$0x1E400] =	vst v63  }
0x2f4: {  	_ =	swait.ge [sflag:s23], $0x2800  }
0x2f5: {  	[sflag:s23] =	ssyncset.done $0x0  }
0x2f6: {  	[sflag:s23] =	ssyncadd.s32 $0xFFFFD800  }
0x2f7: {  	_ =	swait.ge [sflag:s21], $0x2800  }
0x2f8: {  	[sflag:s21] =	ssyncset.done $0x0  }
0x2f9: {  	[sflag:s21] =	ssyncadd.s32 $0xFFFFD800  }
0x2fa: {  	_ =	swait.ge [sflag:s22], $0x2800  }
0x2fb: {  	[sflag:s22] =	ssyncset.done $0x0  }
0x2fc: {  	s8 =	simm.s32 $0x0;
	[sflag:s22] =	ssyncadd.s32 $0xFFFFD800  }
0x2fd: {  	v7 =	vld [tilespmem:s8+$0x5400]  }
0x2fe: {  	v8 =	vld [tilespmem:s8+$0x5410]  }
0x2ff: {  	v9 =	vld [tilespmem:s8+$0x5420]  }
0x300: {  	v10 =	vld [tilespmem:s8+$0x5430]  }
0x301: {  	v11 =	vld [tilespmem:s8+$0x5440]  }
0x302: {  	v12 =	vld [tilespmem:s8+$0x5450]  }
0x303: {  	v13 =	vld [tilespmem:s8+$0x5460]  }
0x304: {  	v14 =	vld [tilespmem:s8+$0x5470]  }
0x305: {  	v15 =	vld [tilespmem:s8+$0x5480]  }
0x306: {  	v16 =	vld [tilespmem:s8+$0x5490]  }
0x307: {  	v17 =	vld [tilespmem:s8+$0x54A0]  }
0x308: {  	v18 =	vld [tilespmem:s8+$0x54B0]  }
0x309: {  	v19 =	vld [tilespmem:s8+$0x54C0]  }
0x30a: {  	v20 =	vld [tilespmem:s8+$0x54D0]  }
0x30b: {  	v21 =	vld [tilespmem:s8+$0x54E0]  }
0x30c: {  	v22 =	vld [tilespmem:s8+$0x54F0]  }
0x30d: {  	v23 =	vld [tilespmem:s8+$0x5500]  }
0x30e: {  	v24 =	vld [tilespmem:s8+$0x5510]  }
0x30f: {  	v25 =	vld [tilespmem:s8+$0x5520]  }
0x310: {  	v26 =	vld [tilespmem:s8+$0x5530]  }
0x311: {  	v27 =	vld [tilespmem:s8+$0x5540]  }
0x312: {  	v28 =	vld [tilespmem:s8+$0x5550]  }
0x313: {  	v29 =	vld [tilespmem:s8+$0x5560]  }
0x314: {  	v30 =	vld [tilespmem:s8+$0x5570]  }
0x315: {  	v31 =	vld [tilespmem:s8+$0x5580]  }
0x316: {  	v32 =	vld [tilespmem:s8+$0x5590]  }
0x317: {  	v6 =	vld [tilespmem:s8+$0x55A0]  }
0x318: {  	v5 =	vld [tilespmem:s8+$0x55B0]  }
0x319: {  	v4 =	vld [tilespmem:s8+$0x55C0]  }
0x31a: {  	v3 =	vld [tilespmem:s8+$0x55D0]  }
0x31b: {  	v2 =	vld [tilespmem:s8+$0x55E0]  }
0x31c: {  	v33 =	vld [tilespmem:s8+$0x400]  }
0x31d: {  	v34 =	vld [tilespmem:s8+$0x410]  }
0x31e: {  	v35 =	vld [tilespmem:s8+$0x420]  }
0x31f: {  	v36 =	vld [tilespmem:s8+$0x430]  }
0x320: {  	v37 =	vld [tilespmem:s8+$0x440]  }
0x321: {  	v63 =	vld [tilespmem:s8+$0x450];
	v7 =	vmul.f32 v7, v33  }
0x322: {  	v38 =	vld [tilespmem:s8+$0x460];
	v8 =	vmul.f32 v8, v34  }
0x323: {  	v9 =	vmul.f32 v9, v35;
	[tilespmem:s8+$0x400] =	vst v7;
	v7 =	vld [tilespmem:s8+$0x470]  }
0x324: {  	v10 =	vmul.f32 v10, v36;
	[tilespmem:s8+$0x410] =	vst v8;
	v8 =	vld [tilespmem:s8+$0x480]  }
0x325: {  	v11 =	vmul.f32 v11, v37;
	[tilespmem:s8+$0x420] =	vst v9;
	v9 =	vld [tilespmem:s8+$0x490]  }
0x326: {  	v12 =	vmul.f32 v12, v63;
	[tilespmem:s8+$0x430] =	vst v10;
	v10 =	vld [tilespmem:s8+$0x4A0]  }
0x327: {  	v13 =	vmul.f32 v13, v38;
	[tilespmem:s8+$0x440] =	vst v11;
	v11 =	vld [tilespmem:s8+$0x4B0]  }
0x328: {  	[tilespmem:s8+$0x450] =	vst v12;
	v12 =	vld [tilespmem:s8+$0x4C0];
	v7 =	vmul.f32 v14, v7  }
0x329: {  	[tilespmem:s8+$0x460] =	vst v13;
	v13 =	vld [tilespmem:s8+$0x4D0];
	v8 =	vmul.f32 v15, v8  }
0x32a: {  	v9 =	vmul.f32 v16, v9;
	[tilespmem:s8+$0x470] =	vst v7;
	v7 =	vld [tilespmem:s8+$0x4E0]  }
0x32b: {  	v10 =	vmul.f32 v17, v10;
	[tilespmem:s8+$0x480] =	vst v8;
	v8 =	vld [tilespmem:s8+$0x4F0]  }
0x32c: {  	v11 =	vmul.f32 v18, v11;
	[tilespmem:s8+$0x490] =	vst v9;
	v9 =	vld [tilespmem:s8+$0x500]  }
0x32d: {  	v12 =	vmul.f32 v19, v12;
	[tilespmem:s8+$0x4A0] =	vst v10;
	v10 =	vld [tilespmem:s8+$0x510]  }
0x32e: {  	v13 =	vmul.f32 v20, v13;
	[tilespmem:s8+$0x4B0] =	vst v11;
	v11 =	vld [tilespmem:s8+$0x520]  }
0x32f: {  	[tilespmem:s8+$0x4C0] =	vst v12;
	v12 =	vld [tilespmem:s8+$0x530];
	v7 =	vmul.f32 v21, v7  }
0x330: {  	[tilespmem:s8+$0x4D0] =	vst v13;
	v13 =	vld [tilespmem:s8+$0x540]  }
0x331: {  	v8 =	vmul.f32 v22, v8;
	[tilespmem:s8+$0x4E0] =	vst v7;
	v7 =	vld [tilespmem:s8+$0x550]  }
0x332: {  	v1 =	vld [tilespmem:s8+$0x55F0];
	v9 =	vmul.f32 v23, v9  }
0x333: {  	[tilespmem:s8+$0x4F0] =	vst v8;
	v8 =	vmul.f32 v24, v10;
	v10 =	vld [tilespmem:s8+$0x570]  }
0x334: {  	v14 =	vld [tilespmem:s8+$0x560];
	[tilespmem:s8+$0x500] =	vst v9;
	v9 =	vmul.f32 v25, v11  }
0x335: {  	v11 =	vld [tilespmem:s8+$0x580];
	[tilespmem:s8+$0x510] =	vst v8;
	v8 =	vmul.f32 v26, v12  }
0x336: {  	[tilespmem:s8+$0x520] =	vst v9;
	v12 =	vld [tilespmem:s8+$0x590];
	v9 =	vmul.f32 v27, v13;
	v13 =	vmul.f32 v28, v7  }
0x337: {  	[tilespmem:s8+$0x530] =	vst v8;
	v8 =	vld [tilespmem:s8+$0x5A0]  }
0x338: {  	v7 =	vld [tilespmem:s8+$0x5B0];
	[tilespmem:s8+$0x550] =	vst v13;
	v13 =	vmul.f32 v30, v10  }
0x339: {  	v14 =	vmul.f32 v29, v14;
	[tilespmem:s8+$0x540] =	vst v9;
	v9 =	vld [tilespmem:s8+$0x5C0]  }
0x33a: {  	v10 =	vld [tilespmem:s8+$0x5D0];
	[tilespmem:s8+$0x570] =	vst v13;
	v13 =	vmul.f32 v31, v11  }
0x33b: {  	s9 =	simm.s32 $0x800;
	[tilespmem:s8+$0x560] =	vst v14;
	v12 =	vmul.f32 v32, v12;
	v11 =	vld [tilespmem:s8+$0x5E0]  }
.LBB2_14:
0x33c: {  	s7 =	sshra.s32 s9, $0x2;
	p0 =	sne.s32 s9, $0x9800;
	[tilespmem:s8+$0x580] =	vst v13;
	v6 =	vmul.f32 v6, v8;
	v8 =	vld [tilespmem:s8+$0x5F0]  }
0x33d: {  	v13 =	vld [tilespmem:s7+$0x5400];
	[tilespmem:s8+$0x590] =	vst v12;
	v5 =	vmul.f32 v5, v7  }
0x33e: {  	v7 =	vld [tilespmem:s7+$0x5410];
	[tilespmem:s8+$0x5A0] =	vst v6;
	v4 =	vmul.f32 v4, v9  }
0x33f: {  	v9 =	vld [tilespmem:s7+$0x5420];
	[tilespmem:s8+$0x5B0] =	vst v5;
	v3 =	vmul.f32 v3, v10  }
0x340: {  	v10 =	vld [tilespmem:s7+$0x5430];
	[tilespmem:s8+$0x5C0] =	vst v4;
	v2 =	vmul.f32 v2, v11  }
0x341: {  	v11 =	vld [tilespmem:s7+$0x5440];
	[tilespmem:s8+$0x5D0] =	vst v3;
	v1 =	vmul.f32 v1, v8  }
0x342: {  	v8 =	vld [tilespmem:s7+$0x5450];
	[tilespmem:s8+$0x5E0] =	vst v2  }
0x343: {  	v12 =	vld [tilespmem:s7+$0x5460];
	[tilespmem:s8+$0x5F0] =	vst v1;
	s8 =	smov.u32 s7  }
0x344: {  	v14 =	vld [tilespmem:s8+$0x5470]  }
0x345: {  	v15 =	vld [tilespmem:s8+$0x5480]  }
0x346: {  	v16 =	vld [tilespmem:s8+$0x5490]  }
0x347: {  	v17 =	vld [tilespmem:s8+$0x54A0]  }
0x348: {  	v18 =	vld [tilespmem:s8+$0x54B0]  }
0x349: {  	v19 =	vld [tilespmem:s8+$0x54C0]  }
0x34a: {  	v20 =	vld [tilespmem:s8+$0x54D0]  }
0x34b: {  	v21 =	vld [tilespmem:s8+$0x54E0]  }
0x34c: {  	v22 =	vld [tilespmem:s8+$0x54F0]  }
0x34d: {  	v23 =	vld [tilespmem:s8+$0x5500]  }
0x34e: {  	v24 =	vld [tilespmem:s8+$0x5510]  }
0x34f: {  	v25 =	vld [tilespmem:s8+$0x5520]  }
0x350: {  	v26 =	vld [tilespmem:s8+$0x5530]  }
0x351: {  	v27 =	vld [tilespmem:s8+$0x5540]  }
0x352: {  	v28 =	vld [tilespmem:s8+$0x5550]  }
0x353: {  	v29 =	vld [tilespmem:s8+$0x5560]  }
0x354: {  	v30 =	vld [tilespmem:s8+$0x5570]  }
0x355: {  	v31 =	vld [tilespmem:s8+$0x5580]  }
0x356: {  	v32 =	vld [tilespmem:s8+$0x5590]  }
0x357: {  	v6 =	vld [tilespmem:s8+$0x55A0]  }
0x358: {  	v5 =	vld [tilespmem:s8+$0x55B0]  }
0x359: {  	v4 =	vld [tilespmem:s8+$0x55C0]  }
0x35a: {  	v3 =	vld [tilespmem:s8+$0x55D0]  }
0x35b: {  	v2 =	vld [tilespmem:s8+$0x55E0]  }
0x35c: {  	v1 =	vld [tilespmem:s8+$0x55F0]  }
0x35d: {  	v33 =	vld [tilespmem:s8+$0x400]  }
0x35e: {  	v34 =	vld [tilespmem:s8+$0x410]  }
0x35f: {  	v35 =	vld [tilespmem:s8+$0x420]  }
0x360: {  	v36 =	vld [tilespmem:s8+$0x430]  }
0x361: {  	v37 =	vld [tilespmem:s8+$0x440]  }
0x362: {  	v13 =	vmul.f32 v13, v33;
	v33 =	vld [tilespmem:s8+$0x450]  }
0x363: {  	v7 =	vmul.f32 v7, v34;
	v34 =	vld [tilespmem:s8+$0x460]  }
0x364: {  	[tilespmem:s8+$0x400] =	vst v13;
	v9 =	vmul.f32 v9, v35;
	v13 =	vld [tilespmem:s8+$0x470]  }
0x365: {  	[tilespmem:s8+$0x410] =	vst v7;
	v7 =	vmul.f32 v10, v36;
	v10 =	vld [tilespmem:s8+$0x480]  }
0x366: {  	[tilespmem:s8+$0x420] =	vst v9;
	v9 =	vmul.f32 v11, v37;
	v11 =	vld [tilespmem:s8+$0x490]  }
0x367: {  	[tilespmem:s8+$0x430] =	vst v7;
	v7 =	vmul.f32 v8, v33;
	v8 =	vld [tilespmem:s8+$0x4A0]  }
0x368: {  	[tilespmem:s8+$0x440] =	vst v9;
	v9 =	vmul.f32 v12, v34;
	v12 =	vld [tilespmem:s8+$0x4B0]  }
0x369: {  	[tilespmem:s8+$0x450] =	vst v7;
	v7 =	vmul.f32 v14, v13;
	v13 =	vld [tilespmem:s8+$0x4C0]  }
0x36a: {  	[tilespmem:s8+$0x460] =	vst v9;
	v9 =	vmul.f32 v15, v10;
	v10 =	vld [tilespmem:s8+$0x4D0]  }
0x36b: {  	[tilespmem:s8+$0x470] =	vst v7;
	v7 =	vmul.f32 v16, v11;
	v11 =	vld [tilespmem:s8+$0x4E0]  }
0x36c: {  	[tilespmem:s8+$0x480] =	vst v9;
	v8 =	vmul.f32 v17, v8;
	v9 =	vld [tilespmem:s8+$0x4F0]  }
0x36d: {  	[tilespmem:s8+$0x490] =	vst v7;
	v7 =	vmul.f32 v18, v12;
	v12 =	vld [tilespmem:s8+$0x500]  }
0x36e: {  	[tilespmem:s8+$0x4A0] =	vst v8;
	v8 =	vmul.f32 v19, v13;
	v13 =	vld [tilespmem:s8+$0x510]  }
0x36f: {  	[tilespmem:s8+$0x4B0] =	vst v7;
	v7 =	vmul.f32 v20, v10;
	v10 =	vld [tilespmem:s8+$0x520]  }
0x370: {  	[tilespmem:s8+$0x4C0] =	vst v8;
	v8 =	vmul.f32 v21, v11;
	v11 =	vld [tilespmem:s8+$0x530]  }
0x371: {  	[tilespmem:s8+$0x4D0] =	vst v7;
	v7 =	vmul.f32 v22, v9;
	v9 =	vld [tilespmem:s8+$0x540]  }
0x372: {  	[tilespmem:s8+$0x4E0] =	vst v8;
	v8 =	vmul.f32 v23, v12;
	v12 =	vld [tilespmem:s8+$0x550]  }
0x373: {  	[tilespmem:s8+$0x4F0] =	vst v7;
	v7 =	vmul.f32 v24, v13;
	v13 =	vld [tilespmem:s8+$0x560]  }
0x374: {  	[tilespmem:s8+$0x500] =	vst v8;
	v8 =	vmul.f32 v25, v10;
	v10 =	vld [tilespmem:s8+$0x570]  }
0x375: {  	[tilespmem:s8+$0x510] =	vst v7;
	v7 =	vmul.f32 v26, v11;
	v11 =	vld [tilespmem:s8+$0x580]  }
0x376: {  	[tilespmem:s8+$0x520] =	vst v8;
	v9 =	vmul.f32 v27, v9;
	v14 =	vld [tilespmem:s8+$0x590]  }
.Ltmp6:
0x377: {  	[tilespmem:s8+$0x530] =	vst v7;
	v12 =	vmul.f32 v28, v12;
	v8 =	vld [tilespmem:s8+$0x5A0];
	(pc) =	sbr.rel @p0 .LBB2_14-.Ltmp6, $4  }
0x378: {  	[tilespmem:s8+$0x540] =	vst v9;
	v13 =	vmul.f32 v29, v13;
	v7 =	vld [tilespmem:s8+$0x5B0]  }
0x379: {  	[tilespmem:s8+$0x550] =	vst v12;
	v12 =	vmul.f32 v30, v10;
	v9 =	vld [tilespmem:s8+$0x5C0]  }
0x37a: {  	[tilespmem:s8+$0x560] =	vst v13;
	v13 =	vmul.f32 v31, v11;
	v10 =	vld [tilespmem:s8+$0x5D0]  }
0x37b: {  	s9 =	sadd.s32 $0x800, s9;
	[tilespmem:s8+$0x570] =	vst v12;
	v12 =	vmul.f32 v32, v14;
	v11 =	vld [tilespmem:s8+$0x5E0]  }
0x37c: {  	[tilespmem:s8+$0x580] =	vst v13;
	v6 =	vmul.f32 v6, v8;
	v63 =	vld [tilespmem:s8+$0x5F0]  }
0x37d: {  	[tilespmem:s8+$0x590] =	vst v12;
	v5 =	vmul.f32 v5, v7  }
0x37e: {  	[tilespmem:s8+$0x5A0] =	vst v6;
	v4 =	vmul.f32 v4, v9  }
0x37f: {  	[tilespmem:s8+$0x5B0] =	vst v5;
	v3 =	vmul.f32 v3, v10  }
0x380: {  	[tilespmem:s8+$0x5C0] =	vst v4;
	v2 =	vmul.f32 v2, v11  }
0x381: {  	[tilespmem:s8+$0x5D0] =	vst v3;
	v1 =	vmul.f32 v1, v63  }
0x382: {  	[tilespmem:s8+$0x5E0] =	vst v2  }
0x383: {  	[tilespmem:s8+$0x5F0] =	vst v1  }
0x384: {  	[spmem:s1] =	stream.indirect.scatter.add.f32 [tilespmem:s11], [sflag:$0x5], $0x80, s13, s3, $0xb8;
	[tilespmem:$0x1E400] =	vst v63  }
0x385: {  	_ =	swait.ge [sflag:s23], $0x2800  }
0x386: {  	[sflag:s23] =	ssyncset.done $0x0  }
0x387: {  	[sflag:s23] =	ssyncadd.s32 $0xFFFFD800  }
0x388: {  	[bflag:$0x0] =	sbarrier.arrive $0xFFFF  }
0x389: {  	s10 =	rddreg [dreg:$0xb]  }
0x38a: {  	[tilespmem:s11], [sflag:$0xA] =	stream.linear.gather [spmem:s10], $0x2800, $0x38;
	[tilespmem:$0x1E400] =	vst v63  }
0x38b: {  	_ =	swait.ge [sflag:s12], $0x2800  }
0x38c: {  	[sflag:s12] =	ssyncset.done $0x0  }
0x38d: {  	s7 =	simm.s32 $0x0;
	s19 =	rddreg [dreg:$0x3];
	[sflag:s12] =	ssyncadd.s32 $0xFFFFD800  }
0x38e: {  	[hbm4b:s19+s7] =	stream.linear.scatter [tilespmem:s11], [sflag:$0xA], $0x2800, $0x38;
	[tilespmem:$0x1E400] =	vst v63  }
0x38f: {  	_ =	swait.ge [sflag:s12], $0x2800  }
0x390: {  	[sflag:s12] =	ssyncset.done $0x0  }
0x391: {  	s19 =	rddreg [dreg:$0xc];
	[sflag:s12] =	ssyncadd.s32 $0xFFFFD800  }
0x392: {  	[tilespmem:s11], [sflag:$0xA] =	stream.linear.gather [spmem:s19], $0x2800, $0x38;
	[tilespmem:$0x1E400] =	vst v63  }
0x393: {  	_ =	swait.ge [sflag:s12], $0x2800  }
0x394: {  	[sflag:s12] =	ssyncset.done $0x0  }
0x395: {  	s9 =	rddreg [dreg:$0x4];
	[sflag:s12] =	ssyncadd.s32 $0xFFFFD800  }
0x396: {  	[hbm4b:s9+s7] =	stream.linear.scatter [tilespmem:s11], [sflag:$0xA], $0x2800, $0x38;
	[tilespmem:$0x1E400] =	vst v63  }
0x397: {  	_ =	swait.ge [sflag:s12], $0x2800  }
0x398: {  	[sflag:s12] =	ssyncset.done $0x0  }
0x399: {  	s28 =	rddreg [dreg:$0xd];
	[sflag:s12] =	ssyncadd.s32 $0xFFFFD800  }
0x39a: {  	[tilespmem:s11], [sflag:$0xA] =	stream.linear.gather [spmem:s28], $0x2800, $0x38;
	[tilespmem:$0x1E400] =	vst v63  }
0x39b: {  	_ =	swait.ge [sflag:s12], $0x2800  }
0x39c: {  	[sflag:s12] =	ssyncset.done $0x0  }
0x39d: {  	s9 =	rddreg [dreg:$0x5];
	[sflag:s12] =	ssyncadd.s32 $0xFFFFD800  }
0x39e: {  	[hbm4b:s9+s7] =	stream.linear.scatter [tilespmem:s11], [sflag:$0xA], $0x2800, $0x38;
	[tilespmem:$0x1E400] =	vst v63  }
0x39f: {  	_ =	swait.ge [sflag:s12], $0x2800  }
0x3a0: {  	[sflag:s12] =	ssyncset.done $0x0  }
0x3a1: {  	s29 =	rddreg [dreg:$0xe];
	[sflag:s12] =	ssyncadd.s32 $0xFFFFD800  }
0x3a2: {  	[tilespmem:s11], [sflag:$0xA] =	stream.linear.gather [spmem:s29], $0x2800, $0x38;
	[tilespmem:$0x1E400] =	vst v63  }
0x3a3: {  	_ =	swait.ge [sflag:s12], $0x2800  }
0x3a4: {  	[sflag:s12] =	ssyncset.done $0x0  }
0x3a5: {  	s9 =	rddreg [dreg:$0x6];
	[sflag:s12] =	ssyncadd.s32 $0xFFFFD800  }
0x3a6: {  	[hbm4b:s9+s7] =	stream.linear.scatter [tilespmem:s11], [sflag:$0xA], $0x2800, $0x38;
	[tilespmem:$0x1E400] =	vst v63  }
0x3a7: {  	_ =	swait.ge [sflag:s12], $0x2800  }
0x3a8: {  	[sflag:s12] =	ssyncset.done $0x0  }
0x3a9: {  	s30 =	rddreg [dreg:$0xf];
	[sflag:s12] =	ssyncadd.s32 $0xFFFFD800  }
0x3aa: {  	[tilespmem:s11], [sflag:$0xA] =	stream.linear.gather [spmem:s30], $0x2800, $0x38;
	[tilespmem:$0x1E400] =	vst v63  }
0x3ab: {  	_ =	swait.ge [sflag:s12], $0x2800  }
0x3ac: {  	[sflag:s12] =	ssyncset.done $0x0  }
0x3ad: {  	s9 =	rddreg [dreg:$0x7];
	[sflag:s12] =	ssyncadd.s32 $0xFFFFD800  }
0x3ae: {  	[hbm4b:s9+s7] =	stream.linear.scatter [tilespmem:s11], [sflag:$0xA], $0x2800, $0x38;
	[tilespmem:$0x1E400] =	vst v63  }
0x3af: {  	_ =	swait.ge [sflag:s12], $0x2800  }
0x3b0: {  	[sflag:s12] =	ssyncset.done $0x0  }
0x3b1: {  	s31 =	rddreg [dreg:$0x10];
	[sflag:s12] =	ssyncadd.s32 $0xFFFFD800  }
0x3b2: {  	[tilespmem:s11], [sflag:$0xA] =	stream.linear.gather [spmem:s31], $0x2800, $0x38;
	[tilespmem:$0x1E400] =	vst v63  }
0x3b3: {  	_ =	swait.ge [sflag:s12], $0x2800  }
0x3b4: {  	[sflag:s12] =	ssyncset.done $0x0  }
0x3b5: {  	s9 =	rddreg [dreg:$0x8];
	[sflag:s12] =	ssyncadd.s32 $0xFFFFD800  }
0x3b6: {  	[hbm4b:s9+s7] =	stream.linear.scatter [tilespmem:s11], [sflag:$0xA], $0x2800, $0x38;
	[tilespmem:$0x1E400] =	vst v63  }
0x3b7: {  	_ =	swait.ge [sflag:s12], $0x2800  }
0x3b8: {  	[sflag:s12] =	ssyncset.done $0x0  }
0x3b9: {  	s9 =	rddreg [dreg:$0x11];
	[sflag:s12] =	ssyncadd.s32 $0xFFFFD800  }
0x3ba: {  	[tilespmem:s11], [sflag:$0xA] =	stream.linear.gather [spmem:s9], $0x2800, $0x38;
	[tilespmem:$0x1E400] =	vst v63  }
0x3bb: {  	_ =	swait.ge [sflag:s12], $0x2800  }
0x3bc: {  	[sflag:s12] =	ssyncset.done $0x0  }
0x3bd: {  	s9 =	rddreg [dreg:$0x9];
	[sflag:s12] =	ssyncadd.s32 $0xFFFFD800  }
0x3be: {  	[hbm4b:s9+s7] =	stream.linear.scatter [tilespmem:s11], [sflag:$0xA], $0x2800, $0x38;
	[tilespmem:$0x1E400] =	vst v63  }
0x3bf: {  	_ =	swait.ge [sflag:s12], $0x2800  }
0x3c0: {  	[sflag:s12] =	ssyncset.done $0x0  }
0x3c1: {  	s9 =	rddreg [dreg:$0x12];
	[sflag:s12] =	ssyncadd.s32 $0xFFFFD800  }
0x3c2: {  	[tilespmem:s11], [sflag:$0xA] =	stream.linear.gather [spmem:s9], $0x2800, $0x38;
	[tilespmem:$0x1E400] =	vst v63  }
0x3c3: {  	_ =	swait.ge [sflag:s12], $0x2800  }
0x3c4: {  	[sflag:s12] =	ssyncset.done $0x0  }
0x3c5: {  	s9 =	rddreg [dreg:$0xa];
	[sflag:s12] =	ssyncadd.s32 $0xFFFFD800  }
0x3c6: {  	[hbm4b:s9+s7] =	stream.linear.scatter [tilespmem:s11], [sflag:$0xA], $0x2800, $0x38;
	[tilespmem:$0x1E400] =	vst v63  }
0x3c7: {  	_ =	swait.ge [sflag:s12], $0x2800  }
0x3c8: {  	s7 =	sld [smem:$0x7FD];
	_ =	sdelay $0x2  }
0x3c9: {  	s9 =	rddreg [dreg:$0x1c];
	s8 =	sadd.s32 $0x1, s7  }
0x3ca: {  	p0 =	sne.s32 s8, s9  }
.Ltmp7:
0x3cb: {  	_ = 	snop;
	(pc) =	sbr.rel @p0 .LBB2_1-.Ltmp7, $3  }
0x3cc: {  	_ =	sdelay $0x1  }
0x3cd: {  	[sflag:s12] =	ssyncset.done $0x0  }
0x3ce: {  	[sflag:s12] =	ssyncadd.s32 $0xFFFFD800  }
0x3cf: {  	_ =	sfence.sel $0x180000  }
0x3d0: {  	[bflag:$0x0] =	sbarrier.arrive $0xFFFF  }
0x3d1: {  	_ =	strace $0x9000004A  }
0x3d2: {  	s0 =	stileid.u32;
	[bflag:$0x2] =	sbarrier.arrive $0xFFFF  }
0x3d3: {  	p0 =	sne.s32 s0, $0x0;
	s0 =	rddreg [dreg:$0x2]  }
0x3d4: {  	s0 =	sadd.s32 @!p0 $0x100000, s0  }
0x3d5: {  	[sflag:s0] =	ssyncadd.tile.s32 @!p0 $0x1;
	_ =	shalt  }
.Lfunc_end2:
_tile_overlayer_lowered:
.L_overlay_start_2:
0x3d6: {  	(tag) =	ssettag $0x2  }
0x3d7: {  	s0 =	rddreg [dreg:$0x0];
	s2 =	stileid.u32  }
0x3d8: {  	s1 =	rddreg [dreg:$0x1];
	p0 =	sne.s32 s2, $0x0  }
0x3d9: {  	s3 =	rddreg [dreg:$0x2];
	[bflag:$0x3] =	sbarrier.arrive $0xFFFF;
	s2 =	simm.s32 @!p0 $0x1C0A  }
0x3da: {  	[timem:s3], [sflag:s2] =	dma.local @!p0 [hbm:s0], s1  }
0x3db: {  	s0 =	simm.s32 @!p0 $0xA  }
0x3dc: {  	_ =	swait.ge @!p0 [sflag:s0], s1  }
0x3dd: {  	s1 =	ssub.s32 @!p0 $0x0, s1;
	[sflag:s0] =	ssyncset.done @!p0 $0x0  }
0x3de: {  	[sflag:s0] =	ssyncadd.s32 @!p0 s1  }
0x3df: {  	[bflag:$0x3] =	sbarrier.arrive $0xFFFF  }
0x3e0: {  	_ =	shalt  }

// kernel: kernel.5.cloned.1.call-start
scs
__scs_entry_jumppad:
0x0: {  	(pc) =	sbr.rel $0x88, $3  }
0x1: {  	(tag) =	ssettag $0x0;
	lr =	simm.s32 $0x1  }
0x2: {  	[smem:$0x3F95] =	sst lr;
	_ =	strace $0xD0000000  }
0x3: {  	_ = 	snop  }
0x4: {  	_ = 	snop  }
0x5: {  	_ = 	snop  }
0x6: {  	_ = 	snop  }
0x7: {  	_ = 	snop  }
__scs_overlays_trampoline_lowered:
0x8: {  	[smem:$0x3FA4] =	sst s0  }
0x9: {  	[smem:$0x3FA5] =	sst s1  }
0xa: {  	[smem:$0x3FA6] =	sst s2  }
0xb: {  	[smem:$0x3FA7] =	sst s3  }
0xc: {  	[smem:$0x3FA8] =	sst s4  }
0xd: {  	[smem:$0x3FA9] =	sst s5  }
0xe: {  	[smem:$0x3FAA] =	sst s6  }
0xf: {  	[smem:$0x3FAB] =	sst s7  }
0x10: {  	[smem:$0x3FAC] =	sst s8  }
0x11: {  	[smem:$0x3FAD] =	sst s9;
	s0 =	simm.s32 @!p0 $0x0  }
0x12: {  	s1 =	sld [smem:$0x3F93];
	s0 =	simm.s32 @p0 $0x1  }
0x13: {  	[smem:$0x3FAE] =	sst s0;
	s0 =	simm.s32 @!p1 $0x0  }
0x14: {  	s2 =	sld [smem:$0x3F92];
	s0 =	simm.s32 @p1 $0x1  }
0x15: {  	[smem:$0x3FAF] =	sst s0;
	s0 =	simm.s32 @!p2 $0x0  }
0x16: {  	s3 =	sld [smem:$0x3FDB];
	s0 =	simm.s32 @p2 $0x1  }
0x17: {  	s4 =	simm.s32 $0x1BF5;
	[smem:$0x3FB1] =	sst s0  }
0x18: {  	s0 =	sld [smem:$0x3F94];
	_ =	swait.ge [sflag:s4], $0x0  }
0x19: {  	s7 =	sld [smem:$0x3F95]  }
0x1a: {  	s8 =	sadd.s32 $0xFFFFE003, lr  }
0x1b: {  	s9 =	sadd.s32 $0xFFFFFEF7, lr;
	s5 =	simm.s32 $0xFFFFFFFF;
	p2 =	slt.u32 s8, $0xFFFFF086  }
0x1c: {  	p1 =	slt.u32 s9, $0xF7A;
	s5 =	simm.s32 @!p2 $0x0  }
0x1d: {  	s5 =	simm.s32 @p1 $0x1;
	p0 =	seq.s32 s7, s2  }
0x1e: {  	s7 =	smul.u32 @!p0 $0xF7A, s2;
	p2 =	seq.s32 @!p0 s5, $0x0  }
0x1f: {  	s9 =	smul.u32 $0xF7A, s1;
	s8 =	simm.s32 @!p0 $0x1BF5;
	p2 =	por !p2, p0  }
0x20: {  	[sflag:s8] =	ssyncset.s32 @!p0 $0xFFFFF086;
	s6 =	sadd.s32 @!p0 s3, s7;
	s7 =	simm.s32 @!p0 $0x108  }
0x21: {  	s3 =	sadd.s32 s3, s9;
	s6 =	sadd.s32 @!p0 $0x88, s6;
	s7 =	simm.s32 @p2 $0x1082  }
0x22: {  	[simem:s7], [sflag:s8] =	dma.local @!p0 [hbm:s6], $0xF7A  }
0x23: {  	s9 =	sor.u32 $0xD0000000, s2;
	s6 =	simm.s32 $0x108;
	_ =	swait.ge @!p0 [sflag:s8], $0x0  }
0x24: {  	s3 =	sadd.s32 $0x88, s3;
	s6 =	simm.s32 @!p1 $0x1082;
	[sflag:s4] =	ssyncset.s32 $0xFFFFF086  }
0x25: {  	[simem:s6], [sflag:s4] =	dma.local [hbm:s3], $0xF7A  }
0x26: {  	[smem:$0x3F95] =	sst s1;
	(tag) =	ssettag s2;
	_ =	strace s9  }
0x27: {  	s1 =	sld [smem:$0x3FA5]  }
0x28: {  	s2 =	sld [smem:$0x3FA6]  }
0x29: {  	s4 =	sld [smem:$0x3FA8]  }
0x2a: {  	p0 =	seq.s32 s5, $0x0;
	s5 =	sld [smem:$0x3FA9]  }
0x2b: {  	s6 =	sld [smem:$0x3FAA]  }
0x2c: {  	s7 =	sld [smem:$0x3FAB]  }
0x2d: {  	s3 =	simm.s32 $0x108;
	s8 =	sld [smem:$0x3FAC]  }
0x2e: {  	s3 =	simm.s32 @!p0 $0x1082;
	s9 =	sld [smem:$0x3FAD]  }
0x2f: {  	lr =	sadd.s32 s0, s3;
	s0 =	sld [smem:$0x3FA4]  }
0x30: {  	s3 =	sld [smem:$0x3FA7]  }
0x31: {  	[smem:$0x3FB0] =	sst s10  }
0x32: {  	s10 =	sld [smem:$0x3FAE];
	_ =	sdelay $0x3  }
0x33: {  	p0 =	seq.s32 s10, $0x1;
	s10 =	sld [smem:$0x3FB0];
	_ =	sdelay $0x3  }
0x34: {  	[smem:$0x3FB0] =	sst s10  }
0x35: {  	s10 =	sld [smem:$0x3FAF];
	_ =	sdelay $0x3  }
0x36: {  	p1 =	seq.s32 s10, $0x1;
	s10 =	sld [smem:$0x3FB0];
	_ =	sdelay $0x3  }
0x37: {  	[smem:$0x3FB0] =	sst s10  }
0x38: {  	s10 =	sld [smem:$0x3FB1]  }
0x39: {  	_ = 	snop;
	(pc) =	sbr.ind lr, $3  }
0x3a: {  	_ = 	snop  }
0x3b: {  	_ = 	snop  }
0x3c: {  	p2 =	seq.s32 s10, $0x1;
	s10 =	sld [smem:$0x3FB0]  }
0x3d: {  	_ =	shalt  }
0x3e: {  	_ =	shalt  }
0x3f: {  	_ =	shalt  }
0x40: {  	_ =	shalt  }
0x41: {  	_ =	shalt  }
0x42: {  	_ =	shalt  }
0x43: {  	_ =	shalt  }
0x44: {  	_ =	shalt  }
0x45: {  	_ =	shalt  }
0x46: {  	_ =	shalt  }
0x47: {  	_ =	shalt  }
0x48: {  	_ =	shalt  }
0x49: {  	_ =	shalt  }
0x4a: {  	_ =	shalt  }
0x4b: {  	_ =	shalt  }
0x4c: {  	_ =	shalt  }
0x4d: {  	_ =	shalt  }
0x4e: {  	_ =	shalt  }
0x4f: {  	_ =	shalt  }
0x50: {  	_ =	shalt  }
0x51: {  	_ =	shalt  }
0x52: {  	_ =	shalt  }
0x53: {  	_ =	shalt  }
0x54: {  	_ =	shalt  }
0x55: {  	_ =	shalt  }
0x56: {  	_ =	shalt  }
0x57: {  	_ =	shalt  }
0x58: {  	_ =	shalt  }
0x59: {  	_ =	shalt  }
0x5a: {  	_ =	shalt  }
0x5b: {  	_ =	shalt  }
0x5c: {  	_ =	shalt  }
0x5d: {  	_ =	shalt  }
0x5e: {  	_ =	shalt  }
0x5f: {  	_ =	shalt  }
0x60: {  	_ =	shalt  }
0x61: {  	_ =	shalt  }
0x62: {  	_ =	shalt  }
0x63: {  	_ =	shalt  }
0x64: {  	_ =	shalt  }
0x65: {  	_ =	shalt  }
0x66: {  	_ =	shalt  }
0x67: {  	_ =	shalt  }
0x68: {  	_ =	shalt  }
0x69: {  	_ =	shalt  }
0x6a: {  	_ =	shalt  }
0x6b: {  	_ =	shalt  }
0x6c: {  	_ =	shalt  }
0x6d: {  	_ =	shalt  }
0x6e: {  	_ =	shalt  }
0x6f: {  	_ =	shalt  }
0x70: {  	_ =	shalt  }
0x71: {  	_ =	shalt  }
0x72: {  	_ =	shalt  }
0x73: {  	_ =	shalt  }
0x74: {  	_ =	shalt  }
0x75: {  	_ =	shalt  }
0x76: {  	_ =	shalt  }
0x77: {  	_ =	shalt  }
0x78: {  	_ =	shalt  }
0x79: {  	_ =	shalt  }
0x7a: {  	_ =	shalt  }
0x7b: {  	_ =	shalt  }
0x7c: {  	_ =	shalt  }
0x7d: {  	_ =	shalt  }
0x7e: {  	_ =	shalt  }
0x7f: {  	_ =	shalt  }
0x80: {  	_ =	shalt  }
0x81: {  	_ =	shalt  }
0x82: {  	_ =	shalt  }
0x83: {  	_ =	shalt  }
0x84: {  	_ =	shalt  }
0x85: {  	_ =	shalt  }
0x86: {  	_ =	shalt  }
0x87: {  	_ =	shalt  }
.Lfunc_end0:
.L_simem_size_0:
called_computation.1_lowered:
.L_overlay_start_0:
0x88: {  	s2 =	sld [smem:$0x3FD9]  }
0x89: {  	s3 =	sld [smem:$0x3FFE];
	_ =	sdelay $0x1  }
0x8a: {  	s1 =	srdreg.scid  }
0x8b: {  	s0 =	sand.u32 $0x1, s1  }
0x8c: {  	s17 =	sshll.u32 s0, $0xA;
	s2 =	sadd.s32 s3, s2  }
0x8d: {  	s2 =	sadd.s32 s2, s17  }
0x8e: {  	[smem:$0x3FBC] =	sst s2  }
0x8f: {  	_ = 	snop  }
0x90: {  	s2 =	sld [smem:$0x3FC5];
	(tm) =	ssettm $0x1  }
0x91: {  	s18 =	sld [smem:$0x3FFB];
	_ =	sdelay $0x3  }
0x92: {  	_ =	strace s18  }
0x93: {  	s3 =	sld [smem:$0x3FFC];
	_ =	sdelay $0x3  }
0x94: {  	_ =	strace s3  }
0x95: {  	s3 =	sld [smem:$0x3FFD];
	_ =	sdelay $0x3  }
0x96: {  	_ =	strace s3  }
0x97: {  	_ =	strace $0x8FFFFFFF  }
0x98: {  	s19 =	sld [smem:$0x3FDB];
	_ =	sdelay $0x1  }
0x99: {  	s4 =	simm.s32 $_scs_section_size  }
0x9a: {  	s5 =	simm.s32 $_size__tile_overlayer_lowered;
	s6 =	simm.s32 $_tile_overlayer_lowered  }
0x9b: {  	s22 =	simm.s32 $0x1BFF;
	s21 =	sshll.u32 s6, $0x1;
	s3 =	sadd.s32 s4, s19  }
0x9c: {  	s7 =	simm.s32 $0x0;
	s20 =	sshll.u32 s5, $0x1;
	s5 =	sadd.s32 s21, s3  }
0x9d: {  	[timem:s7], [sflag:s22] =	dma.local [hbm:s5], s20  }
0x9e: {  	_ =	swait.ge [sflag:s22], s20  }
0x9f: {  	s4 =	ssub.s32 $0x0, s20;
	[sflag:s22] =	ssyncset.done $0x0  }
0xa0: {  	[sflag:s22] =	ssyncadd.s32 s4;
	_ =	sdelay $0x1  }
0xa1: {  	s23 =	simm.s32 $0x1B8B  }
0xa2: {  	_ =	swait.ge [sflag:s23], $0x1  }
0xa3: {  	[sflag:s23] =	ssyncset.done $0x0  }
0xa4: {  	s25 =	simm.s32 $0x1B8E;
	s24 =	sld [smem:$0x3FFE];
	[sflag:s23] =	ssyncadd.s32 $0xFFFFFFFF  }
0xa5: {  	s26 =	simm.s32 $execute0_lowered;
	[smem:$0x3FD2] =	sst s25  }
0xa6: {  	s5 =	sshll.u32 s26, $0x1;
	_ =	strace $0x80000046;
	[dreg:$0x1] =	wrdreg $0xFFFFFFFF  }
0xa7: {  	s28 =	simm.s32 $_size_execute0_lowered;
	s3 =	sadd.s32 s3, s5;
	[dreg:$0x0] =	wrdreg $0x0  }
0xa8: {  	s5 =	sshll.u32 s28, $0x1;
	[dreg:$0x2] =	wrdreg s3  }
0xa9: {  	[dreg:$0x3] =	wrdreg s5  }
0xaa: {  	[dreg:$0x4] =	wrdreg $0xC0  }
0xab: {  	_ =	task [dreg:s7], $0x5FFFF  }
0xac: {  	[dreg:$0x1] =	wrdreg $0xFFFFFFFF  }
0xad: {  	[dreg:$0x0] =	wrdreg $0x60  }
0xae: {  	[dreg:$0x2] =	wrdreg s24  }
0xaf: {  	[dreg:$0x3] =	wrdreg s2  }
0xb0: {  	[dreg:$0x4] =	wrdreg $0x9  }
0xb1: {  	_ =	task.clear_ibuf [dreg:s7], $0x5FFFF;
	_ =	strace $0x90000046  }
0xb2: {  	s29 =	simm.s32 $0x9;
	_ =	strace $0x80000048  }
0xb3: {  	_ =	swait.ge [sflag:s29], $0x1  }
0xb4: {  	[sflag:s29] =	ssyncadd.s32 $0xFFFFFFFF  }
0xb5: {  	_ =	strace $0x90000048  }
0xb6: {  	_ =	sfence  }
0xb7: {  	s30 =	sld [smem:$0x0];
	_ =	sdelay $0x2  }
0xb8: {  	s31 =	sshll.u32 s1, $0xD;
	s1 =	sshrl.u32 s1, $0x2  }
0xb9: {  	s3 =	sand.u32 $0x4000, s31;
	s1 =	sadd.s32 s1, s30  }
0xba: {  	s0 =	sor.u32 s3, s0;
	s1 =	sshll.u32 s1, $0x11  }
0xbb: {  	s0 =	sor.u32 s1, s0  }
0xbc: {  	s0 =	sadd.s32 $0x8F2B, s0  }
0xbd: {  	[sflag:s0] =	ssyncadd.remote.s32 $0x1  }
0xbe: {  	_ =	sfence.sel $0xFFFF  }
0xbf: {  	[dreg:$0x0] =	wrdreg $0xFFFFFFFF;
	(pc) =	sbr.abs _section_cstart, $3  }
0xc0: {  	[dreg:$0x1] =	wrdreg $0xFFFFFFFF  }
0xc1: {  	_ =	task.clear_ibuf [dreg:s7], $0x2FFFF;
	_ =	strace $0x9FFFFFFF  }
0xc2: {  	(tm) =	ssettm $0x7FFFFFFF  }
0xc3: {  	_ =	shalt  }
tec
execute0_lowered:
.L_overlay_start_1:
0x0: {  	(tag) =	ssettag $0x1  }
0x1: {  	s1 =	srdreg.scid;
	s0 =	stileid.u32  }
0x2: {  	s21 =	sand.u32 $0x1, s1;
	s26 =	sshll.u32 s0, $0x1  }
0x3: {  	s13 =	rddreg [dreg:$0x0];
	s12 =	sor.u32 s21, s26  }
0x4: {  	s2 =	rddreg [dreg:$0x1];
	s22 =	smul.u32 $0x140, s12  }
0x5: {  	s3 =	simm.s32 $0x0;
	s1 =	rddreg [dreg:$0x2]  }
0x6: {  	[smem:$0x7FF] =	sst s3;
	s20 =	sadd.s32 $0x1E00, s13;
	s4 =	sshrl.u32 s22, $0x3  }
0x7: {  	_ =	strace $0x80000047;
	s5 =	sadd.s32 s20, s4;
	s4 =	simm.s32 $0x3  }
0x8: {  	[tilespmem:s3], [sflag:$0x3] =	stream.linear.gather [hbm4b:s5+s3], $0x50, $0x38;
	[tilespmem:$0x5080] =	vst v63  }
0x9: {  	_ =	swait.ge [sflag:s4], $0x50  }
0xa: {  	[sflag:s4] =	ssyncset.done $0x0  }
0xb: {  	s6 =	simm.s32 $0x50;
	s7 =	simm.s32 $0x80;
	[sflag:s4] =	ssyncadd.s32 $0xFFFFFFB0  }
0xc: {  	[tilespmem:s7], [sflag:$0x1] =	stream.indirect.gather [hbm4b:s2+s6], $0x80, s3, s6, $0xb8;
	[tilespmem:$0x5080] =	vst v63  }
0xd: {  	s9 =	simm.s32 $0x2880;
	s10 =	simm.s32 $0x1;
	s8 =	sadd.s32 $0x2400, s13  }
0xe: {  	[tilespmem:s9], [sflag:$0x2] =	stream.indirect.gather [hbm4b:s8+s6], $0x80, s3, s6, $0xb8;
	[tilespmem:$0x5080] =	vst v63  }
0xf: {  	_ =	swait.ge [sflag:s10], $0x2800  }
0x10: {  	[sflag:s10] =	ssyncset.done $0x0  }
0x11: {  	s11 =	simm.s32 $0x2;
	[sflag:s10] =	ssyncadd.s32 $0xFFFFD800  }
0x12: {  	s14 =	smul.u32 $0x1400, s12;
	_ =	swait.ge [sflag:s11], $0x2800  }
0x13: {  	s24 =	sadd.s32 $0x2AA00, s13;
	[sflag:s11] =	ssyncset.done $0x0  }
0x14: {  	s12 =	sadd.s32 s24, s14;
	[sflag:s11] =	ssyncadd.s32 $0xFFFFD800  }
0x15: {  	[hbm4b:s12+s3] =	stream.linear.scatter [tilespmem:s7], [sflag:$0x3], $0x2800, $0x38;
	[tilespmem:$0x5080] =	vst v63  }
0x16: {  	_ =	swait.ge [sflag:s4], $0x2800  }
0x17: {  	s23 =	sadd.s32 $0x2A00, s13;
	[sflag:s4] =	ssyncset.done $0x0  }
0x18: {  	s13 =	sadd.s32 s23, s14;
	[sflag:s4] =	ssyncadd.s32 $0xFFFFD800  }
0x19: {  	[hbm4b:s13+s3] =	stream.linear.scatter [tilespmem:s9], [sflag:$0x3], $0x2800, $0x38;
	[tilespmem:$0x5080] =	vst v63  }
0x1a: {  	s15 =	sadd.s32 $0x50, s22;
	_ =	swait.ge [sflag:s4], $0x2800  }
0x1b: {  	s28 =	sshrl.u32 s15, $0x3;
	[sflag:s4] =	ssyncset.done $0x0  }
0x1c: {  	s14 =	sadd.s32 s20, s28;
	[sflag:s4] =	ssyncadd.s32 $0xFFFFD800  }
0x1d: {  	[tilespmem:s3], [sflag:$0x3] =	stream.linear.gather [hbm4b:s14+s3], $0x50, $0x38;
	[tilespmem:$0x5080] =	vst v63  }
0x1e: {  	_ =	swait.ge [sflag:s4], $0x50  }
0x1f: {  	[sflag:s4] =	ssyncset.done $0x0  }
0x20: {  	[sflag:s4] =	ssyncadd.s32 $0xFFFFFFB0  }
0x21: {  	[tilespmem:s7], [sflag:$0x1] =	stream.indirect.gather [hbm4b:s2+s6], $0x80, s3, s6, $0xb8;
	[tilespmem:$0x5080] =	vst v63  }
0x22: {  	_ = 	snop  }
0x23: {  	[tilespmem:s9], [sflag:$0x2] =	stream.indirect.gather [hbm4b:s8+s6], $0x80, s3, s6, $0xb8;
	[tilespmem:$0x5080] =	vst v63  }
0x24: {  	_ =	swait.ge [sflag:s10], $0x2800  }
0x25: {  	[sflag:s10] =	ssyncset.done $0x0  }
0x26: {  	[sflag:s10] =	ssyncadd.s32 $0xFFFFD800  }
0x27: {  	_ =	swait.ge [sflag:s11], $0x2800  }
0x28: {  	s16 =	sshll.u32 s15, $0x4;
	[sflag:s11] =	ssyncset.done $0x0  }
0x29: {  	s15 =	sadd.s32 s24, s16;
	[sflag:s11] =	ssyncadd.s32 $0xFFFFD800  }
0x2a: {  	[hbm4b:s15+s3] =	stream.linear.scatter [tilespmem:s7], [sflag:$0x3], $0x2800, $0x38;
	[tilespmem:$0x5080] =	vst v63  }
0x2b: {  	_ =	swait.ge [sflag:s4], $0x2800  }
0x2c: {  	[sflag:s4] =	ssyncset.done $0x0  }
0x2d: {  	s16 =	sadd.s32 s23, s16;
	[sflag:s4] =	ssyncadd.s32 $0xFFFFD800  }
0x2e: {  	[hbm4b:s16+s3] =	stream.linear.scatter [tilespmem:s9], [sflag:$0x3], $0x2800, $0x38;
	[tilespmem:$0x5080] =	vst v63  }
0x2f: {  	s18 =	sadd.s32 $0xA0, s22;
	_ =	swait.ge [sflag:s4], $0x2800  }
0x30: {  	s17 =	sshrl.u32 s18, $0x3;
	[sflag:s4] =	ssyncset.done $0x0  }
0x31: {  	s17 =	sadd.s32 s20, s17;
	[sflag:s4] =	ssyncadd.s32 $0xFFFFD800  }
0x32: {  	[tilespmem:s3], [sflag:$0x3] =	stream.linear.gather [hbm4b:s17+s3], $0x50, $0x38;
	[tilespmem:$0x5080] =	vst v63  }
0x33: {  	_ =	swait.ge [sflag:s4], $0x50  }
0x34: {  	[sflag:s4] =	ssyncset.done $0x0  }
0x35: {  	[sflag:s4] =	ssyncadd.s32 $0xFFFFFFB0  }
0x36: {  	[tilespmem:s7], [sflag:$0x1] =	stream.indirect.gather [hbm4b:s2+s6], $0x80, s3, s6, $0xb8;
	[tilespmem:$0x5080] =	vst v63  }
0x37: {  	_ = 	snop  }
0x38: {  	[tilespmem:s9], [sflag:$0x2] =	stream.indirect.gather [hbm4b:s8+s6], $0x80, s3, s6, $0xb8;
	[tilespmem:$0x5080] =	vst v63  }
0x39: {  	_ =	swait.ge [sflag:s10], $0x2800  }
0x3a: {  	[sflag:s10] =	ssyncset.done $0x0  }
0x3b: {  	[sflag:s10] =	ssyncadd.s32 $0xFFFFD800  }
0x3c: {  	_ =	swait.ge [sflag:s11], $0x2800  }
0x3d: {  	s19 =	sshll.u32 s18, $0x4;
	[sflag:s11] =	ssyncset.done $0x0  }
0x3e: {  	s18 =	sadd.s32 s24, s19;
	[sflag:s11] =	ssyncadd.s32 $0xFFFFD800  }
0x3f: {  	[hbm4b:s18+s3] =	stream.linear.scatter [tilespmem:s7], [sflag:$0x3], $0x2800, $0x38;
	[tilespmem:$0x5080] =	vst v63  }
0x40: {  	_ =	swait.ge [sflag:s4], $0x2800  }
0x41: {  	[sflag:s4] =	ssyncset.done $0x0  }
0x42: {  	s19 =	sadd.s32 s23, s19;
	[sflag:s4] =	ssyncadd.s32 $0xFFFFD800  }
0x43: {  	[hbm4b:s19+s3] =	stream.linear.scatter [tilespmem:s9], [sflag:$0x3], $0x2800, $0x38;
	[tilespmem:$0x5080] =	vst v63  }
0x44: {  	s22 =	sadd.s32 $0xF0, s22;
	_ =	swait.ge [sflag:s4], $0x2800  }
0x45: {  	s25 =	sshrl.u32 s22, $0x3;
	[sflag:s4] =	ssyncset.done $0x0  }
0x46: {  	s20 =	sadd.s32 s20, s25;
	[sflag:s4] =	ssyncadd.s32 $0xFFFFD800  }
0x47: {  	[tilespmem:s3], [sflag:$0x3] =	stream.linear.gather [hbm4b:s20+s3], $0x50, $0x38;
	[tilespmem:$0x5080] =	vst v63  }
0x48: {  	_ =	swait.ge [sflag:s4], $0x50  }
0x49: {  	[sflag:s4] =	ssyncset.done $0x0  }
0x4a: {  	[sflag:s4] =	ssyncadd.s32 $0xFFFFFFB0  }
0x4b: {  	[tilespmem:s7], [sflag:$0x1] =	stream.indirect.gather [hbm4b:s2+s6], $0x80, s3, s6, $0xb8;
	[tilespmem:$0x5080] =	vst v63  }
0x4c: {  	_ = 	snop  }
0x4d: {  	[tilespmem:s9], [sflag:$0x2] =	stream.indirect.gather [hbm4b:s8+s6], $0x80, s3, s6, $0xb8;
	[tilespmem:$0x5080] =	vst v63  }
0x4e: {  	_ =	swait.ge [sflag:s10], $0x2800  }
0x4f: {  	[sflag:s10] =	ssyncset.done $0x0  }
0x50: {  	s29 =	ssub.s32 $0x2, s21;
	[sflag:s10] =	ssyncadd.s32 $0xFFFFD800  }
0x51: {  	s30 =	sshrl.u32 s29, $0x1;
	s22 =	sshll.u32 s22, $0x4;
	_ =	swait.ge [sflag:s11], $0x2800  }
0x52: {  	s21 =	sadd.s32 s24, s22;
	s24 =	ssub.s32 s29, s30;
	[sflag:s11] =	ssyncset.done $0x0  }
0x53: {  	s31 =	smax.u32 s24, $0x1;
	[sflag:s11] =	ssyncadd.s32 $0xFFFFD800  }
0x54: {  	[hbm4b:s21+s3] =	stream.linear.scatter [tilespmem:s7], [sflag:$0x3], $0x2800, $0x38;
	[tilespmem:$0x5080] =	vst v63  }
0x55: {  	p0 =	sne.s32 s31, $0x1;
	_ =	swait.ge [sflag:s4], $0x2800  }
.Ltmp0:
0x56: {  	[sflag:s4] =	ssyncset.done $0x0;
	(pc) =	sbr.rel @!p0 .LBB2_2-.Ltmp0, $4  }
0x57: {  	s22 =	sadd.s32 s23, s22;
	[sflag:s4] =	ssyncadd.s32 $0xFFFFD800  }
0x58: {  	[hbm4b:s22+s3] =	stream.linear.scatter [tilespmem:s9], [sflag:$0x3], $0x2800, $0x38;
	[tilespmem:$0x5080] =	vst v63  }
0x59: {  	_ =	swait.ge [sflag:s4], $0x2800  }
0x5a: {  	s23 =	sadd.s32 $0xFFFFFFFF, s31;
	[sflag:s4] =	ssyncset.done $0x0  }
.LBB2_1:
0x5b: {  	p0 =	sne.s32 s23, $0x1;
	s23 =	sadd.s32 $0xFFFFFFFF, s23;
	[sflag:s4] =	ssyncadd.s32 $0xFFFFD800  }
0x5c: {  	[tilespmem:s3], [sflag:$0x3] =	stream.linear.gather [hbm4b:s5+s3], $0x50, $0x38;
	[tilespmem:$0x5080] =	vst v63  }
0x5d: {  	_ =	swait.ge [sflag:s4], $0x50  }
0x5e: {  	[sflag:s4] =	ssyncset.done $0x0  }
0x5f: {  	[sflag:s4] =	ssyncadd.s32 $0xFFFFFFB0  }
0x60: {  	[tilespmem:s7], [sflag:$0x1] =	stream.indirect.gather [hbm4b:s2+s6], $0x80, s3, s6, $0xb8;
	[tilespmem:$0x5080] =	vst v63  }
0x61: {  	_ = 	snop  }
0x62: {  	[tilespmem:s9], [sflag:$0x2] =	stream.indirect.gather [hbm4b:s8+s6], $0x80, s3, s6, $0xb8;
	[tilespmem:$0x5080] =	vst v63  }
0x63: {  	_ =	swait.ge [sflag:s10], $0x2800  }
0x64: {  	[sflag:s10] =	ssyncset.done $0x0  }
0x65: {  	[sflag:s10] =	ssyncadd.s32 $0xFFFFD800  }
0x66: {  	_ =	swait.ge [sflag:s11], $0x2800  }
0x67: {  	[sflag:s11] =	ssyncset.done $0x0  }
0x68: {  	[sflag:s11] =	ssyncadd.s32 $0xFFFFD800  }
0x69: {  	[hbm4b:s12+s3] =	stream.linear.scatter [tilespmem:s7], [sflag:$0x3], $0x2800, $0x38;
	[tilespmem:$0x5080] =	vst v63  }
0x6a: {  	_ =	swait.ge [sflag:s4], $0x2800  }
0x6b: {  	[sflag:s4] =	ssyncset.done $0x0  }
0x6c: {  	[sflag:s4] =	ssyncadd.s32 $0xFFFFD800  }
0x6d: {  	[hbm4b:s13+s3] =	stream.linear.scatter [tilespmem:s9], [sflag:$0x3], $0x2800, $0x38;
	[tilespmem:$0x5080] =	vst v63  }
0x6e: {  	_ =	swait.ge [sflag:s4], $0x2800  }
0x6f: {  	[sflag:s4] =	ssyncset.done $0x0  }
0x70: {  	[sflag:s4] =	ssyncadd.s32 $0xFFFFD800  }
0x71: {  	[tilespmem:s3], [sflag:$0x3] =	stream.linear.gather [hbm4b:s14+s3], $0x50, $0x38;
	[tilespmem:$0x5080] =	vst v63  }
0x72: {  	_ =	swait.ge [sflag:s4], $0x50  }
0x73: {  	[sflag:s4] =	ssyncset.done $0x0  }
0x74: {  	[sflag:s4] =	ssyncadd.s32 $0xFFFFFFB0  }
0x75: {  	[tilespmem:s7], [sflag:$0x1] =	stream.indirect.gather [hbm4b:s2+s6], $0x80, s3, s6, $0xb8;
	[tilespmem:$0x5080] =	vst v63  }
0x76: {  	_ = 	snop  }
0x77: {  	[tilespmem:s9], [sflag:$0x2] =	stream.indirect.gather [hbm4b:s8+s6], $0x80, s3, s6, $0xb8;
	[tilespmem:$0x5080] =	vst v63  }
0x78: {  	_ =	swait.ge [sflag:s10], $0x2800  }
0x79: {  	[sflag:s10] =	ssyncset.done $0x0  }
0x7a: {  	[sflag:s10] =	ssyncadd.s32 $0xFFFFD800  }
0x7b: {  	_ =	swait.ge [sflag:s11], $0x2800  }
0x7c: {  	[sflag:s11] =	ssyncset.done $0x0  }
0x7d: {  	[sflag:s11] =	ssyncadd.s32 $0xFFFFD800  }
0x7e: {  	[hbm4b:s15+s3] =	stream.linear.scatter [tilespmem:s7], [sflag:$0x3], $0x2800, $0x38;
	[tilespmem:$0x5080] =	vst v63  }
0x7f: {  	_ =	swait.ge [sflag:s4], $0x2800  }
0x80: {  	[sflag:s4] =	ssyncset.done $0x0  }
0x81: {  	[sflag:s4] =	ssyncadd.s32 $0xFFFFD800  }
0x82: {  	[hbm4b:s16+s3] =	stream.linear.scatter [tilespmem:s9], [sflag:$0x3], $0x2800, $0x38;
	[tilespmem:$0x5080] =	vst v63  }
0x83: {  	_ =	swait.ge [sflag:s4], $0x2800  }
0x84: {  	[sflag:s4] =	ssyncset.done $0x0  }
0x85: {  	[sflag:s4] =	ssyncadd.s32 $0xFFFFD800  }
0x86: {  	[tilespmem:s3], [sflag:$0x3] =	stream.linear.gather [hbm4b:s17+s3], $0x50, $0x38;
	[tilespmem:$0x5080] =	vst v63  }
0x87: {  	_ =	swait.ge [sflag:s4], $0x50  }
0x88: {  	[sflag:s4] =	ssyncset.done $0x0  }
0x89: {  	[sflag:s4] =	ssyncadd.s32 $0xFFFFFFB0  }
0x8a: {  	[tilespmem:s7], [sflag:$0x1] =	stream.indirect.gather [hbm4b:s2+s6], $0x80, s3, s6, $0xb8;
	[tilespmem:$0x5080] =	vst v63  }
0x8b: {  	_ = 	snop  }
0x8c: {  	[tilespmem:s9], [sflag:$0x2] =	stream.indirect.gather [hbm4b:s8+s6], $0x80, s3, s6, $0xb8;
	[tilespmem:$0x5080] =	vst v63  }
0x8d: {  	_ =	swait.ge [sflag:s10], $0x2800  }
0x8e: {  	[sflag:s10] =	ssyncset.done $0x0  }
0x8f: {  	[sflag:s10] =	ssyncadd.s32 $0xFFFFD800  }
0x90: {  	_ =	swait.ge [sflag:s11], $0x2800  }
0x91: {  	[sflag:s11] =	ssyncset.done $0x0  }
0x92: {  	[sflag:s11] =	ssyncadd.s32 $0xFFFFD800  }
0x93: {  	[hbm4b:s18+s3] =	stream.linear.scatter [tilespmem:s7], [sflag:$0x3], $0x2800, $0x38;
	[tilespmem:$0x5080] =	vst v63  }
0x94: {  	_ =	swait.ge [sflag:s4], $0x2800  }
0x95: {  	[sflag:s4] =	ssyncset.done $0x0  }
0x96: {  	[sflag:s4] =	ssyncadd.s32 $0xFFFFD800  }
0x97: {  	[hbm4b:s19+s3] =	stream.linear.scatter [tilespmem:s9], [sflag:$0x3], $0x2800, $0x38;
	[tilespmem:$0x5080] =	vst v63  }
0x98: {  	_ =	swait.ge [sflag:s4], $0x2800  }
0x99: {  	[sflag:s4] =	ssyncset.done $0x0  }
0x9a: {  	[sflag:s4] =	ssyncadd.s32 $0xFFFFD800  }
0x9b: {  	[tilespmem:s3], [sflag:$0x3] =	stream.linear.gather [hbm4b:s20+s3], $0x50, $0x38;
	[tilespmem:$0x5080] =	vst v63  }
0x9c: {  	_ =	swait.ge [sflag:s4], $0x50  }
0x9d: {  	[sflag:s4] =	ssyncset.done $0x0  }
0x9e: {  	[sflag:s4] =	ssyncadd.s32 $0xFFFFFFB0  }
0x9f: {  	[tilespmem:s7], [sflag:$0x1] =	stream.indirect.gather [hbm4b:s2+s6], $0x80, s3, s6, $0xb8;
	[tilespmem:$0x5080] =	vst v63  }
0xa0: {  	_ = 	snop  }
0xa1: {  	[tilespmem:s9], [sflag:$0x2] =	stream.indirect.gather [hbm4b:s8+s6], $0x80, s3, s6, $0xb8;
	[tilespmem:$0x5080] =	vst v63  }
0xa2: {  	_ =	swait.ge [sflag:s10], $0x2800  }
0xa3: {  	[sflag:s10] =	ssyncset.done $0x0  }
0xa4: {  	[sflag:s10] =	ssyncadd.s32 $0xFFFFD800  }
0xa5: {  	_ =	swait.ge [sflag:s11], $0x2800  }
0xa6: {  	[sflag:s11] =	ssyncset.done $0x0  }
0xa7: {  	[sflag:s11] =	ssyncadd.s32 $0xFFFFD800  }
0xa8: {  	[hbm4b:s21+s3] =	stream.linear.scatter [tilespmem:s7], [sflag:$0x3], $0x2800, $0x38;
	[tilespmem:$0x5080] =	vst v63  }
0xa9: {  	_ =	swait.ge [sflag:s4], $0x2800  }
.Ltmp1:
0xaa: {  	[sflag:s4] =	ssyncset.done $0x0;
	(pc) =	sbr.rel @p0 .LBB2_1-.Ltmp1, $4  }
0xab: {  	[sflag:s4] =	ssyncadd.s32 $0xFFFFD800  }
0xac: {  	[hbm4b:s22+s3] =	stream.linear.scatter [tilespmem:s9], [sflag:$0x3], $0x2800, $0x38;
	[tilespmem:$0x5080] =	vst v63  }
0xad: {  	_ =	swait.ge [sflag:s4], $0x2800  }
0xae: {  	[sflag:s4] =	ssyncset.done $0x0  }
.LBB2_2:
0xaf: {  	[sflag:s4] =	ssyncadd.s32 $0xFFFFD800  }
0xb0: {  	_ =	sfence.sel $0x180000  }
0xb1: {  	[bflag:$0x0] =	sbarrier.arrive $0xFFFF  }
0xb2: {  	p0 =	sne.s32 s0, $0x0;
	_ =	strace $0x90000047  }
0xb3: {  	s0 =	sadd.s32 @!p0 $0x100000, s1;
	[bflag:$0x2] =	sbarrier.arrive $0xFFFF  }
0xb4: {  	[sflag:s0] =	ssyncadd.tile.s32 @!p0 $0x1;
	_ =	shalt  }
.Lfunc_end2:
_tile_overlayer_lowered:
.L_overlay_start_2:
0xb5: {  	(tag) =	ssettag $0x2  }
0xb6: {  	s0 =	rddreg [dreg:$0x0];
	s2 =	stileid.u32  }
0xb7: {  	s1 =	rddreg [dreg:$0x1];
	p0 =	sne.s32 s2, $0x0  }
0xb8: {  	s3 =	rddreg [dreg:$0x2];
	[bflag:$0x3] =	sbarrier.arrive $0xFFFF;
	s2 =	simm.s32 @!p0 $0x1C03  }
0xb9: {  	[timem:s3], [sflag:s2] =	dma.local @!p0 [hbm:s0], s1  }
0xba: {  	s0 =	simm.s32 @!p0 $0x3  }
0xbb: {  	_ =	swait.ge @!p0 [sflag:s0], s1  }
0xbc: {  	s1 =	ssub.s32 @!p0 $0x0, s1;
	[sflag:s0] =	ssyncset.done @!p0 $0x0  }
0xbd: {  	[sflag:s0] =	ssyncadd.s32 @!p0 s1  }
0xbe: {  	[bflag:$0x3] =	sbarrier.arrive $0xFFFF  }
0xbf: {  	_ =	shalt  }

</sc_bundles>
